<compile_context>
chip_gen: v7x
topology: tpu7x:2x2x1
jax: 0.10.2.dev20260603
libtpu: 0.0.44.dev20260713+nightly
codegen_flags: <defaults>
</compile_context>

<pallas_src>
import functools

import jax
import jax.numpy as jnp
from jax import lax
from jax.experimental import pallas as pl
from jax.experimental.pallas import tpu as pltpu
from jax.experimental.pallas import tpu_sc as plsc

_BSZ, _SEQ, _DIM = 16, 2048, 256
_NDOM, _NSLOT = 8, 16
_L = 16
_GROUPS = _SEQ // _L
_CH = 256
_NCH = _SEQ // _CH
_GPC = _CH // _L
_GUARD = _SEQ // 2
_WIN = 1024
_NPASS = _SEQ // _WIN
_WROWS = _WIN + 1
_WPS = 8


def _tc_scores_body(dom_ref, h_ref, emb_ref, out_ref):
    d = dom_ref[pl.program_id(0)]
    e = emb_ref[d]
    h = h_ref[0]
    out_ref[0] = jax.lax.dot_general(
        h, e, (((1,), (1,)), ((), ())),
        preferred_element_type=jnp.float32)


def _tc_scores(domains, hidden, slot_embs):
    grid_spec = pltpu.PrefetchScalarGridSpec(
        num_scalar_prefetch=1,
        grid=(_BSZ,),
        in_specs=[
            pl.BlockSpec((1, _SEQ, _DIM), lambda b, dom: (b, 0, 0)),
            pl.BlockSpec((_NDOM, _NSLOT, _DIM), lambda b, dom: (0, 0, 0)),
        ],
        out_specs=pl.BlockSpec((1, _SEQ, _NSLOT), lambda b, dom: (b, 0, 0)),
    )
    return pl.pallas_call(
        _tc_scores_body,
        grid_spec=grid_spec,
        out_shape=jax.ShapeDtypeStruct((_BSZ, _SEQ, _NSLOT), jnp.float32),
    )(domains, hidden, slot_embs)


def _sc_segsum_body(scores_hbm, labels_hbm, out_hbm,
                    lab_v, sbufa_v, sbufb_v,
                    idx0, idx1, idx2, idx3, idx4, idx5, idx6, idx7,
                    src_v, acc_sh, sem):
    idx_bufs = (idx0, idx1, idx2, idx3, idx4, idx5, idx6, idx7)
    core = lax.axis_index("c")
    sub = lax.axis_index("s")

    @pl.when(sub < _WPS)
    def _():
        b = core * _WPS + sub
        base = sub * _WROWS

        cl = pltpu.async_copy(labels_hbm.at[b], lab_v, sem)

        def _zero(i, c):
            src_v[i] = jnp.zeros((_L,), jnp.float32)
            return c
        lax.fori_loop(0, _CH, _zero, 0, unroll=8)

        def _zg(i, c):
            sbufa_v[pl.ds(i * _L, _L)] = jnp.zeros((_L,), jnp.int32)
            sbufb_v[pl.ds(i * _L, _L)] = jnp.zeros((_L,), jnp.int32)
            return c
        lax.fori_loop(0, _GUARD // _L, _zg, 0, unroll=8)

        cl.wait()

        def _init(g, c):
            lab = lab_v[pl.ds(g * _L, _L)]
            sbufa_v[pl.ds(_GUARD + g * _L, _L)] = jnp.where(
                lab == 1, jnp.full((_L,), 1, jnp.int32),
                jnp.full((_L,), 0, jnp.int32))
            return c
        lax.fori_loop(0, _GROUPS, _init, 0, unroll=4)

        bufs = (sbufa_v, sbufb_v)
        shift = 1
        for p in range(11):
            src, dst = bufs[p % 2], bufs[(p + 1) % 2]
            k = shift

            def _scan(g, c, src=src, dst=dst, k=k):
                x = src[pl.ds(_GUARD + g * _L, _L)]
                y = src[pl.ds(_GUARD + g * _L - k, _L)]
                dst[pl.ds(_GUARD + g * _L, _L)] = x + y
                return c
            lax.fori_loop(0, _GROUPS, _scan, 0, unroll=4)
            shift *= 2
        cum_v = bufs[11 % 2]
        glob_v = bufs[0]

        def _tgt(g, c):
            lab = lab_v[pl.ds(g * _L, _L)]
            cum = cum_v[pl.ds(_GUARD + g * _L, _L)]
            kept = (lab == 1) | (lab == 2)
            glob_v[pl.ds(_GUARD + g * _L, _L)] = jnp.where(
                kept, cum - 1, jnp.full((_L,), _SEQ, jnp.int32))
            return c
        lax.fori_loop(0, _GROUPS, _tgt, 0, unroll=4)

        for ps in range(_NPASS):
            lo = ps * _WIN

            for c in range(_WIN // _CH):
                pltpu.sync_copy(src_v, acc_sh.at[pl.ds(base + c * _CH, _CH)])

            for ch in range(_NCH):
                ib = idx_bufs[ch]

                def _loc(j, c2, ch=ch, ib=ib, lo=lo):
                    g = ch * _GPC + j
                    row = glob_v[pl.ds(_GUARD + g * _L, _L)] - lo
                    inwin = (row >= 0) & (row < _WIN)
                    ib[pl.ds(j * _L, _L)] = base + jnp.where(
                        inwin, row, jnp.full((_L,), _WIN, jnp.int32))
                    return c2
                lax.fori_loop(0, _GPC, _loc, 0, unroll=4)

            for ch in range(_NCH):
                pltpu.sync_copy(scores_hbm.at[b, pl.ds(ch * _CH, _CH)], src_v)
                pltpu.sync_copy(src_v, acc_sh.at[idx_bufs[ch]], add=True)

            pltpu.sync_copy(acc_sh.at[pl.ds(base, _WIN)],
                            out_hbm.at[b, pl.ds(lo, _WIN)])

            if ps + 1 < _NPASS:
                def _rz(i, c2):
                    src_v[i] = jnp.zeros((_L,), jnp.float32)
                    return c2
                lax.fori_loop(0, _CH, _rz, 0, unroll=8)


_sc_segsum = functools.partial(
    pl.kernel,
    mesh=plsc.VectorSubcoreMesh(core_axis_name="c", subcore_axis_name="s"),
    out_type=jax.ShapeDtypeStruct((_BSZ, _SEQ, _NSLOT), jnp.float32),
    scratch_types=[
        pltpu.VMEM((_SEQ,), jnp.int32),
        pltpu.VMEM((_GUARD + _SEQ,), jnp.int32),
        pltpu.VMEM((_GUARD + _SEQ,), jnp.int32),
        *[pltpu.VMEM((_CH,), jnp.int32) for _ in range(_NCH)],
        pltpu.VMEM((_CH, _NSLOT), jnp.float32),
        pltpu.VMEM_SHARED((_WPS * _WROWS, _NSLOT), jnp.float32),
        pltpu.SemaphoreType.DMA,
    ],
)(_sc_segsum_body)


def kernel(hidden_layers, slot_embs, domains, binary_golds):
    scores = _tc_scores(domains.astype(jnp.int32), hidden_layers, slot_embs)
    return _sc_segsum(scores, binary_golds.astype(jnp.int32))

# --- scband reference (transcript-rebuilt; emitter-appended) ---
"""Pipeline reference for scband-slot-name-predictor-87041807221455 (READ-ONLY COPY).

The authoritative reference and input builder live on the scoring server;
editing this copy changes nothing except your own understanding.
"""

import jax, jax.numpy as jnp
import numpy as np

BSZ, SEQ, DIM = 16, 2048, 256
N_DOM, N_SLOT = 8, 16

def setup_inputs(seed: int = 0) -> dict:
    key = jax.random.key(seed)
    k1, k2, k3, k4 = jax.random.split(key, 4)
    hidden_layers = jax.random.normal(k1, (BSZ, SEQ, DIM), dtype=jnp.float32)
    domains = jax.random.randint(k2, (BSZ,), 0, N_DOM)
    binary_golds = jax.random.randint(k3, (BSZ, SEQ), 0, 3)
    # learned slot-name embeddings per domain (stand-in for load_embedding_from_pkl),
    # all domains padded to N_SLOT slots, emb dim == encoder input_dim
    slot_embs = jax.random.normal(k4, (N_DOM, N_SLOT, DIM), dtype=jnp.float32)
    return {"hidden_layers": hidden_layers, "slot_embs": slot_embs,
            "domains": domains, "binary_golds": binary_golds}

def _segment_features(hidden_layers, binary_golds):
    # BIO chunking: each label==1 (B) opens a slot span; label==2 (I) tokens join the
    # most recent open span; label==0 (O) tokens and I tokens before the first B are dropped.
    # This reproduces the per-sample python loop in SlotNamePredictor.forward with
    # enc_type not in {trs, lstm}: slot_feats = sum of gathered hidden states per span.
    lab = binary_golds
    is_B = (lab == 1)
    is_I = (lab == 2)
    seg = jnp.cumsum(is_B.astype(jnp.int32), axis=1)  # 1-based segment id per token
    seg = jnp.where(is_B | is_I, seg, 0)               # bucket 0 = discarded tokens
    def per_sample(h, s):
        # scatter-add token hidden states into their slot span (ragged -> padded dense)
        return jax.ops.segment_sum(h, s, num_segments=SEQ + 1)[1:]
    return jax.vmap(per_sample)(hidden_layers, seg)  # (BSZ, SEQ, DIM), zero-padded

def reference(hidden_layers, slot_embs, domains, binary_golds):
    feats = _segment_features(hidden_layers, binary_golds)
    # per-sample domain slot-embedding gather, then feature @ slot_embs^T
    dom_embs = jnp.take(slot_embs, domains, axis=0)  # (BSZ, N_SLOT, DIM)
    pred = jnp.einsum('bmd,bsd->bms', feats, dom_embs)  # padded pred_slotname_list
    return pred

if __name__ == "__main__":
    import jax
    _d = setup_inputs()
    print(jax.jit(kernel)(*tuple(_d.values())))

</pallas_src>

<mosaic_0001>
#map = affine_map<(d0, d1) -> (0, 0, 0)>
#map1 = affine_map<(d0, d1) -> (0, 0)>
module attributes {stable_mosaic.version = 14 : i64} {
  func.func @_sc_segsum_body(%arg0: i32, %arg1: i32, %arg2: memref<16x2048x16xf32, #tpu.memory_space<hbm>>, %arg3: memref<16x2048xi32, #tpu.memory_space<hbm>>, %arg4: memref<16x2048x16xf32, #tpu.memory_space<hbm>>, %arg5: memref<2048xi32, #tpu.memory_space<vmem>>, %arg6: memref<3072xi32, #tpu.memory_space<vmem>>, %arg7: memref<3072xi32, #tpu.memory_space<vmem>>, %arg8: memref<256xi32, #tpu.memory_space<vmem>>, %arg9: memref<256xi32, #tpu.memory_space<vmem>>, %arg10: memref<256xi32, #tpu.memory_space<vmem>>, %arg11: memref<256xi32, #tpu.memory_space<vmem>>, %arg12: memref<256xi32, #tpu.memory_space<vmem>>, %arg13: memref<256xi32, #tpu.memory_space<vmem>>, %arg14: memref<256xi32, #tpu.memory_space<vmem>>, %arg15: memref<256xi32, #tpu.memory_space<vmem>>, %arg16: memref<256x16xf32, #tpu.memory_space<vmem>>, %arg17: memref<8200x16xf32, #tpu.memory_space<vmem_shared>>, %arg18: memref<!tpu.dma_semaphore, #tpu.memory_space<semaphore_mem>>) attributes {dimension_semantics = [#tpu.dimension_semantics<core_parallel>, #tpu.dimension_semantics<subcore_parallel>], iteration_bounds = array<i64: 2, 16>, scalar_prefetch = 0 : i64, scratch_operands = 14 : i64, tpu.core_type = #tpu.core_type<sc_vector_subcore>, window_params = [{transform_indices = #map}, {transform_indices = #map1}, {transform_indices = #map}]} {
    %lt3A = arith.constant 8 : i32
    %lt3A_0 = arith.cmpi slt, %arg1, %lt3A : i32
    %convert_element_type3A = arith.extui %lt3A_0 : i1 to i32
    %cond3A = arith.constant 0 : i32
    %cond3A_1 = arith.cmpi ne, %convert_element_type3A, %cond3A : i32
    scf.if %cond3A_1 {
      %mul3A = arith.constant 8 : i32
      %mul3A_2 = arith.muli %arg0, %mul3A : i32
      %add3A = arith.addi %mul3A_2, %arg1 : i32
      %mul3A_3 = arith.constant 1025 : i32
      %mul3A_4 = arith.muli %arg1, %mul3A_3 : i32
      %dma_start3A = arith.constant 0 : i32
      %dma_start3A_5 = tpu.memref_slice %arg3[%add3A, %dma_start3A] : memref<16x2048xi32, #tpu.memory_space<hbm>> -> memref<1x2048xi32, #tpu.memory_space<hbm>>
      %dma_start3A_6 = tpu.memref_squeeze %dma_start3A_5 : memref<1x2048xi32, #tpu.memory_space<hbm>> -> memref<2048xi32, #tpu.memory_space<hbm>>
      %dma_start3A_7 = arith.constant 0 : i32
      %dma_start3A_8 = tpu.memref_slice %arg3[%add3A, %dma_start3A_7] : memref<16x2048xi32, #tpu.memory_space<hbm>> -> memref<1x2048xi32, #tpu.memory_space<hbm>>
      %dma_start3A_9 = tpu.memref_squeeze %dma_start3A_8 : memref<1x2048xi32, #tpu.memory_space<hbm>> -> memref<2048xi32, #tpu.memory_space<hbm>>
      tpu.enqueue_dma source(%dma_start3A_9 : memref<2048xi32, #tpu.memory_space<hbm>>) target(%arg5 : memref<2048xi32, #tpu.memory_space<vmem>>) target_semaphore(%arg18 : memref<!tpu.dma_semaphore, #tpu.memory_space<semaphore_mem>>)
      %scan3A = arith.constant 0 : i32
      %scan3A_10 = arith.constant 0 : i32
      %scan3A_11 = arith.constant 256 : i32
      %scan3A_12 = arith.addi %scan3A_10, %scan3A_11 : i32
      %scan3A_13 = arith.constant 8 : i32
      scf.for %scan3A_222 = %scan3A_10 to %scan3A_12 step %scan3A_13  : i32 {
        %broadcast_in_dim3A = arith.constant 0.000000e+00 : f32
        %broadcast_in_dim3A_223 = vector.broadcast %broadcast_in_dim3A : f32 to vector<16xf32>
        %swap3A = arith.index_cast %scan3A_222 : i32 to index
        %swap3A_224 = arith.constant 0 : index
        %swap3A_225 = tpu.vector_load %arg16[%swap3A, %swap3A_224] {strides = array<i32>} : memref<256x16xf32, #tpu.memory_space<vmem>>, vector<1x16xf32>,
        %swap3A_226 = vector.shape_cast %swap3A_225 : vector<1x16xf32> to vector<16xf32>
        %swap3A_227 = vector.shape_cast %broadcast_in_dim3A_223 : vector<16xf32> to vector<1x16xf32>
        tpu.vector_store %arg16[%swap3A, %swap3A_224], %swap3A_227 {strides = array<i32>} : memref<256x16xf32, #tpu.memory_space<vmem>>, vector<1x16xf32>,
        %scan3A_228 = arith.constant 1 : i32
        %scan3A_229 = arith.addi %scan3A_222, %scan3A_228 : i32
        %broadcast_in_dim3A_230 = arith.constant 0.000000e+00 : f32
        %broadcast_in_dim3A_231 = vector.broadcast %broadcast_in_dim3A_230 : f32 to vector<16xf32>
        %swap3A_232 = arith.index_cast %scan3A_229 : i32 to index
        %swap3A_233 = arith.constant 0 : index
        %swap3A_234 = tpu.vector_load %arg16[%swap3A_232, %swap3A_233] {strides = array<i32>} : memref<256x16xf32, #tpu.memory_space<vmem>>, vector<1x16xf32>,
        %swap3A_235 = vector.shape_cast %swap3A_234 : vector<1x16xf32> to vector<16xf32>
        %swap3A_236 = vector.shape_cast %broadcast_in_dim3A_231 : vector<16xf32> to vector<1x16xf32>
        tpu.vector_store %arg16[%swap3A_232, %swap3A_233], %swap3A_236 {strides = array<i32>} : memref<256x16xf32, #tpu.memory_space<vmem>>, vector<1x16xf32>,
        %scan3A_237 = arith.constant 2 : i32
        %scan3A_238 = arith.addi %scan3A_222, %scan3A_237 : i32
        %broadcast_in_dim3A_239 = arith.constant 0.000000e+00 : f32
        %broadcast_in_dim3A_240 = vector.broadcast %broadcast_in_dim3A_239 : f32 to vector<16xf32>
        %swap3A_241 = arith.index_cast %scan3A_238 : i32 to index
        %swap3A_242 = arith.constant 0 : index
        %swap3A_243 = tpu.vector_load %arg16[%swap3A_241, %swap3A_242] {strides = array<i32>} : memref<256x16xf32, #tpu.memory_space<vmem>>, vector<1x16xf32>,
        %swap3A_244 = vector.shape_cast %swap3A_243 : vector<1x16xf32> to vector<16xf32>
        %swap3A_245 = vector.shape_cast %broadcast_in_dim3A_240 : vector<16xf32> to vector<1x16xf32>
        tpu.vector_store %arg16[%swap3A_241, %swap3A_242], %swap3A_245 {strides = array<i32>} : memref<256x16xf32, #tpu.memory_space<vmem>>, vector<1x16xf32>,
        %scan3A_246 = arith.constant 3 : i32
        %scan3A_247 = arith.addi %scan3A_222, %scan3A_246 : i32
        %broadcast_in_dim3A_248 = arith.constant 0.000000e+00 : f32
        %broadcast_in_dim3A_249 = vector.broadcast %broadcast_in_dim3A_248 : f32 to vector<16xf32>
        %swap3A_250 = arith.index_cast %scan3A_247 : i32 to index
        %swap3A_251 = arith.constant 0 : index
        %swap3A_252 = tpu.vector_load %arg16[%swap3A_250, %swap3A_251] {strides = array<i32>} : memref<256x16xf32, #tpu.memory_space<vmem>>, vector<1x16xf32>,
        %swap3A_253 = vector.shape_cast %swap3A_252 : vector<1x16xf32> to vector<16xf32>
        %swap3A_254 = vector.shape_cast %broadcast_in_dim3A_249 : vector<16xf32> to vector<1x16xf32>
        tpu.vector_store %arg16[%swap3A_250, %swap3A_251], %swap3A_254 {strides = array<i32>} : memref<256x16xf32, #tpu.memory_space<vmem>>, vector<1x16xf32>,
        %scan3A_255 = arith.constant 4 : i32
        %scan3A_256 = arith.addi %scan3A_222, %scan3A_255 : i32
        %broadcast_in_dim3A_257 = arith.constant 0.000000e+00 : f32
        %broadcast_in_dim3A_258 = vector.broadcast %broadcast_in_dim3A_257 : f32 to vector<16xf32>
        %swap3A_259 = arith.index_cast %scan3A_256 : i32 to index
        %swap3A_260 = arith.constant 0 : index
        %swap3A_261 = tpu.vector_load %arg16[%swap3A_259, %swap3A_260] {strides = array<i32>} : memref<256x16xf32, #tpu.memory_space<vmem>>, vector<1x16xf32>,
        %swap3A_262 = vector.shape_cast %swap3A_261 : vector<1x16xf32> to vector<16xf32>
        %swap3A_263 = vector.shape_cast %broadcast_in_dim3A_258 : vector<16xf32> to vector<1x16xf32>
        tpu.vector_store %arg16[%swap3A_259, %swap3A_260], %swap3A_263 {strides = array<i32>} : memref<256x16xf32, #tpu.memory_space<vmem>>, vector<1x16xf32>,
        %scan3A_264 = arith.constant 5 : i32
        %scan3A_265 = arith.addi %scan3A_222, %scan3A_264 : i32
        %broadcast_in_dim3A_266 = arith.constant 0.000000e+00 : f32
        %broadcast_in_dim3A_267 = vector.broadcast %broadcast_in_dim3A_266 : f32 to vector<16xf32>
        %swap3A_268 = arith.index_cast %scan3A_265 : i32 to index
        %swap3A_269 = arith.constant 0 : index
        %swap3A_270 = tpu.vector_load %arg16[%swap3A_268, %swap3A_269] {strides = array<i32>} : memref<256x16xf32, #tpu.memory_space<vmem>>, vector<1x16xf32>,
        %swap3A_271 = vector.shape_cast %swap3A_270 : vector<1x16xf32> to vector<16xf32>
        %swap3A_272 = vector.shape_cast %broadcast_in_dim3A_267 : vector<16xf32> to vector<1x16xf32>
        tpu.vector_store %arg16[%swap3A_268, %swap3A_269], %swap3A_272 {strides = array<i32>} : memref<256x16xf32, #tpu.memory_space<vmem>>, vector<1x16xf32>,
        %scan3A_273 = arith.constant 6 : i32
        %scan3A_274 = arith.addi %scan3A_222, %scan3A_273 : i32
        %broadcast_in_dim3A_275 = arith.constant 0.000000e+00 : f32
        %broadcast_in_dim3A_276 = vector.broadcast %broadcast_in_dim3A_275 : f32 to vector<16xf32>
        %swap3A_277 = arith.index_cast %scan3A_274 : i32 to index
        %swap3A_278 = arith.constant 0 : index
        %swap3A_279 = tpu.vector_load %arg16[%swap3A_277, %swap3A_278] {strides = array<i32>} : memref<256x16xf32, #tpu.memory_space<vmem>>, vector<1x16xf32>,
        %swap3A_280 = vector.shape_cast %swap3A_279 : vector<1x16xf32> to vector<16xf32>
        %swap3A_281 = vector.shape_cast %broadcast_in_dim3A_276 : vector<16xf32> to vector<1x16xf32>
        tpu.vector_store %arg16[%swap3A_277, %swap3A_278], %swap3A_281 {strides = array<i32>} : memref<256x16xf32, #tpu.memory_space<vmem>>, vector<1x16xf32>,
        %scan3A_282 = arith.constant 7 : i32
        %scan3A_283 = arith.addi %scan3A_222, %scan3A_282 : i32
        %broadcast_in_dim3A_284 = arith.constant 0.000000e+00 : f32
        %broadcast_in_dim3A_285 = vector.broadcast %broadcast_in_dim3A_284 : f32 to vector<16xf32>
        %swap3A_286 = arith.index_cast %scan3A_283 : i32 to index
        %swap3A_287 = arith.constant 0 : index
        %swap3A_288 = tpu.vector_load %arg16[%swap3A_286, %swap3A_287] {strides = array<i32>} : memref<256x16xf32, #tpu.memory_space<vmem>>, vector<1x16xf32>,
        %swap3A_289 = vector.shape_cast %swap3A_288 : vector<1x16xf32> to vector<16xf32>
        %swap3A_290 = vector.shape_cast %broadcast_in_dim3A_285 : vector<16xf32> to vector<1x16xf32>
        tpu.vector_store %arg16[%swap3A_286, %swap3A_287], %swap3A_290 {strides = array<i32>} : memref<256x16xf32, #tpu.memory_space<vmem>>, vector<1x16xf32>,
      }
      %scan3A_14 = arith.constant 256 : i32
      %scan3A_15 = arith.constant 0 : i32
      %scan3A_16 = arith.constant 0 : i32
      %scan3A_17 = arith.constant 64 : i32
      %scan3A_18 = arith.addi %scan3A_16, %scan3A_17 : i32
      %scan3A_19 = arith.constant 8 : i32
      scf.for %scan3A_222 = %scan3A_16 to %scan3A_18 step %scan3A_19  : i32 {
        %broadcast_in_dim3A = arith.constant 0 : i32
        %broadcast_in_dim3A_223 = vector.broadcast %broadcast_in_dim3A : i32 to vector<16xi32>
        %mul3A_224 = arith.constant 16 : i32
        %mul3A_225 = arith.muli %scan3A_222, %mul3A_224 : i32
        %swap3A = arith.index_cast %mul3A_225 : i32 to index
        %swap3A_226 = tpu.vector_load %arg6[%swap3A] {strides = array<i32>} : memref<3072xi32, #tpu.memory_space<vmem>>, vector<16xi32>,
        %swap3A_227 = vector.shape_cast %swap3A_226 : vector<16xi32> to vector<16xi32>
        %swap3A_228 = vector.shape_cast %broadcast_in_dim3A_223 : vector<16xi32> to vector<16xi32>
        tpu.vector_store %arg6[%swap3A], %swap3A_228 {strides = array<i32>} : memref<3072xi32, #tpu.memory_space<vmem>>, vector<16xi32>,
        %broadcast_in_dim3A_229 = arith.constant 0 : i32
        %broadcast_in_dim3A_230 = vector.broadcast %broadcast_in_dim3A_229 : i32 to vector<16xi32>
        %mul3A_231 = arith.constant 16 : i32
        %mul3A_232 = arith.muli %scan3A_222, %mul3A_231 : i32
        %swap3A_233 = arith.index_cast %mul3A_232 : i32 to index
        %swap3A_234 = tpu.vector_load %arg7[%swap3A_233] {strides = array<i32>} : memref<3072xi32, #tpu.memory_space<vmem>>, vector<16xi32>,
        %swap3A_235 = vector.shape_cast %swap3A_234 : vector<16xi32> to vector<16xi32>
        %swap3A_236 = vector.shape_cast %broadcast_in_dim3A_230 : vector<16xi32> to vector<16xi32>
        tpu.vector_store %arg7[%swap3A_233], %swap3A_236 {strides = array<i32>} : memref<3072xi32, #tpu.memory_space<vmem>>, vector<16xi32>,
        %scan3A_237 = arith.constant 1 : i32
        %scan3A_238 = arith.addi %scan3A_222, %scan3A_237 : i32
        %broadcast_in_dim3A_239 = arith.constant 0 : i32
        %broadcast_in_dim3A_240 = vector.broadcast %broadcast_in_dim3A_239 : i32 to vector<16xi32>
        %mul3A_241 = arith.constant 16 : i32
        %mul3A_242 = arith.muli %scan3A_238, %mul3A_241 : i32
        %swap3A_243 = arith.index_cast %mul3A_242 : i32 to index
        %swap3A_244 = tpu.vector_load %arg6[%swap3A_243] {strides = array<i32>} : memref<3072xi32, #tpu.memory_space<vmem>>, vector<16xi32>,
        %swap3A_245 = vector.shape_cast %swap3A_244 : vector<16xi32> to vector<16xi32>
        %swap3A_246 = vector.shape_cast %broadcast_in_dim3A_240 : vector<16xi32> to vector<16xi32>
        tpu.vector_store %arg6[%swap3A_243], %swap3A_246 {strides = array<i32>} : memref<3072xi32, #tpu.memory_space<vmem>>, vector<16xi32>,
        %broadcast_in_dim3A_247 = arith.constant 0 : i32
        %broadcast_in_dim3A_248 = vector.broadcast %broadcast_in_dim3A_247 : i32 to vector<16xi32>
        %mul3A_249 = arith.constant 16 : i32
        %mul3A_250 = arith.muli %scan3A_238, %mul3A_249 : i32
        %swap3A_251 = arith.index_cast %mul3A_250 : i32 to index
        %swap3A_252 = tpu.vector_load %arg7[%swap3A_251] {strides = array<i32>} : memref<3072xi32, #tpu.memory_space<vmem>>, vector<16xi32>,
        %swap3A_253 = vector.shape_cast %swap3A_252 : vector<16xi32> to vector<16xi32>
        %swap3A_254 = vector.shape_cast %broadcast_in_dim3A_248 : vector<16xi32> to vector<16xi32>
        tpu.vector_store %arg7[%swap3A_251], %swap3A_254 {strides = array<i32>} : memref<3072xi32, #tpu.memory_space<vmem>>, vector<16xi32>,
        %scan3A_255 = arith.constant 2 : i32
        %scan3A_256 = arith.addi %scan3A_222, %scan3A_255 : i32
        %broadcast_in_dim3A_257 = arith.constant 0 : i32
        %broadcast_in_dim3A_258 = vector.broadcast %broadcast_in_dim3A_257 : i32 to vector<16xi32>
        %mul3A_259 = arith.constant 16 : i32
        %mul3A_260 = arith.muli %scan3A_256, %mul3A_259 : i32
        %swap3A_261 = arith.index_cast %mul3A_260 : i32 to index
        %swap3A_262 = tpu.vector_load %arg6[%swap3A_261] {strides = array<i32>} : memref<3072xi32, #tpu.memory_space<vmem>>, vector<16xi32>,
        %swap3A_263 = vector.shape_cast %swap3A_262 : vector<16xi32> to vector<16xi32>
        %swap3A_264 = vector.shape_cast %broadcast_in_dim3A_258 : vector<16xi32> to vector<16xi32>
        tpu.vector_store %arg6[%swap3A_261], %swap3A_264 {strides = array<i32>} : memref<3072xi32, #tpu.memory_space<vmem>>, vector<16xi32>,
        %broadcast_in_dim3A_265 = arith.constant 0 : i32
        %broadcast_in_dim3A_266 = vector.broadcast %broadcast_in_dim3A_265 : i32 to vector<16xi32>
        %mul3A_267 = arith.constant 16 : i32
        %mul3A_268 = arith.muli %scan3A_256, %mul3A_267 : i32
        %swap3A_269 = arith.index_cast %mul3A_268 : i32 to index
        %swap3A_270 = tpu.vector_load %arg7[%swap3A_269] {strides = array<i32>} : memref<3072xi32, #tpu.memory_space<vmem>>, vector<16xi32>,
        %swap3A_271 = vector.shape_cast %swap3A_270 : vector<16xi32> to vector<16xi32>
        %swap3A_272 = vector.shape_cast %broadcast_in_dim3A_266 : vector<16xi32> to vector<16xi32>
        tpu.vector_store %arg7[%swap3A_269], %swap3A_272 {strides = array<i32>} : memref<3072xi32, #tpu.memory_space<vmem>>, vector<16xi32>,
        %scan3A_273 = arith.constant 3 : i32
        %scan3A_274 = arith.addi %scan3A_222, %scan3A_273 : i32
        %broadcast_in_dim3A_275 = arith.constant 0 : i32
        %broadcast_in_dim3A_276 = vector.broadcast %broadcast_in_dim3A_275 : i32 to vector<16xi32>
        %mul3A_277 = arith.constant 16 : i32
        %mul3A_278 = arith.muli %scan3A_274, %mul3A_277 : i32
        %swap3A_279 = arith.index_cast %mul3A_278 : i32 to index
        %swap3A_280 = tpu.vector_load %arg6[%swap3A_279] {strides = array<i32>} : memref<3072xi32, #tpu.memory_space<vmem>>, vector<16xi32>,
        %swap3A_281 = vector.shape_cast %swap3A_280 : vector<16xi32> to vector<16xi32>
        %swap3A_282 = vector.shape_cast %broadcast_in_dim3A_276 : vector<16xi32> to vector<16xi32>
        tpu.vector_store %arg6[%swap3A_279], %swap3A_282 {strides = array<i32>} : memref<3072xi32, #tpu.memory_space<vmem>>, vector<16xi32>,
        %broadcast_in_dim3A_283 = arith.constant 0 : i32
        %broadcast_in_dim3A_284 = vector.broadcast %broadcast_in_dim3A_283 : i32 to vector<16xi32>
        %mul3A_285 = arith.constant 16 : i32
        %mul3A_286 = arith.muli %scan3A_274, %mul3A_285 : i32
        %swap3A_287 = arith.index_cast %mul3A_286 : i32 to index
        %swap3A_288 = tpu.vector_load %arg7[%swap3A_287] {strides = array<i32>} : memref<3072xi32, #tpu.memory_space<vmem>>, vector<16xi32>,
        %swap3A_289 = vector.shape_cast %swap3A_288 : vector<16xi32> to vector<16xi32>
        %swap3A_290 = vector.shape_cast %broadcast_in_dim3A_284 : vector<16xi32> to vector<16xi32>
        tpu.vector_store %arg7[%swap3A_287], %swap3A_290 {strides = array<i32>} : memref<3072xi32, #tpu.memory_space<vmem>>, vector<16xi32>,
        %scan3A_291 = arith.constant 4 : i32
        %scan3A_292 = arith.addi %scan3A_222, %scan3A_291 : i32
        %broadcast_in_dim3A_293 = arith.constant 0 : i32
        %broadcast_in_dim3A_294 = vector.broadcast %broadcast_in_dim3A_293 : i32 to vector<16xi32>
        %mul3A_295 = arith.constant 16 : i32
        %mul3A_296 = arith.muli %scan3A_292, %mul3A_295 : i32
        %swap3A_297 = arith.index_cast %mul3A_296 : i32 to index
        %swap3A_298 = tpu.vector_load %arg6[%swap3A_297] {strides = array<i32>} : memref<3072xi32, #tpu.memory_space<vmem>>, vector<16xi32>,
        %swap3A_299 = vector.shape_cast %swap3A_298 : vector<16xi32> to vector<16xi32>
        %swap3A_300 = vector.shape_cast %broadcast_in_dim3A_294 : vector<16xi32> to vector<16xi32>
        tpu.vector_store %arg6[%swap3A_297], %swap3A_300 {strides = array<i32>} : memref<3072xi32, #tpu.memory_space<vmem>>, vector<16xi32>,
        %broadcast_in_dim3A_301 = arith.constant 0 : i32
        %broadcast_in_dim3A_302 = vector.broadcast %broadcast_in_dim3A_301 : i32 to vector<16xi32>
        %mul3A_303 = arith.constant 16 : i32
        %mul3A_304 = arith.muli %scan3A_292, %mul3A_303 : i32
        %swap3A_305 = arith.index_cast %mul3A_304 : i32 to index
        %swap3A_306 = tpu.vector_load %arg7[%swap3A_305] {strides = array<i32>} : memref<3072xi32, #tpu.memory_space<vmem>>, vector<16xi32>,
        %swap3A_307 = vector.shape_cast %swap3A_306 : vector<16xi32> to vector<16xi32>
        %swap3A_308 = vector.shape_cast %broadcast_in_dim3A_302 : vector<16xi32> to vector<16xi32>
        tpu.vector_store %arg7[%swap3A_305], %swap3A_308 {strides = array<i32>} : memref<3072xi32, #tpu.memory_space<vmem>>, vector<16xi32>,
        %scan3A_309 = arith.constant 5 : i32
        %scan3A_310 = arith.addi %scan3A_222, %scan3A_309 : i32
        %broadcast_in_dim3A_311 = arith.constant 0 : i32
        %broadcast_in_dim3A_312 = vector.broadcast %broadcast_in_dim3A_311 : i32 to vector<16xi32>
        %mul3A_313 = arith.constant 16 : i32
        %mul3A_314 = arith.muli %scan3A_310, %mul3A_313 : i32
        %swap3A_315 = arith.index_cast %mul3A_314 : i32 to index
        %swap3A_316 = tpu.vector_load %arg6[%swap3A_315] {strides = array<i32>} : memref<3072xi32, #tpu.memory_space<vmem>>, vector<16xi32>,
        %swap3A_317 = vector.shape_cast %swap3A_316 : vector<16xi32> to vector<16xi32>
        %swap3A_318 = vector.shape_cast %broadcast_in_dim3A_312 : vector<16xi32> to vector<16xi32>
        tpu.vector_store %arg6[%swap3A_315], %swap3A_318 {strides = array<i32>} : memref<3072xi32, #tpu.memory_space<vmem>>, vector<16xi32>,
        %broadcast_in_dim3A_319 = arith.constant 0 : i32
        %broadcast_in_dim3A_320 = vector.broadcast %broadcast_in_dim3A_319 : i32 to vector<16xi32>
        %mul3A_321 = arith.constant 16 : i32
        %mul3A_322 = arith.muli %scan3A_310, %mul3A_321 : i32
        %swap3A_323 = arith.index_cast %mul3A_322 : i32 to index
        %swap3A_324 = tpu.vector_load %arg7[%swap3A_323] {strides = array<i32>} : memref<3072xi32, #tpu.memory_space<vmem>>, vector<16xi32>,
        %swap3A_325 = vector.shape_cast %swap3A_324 : vector<16xi32> to vector<16xi32>
        %swap3A_326 = vector.shape_cast %broadcast_in_dim3A_320 : vector<16xi32> to vector<16xi32>
        tpu.vector_store %arg7[%swap3A_323], %swap3A_326 {strides = array<i32>} : memref<3072xi32, #tpu.memory_space<vmem>>, vector<16xi32>,
        %scan3A_327 = arith.constant 6 : i32
        %scan3A_328 = arith.addi %scan3A_222, %scan3A_327 : i32
        %broadcast_in_dim3A_329 = arith.constant 0 : i32
        %broadcast_in_dim3A_330 = vector.broadcast %broadcast_in_dim3A_329 : i32 to vector<16xi32>
        %mul3A_331 = arith.constant 16 : i32
        %mul3A_332 = arith.muli %scan3A_328, %mul3A_331 : i32
        %swap3A_333 = arith.index_cast %mul3A_332 : i32 to index
        %swap3A_334 = tpu.vector_load %arg6[%swap3A_333] {strides = array<i32>} : memref<3072xi32, #tpu.memory_space<vmem>>, vector<16xi32>,
        %swap3A_335 = vector.shape_cast %swap3A_334 : vector<16xi32> to vector<16xi32>
        %swap3A_336 = vector.shape_cast %broadcast_in_dim3A_330 : vector<16xi32> to vector<16xi32>
        tpu.vector_store %arg6[%swap3A_333], %swap3A_336 {strides = array<i32>} : memref<3072xi32, #tpu.memory_space<vmem>>, vector<16xi32>,
        %broadcast_in_dim3A_337 = arith.constant 0 : i32
        %broadcast_in_dim3A_338 = vector.broadcast %broadcast_in_dim3A_337 : i32 to vector<16xi32>
        %mul3A_339 = arith.constant 16 : i32
        %mul3A_340 = arith.muli %scan3A_328, %mul3A_339 : i32
        %swap3A_341 = arith.index_cast %mul3A_340 : i32 to index
        %swap3A_342 = tpu.vector_load %arg7[%swap3A_341] {strides = array<i32>} : memref<3072xi32, #tpu.memory_space<vmem>>, vector<16xi32>,
        %swap3A_343 = vector.shape_cast %swap3A_342 : vector<16xi32> to vector<16xi32>
        %swap3A_344 = vector.shape_cast %broadcast_in_dim3A_338 : vector<16xi32> to vector<16xi32>
        tpu.vector_store %arg7[%swap3A_341], %swap3A_344 {strides = array<i32>} : memref<3072xi32, #tpu.memory_space<vmem>>, vector<16xi32>,
        %scan3A_345 = arith.constant 7 : i32
        %scan3A_346 = arith.addi %scan3A_222, %scan3A_345 : i32
        %broadcast_in_dim3A_347 = arith.constant 0 : i32
        %broadcast_in_dim3A_348 = vector.broadcast %broadcast_in_dim3A_347 : i32 to vector<16xi32>
        %mul3A_349 = arith.constant 16 : i32
        %mul3A_350 = arith.muli %scan3A_346, %mul3A_349 : i32
        %swap3A_351 = arith.index_cast %mul3A_350 : i32 to index
        %swap3A_352 = tpu.vector_load %arg6[%swap3A_351] {strides = array<i32>} : memref<3072xi32, #tpu.memory_space<vmem>>, vector<16xi32>,
        %swap3A_353 = vector.shape_cast %swap3A_352 : vector<16xi32> to vector<16xi32>
        %swap3A_354 = vector.shape_cast %broadcast_in_dim3A_348 : vector<16xi32> to vector<16xi32>
        tpu.vector_store %arg6[%swap3A_351], %swap3A_354 {strides = array<i32>} : memref<3072xi32, #tpu.memory_space<vmem>>, vector<16xi32>,
        %broadcast_in_dim3A_355 = arith.constant 0 : i32
        %broadcast_in_dim3A_356 = vector.broadcast %broadcast_in_dim3A_355 : i32 to vector<16xi32>
        %mul3A_357 = arith.constant 16 : i32
        %mul3A_358 = arith.muli %scan3A_346, %mul3A_357 : i32
        %swap3A_359 = arith.index_cast %mul3A_358 : i32 to index
        %swap3A_360 = tpu.vector_load %arg7[%swap3A_359] {strides = array<i32>} : memref<3072xi32, #tpu.memory_space<vmem>>, vector<16xi32>,
        %swap3A_361 = vector.shape_cast %swap3A_360 : vector<16xi32> to vector<16xi32>
        %swap3A_362 = vector.shape_cast %broadcast_in_dim3A_356 : vector<16xi32> to vector<16xi32>
        tpu.vector_store %arg7[%swap3A_359], %swap3A_362 {strides = array<i32>} : memref<3072xi32, #tpu.memory_space<vmem>>, vector<16xi32>,
      }
      %scan3A_20 = arith.constant 64 : i32
      %dma_wait3A = arith.constant 0 : i32
      %dma_wait3A_21 = tpu.memref_slice %arg3[%add3A, %dma_wait3A] : memref<16x2048xi32, #tpu.memory_space<hbm>> -> memref<1x2048xi32, #tpu.memory_space<hbm>>
      %dma_wait3A_22 = tpu.memref_squeeze %dma_wait3A_21 : memref<1x2048xi32, #tpu.memory_space<hbm>> -> memref<2048xi32, #tpu.memory_space<hbm>>
      %dma_wait3A_23 = arith.constant 0 : i32
      %dma_wait3A_24 = tpu.memref_slice %arg3[%add3A, %dma_wait3A_23] : memref<16x2048xi32, #tpu.memory_space<hbm>> -> memref<1x2048xi32, #tpu.memory_space<hbm>>
      %dma_wait3A_25 = tpu.memref_squeeze %dma_wait3A_24 : memref<1x2048xi32, #tpu.memory_space<hbm>> -> memref<2048xi32, #tpu.memory_space<hbm>>
      tpu.wait_dma2 semaphore(%arg18 : memref<!tpu.dma_semaphore, #tpu.memory_space<semaphore_mem>>) src(%dma_wait3A_25 : memref<2048xi32, #tpu.memory_space<hbm>>) dst(%arg5 : memref<2048xi32, #tpu.memory_space<vmem>>)
      %scan3A_26 = arith.constant 0 : i32
      %scan3A_27 = arith.constant 0 : i32
      %scan3A_28 = arith.constant 128 : i32
      %scan3A_29 = arith.addi %scan3A_27, %scan3A_28 : i32
      %scan3A_30 = arith.constant 4 : i32
      scf.for %scan3A_222 = %scan3A_27 to %scan3A_29 step %scan3A_30  : i32 {
        %mul3A_223 = arith.constant 16 : i32
        %mul3A_224 = arith.muli %scan3A_222, %mul3A_223 : i32
        %get3A = arith.index_cast %mul3A_224 : i32 to index
        %get3A_225 = tpu.vector_load %arg5[%get3A] {strides = array<i32>} : memref<2048xi32, #tpu.memory_space<vmem>>, vector<16xi32>,
        %get3A_226 = vector.shape_cast %get3A_225 : vector<16xi32> to vector<16xi32>
        %eq3A = arith.constant 1 : i32
        %eq3A_227 = vector.broadcast %eq3A : i32 to vector<16xi32>
        %eq3A_228 = arith.cmpi eq, %get3A_226, %eq3A_227 : vector<16xi32>
        %broadcast_in_dim3A = arith.constant 1 : i32
        %broadcast_in_dim3A_229 = vector.broadcast %broadcast_in_dim3A : i32 to vector<16xi32>
        %broadcast_in_dim3A_230 = arith.constant 0 : i32
        %broadcast_in_dim3A_231 = vector.broadcast %broadcast_in_dim3A_230 : i32 to vector<16xi32>
        %select_n3A = arith.select %eq3A_228, %broadcast_in_dim3A_229, %broadcast_in_dim3A_231 : vector<16xi1>, vector<16xi32>
        %mul3A_232 = arith.constant 16 : i32
        %mul3A_233 = arith.muli %scan3A_222, %mul3A_232 : i32
        %add3A_234 = arith.constant 1024 : i32
        %add3A_235 = arith.addi %add3A_234, %mul3A_233 : i32
        %swap3A = arith.index_cast %add3A_235 : i32 to index
        %swap3A_236 = tpu.vector_load %arg6[%swap3A] {strides = array<i32>} : memref<3072xi32, #tpu.memory_space<vmem>>, vector<16xi32>,
        %swap3A_237 = vector.shape_cast %swap3A_236 : vector<16xi32> to vector<16xi32>
        %swap3A_238 = vector.shape_cast %select_n3A : vector<16xi32> to vector<16xi32>
        tpu.vector_store %arg6[%swap3A], %swap3A_238 {strides = array<i32>} : memref<3072xi32, #tpu.memory_space<vmem>>, vector<16xi32>,
        %scan3A_239 = arith.constant 1 : i32
        %scan3A_240 = arith.addi %scan3A_222, %scan3A_239 : i32
        %mul3A_241 = arith.constant 16 : i32
        %mul3A_242 = arith.muli %scan3A_240, %mul3A_241 : i32
        %get3A_243 = arith.index_cast %mul3A_242 : i32 to index
        %get3A_244 = tpu.vector_load %arg5[%get3A_243] {strides = array<i32>} : memref<2048xi32, #tpu.memory_space<vmem>>, vector<16xi32>,
        %get3A_245 = vector.shape_cast %get3A_244 : vector<16xi32> to vector<16xi32>
        %eq3A_246 = arith.constant 1 : i32
        %eq3A_247 = vector.broadcast %eq3A_246 : i32 to vector<16xi32>
        %eq3A_248 = arith.cmpi eq, %get3A_245, %eq3A_247 : vector<16xi32>
        %broadcast_in_dim3A_249 = arith.constant 1 : i32
        %broadcast_in_dim3A_250 = vector.broadcast %broadcast_in_dim3A_249 : i32 to vector<16xi32>
        %broadcast_in_dim3A_251 = arith.constant 0 : i32
        %broadcast_in_dim3A_252 = vector.broadcast %broadcast_in_dim3A_251 : i32 to vector<16xi32>
        %select_n3A_253 = arith.select %eq3A_248, %broadcast_in_dim3A_250, %broadcast_in_dim3A_252 : vector<16xi1>, vector<16xi32>
        %mul3A_254 = arith.constant 16 : i32
        %mul3A_255 = arith.muli %scan3A_240, %mul3A_254 : i32
        %add3A_256 = arith.constant 1024 : i32
        %add3A_257 = arith.addi %add3A_256, %mul3A_255 : i32
        %swap3A_258 = arith.index_cast %add3A_257 : i32 to index
        %swap3A_259 = tpu.vector_load %arg6[%swap3A_258] {strides = array<i32>} : memref<3072xi32, #tpu.memory_space<vmem>>, vector<16xi32>,
        %swap3A_260 = vector.shape_cast %swap3A_259 : vector<16xi32> to vector<16xi32>
        %swap3A_261 = vector.shape_cast %select_n3A_253 : vector<16xi32> to vector<16xi32>
        tpu.vector_store %arg6[%swap3A_258], %swap3A_261 {strides = array<i32>} : memref<3072xi32, #tpu.memory_space<vmem>>, vector<16xi32>,
        %scan3A_262 = arith.constant 2 : i32
        %scan3A_263 = arith.addi %scan3A_222, %scan3A_262 : i32
        %mul3A_264 = arith.constant 16 : i32
        %mul3A_265 = arith.muli %scan3A_263, %mul3A_264 : i32
        %get3A_266 = arith.index_cast %mul3A_265 : i32 to index
        %get3A_267 = tpu.vector_load %arg5[%get3A_266] {strides = array<i32>} : memref<2048xi32, #tpu.memory_space<vmem>>, vector<16xi32>,
        %get3A_268 = vector.shape_cast %get3A_267 : vector<16xi32> to vector<16xi32>
        %eq3A_269 = arith.constant 1 : i32
        %eq3A_270 = vector.broadcast %eq3A_269 : i32 to vector<16xi32>
        %eq3A_271 = arith.cmpi eq, %get3A_268, %eq3A_270 : vector<16xi32>
        %broadcast_in_dim3A_272 = arith.constant 1 : i32
        %broadcast_in_dim3A_273 = vector.broadcast %broadcast_in_dim3A_272 : i32 to vector<16xi32>
        %broadcast_in_dim3A_274 = arith.constant 0 : i32
        %broadcast_in_dim3A_275 = vector.broadcast %broadcast_in_dim3A_274 : i32 to vector<16xi32>
        %select_n3A_276 = arith.select %eq3A_271, %broadcast_in_dim3A_273, %broadcast_in_dim3A_275 : vector<16xi1>, vector<16xi32>
        %mul3A_277 = arith.constant 16 : i32
        %mul3A_278 = arith.muli %scan3A_263, %mul3A_277 : i32
        %add3A_279 = arith.constant 1024 : i32
        %add3A_280 = arith.addi %add3A_279, %mul3A_278 : i32
        %swap3A_281 = arith.index_cast %add3A_280 : i32 to index
        %swap3A_282 = tpu.vector_load %arg6[%swap3A_281] {strides = array<i32>} : memref<3072xi32, #tpu.memory_space<vmem>>, vector<16xi32>,
        %swap3A_283 = vector.shape_cast %swap3A_282 : vector<16xi32> to vector<16xi32>
        %swap3A_284 = vector.shape_cast %select_n3A_276 : vector<16xi32> to vector<16xi32>
        tpu.vector_store %arg6[%swap3A_281], %swap3A_284 {strides = array<i32>} : memref<3072xi32, #tpu.memory_space<vmem>>, vector<16xi32>,
        %scan3A_285 = arith.constant 3 : i32
        %scan3A_286 = arith.addi %scan3A_222, %scan3A_285 : i32
        %mul3A_287 = arith.constant 16 : i32
        %mul3A_288 = arith.muli %scan3A_286, %mul3A_287 : i32
        %get3A_289 = arith.index_cast %mul3A_288 : i32 to index
        %get3A_290 = tpu.vector_load %arg5[%get3A_289] {strides = array<i32>} : memref<2048xi32, #tpu.memory_space<vmem>>, vector<16xi32>,
        %get3A_291 = vector.shape_cast %get3A_290 : vector<16xi32> to vector<16xi32>
        %eq3A_292 = arith.constant 1 : i32
        %eq3A_293 = vector.broadcast %eq3A_292 : i32 to vector<16xi32>
        %eq3A_294 = arith.cmpi eq, %get3A_291, %eq3A_293 : vector<16xi32>
        %broadcast_in_dim3A_295 = arith.constant 1 : i32
        %broadcast_in_dim3A_296 = vector.broadcast %broadcast_in_dim3A_295 : i32 to vector<16xi32>
        %broadcast_in_dim3A_297 = arith.constant 0 : i32
        %broadcast_in_dim3A_298 = vector.broadcast %broadcast_in_dim3A_297 : i32 to vector<16xi32>
        %select_n3A_299 = arith.select %eq3A_294, %broadcast_in_dim3A_296, %broadcast_in_dim3A_298 : vector<16xi1>, vector<16xi32>
        %mul3A_300 = arith.constant 16 : i32
        %mul3A_301 = arith.muli %scan3A_286, %mul3A_300 : i32
        %add3A_302 = arith.constant 1024 : i32
        %add3A_303 = arith.addi %add3A_302, %mul3A_301 : i32
        %swap3A_304 = arith.index_cast %add3A_303 : i32 to index
        %swap3A_305 = tpu.vector_load %arg6[%swap3A_304] {strides = array<i32>} : memref<3072xi32, #tpu.memory_space<vmem>>, vector<16xi32>,
        %swap3A_306 = vector.shape_cast %swap3A_305 : vector<16xi32> to vector<16xi32>
        %swap3A_307 = vector.shape_cast %select_n3A_299 : vector<16xi32> to vector<16xi32>
        tpu.vector_store %arg6[%swap3A_304], %swap3A_307 {strides = array<i32>} : memref<3072xi32, #tpu.memory_space<vmem>>, vector<16xi32>,
      }
      %scan3A_31 = arith.constant 128 : i32
      %scan3A_32 = arith.constant 0 : i32
      %scan3A_33 = arith.constant 0 : i32
      %scan3A_34 = arith.constant 128 : i32
      %scan3A_35 = arith.addi %scan3A_33, %scan3A_34 : i32
      %scan3A_36 = arith.constant 4 : i32
      scf.for %scan3A_222 = %scan3A_33 to %scan3A_35 step %scan3A_36  : i32 {
        %mul3A_223 = arith.constant 16 : i32
        %mul3A_224 = arith.muli %scan3A_222, %mul3A_223 : i32
        %add3A_225 = arith.constant 1024 : i32
        %add3A_226 = arith.addi %add3A_225, %mul3A_224 : i32
        %get3A = arith.index_cast %add3A_226 : i32 to index
        %get3A_227 = tpu.vector_load %arg6[%get3A] {strides = array<i32>} : memref<3072xi32, #tpu.memory_space<vmem>>, vector<16xi32>,
        %get3A_228 = vector.shape_cast %get3A_227 : vector<16xi32> to vector<16xi32>
        %mul3A_229 = arith.constant 16 : i32
        %mul3A_230 = arith.muli %scan3A_222, %mul3A_229 : i32
        %add3A_231 = arith.constant 1024 : i32
        %add3A_232 = arith.addi %add3A_231, %mul3A_230 : i32
        %sub3A = arith.constant 1 : i32
        %sub3A_233 = arith.subi %add3A_232, %sub3A : i32
        %get3A_234 = arith.index_cast %sub3A_233 : i32 to index
        %get3A_235 = tpu.vector_load %arg6[%get3A_234] {strides = array<i32>} : memref<3072xi32, #tpu.memory_space<vmem>>, vector<16xi32>,
        %get3A_236 = vector.shape_cast %get3A_235 : vector<16xi32> to vector<16xi32>
        %add3A_237 = arith.addi %get3A_228, %get3A_236 : vector<16xi32>
        %mul3A_238 = arith.constant 16 : i32
        %mul3A_239 = arith.muli %scan3A_222, %mul3A_238 : i32
        %add3A_240 = arith.constant 1024 : i32
        %add3A_241 = arith.addi %add3A_240, %mul3A_239 : i32
        %swap3A = arith.index_cast %add3A_241 : i32 to index
        %swap3A_242 = tpu.vector_load %arg7[%swap3A] {strides = array<i32>} : memref<3072xi32, #tpu.memory_space<vmem>>, vector<16xi32>,
        %swap3A_243 = vector.shape_cast %swap3A_242 : vector<16xi32> to vector<16xi32>
        %swap3A_244 = vector.shape_cast %add3A_237 : vector<16xi32> to vector<16xi32>
        tpu.vector_store %arg7[%swap3A], %swap3A_244 {strides = array<i32>} : memref<3072xi32, #tpu.memory_space<vmem>>, vector<16xi32>,
        %scan3A_245 = arith.constant 1 : i32
        %scan3A_246 = arith.addi %scan3A_222, %scan3A_245 : i32
        %mul3A_247 = arith.constant 16 : i32
        %mul3A_248 = arith.muli %scan3A_246, %mul3A_247 : i32
        %add3A_249 = arith.constant 1024 : i32
        %add3A_250 = arith.addi %add3A_249, %mul3A_248 : i32
        %get3A_251 = arith.index_cast %add3A_250 : i32 to index
        %get3A_252 = tpu.vector_load %arg6[%get3A_251] {strides = array<i32>} : memref<3072xi32, #tpu.memory_space<vmem>>, vector<16xi32>,
        %get3A_253 = vector.shape_cast %get3A_252 : vector<16xi32> to vector<16xi32>
        %mul3A_254 = arith.constant 16 : i32
        %mul3A_255 = arith.muli %scan3A_246, %mul3A_254 : i32
        %add3A_256 = arith.constant 1024 : i32
        %add3A_257 = arith.addi %add3A_256, %mul3A_255 : i32
        %sub3A_258 = arith.constant 1 : i32
        %sub3A_259 = arith.subi %add3A_257, %sub3A_258 : i32
        %get3A_260 = arith.index_cast %sub3A_259 : i32 to index
        %get3A_261 = tpu.vector_load %arg6[%get3A_260] {strides = array<i32>} : memref<3072xi32, #tpu.memory_space<vmem>>, vector<16xi32>,
        %get3A_262 = vector.shape_cast %get3A_261 : vector<16xi32> to vector<16xi32>
        %add3A_263 = arith.addi %get3A_253, %get3A_262 : vector<16xi32>
        %mul3A_264 = arith.constant 16 : i32
        %mul3A_265 = arith.muli %scan3A_246, %mul3A_264 : i32
        %add3A_266 = arith.constant 1024 : i32
        %add3A_267 = arith.addi %add3A_266, %mul3A_265 : i32
        %swap3A_268 = arith.index_cast %add3A_267 : i32 to index
        %swap3A_269 = tpu.vector_load %arg7[%swap3A_268] {strides = array<i32>} : memref<3072xi32, #tpu.memory_space<vmem>>, vector<16xi32>,
        %swap3A_270 = vector.shape_cast %swap3A_269 : vector<16xi32> to vector<16xi32>
        %swap3A_271 = vector.shape_cast %add3A_263 : vector<16xi32> to vector<16xi32>
        tpu.vector_store %arg7[%swap3A_268], %swap3A_271 {strides = array<i32>} : memref<3072xi32, #tpu.memory_space<vmem>>, vector<16xi32>,
        %scan3A_272 = arith.constant 2 : i32
        %scan3A_273 = arith.addi %scan3A_222, %scan3A_272 : i32
        %mul3A_274 = arith.constant 16 : i32
        %mul3A_275 = arith.muli %scan3A_273, %mul3A_274 : i32
        %add3A_276 = arith.constant 1024 : i32
        %add3A_277 = arith.addi %add3A_276, %mul3A_275 : i32
        %get3A_278 = arith.index_cast %add3A_277 : i32 to index
        %get3A_279 = tpu.vector_load %arg6[%get3A_278] {strides = array<i32>} : memref<3072xi32, #tpu.memory_space<vmem>>, vector<16xi32>,
        %get3A_280 = vector.shape_cast %get3A_279 : vector<16xi32> to vector<16xi32>
        %mul3A_281 = arith.constant 16 : i32
        %mul3A_282 = arith.muli %scan3A_273, %mul3A_281 : i32
        %add3A_283 = arith.constant 1024 : i32
        %add3A_284 = arith.addi %add3A_283, %mul3A_282 : i32
        %sub3A_285 = arith.constant 1 : i32
        %sub3A_286 = arith.subi %add3A_284, %sub3A_285 : i32
        %get3A_287 = arith.index_cast %sub3A_286 : i32 to index
        %get3A_288 = tpu.vector_load %arg6[%get3A_287] {strides = array<i32>} : memref<3072xi32, #tpu.memory_space<vmem>>, vector<16xi32>,
        %get3A_289 = vector.shape_cast %get3A_288 : vector<16xi32> to vector<16xi32>
        %add3A_290 = arith.addi %get3A_280, %get3A_289 : vector<16xi32>
        %mul3A_291 = arith.constant 16 : i32
        %mul3A_292 = arith.muli %scan3A_273, %mul3A_291 : i32
        %add3A_293 = arith.constant 1024 : i32
        %add3A_294 = arith.addi %add3A_293, %mul3A_292 : i32
        %swap3A_295 = arith.index_cast %add3A_294 : i32 to index
        %swap3A_296 = tpu.vector_load %arg7[%swap3A_295] {strides = array<i32>} : memref<3072xi32, #tpu.memory_space<vmem>>, vector<16xi32>,
        %swap3A_297 = vector.shape_cast %swap3A_296 : vector<16xi32> to vector<16xi32>
        %swap3A_298 = vector.shape_cast %add3A_290 : vector<16xi32> to vector<16xi32>
        tpu.vector_store %arg7[%swap3A_295], %swap3A_298 {strides = array<i32>} : memref<3072xi32, #tpu.memory_space<vmem>>, vector<16xi32>,
        %scan3A_299 = arith.constant 3 : i32
        %scan3A_300 = arith.addi %scan3A_222, %scan3A_299 : i32
        %mul3A_301 = arith.constant 16 : i32
        %mul3A_302 = arith.muli %scan3A_300, %mul3A_301 : i32
        %add3A_303 = arith.constant 1024 : i32
        %add3A_304 = arith.addi %add3A_303, %mul3A_302 : i32
        %get3A_305 = arith.index_cast %add3A_304 : i32 to index
        %get3A_306 = tpu.vector_load %arg6[%get3A_305] {strides = array<i32>} : memref<3072xi32, #tpu.memory_space<vmem>>, vector<16xi32>,
        %get3A_307 = vector.shape_cast %get3A_306 : vector<16xi32> to vector<16xi32>
        %mul3A_308 = arith.constant 16 : i32
        %mul3A_309 = arith.muli %scan3A_300, %mul3A_308 : i32
        %add3A_310 = arith.constant 1024 : i32
        %add3A_311 = arith.addi %add3A_310, %mul3A_309 : i32
        %sub3A_312 = arith.constant 1 : i32
        %sub3A_313 = arith.subi %add3A_311, %sub3A_312 : i32
        %get3A_314 = arith.index_cast %sub3A_313 : i32 to index
        %get3A_315 = tpu.vector_load %arg6[%get3A_314] {strides = array<i32>} : memref<3072xi32, #tpu.memory_space<vmem>>, vector<16xi32>,
        %get3A_316 = vector.shape_cast %get3A_315 : vector<16xi32> to vector<16xi32>
        %add3A_317 = arith.addi %get3A_307, %get3A_316 : vector<16xi32>
        %mul3A_318 = arith.constant 16 : i32
        %mul3A_319 = arith.muli %scan3A_300, %mul3A_318 : i32
        %add3A_320 = arith.constant 1024 : i32
        %add3A_321 = arith.addi %add3A_320, %mul3A_319 : i32
        %swap3A_322 = arith.index_cast %add3A_321 : i32 to index
        %swap3A_323 = tpu.vector_load %arg7[%swap3A_322] {strides = array<i32>} : memref<3072xi32, #tpu.memory_space<vmem>>, vector<16xi32>,
        %swap3A_324 = vector.shape_cast %swap3A_323 : vector<16xi32> to vector<16xi32>
        %swap3A_325 = vector.shape_cast %add3A_317 : vector<16xi32> to vector<16xi32>
        tpu.vector_store %arg7[%swap3A_322], %swap3A_325 {strides = array<i32>} : memref<3072xi32, #tpu.memory_space<vmem>>, vector<16xi32>,
      }
      %scan3A_37 = arith.constant 128 : i32
      %scan3A_38 = arith.constant 0 : i32
      %scan3A_39 = arith.constant 0 : i32
      %scan3A_40 = arith.constant 128 : i32
      %scan3A_41 = arith.addi %scan3A_39, %scan3A_40 : i32
      %scan3A_42 = arith.constant 4 : i32
      scf.for %scan3A_222 = %scan3A_39 to %scan3A_41 step %scan3A_42  : i32 {
        %mul3A_223 = arith.constant 16 : i32
        %mul3A_224 = arith.muli %scan3A_222, %mul3A_223 : i32
        %add3A_225 = arith.constant 1024 : i32
        %add3A_226 = arith.addi %add3A_225, %mul3A_224 : i32
        %get3A = arith.index_cast %add3A_226 : i32 to index
        %get3A_227 = tpu.vector_load %arg7[%get3A] {strides = array<i32>} : memref<3072xi32, #tpu.memory_space<vmem>>, vector<16xi32>,
        %get3A_228 = vector.shape_cast %get3A_227 : vector<16xi32> to vector<16xi32>
        %mul3A_229 = arith.constant 16 : i32
        %mul3A_230 = arith.muli %scan3A_222, %mul3A_229 : i32
        %add3A_231 = arith.constant 1024 : i32
        %add3A_232 = arith.addi %add3A_231, %mul3A_230 : i32
        %sub3A = arith.constant 2 : i32
        %sub3A_233 = arith.subi %add3A_232, %sub3A : i32
        %get3A_234 = arith.index_cast %sub3A_233 : i32 to index
        %get3A_235 = tpu.vector_load %arg7[%get3A_234] {strides = array<i32>} : memref<3072xi32, #tpu.memory_space<vmem>>, vector<16xi32>,
        %get3A_236 = vector.shape_cast %get3A_235 : vector<16xi32> to vector<16xi32>
        %add3A_237 = arith.addi %get3A_228, %get3A_236 : vector<16xi32>
        %mul3A_238 = arith.constant 16 : i32
        %mul3A_239 = arith.muli %scan3A_222, %mul3A_238 : i32
        %add3A_240 = arith.constant 1024 : i32
        %add3A_241 = arith.addi %add3A_240, %mul3A_239 : i32
        %swap3A = arith.index_cast %add3A_241 : i32 to index
        %swap3A_242 = tpu.vector_load %arg6[%swap3A] {strides = array<i32>} : memref<3072xi32, #tpu.memory_space<vmem>>, vector<16xi32>,
        %swap3A_243 = vector.shape_cast %swap3A_242 : vector<16xi32> to vector<16xi32>
        %swap3A_244 = vector.shape_cast %add3A_237 : vector<16xi32> to vector<16xi32>
        tpu.vector_store %arg6[%swap3A], %swap3A_244 {strides = array<i32>} : memref<3072xi32, #tpu.memory_space<vmem>>, vector<16xi32>,
        %scan3A_245 = arith.constant 1 : i32
        %scan3A_246 = arith.addi %scan3A_222, %scan3A_245 : i32
        %mul3A_247 = arith.constant 16 : i32
        %mul3A_248 = arith.muli %scan3A_246, %mul3A_247 : i32
        %add3A_249 = arith.constant 1024 : i32
        %add3A_250 = arith.addi %add3A_249, %mul3A_248 : i32
        %get3A_251 = arith.index_cast %add3A_250 : i32 to index
        %get3A_252 = tpu.vector_load %arg7[%get3A_251] {strides = array<i32>} : memref<3072xi32, #tpu.memory_space<vmem>>, vector<16xi32>,
        %get3A_253 = vector.shape_cast %get3A_252 : vector<16xi32> to vector<16xi32>
        %mul3A_254 = arith.constant 16 : i32
        %mul3A_255 = arith.muli %scan3A_246, %mul3A_254 : i32
        %add3A_256 = arith.constant 1024 : i32
        %add3A_257 = arith.addi %add3A_256, %mul3A_255 : i32
        %sub3A_258 = arith.constant 2 : i32
        %sub3A_259 = arith.subi %add3A_257, %sub3A_258 : i32
        %get3A_260 = arith.index_cast %sub3A_259 : i32 to index
        %get3A_261 = tpu.vector_load %arg7[%get3A_260] {strides = array<i32>} : memref<3072xi32, #tpu.memory_space<vmem>>, vector<16xi32>,
        %get3A_262 = vector.shape_cast %get3A_261 : vector<16xi32> to vector<16xi32>
        %add3A_263 = arith.addi %get3A_253, %get3A_262 : vector<16xi32>
        %mul3A_264 = arith.constant 16 : i32
        %mul3A_265 = arith.muli %scan3A_246, %mul3A_264 : i32
        %add3A_266 = arith.constant 1024 : i32
        %add3A_267 = arith.addi %add3A_266, %mul3A_265 : i32
        %swap3A_268 = arith.index_cast %add3A_267 : i32 to index
        %swap3A_269 = tpu.vector_load %arg6[%swap3A_268] {strides = array<i32>} : memref<3072xi32, #tpu.memory_space<vmem>>, vector<16xi32>,
        %swap3A_270 = vector.shape_cast %swap3A_269 : vector<16xi32> to vector<16xi32>
        %swap3A_271 = vector.shape_cast %add3A_263 : vector<16xi32> to vector<16xi32>
        tpu.vector_store %arg6[%swap3A_268], %swap3A_271 {strides = array<i32>} : memref<3072xi32, #tpu.memory_space<vmem>>, vector<16xi32>,
        %scan3A_272 = arith.constant 2 : i32
        %scan3A_273 = arith.addi %scan3A_222, %scan3A_272 : i32
        %mul3A_274 = arith.constant 16 : i32
        %mul3A_275 = arith.muli %scan3A_273, %mul3A_274 : i32
        %add3A_276 = arith.constant 1024 : i32
        %add3A_277 = arith.addi %add3A_276, %mul3A_275 : i32
        %get3A_278 = arith.index_cast %add3A_277 : i32 to index
        %get3A_279 = tpu.vector_load %arg7[%get3A_278] {strides = array<i32>} : memref<3072xi32, #tpu.memory_space<vmem>>, vector<16xi32>,
        %get3A_280 = vector.shape_cast %get3A_279 : vector<16xi32> to vector<16xi32>
        %mul3A_281 = arith.constant 16 : i32
        %mul3A_282 = arith.muli %scan3A_273, %mul3A_281 : i32
        %add3A_283 = arith.constant 1024 : i32
        %add3A_284 = arith.addi %add3A_283, %mul3A_282 : i32
        %sub3A_285 = arith.constant 2 : i32
        %sub3A_286 = arith.subi %add3A_284, %sub3A_285 : i32
        %get3A_287 = arith.index_cast %sub3A_286 : i32 to index
        %get3A_288 = tpu.vector_load %arg7[%get3A_287] {strides = array<i32>} : memref<3072xi32, #tpu.memory_space<vmem>>, vector<16xi32>,
        %get3A_289 = vector.shape_cast %get3A_288 : vector<16xi32> to vector<16xi32>
        %add3A_290 = arith.addi %get3A_280, %get3A_289 : vector<16xi32>
        %mul3A_291 = arith.constant 16 : i32
        %mul3A_292 = arith.muli %scan3A_273, %mul3A_291 : i32
        %add3A_293 = arith.constant 1024 : i32
        %add3A_294 = arith.addi %add3A_293, %mul3A_292 : i32
        %swap3A_295 = arith.index_cast %add3A_294 : i32 to index
        %swap3A_296 = tpu.vector_load %arg6[%swap3A_295] {strides = array<i32>} : memref<3072xi32, #tpu.memory_space<vmem>>, vector<16xi32>,
        %swap3A_297 = vector.shape_cast %swap3A_296 : vector<16xi32> to vector<16xi32>
        %swap3A_298 = vector.shape_cast %add3A_290 : vector<16xi32> to vector<16xi32>
        tpu.vector_store %arg6[%swap3A_295], %swap3A_298 {strides = array<i32>} : memref<3072xi32, #tpu.memory_space<vmem>>, vector<16xi32>,
        %scan3A_299 = arith.constant 3 : i32
        %scan3A_300 = arith.addi %scan3A_222, %scan3A_299 : i32
        %mul3A_301 = arith.constant 16 : i32
        %mul3A_302 = arith.muli %scan3A_300, %mul3A_301 : i32
        %add3A_303 = arith.constant 1024 : i32
        %add3A_304 = arith.addi %add3A_303, %mul3A_302 : i32
        %get3A_305 = arith.index_cast %add3A_304 : i32 to index
        %get3A_306 = tpu.vector_load %arg7[%get3A_305] {strides = array<i32>} : memref<3072xi32, #tpu.memory_space<vmem>>, vector<16xi32>,
        %get3A_307 = vector.shape_cast %get3A_306 : vector<16xi32> to vector<16xi32>
        %mul3A_308 = arith.constant 16 : i32
        %mul3A_309 = arith.muli %scan3A_300, %mul3A_308 : i32
        %add3A_310 = arith.constant 1024 : i32
        %add3A_311 = arith.addi %add3A_310, %mul3A_309 : i32
        %sub3A_312 = arith.constant 2 : i32
        %sub3A_313 = arith.subi %add3A_311, %sub3A_312 : i32
        %get3A_314 = arith.index_cast %sub3A_313 : i32 to index
        %get3A_315 = tpu.vector_load %arg7[%get3A_314] {strides = array<i32>} : memref<3072xi32, #tpu.memory_space<vmem>>, vector<16xi32>,
        %get3A_316 = vector.shape_cast %get3A_315 : vector<16xi32> to vector<16xi32>
        %add3A_317 = arith.addi %get3A_307, %get3A_316 : vector<16xi32>
        %mul3A_318 = arith.constant 16 : i32
        %mul3A_319 = arith.muli %scan3A_300, %mul3A_318 : i32
        %add3A_320 = arith.constant 1024 : i32
        %add3A_321 = arith.addi %add3A_320, %mul3A_319 : i32
        %swap3A_322 = arith.index_cast %add3A_321 : i32 to index
        %swap3A_323 = tpu.vector_load %arg6[%swap3A_322] {strides = array<i32>} : memref<3072xi32, #tpu.memory_space<vmem>>, vector<16xi32>,
        %swap3A_324 = vector.shape_cast %swap3A_323 : vector<16xi32> to vector<16xi32>
        %swap3A_325 = vector.shape_cast %add3A_317 : vector<16xi32> to vector<16xi32>
        tpu.vector_store %arg6[%swap3A_322], %swap3A_325 {strides = array<i32>} : memref<3072xi32, #tpu.memory_space<vmem>>, vector<16xi32>,
      }
      %scan3A_43 = arith.constant 128 : i32
      %scan3A_44 = arith.constant 0 : i32
      %scan3A_45 = arith.constant 0 : i32
      %scan3A_46 = arith.constant 128 : i32
      %scan3A_47 = arith.addi %scan3A_45, %scan3A_46 : i32
      %scan3A_48 = arith.constant 4 : i32
      scf.for %scan3A_222 = %scan3A_45 to %scan3A_47 step %scan3A_48  : i32 {
        %mul3A_223 = arith.constant 16 : i32
        %mul3A_224 = arith.muli %scan3A_222, %mul3A_223 : i32
        %add3A_225 = arith.constant 1024 : i32
        %add3A_226 = arith.addi %add3A_225, %mul3A_224 : i32
        %get3A = arith.index_cast %add3A_226 : i32 to index
        %get3A_227 = tpu.vector_load %arg6[%get3A] {strides = array<i32>} : memref<3072xi32, #tpu.memory_space<vmem>>, vector<16xi32>,
        %get3A_228 = vector.shape_cast %get3A_227 : vector<16xi32> to vector<16xi32>
        %mul3A_229 = arith.constant 16 : i32
        %mul3A_230 = arith.muli %scan3A_222, %mul3A_229 : i32
        %add3A_231 = arith.constant 1024 : i32
        %add3A_232 = arith.addi %add3A_231, %mul3A_230 : i32
        %sub3A = arith.constant 4 : i32
        %sub3A_233 = arith.subi %add3A_232, %sub3A : i32
        %get3A_234 = arith.index_cast %sub3A_233 : i32 to index
        %get3A_235 = tpu.vector_load %arg6[%get3A_234] {strides = array<i32>} : memref<3072xi32, #tpu.memory_space<vmem>>, vector<16xi32>,
        %get3A_236 = vector.shape_cast %get3A_235 : vector<16xi32> to vector<16xi32>
        %add3A_237 = arith.addi %get3A_228, %get3A_236 : vector<16xi32>
        %mul3A_238 = arith.constant 16 : i32
        %mul3A_239 = arith.muli %scan3A_222, %mul3A_238 : i32
        %add3A_240 = arith.constant 1024 : i32
        %add3A_241 = arith.addi %add3A_240, %mul3A_239 : i32
        %swap3A = arith.index_cast %add3A_241 : i32 to index
        %swap3A_242 = tpu.vector_load %arg7[%swap3A] {strides = array<i32>} : memref<3072xi32, #tpu.memory_space<vmem>>, vector<16xi32>,
        %swap3A_243 = vector.shape_cast %swap3A_242 : vector<16xi32> to vector<16xi32>
        %swap3A_244 = vector.shape_cast %add3A_237 : vector<16xi32> to vector<16xi32>
        tpu.vector_store %arg7[%swap3A], %swap3A_244 {strides = array<i32>} : memref<3072xi32, #tpu.memory_space<vmem>>, vector<16xi32>,
        %scan3A_245 = arith.constant 1 : i32
        %scan3A_246 = arith.addi %scan3A_222, %scan3A_245 : i32
        %mul3A_247 = arith.constant 16 : i32
        %mul3A_248 = arith.muli %scan3A_246, %mul3A_247 : i32
        %add3A_249 = arith.constant 1024 : i32
        %add3A_250 = arith.addi %add3A_249, %mul3A_248 : i32
        %get3A_251 = arith.index_cast %add3A_250 : i32 to index
        %get3A_252 = tpu.vector_load %arg6[%get3A_251] {strides = array<i32>} : memref<3072xi32, #tpu.memory_space<vmem>>, vector<16xi32>,
        %get3A_253 = vector.shape_cast %get3A_252 : vector<16xi32> to vector<16xi32>
        %mul3A_254 = arith.constant 16 : i32
        %mul3A_255 = arith.muli %scan3A_246, %mul3A_254 : i32
        %add3A_256 = arith.constant 1024 : i32
        %add3A_257 = arith.addi %add3A_256, %mul3A_255 : i32
        %sub3A_258 = arith.constant 4 : i32
        %sub3A_259 = arith.subi %add3A_257, %sub3A_258 : i32
        %get3A_260 = arith.index_cast %sub3A_259 : i32 to index
        %get3A_261 = tpu.vector_load %arg6[%get3A_260] {strides = array<i32>} : memref<3072xi32, #tpu.memory_space<vmem>>, vector<16xi32>,
        %get3A_262 = vector.shape_cast %get3A_261 : vector<16xi32> to vector<16xi32>
        %add3A_263 = arith.addi %get3A_253, %get3A_262 : vector<16xi32>
        %mul3A_264 = arith.constant 16 : i32
        %mul3A_265 = arith.muli %scan3A_246, %mul3A_264 : i32
        %add3A_266 = arith.constant 1024 : i32
        %add3A_267 = arith.addi %add3A_266, %mul3A_265 : i32
        %swap3A_268 = arith.index_cast %add3A_267 : i32 to index
        %swap3A_269 = tpu.vector_load %arg7[%swap3A_268] {strides = array<i32>} : memref<3072xi32, #tpu.memory_space<vmem>>, vector<16xi32>,
        %swap3A_270 = vector.shape_cast %swap3A_269 : vector<16xi32> to vector<16xi32>
        %swap3A_271 = vector.shape_cast %add3A_263 : vector<16xi32> to vector<16xi32>
        tpu.vector_store %arg7[%swap3A_268], %swap3A_271 {strides = array<i32>} : memref<3072xi32, #tpu.memory_space<vmem>>, vector<16xi32>,
        %scan3A_272 = arith.constant 2 : i32
        %scan3A_273 = arith.addi %scan3A_222, %scan3A_272 : i32
        %mul3A_274 = arith.constant 16 : i32
        %mul3A_275 = arith.muli %scan3A_273, %mul3A_274 : i32
        %add3A_276 = arith.constant 1024 : i32
        %add3A_277 = arith.addi %add3A_276, %mul3A_275 : i32
        %get3A_278 = arith.index_cast %add3A_277 : i32 to index
        %get3A_279 = tpu.vector_load %arg6[%get3A_278] {strides = array<i32>} : memref<3072xi32, #tpu.memory_space<vmem>>, vector<16xi32>,
        %get3A_280 = vector.shape_cast %get3A_279 : vector<16xi32> to vector<16xi32>
        %mul3A_281 = arith.constant 16 : i32
        %mul3A_282 = arith.muli %scan3A_273, %mul3A_281 : i32
        %add3A_283 = arith.constant 1024 : i32
        %add3A_284 = arith.addi %add3A_283, %mul3A_282 : i32
        %sub3A_285 = arith.constant 4 : i32
        %sub3A_286 = arith.subi %add3A_284, %sub3A_285 : i32
        %get3A_287 = arith.index_cast %sub3A_286 : i32 to index
        %get3A_288 = tpu.vector_load %arg6[%get3A_287] {strides = array<i32>} : memref<3072xi32, #tpu.memory_space<vmem>>, vector<16xi32>,
        %get3A_289 = vector.shape_cast %get3A_288 : vector<16xi32> to vector<16xi32>
        %add3A_290 = arith.addi %get3A_280, %get3A_289 : vector<16xi32>
        %mul3A_291 = arith.constant 16 : i32
        %mul3A_292 = arith.muli %scan3A_273, %mul3A_291 : i32
        %add3A_293 = arith.constant 1024 : i32
        %add3A_294 = arith.addi %add3A_293, %mul3A_292 : i32
        %swap3A_295 = arith.index_cast %add3A_294 : i32 to index
        %swap3A_296 = tpu.vector_load %arg7[%swap3A_295] {strides = array<i32>} : memref<3072xi32, #tpu.memory_space<vmem>>, vector<16xi32>,
        %swap3A_297 = vector.shape_cast %swap3A_296 : vector<16xi32> to vector<16xi32>
        %swap3A_298 = vector.shape_cast %add3A_290 : vector<16xi32> to vector<16xi32>
        tpu.vector_store %arg7[%swap3A_295], %swap3A_298 {strides = array<i32>} : memref<3072xi32, #tpu.memory_space<vmem>>, vector<16xi32>,
        %scan3A_299 = arith.constant 3 : i32
        %scan3A_300 = arith.addi %scan3A_222, %scan3A_299 : i32
        %mul3A_301 = arith.constant 16 : i32
        %mul3A_302 = arith.muli %scan3A_300, %mul3A_301 : i32
        %add3A_303 = arith.constant 1024 : i32
        %add3A_304 = arith.addi %add3A_303, %mul3A_302 : i32
        %get3A_305 = arith.index_cast %add3A_304 : i32 to index
        %get3A_306 = tpu.vector_load %arg6[%get3A_305] {strides = array<i32>} : memref<3072xi32, #tpu.memory_space<vmem>>, vector<16xi32>,
        %get3A_307 = vector.shape_cast %get3A_306 : vector<16xi32> to vector<16xi32>
        %mul3A_308 = arith.constant 16 : i32
        %mul3A_309 = arith.muli %scan3A_300, %mul3A_308 : i32
        %add3A_310 = arith.constant 1024 : i32
        %add3A_311 = arith.addi %add3A_310, %mul3A_309 : i32
        %sub3A_312 = arith.constant 4 : i32
        %sub3A_313 = arith.subi %add3A_311, %sub3A_312 : i32
        %get3A_314 = arith.index_cast %sub3A_313 : i32 to index
        %get3A_315 = tpu.vector_load %arg6[%get3A_314] {strides = array<i32>} : memref<3072xi32, #tpu.memory_space<vmem>>, vector<16xi32>,
        %get3A_316 = vector.shape_cast %get3A_315 : vector<16xi32> to vector<16xi32>
        %add3A_317 = arith.addi %get3A_307, %get3A_316 : vector<16xi32>
        %mul3A_318 = arith.constant 16 : i32
        %mul3A_319 = arith.muli %scan3A_300, %mul3A_318 : i32
        %add3A_320 = arith.constant 1024 : i32
        %add3A_321 = arith.addi %add3A_320, %mul3A_319 : i32
        %swap3A_322 = arith.index_cast %add3A_321 : i32 to index
        %swap3A_323 = tpu.vector_load %arg7[%swap3A_322] {strides = array<i32>} : memref<3072xi32, #tpu.memory_space<vmem>>, vector<16xi32>,
        %swap3A_324 = vector.shape_cast %swap3A_323 : vector<16xi32> to vector<16xi32>
        %swap3A_325 = vector.shape_cast %add3A_317 : vector<16xi32> to vector<16xi32>
        tpu.vector_store %arg7[%swap3A_322], %swap3A_325 {strides = array<i32>} : memref<3072xi32, #tpu.memory_space<vmem>>, vector<16xi32>,
      }
      %scan3A_49 = arith.constant 128 : i32
      %scan3A_50 = arith.constant 0 : i32
      %scan3A_51 = arith.constant 0 : i32
      %scan3A_52 = arith.constant 128 : i32
      %scan3A_53 = arith.addi %scan3A_51, %scan3A_52 : i32
      %scan3A_54 = arith.constant 4 : i32
      scf.for %scan3A_222 = %scan3A_51 to %scan3A_53 step %scan3A_54  : i32 {
        %mul3A_223 = arith.constant 16 : i32
        %mul3A_224 = arith.muli %scan3A_222, %mul3A_223 : i32
        %add3A_225 = arith.constant 1024 : i32
        %add3A_226 = arith.addi %add3A_225, %mul3A_224 : i32
        %get3A = arith.index_cast %add3A_226 : i32 to index
        %get3A_227 = tpu.vector_load %arg7[%get3A] {strides = array<i32>} : memref<3072xi32, #tpu.memory_space<vmem>>, vector<16xi32>,
        %get3A_228 = vector.shape_cast %get3A_227 : vector<16xi32> to vector<16xi32>
        %mul3A_229 = arith.constant 16 : i32
        %mul3A_230 = arith.muli %scan3A_222, %mul3A_229 : i32
        %add3A_231 = arith.constant 1024 : i32
        %add3A_232 = arith.addi %add3A_231, %mul3A_230 : i32
        %sub3A = arith.constant 8 : i32
        %sub3A_233 = arith.subi %add3A_232, %sub3A : i32
        %get3A_234 = arith.index_cast %sub3A_233 : i32 to index
        %get3A_235 = tpu.vector_load %arg7[%get3A_234] {strides = array<i32>} : memref<3072xi32, #tpu.memory_space<vmem>>, vector<16xi32>,
        %get3A_236 = vector.shape_cast %get3A_235 : vector<16xi32> to vector<16xi32>
        %add3A_237 = arith.addi %get3A_228, %get3A_236 : vector<16xi32>
        %mul3A_238 = arith.constant 16 : i32
        %mul3A_239 = arith.muli %scan3A_222, %mul3A_238 : i32
        %add3A_240 = arith.constant 1024 : i32
        %add3A_241 = arith.addi %add3A_240, %mul3A_239 : i32
        %swap3A = arith.index_cast %add3A_241 : i32 to index
        %swap3A_242 = tpu.vector_load %arg6[%swap3A] {strides = array<i32>} : memref<3072xi32, #tpu.memory_space<vmem>>, vector<16xi32>,
        %swap3A_243 = vector.shape_cast %swap3A_242 : vector<16xi32> to vector<16xi32>
        %swap3A_244 = vector.shape_cast %add3A_237 : vector<16xi32> to vector<16xi32>
        tpu.vector_store %arg6[%swap3A], %swap3A_244 {strides = array<i32>} : memref<3072xi32, #tpu.memory_space<vmem>>, vector<16xi32>,
        %scan3A_245 = arith.constant 1 : i32
        %scan3A_246 = arith.addi %scan3A_222, %scan3A_245 : i32
        %mul3A_247 = arith.constant 16 : i32
        %mul3A_248 = arith.muli %scan3A_246, %mul3A_247 : i32
        %add3A_249 = arith.constant 1024 : i32
        %add3A_250 = arith.addi %add3A_249, %mul3A_248 : i32
        %get3A_251 = arith.index_cast %add3A_250 : i32 to index
        %get3A_252 = tpu.vector_load %arg7[%get3A_251] {strides = array<i32>} : memref<3072xi32, #tpu.memory_space<vmem>>, vector<16xi32>,
        %get3A_253 = vector.shape_cast %get3A_252 : vector<16xi32> to vector<16xi32>
        %mul3A_254 = arith.constant 16 : i32
        %mul3A_255 = arith.muli %scan3A_246, %mul3A_254 : i32
        %add3A_256 = arith.constant 1024 : i32
        %add3A_257 = arith.addi %add3A_256, %mul3A_255 : i32
        %sub3A_258 = arith.constant 8 : i32
        %sub3A_259 = arith.subi %add3A_257, %sub3A_258 : i32
        %get3A_260 = arith.index_cast %sub3A_259 : i32 to index
        %get3A_261 = tpu.vector_load %arg7[%get3A_260] {strides = array<i32>} : memref<3072xi32, #tpu.memory_space<vmem>>, vector<16xi32>,
        %get3A_262 = vector.shape_cast %get3A_261 : vector<16xi32> to vector<16xi32>
        %add3A_263 = arith.addi %get3A_253, %get3A_262 : vector<16xi32>
        %mul3A_264 = arith.constant 16 : i32
        %mul3A_265 = arith.muli %scan3A_246, %mul3A_264 : i32
        %add3A_266 = arith.constant 1024 : i32
        %add3A_267 = arith.addi %add3A_266, %mul3A_265 : i32
        %swap3A_268 = arith.index_cast %add3A_267 : i32 to index
        %swap3A_269 = tpu.vector_load %arg6[%swap3A_268] {strides = array<i32>} : memref<3072xi32, #tpu.memory_space<vmem>>, vector<16xi32>,
        %swap3A_270 = vector.shape_cast %swap3A_269 : vector<16xi32> to vector<16xi32>
        %swap3A_271 = vector.shape_cast %add3A_263 : vector<16xi32> to vector<16xi32>
        tpu.vector_store %arg6[%swap3A_268], %swap3A_271 {strides = array<i32>} : memref<3072xi32, #tpu.memory_space<vmem>>, vector<16xi32>,
        %scan3A_272 = arith.constant 2 : i32
        %scan3A_273 = arith.addi %scan3A_222, %scan3A_272 : i32
        %mul3A_274 = arith.constant 16 : i32
        %mul3A_275 = arith.muli %scan3A_273, %mul3A_274 : i32
        %add3A_276 = arith.constant 1024 : i32
        %add3A_277 = arith.addi %add3A_276, %mul3A_275 : i32
        %get3A_278 = arith.index_cast %add3A_277 : i32 to index
        %get3A_279 = tpu.vector_load %arg7[%get3A_278] {strides = array<i32>} : memref<3072xi32, #tpu.memory_space<vmem>>, vector<16xi32>,
        %get3A_280 = vector.shape_cast %get3A_279 : vector<16xi32> to vector<16xi32>
        %mul3A_281 = arith.constant 16 : i32
        %mul3A_282 = arith.muli %scan3A_273, %mul3A_281 : i32
        %add3A_283 = arith.constant 1024 : i32
        %add3A_284 = arith.addi %add3A_283, %mul3A_282 : i32
        %sub3A_285 = arith.constant 8 : i32
        %sub3A_286 = arith.subi %add3A_284, %sub3A_285 : i32
        %get3A_287 = arith.index_cast %sub3A_286 : i32 to index
        %get3A_288 = tpu.vector_load %arg7[%get3A_287] {strides = array<i32>} : memref<3072xi32, #tpu.memory_space<vmem>>, vector<16xi32>,
        %get3A_289 = vector.shape_cast %get3A_288 : vector<16xi32> to vector<16xi32>
        %add3A_290 = arith.addi %get3A_280, %get3A_289 : vector<16xi32>
        %mul3A_291 = arith.constant 16 : i32
        %mul3A_292 = arith.muli %scan3A_273, %mul3A_291 : i32
        %add3A_293 = arith.constant 1024 : i32
        %add3A_294 = arith.addi %add3A_293, %mul3A_292 : i32
        %swap3A_295 = arith.index_cast %add3A_294 : i32 to index
        %swap3A_296 = tpu.vector_load %arg6[%swap3A_295] {strides = array<i32>} : memref<3072xi32, #tpu.memory_space<vmem>>, vector<16xi32>,
        %swap3A_297 = vector.shape_cast %swap3A_296 : vector<16xi32> to vector<16xi32>
        %swap3A_298 = vector.shape_cast %add3A_290 : vector<16xi32> to vector<16xi32>
        tpu.vector_store %arg6[%swap3A_295], %swap3A_298 {strides = array<i32>} : memref<3072xi32, #tpu.memory_space<vmem>>, vector<16xi32>,
        %scan3A_299 = arith.constant 3 : i32
        %scan3A_300 = arith.addi %scan3A_222, %scan3A_299 : i32
        %mul3A_301 = arith.constant 16 : i32
        %mul3A_302 = arith.muli %scan3A_300, %mul3A_301 : i32
        %add3A_303 = arith.constant 1024 : i32
        %add3A_304 = arith.addi %add3A_303, %mul3A_302 : i32
        %get3A_305 = arith.index_cast %add3A_304 : i32 to index
        %get3A_306 = tpu.vector_load %arg7[%get3A_305] {strides = array<i32>} : memref<3072xi32, #tpu.memory_space<vmem>>, vector<16xi32>,
        %get3A_307 = vector.shape_cast %get3A_306 : vector<16xi32> to vector<16xi32>
        %mul3A_308 = arith.constant 16 : i32
        %mul3A_309 = arith.muli %scan3A_300, %mul3A_308 : i32
        %add3A_310 = arith.constant 1024 : i32
        %add3A_311 = arith.addi %add3A_310, %mul3A_309 : i32
        %sub3A_312 = arith.constant 8 : i32
        %sub3A_313 = arith.subi %add3A_311, %sub3A_312 : i32
        %get3A_314 = arith.index_cast %sub3A_313 : i32 to index
        %get3A_315 = tpu.vector_load %arg7[%get3A_314] {strides = array<i32>} : memref<3072xi32, #tpu.memory_space<vmem>>, vector<16xi32>,
        %get3A_316 = vector.shape_cast %get3A_315 : vector<16xi32> to vector<16xi32>
        %add3A_317 = arith.addi %get3A_307, %get3A_316 : vector<16xi32>
        %mul3A_318 = arith.constant 16 : i32
        %mul3A_319 = arith.muli %scan3A_300, %mul3A_318 : i32
        %add3A_320 = arith.constant 1024 : i32
        %add3A_321 = arith.addi %add3A_320, %mul3A_319 : i32
        %swap3A_322 = arith.index_cast %add3A_321 : i32 to index
        %swap3A_323 = tpu.vector_load %arg6[%swap3A_322] {strides = array<i32>} : memref<3072xi32, #tpu.memory_space<vmem>>, vector<16xi32>,
        %swap3A_324 = vector.shape_cast %swap3A_323 : vector<16xi32> to vector<16xi32>
        %swap3A_325 = vector.shape_cast %add3A_317 : vector<16xi32> to vector<16xi32>
        tpu.vector_store %arg6[%swap3A_322], %swap3A_325 {strides = array<i32>} : memref<3072xi32, #tpu.memory_space<vmem>>, vector<16xi32>,
      }
      %scan3A_55 = arith.constant 128 : i32
      %scan3A_56 = arith.constant 0 : i32
      %scan3A_57 = arith.constant 0 : i32
      %scan3A_58 = arith.constant 128 : i32
      %scan3A_59 = arith.addi %scan3A_57, %scan3A_58 : i32
      %scan3A_60 = arith.constant 4 : i32
      scf.for %scan3A_222 = %scan3A_57 to %scan3A_59 step %scan3A_60  : i32 {
        %mul3A_223 = arith.constant 16 : i32
        %mul3A_224 = arith.muli %scan3A_222, %mul3A_223 : i32
        %add3A_225 = arith.constant 1024 : i32
        %add3A_226 = arith.addi %add3A_225, %mul3A_224 : i32
        %get3A = arith.index_cast %add3A_226 : i32 to index
        %get3A_227 = tpu.vector_load %arg6[%get3A] {strides = array<i32>} : memref<3072xi32, #tpu.memory_space<vmem>>, vector<16xi32>,
        %get3A_228 = vector.shape_cast %get3A_227 : vector<16xi32> to vector<16xi32>
        %mul3A_229 = arith.constant 16 : i32
        %mul3A_230 = arith.muli %scan3A_222, %mul3A_229 : i32
        %add3A_231 = arith.constant 1024 : i32
        %add3A_232 = arith.addi %add3A_231, %mul3A_230 : i32
        %sub3A = arith.constant 16 : i32
        %sub3A_233 = arith.subi %add3A_232, %sub3A : i32
        %get3A_234 = arith.index_cast %sub3A_233 : i32 to index
        %get3A_235 = tpu.vector_load %arg6[%get3A_234] {strides = array<i32>} : memref<3072xi32, #tpu.memory_space<vmem>>, vector<16xi32>,
        %get3A_236 = vector.shape_cast %get3A_235 : vector<16xi32> to vector<16xi32>
        %add3A_237 = arith.addi %get3A_228, %get3A_236 : vector<16xi32>
        %mul3A_238 = arith.constant 16 : i32
        %mul3A_239 = arith.muli %scan3A_222, %mul3A_238 : i32
        %add3A_240 = arith.constant 1024 : i32
        %add3A_241 = arith.addi %add3A_240, %mul3A_239 : i32
        %swap3A = arith.index_cast %add3A_241 : i32 to index
        %swap3A_242 = tpu.vector_load %arg7[%swap3A] {strides = array<i32>} : memref<3072xi32, #tpu.memory_space<vmem>>, vector<16xi32>,
        %swap3A_243 = vector.shape_cast %swap3A_242 : vector<16xi32> to vector<16xi32>
        %swap3A_244 = vector.shape_cast %add3A_237 : vector<16xi32> to vector<16xi32>
        tpu.vector_store %arg7[%swap3A], %swap3A_244 {strides = array<i32>} : memref<3072xi32, #tpu.memory_space<vmem>>, vector<16xi32>,
        %scan3A_245 = arith.constant 1 : i32
        %scan3A_246 = arith.addi %scan3A_222, %scan3A_245 : i32
        %mul3A_247 = arith.constant 16 : i32
        %mul3A_248 = arith.muli %scan3A_246, %mul3A_247 : i32
        %add3A_249 = arith.constant 1024 : i32
        %add3A_250 = arith.addi %add3A_249, %mul3A_248 : i32
        %get3A_251 = arith.index_cast %add3A_250 : i32 to index
        %get3A_252 = tpu.vector_load %arg6[%get3A_251] {strides = array<i32>} : memref<3072xi32, #tpu.memory_space<vmem>>, vector<16xi32>,
        %get3A_253 = vector.shape_cast %get3A_252 : vector<16xi32> to vector<16xi32>
        %mul3A_254 = arith.constant 16 : i32
        %mul3A_255 = arith.muli %scan3A_246, %mul3A_254 : i32
        %add3A_256 = arith.constant 1024 : i32
        %add3A_257 = arith.addi %add3A_256, %mul3A_255 : i32
        %sub3A_258 = arith.constant 16 : i32
        %sub3A_259 = arith.subi %add3A_257, %sub3A_258 : i32
        %get3A_260 = arith.index_cast %sub3A_259 : i32 to index
        %get3A_261 = tpu.vector_load %arg6[%get3A_260] {strides = array<i32>} : memref<3072xi32, #tpu.memory_space<vmem>>, vector<16xi32>,
        %get3A_262 = vector.shape_cast %get3A_261 : vector<16xi32> to vector<16xi32>
        %add3A_263 = arith.addi %get3A_253, %get3A_262 : vector<16xi32>
        %mul3A_264 = arith.constant 16 : i32
        %mul3A_265 = arith.muli %scan3A_246, %mul3A_264 : i32
        %add3A_266 = arith.constant 1024 : i32
        %add3A_267 = arith.addi %add3A_266, %mul3A_265 : i32
        %swap3A_268 = arith.index_cast %add3A_267 : i32 to index
        %swap3A_269 = tpu.vector_load %arg7[%swap3A_268] {strides = array<i32>} : memref<3072xi32, #tpu.memory_space<vmem>>, vector<16xi32>,
        %swap3A_270 = vector.shape_cast %swap3A_269 : vector<16xi32> to vector<16xi32>
        %swap3A_271 = vector.shape_cast %add3A_263 : vector<16xi32> to vector<16xi32>
        tpu.vector_store %arg7[%swap3A_268], %swap3A_271 {strides = array<i32>} : memref<3072xi32, #tpu.memory_space<vmem>>, vector<16xi32>,
        %scan3A_272 = arith.constant 2 : i32
        %scan3A_273 = arith.addi %scan3A_222, %scan3A_272 : i32
        %mul3A_274 = arith.constant 16 : i32
        %mul3A_275 = arith.muli %scan3A_273, %mul3A_274 : i32
        %add3A_276 = arith.constant 1024 : i32
        %add3A_277 = arith.addi %add3A_276, %mul3A_275 : i32
        %get3A_278 = arith.index_cast %add3A_277 : i32 to index
        %get3A_279 = tpu.vector_load %arg6[%get3A_278] {strides = array<i32>} : memref<3072xi32, #tpu.memory_space<vmem>>, vector<16xi32>,
        %get3A_280 = vector.shape_cast %get3A_279 : vector<16xi32> to vector<16xi32>
        %mul3A_281 = arith.constant 16 : i32
        %mul3A_282 = arith.muli %scan3A_273, %mul3A_281 : i32
        %add3A_283 = arith.constant 1024 : i32
        %add3A_284 = arith.addi %add3A_283, %mul3A_282 : i32
        %sub3A_285 = arith.constant 16 : i32
        %sub3A_286 = arith.subi %add3A_284, %sub3A_285 : i32
        %get3A_287 = arith.index_cast %sub3A_286 : i32 to index
        %get3A_288 = tpu.vector_load %arg6[%get3A_287] {strides = array<i32>} : memref<3072xi32, #tpu.memory_space<vmem>>, vector<16xi32>,
        %get3A_289 = vector.shape_cast %get3A_288 : vector<16xi32> to vector<16xi32>
        %add3A_290 = arith.addi %get3A_280, %get3A_289 : vector<16xi32>
        %mul3A_291 = arith.constant 16 : i32
        %mul3A_292 = arith.muli %scan3A_273, %mul3A_291 : i32
        %add3A_293 = arith.constant 1024 : i32
        %add3A_294 = arith.addi %add3A_293, %mul3A_292 : i32
        %swap3A_295 = arith.index_cast %add3A_294 : i32 to index
        %swap3A_296 = tpu.vector_load %arg7[%swap3A_295] {strides = array<i32>} : memref<3072xi32, #tpu.memory_space<vmem>>, vector<16xi32>,
        %swap3A_297 = vector.shape_cast %swap3A_296 : vector<16xi32> to vector<16xi32>
        %swap3A_298 = vector.shape_cast %add3A_290 : vector<16xi32> to vector<16xi32>
        tpu.vector_store %arg7[%swap3A_295], %swap3A_298 {strides = array<i32>} : memref<3072xi32, #tpu.memory_space<vmem>>, vector<16xi32>,
        %scan3A_299 = arith.constant 3 : i32
        %scan3A_300 = arith.addi %scan3A_222, %scan3A_299 : i32
        %mul3A_301 = arith.constant 16 : i32
        %mul3A_302 = arith.muli %scan3A_300, %mul3A_301 : i32
        %add3A_303 = arith.constant 1024 : i32
        %add3A_304 = arith.addi %add3A_303, %mul3A_302 : i32
        %get3A_305 = arith.index_cast %add3A_304 : i32 to index
        %get3A_306 = tpu.vector_load %arg6[%get3A_305] {strides = array<i32>} : memref<3072xi32, #tpu.memory_space<vmem>>, vector<16xi32>,
        %get3A_307 = vector.shape_cast %get3A_306 : vector<16xi32> to vector<16xi32>
        %mul3A_308 = arith.constant 16 : i32
        %mul3A_309 = arith.muli %scan3A_300, %mul3A_308 : i32
        %add3A_310 = arith.constant 1024 : i32
        %add3A_311 = arith.addi %add3A_310, %mul3A_309 : i32
        %sub3A_312 = arith.constant 16 : i32
        %sub3A_313 = arith.subi %add3A_311, %sub3A_312 : i32
        %get3A_314 = arith.index_cast %sub3A_313 : i32 to index
        %get3A_315 = tpu.vector_load %arg6[%get3A_314] {strides = array<i32>} : memref<3072xi32, #tpu.memory_space<vmem>>, vector<16xi32>,
        %get3A_316 = vector.shape_cast %get3A_315 : vector<16xi32> to vector<16xi32>
        %add3A_317 = arith.addi %get3A_307, %get3A_316 : vector<16xi32>
        %mul3A_318 = arith.constant 16 : i32
        %mul3A_319 = arith.muli %scan3A_300, %mul3A_318 : i32
        %add3A_320 = arith.constant 1024 : i32
        %add3A_321 = arith.addi %add3A_320, %mul3A_319 : i32
        %swap3A_322 = arith.index_cast %add3A_321 : i32 to index
        %swap3A_323 = tpu.vector_load %arg7[%swap3A_322] {strides = array<i32>} : memref<3072xi32, #tpu.memory_space<vmem>>, vector<16xi32>,
        %swap3A_324 = vector.shape_cast %swap3A_323 : vector<16xi32> to vector<16xi32>
        %swap3A_325 = vector.shape_cast %add3A_317 : vector<16xi32> to vector<16xi32>
        tpu.vector_store %arg7[%swap3A_322], %swap3A_325 {strides = array<i32>} : memref<3072xi32, #tpu.memory_space<vmem>>, vector<16xi32>,
      }
      %scan3A_61 = arith.constant 128 : i32
      %scan3A_62 = arith.constant 0 : i32
      %scan3A_63 = arith.constant 0 : i32
      %scan3A_64 = arith.constant 128 : i32
      %scan3A_65 = arith.addi %scan3A_63, %scan3A_64 : i32
      %scan3A_66 = arith.constant 4 : i32
      scf.for %scan3A_222 = %scan3A_63 to %scan3A_65 step %scan3A_66  : i32 {
        %mul3A_223 = arith.constant 16 : i32
        %mul3A_224 = arith.muli %scan3A_222, %mul3A_223 : i32
        %add3A_225 = arith.constant 1024 : i32
        %add3A_226 = arith.addi %add3A_225, %mul3A_224 : i32
        %get3A = arith.index_cast %add3A_226 : i32 to index
        %get3A_227 = tpu.vector_load %arg7[%get3A] {strides = array<i32>} : memref<3072xi32, #tpu.memory_space<vmem>>, vector<16xi32>,
        %get3A_228 = vector.shape_cast %get3A_227 : vector<16xi32> to vector<16xi32>
        %mul3A_229 = arith.constant 16 : i32
        %mul3A_230 = arith.muli %scan3A_222, %mul3A_229 : i32
        %add3A_231 = arith.constant 1024 : i32
        %add3A_232 = arith.addi %add3A_231, %mul3A_230 : i32
        %sub3A = arith.constant 32 : i32
        %sub3A_233 = arith.subi %add3A_232, %sub3A : i32
        %get3A_234 = arith.index_cast %sub3A_233 : i32 to index
        %get3A_235 = tpu.vector_load %arg7[%get3A_234] {strides = array<i32>} : memref<3072xi32, #tpu.memory_space<vmem>>, vector<16xi32>,
        %get3A_236 = vector.shape_cast %get3A_235 : vector<16xi32> to vector<16xi32>
        %add3A_237 = arith.addi %get3A_228, %get3A_236 : vector<16xi32>
        %mul3A_238 = arith.constant 16 : i32
        %mul3A_239 = arith.muli %scan3A_222, %mul3A_238 : i32
        %add3A_240 = arith.constant 1024 : i32
        %add3A_241 = arith.addi %add3A_240, %mul3A_239 : i32
        %swap3A = arith.index_cast %add3A_241 : i32 to index
        %swap3A_242 = tpu.vector_load %arg6[%swap3A] {strides = array<i32>} : memref<3072xi32, #tpu.memory_space<vmem>>, vector<16xi32>,
        %swap3A_243 = vector.shape_cast %swap3A_242 : vector<16xi32> to vector<16xi32>
        %swap3A_244 = vector.shape_cast %add3A_237 : vector<16xi32> to vector<16xi32>
        tpu.vector_store %arg6[%swap3A], %swap3A_244 {strides = array<i32>} : memref<3072xi32, #tpu.memory_space<vmem>>, vector<16xi32>,
        %scan3A_245 = arith.constant 1 : i32
        %scan3A_246 = arith.addi %scan3A_222, %scan3A_245 : i32
        %mul3A_247 = arith.constant 16 : i32
        %mul3A_248 = arith.muli %scan3A_246, %mul3A_247 : i32
        %add3A_249 = arith.constant 1024 : i32
        %add3A_250 = arith.addi %add3A_249, %mul3A_248 : i32
        %get3A_251 = arith.index_cast %add3A_250 : i32 to index
        %get3A_252 = tpu.vector_load %arg7[%get3A_251] {strides = array<i32>} : memref<3072xi32, #tpu.memory_space<vmem>>, vector<16xi32>,
        %get3A_253 = vector.shape_cast %get3A_252 : vector<16xi32> to vector<16xi32>
        %mul3A_254 = arith.constant 16 : i32
        %mul3A_255 = arith.muli %scan3A_246, %mul3A_254 : i32
        %add3A_256 = arith.constant 1024 : i32
        %add3A_257 = arith.addi %add3A_256, %mul3A_255 : i32
        %sub3A_258 = arith.constant 32 : i32
        %sub3A_259 = arith.subi %add3A_257, %sub3A_258 : i32
        %get3A_260 = arith.index_cast %sub3A_259 : i32 to index
        %get3A_261 = tpu.vector_load %arg7[%get3A_260] {strides = array<i32>} : memref<3072xi32, #tpu.memory_space<vmem>>, vector<16xi32>,
        %get3A_262 = vector.shape_cast %get3A_261 : vector<16xi32> to vector<16xi32>
        %add3A_263 = arith.addi %get3A_253, %get3A_262 : vector<16xi32>
        %mul3A_264 = arith.constant 16 : i32
        %mul3A_265 = arith.muli %scan3A_246, %mul3A_264 : i32
        %add3A_266 = arith.constant 1024 : i32
        %add3A_267 = arith.addi %add3A_266, %mul3A_265 : i32
        %swap3A_268 = arith.index_cast %add3A_267 : i32 to index
        %swap3A_269 = tpu.vector_load %arg6[%swap3A_268] {strides = array<i32>} : memref<3072xi32, #tpu.memory_space<vmem>>, vector<16xi32>,
        %swap3A_270 = vector.shape_cast %swap3A_269 : vector<16xi32> to vector<16xi32>
        %swap3A_271 = vector.shape_cast %add3A_263 : vector<16xi32> to vector<16xi32>
        tpu.vector_store %arg6[%swap3A_268], %swap3A_271 {strides = array<i32>} : memref<3072xi32, #tpu.memory_space<vmem>>, vector<16xi32>,
        %scan3A_272 = arith.constant 2 : i32
        %scan3A_273 = arith.addi %scan3A_222, %scan3A_272 : i32
        %mul3A_274 = arith.constant 16 : i32
        %mul3A_275 = arith.muli %scan3A_273, %mul3A_274 : i32
        %add3A_276 = arith.constant 1024 : i32
        %add3A_277 = arith.addi %add3A_276, %mul3A_275 : i32
        %get3A_278 = arith.index_cast %add3A_277 : i32 to index
        %get3A_279 = tpu.vector_load %arg7[%get3A_278] {strides = array<i32>} : memref<3072xi32, #tpu.memory_space<vmem>>, vector<16xi32>,
        %get3A_280 = vector.shape_cast %get3A_279 : vector<16xi32> to vector<16xi32>
        %mul3A_281 = arith.constant 16 : i32
        %mul3A_282 = arith.muli %scan3A_273, %mul3A_281 : i32
        %add3A_283 = arith.constant 1024 : i32
        %add3A_284 = arith.addi %add3A_283, %mul3A_282 : i32
        %sub3A_285 = arith.constant 32 : i32
        %sub3A_286 = arith.subi %add3A_284, %sub3A_285 : i32
        %get3A_287 = arith.index_cast %sub3A_286 : i32 to index
        %get3A_288 = tpu.vector_load %arg7[%get3A_287] {strides = array<i32>} : memref<3072xi32, #tpu.memory_space<vmem>>, vector<16xi32>,
        %get3A_289 = vector.shape_cast %get3A_288 : vector<16xi32> to vector<16xi32>
        %add3A_290 = arith.addi %get3A_280, %get3A_289 : vector<16xi32>
        %mul3A_291 = arith.constant 16 : i32
        %mul3A_292 = arith.muli %scan3A_273, %mul3A_291 : i32
        %add3A_293 = arith.constant 1024 : i32
        %add3A_294 = arith.addi %add3A_293, %mul3A_292 : i32
        %swap3A_295 = arith.index_cast %add3A_294 : i32 to index
        %swap3A_296 = tpu.vector_load %arg6[%swap3A_295] {strides = array<i32>} : memref<3072xi32, #tpu.memory_space<vmem>>, vector<16xi32>,
        %swap3A_297 = vector.shape_cast %swap3A_296 : vector<16xi32> to vector<16xi32>
        %swap3A_298 = vector.shape_cast %add3A_290 : vector<16xi32> to vector<16xi32>
        tpu.vector_store %arg6[%swap3A_295], %swap3A_298 {strides = array<i32>} : memref<3072xi32, #tpu.memory_space<vmem>>, vector<16xi32>,
        %scan3A_299 = arith.constant 3 : i32
        %scan3A_300 = arith.addi %scan3A_222, %scan3A_299 : i32
        %mul3A_301 = arith.constant 16 : i32
        %mul3A_302 = arith.muli %scan3A_300, %mul3A_301 : i32
        %add3A_303 = arith.constant 1024 : i32
        %add3A_304 = arith.addi %add3A_303, %mul3A_302 : i32
        %get3A_305 = arith.index_cast %add3A_304 : i32 to index
        %get3A_306 = tpu.vector_load %arg7[%get3A_305] {strides = array<i32>} : memref<3072xi32, #tpu.memory_space<vmem>>, vector<16xi32>,
        %get3A_307 = vector.shape_cast %get3A_306 : vector<16xi32> to vector<16xi32>
        %mul3A_308 = arith.constant 16 : i32
        %mul3A_309 = arith.muli %scan3A_300, %mul3A_308 : i32
        %add3A_310 = arith.constant 1024 : i32
        %add3A_311 = arith.addi %add3A_310, %mul3A_309 : i32
        %sub3A_312 = arith.constant 32 : i32
        %sub3A_313 = arith.subi %add3A_311, %sub3A_312 : i32
        %get3A_314 = arith.index_cast %sub3A_313 : i32 to index
        %get3A_315 = tpu.vector_load %arg7[%get3A_314] {strides = array<i32>} : memref<3072xi32, #tpu.memory_space<vmem>>, vector<16xi32>,
        %get3A_316 = vector.shape_cast %get3A_315 : vector<16xi32> to vector<16xi32>
        %add3A_317 = arith.addi %get3A_307, %get3A_316 : vector<16xi32>
        %mul3A_318 = arith.constant 16 : i32
        %mul3A_319 = arith.muli %scan3A_300, %mul3A_318 : i32
        %add3A_320 = arith.constant 1024 : i32
        %add3A_321 = arith.addi %add3A_320, %mul3A_319 : i32
        %swap3A_322 = arith.index_cast %add3A_321 : i32 to index
        %swap3A_323 = tpu.vector_load %arg6[%swap3A_322] {strides = array<i32>} : memref<3072xi32, #tpu.memory_space<vmem>>, vector<16xi32>,
        %swap3A_324 = vector.shape_cast %swap3A_323 : vector<16xi32> to vector<16xi32>
        %swap3A_325 = vector.shape_cast %add3A_317 : vector<16xi32> to vector<16xi32>
        tpu.vector_store %arg6[%swap3A_322], %swap3A_325 {strides = array<i32>} : memref<3072xi32, #tpu.memory_space<vmem>>, vector<16xi32>,
      }
      %scan3A_67 = arith.constant 128 : i32
      %scan3A_68 = arith.constant 0 : i32
      %scan3A_69 = arith.constant 0 : i32
      %scan3A_70 = arith.constant 128 : i32
      %scan3A_71 = arith.addi %scan3A_69, %scan3A_70 : i32
      %scan3A_72 = arith.constant 4 : i32
      scf.for %scan3A_222 = %scan3A_69 to %scan3A_71 step %scan3A_72  : i32 {
        %mul3A_223 = arith.constant 16 : i32
        %mul3A_224 = arith.muli %scan3A_222, %mul3A_223 : i32
        %add3A_225 = arith.constant 1024 : i32
        %add3A_226 = arith.addi %add3A_225, %mul3A_224 : i32
        %get3A = arith.index_cast %add3A_226 : i32 to index
        %get3A_227 = tpu.vector_load %arg6[%get3A] {strides = array<i32>} : memref<3072xi32, #tpu.memory_space<vmem>>, vector<16xi32>,
        %get3A_228 = vector.shape_cast %get3A_227 : vector<16xi32> to vector<16xi32>
        %mul3A_229 = arith.constant 16 : i32
        %mul3A_230 = arith.muli %scan3A_222, %mul3A_229 : i32
        %add3A_231 = arith.constant 1024 : i32
        %add3A_232 = arith.addi %add3A_231, %mul3A_230 : i32
        %sub3A = arith.constant 64 : i32
        %sub3A_233 = arith.subi %add3A_232, %sub3A : i32
        %get3A_234 = arith.index_cast %sub3A_233 : i32 to index
        %get3A_235 = tpu.vector_load %arg6[%get3A_234] {strides = array<i32>} : memref<3072xi32, #tpu.memory_space<vmem>>, vector<16xi32>,
        %get3A_236 = vector.shape_cast %get3A_235 : vector<16xi32> to vector<16xi32>
        %add3A_237 = arith.addi %get3A_228, %get3A_236 : vector<16xi32>
        %mul3A_238 = arith.constant 16 : i32
        %mul3A_239 = arith.muli %scan3A_222, %mul3A_238 : i32
        %add3A_240 = arith.constant 1024 : i32
        %add3A_241 = arith.addi %add3A_240, %mul3A_239 : i32
        %swap3A = arith.index_cast %add3A_241 : i32 to index
        %swap3A_242 = tpu.vector_load %arg7[%swap3A] {strides = array<i32>} : memref<3072xi32, #tpu.memory_space<vmem>>, vector<16xi32>,
        %swap3A_243 = vector.shape_cast %swap3A_242 : vector<16xi32> to vector<16xi32>
        %swap3A_244 = vector.shape_cast %add3A_237 : vector<16xi32> to vector<16xi32>
        tpu.vector_store %arg7[%swap3A], %swap3A_244 {strides = array<i32>} : memref<3072xi32, #tpu.memory_space<vmem>>, vector<16xi32>,
        %scan3A_245 = arith.constant 1 : i32
        %scan3A_246 = arith.addi %scan3A_222, %scan3A_245 : i32
        %mul3A_247 = arith.constant 16 : i32
        %mul3A_248 = arith.muli %scan3A_246, %mul3A_247 : i32
        %add3A_249 = arith.constant 1024 : i32
        %add3A_250 = arith.addi %add3A_249, %mul3A_248 : i32
        %get3A_251 = arith.index_cast %add3A_250 : i32 to index
        %get3A_252 = tpu.vector_load %arg6[%get3A_251] {strides = array<i32>} : memref<3072xi32, #tpu.memory_space<vmem>>, vector<16xi32>,
        %get3A_253 = vector.shape_cast %get3A_252 : vector<16xi32> to vector<16xi32>
        %mul3A_254 = arith.constant 16 : i32
        %mul3A_255 = arith.muli %scan3A_246, %mul3A_254 : i32
        %add3A_256 = arith.constant 1024 : i32
        %add3A_257 = arith.addi %add3A_256, %mul3A_255 : i32
        %sub3A_258 = arith.constant 64 : i32
        %sub3A_259 = arith.subi %add3A_257, %sub3A_258 : i32
        %get3A_260 = arith.index_cast %sub3A_259 : i32 to index
        %get3A_261 = tpu.vector_load %arg6[%get3A_260] {strides = array<i32>} : memref<3072xi32, #tpu.memory_space<vmem>>, vector<16xi32>,
        %get3A_262 = vector.shape_cast %get3A_261 : vector<16xi32> to vector<16xi32>
        %add3A_263 = arith.addi %get3A_253, %get3A_262 : vector<16xi32>
        %mul3A_264 = arith.constant 16 : i32
        %mul3A_265 = arith.muli %scan3A_246, %mul3A_264 : i32
        %add3A_266 = arith.constant 1024 : i32
        %add3A_267 = arith.addi %add3A_266, %mul3A_265 : i32
        %swap3A_268 = arith.index_cast %add3A_267 : i32 to index
        %swap3A_269 = tpu.vector_load %arg7[%swap3A_268] {strides = array<i32>} : memref<3072xi32, #tpu.memory_space<vmem>>, vector<16xi32>,
        %swap3A_270 = vector.shape_cast %swap3A_269 : vector<16xi32> to vector<16xi32>
        %swap3A_271 = vector.shape_cast %add3A_263 : vector<16xi32> to vector<16xi32>
        tpu.vector_store %arg7[%swap3A_268], %swap3A_271 {strides = array<i32>} : memref<3072xi32, #tpu.memory_space<vmem>>, vector<16xi32>,
        %scan3A_272 = arith.constant 2 : i32
        %scan3A_273 = arith.addi %scan3A_222, %scan3A_272 : i32
        %mul3A_274 = arith.constant 16 : i32
        %mul3A_275 = arith.muli %scan3A_273, %mul3A_274 : i32
        %add3A_276 = arith.constant 1024 : i32
        %add3A_277 = arith.addi %add3A_276, %mul3A_275 : i32
        %get3A_278 = arith.index_cast %add3A_277 : i32 to index
        %get3A_279 = tpu.vector_load %arg6[%get3A_278] {strides = array<i32>} : memref<3072xi32, #tpu.memory_space<vmem>>, vector<16xi32>,
        %get3A_280 = vector.shape_cast %get3A_279 : vector<16xi32> to vector<16xi32>
        %mul3A_281 = arith.constant 16 : i32
        %mul3A_282 = arith.muli %scan3A_273, %mul3A_281 : i32
        %add3A_283 = arith.constant 1024 : i32
        %add3A_284 = arith.addi %add3A_283, %mul3A_282 : i32
        %sub3A_285 = arith.constant 64 : i32
        %sub3A_286 = arith.subi %add3A_284, %sub3A_285 : i32
        %get3A_287 = arith.index_cast %sub3A_286 : i32 to index
        %get3A_288 = tpu.vector_load %arg6[%get3A_287] {strides = array<i32>} : memref<3072xi32, #tpu.memory_space<vmem>>, vector<16xi32>,
        %get3A_289 = vector.shape_cast %get3A_288 : vector<16xi32> to vector<16xi32>
        %add3A_290 = arith.addi %get3A_280, %get3A_289 : vector<16xi32>
        %mul3A_291 = arith.constant 16 : i32
        %mul3A_292 = arith.muli %scan3A_273, %mul3A_291 : i32
        %add3A_293 = arith.constant 1024 : i32
        %add3A_294 = arith.addi %add3A_293, %mul3A_292 : i32
        %swap3A_295 = arith.index_cast %add3A_294 : i32 to index
        %swap3A_296 = tpu.vector_load %arg7[%swap3A_295] {strides = array<i32>} : memref<3072xi32, #tpu.memory_space<vmem>>, vector<16xi32>,
        %swap3A_297 = vector.shape_cast %swap3A_296 : vector<16xi32> to vector<16xi32>
        %swap3A_298 = vector.shape_cast %add3A_290 : vector<16xi32> to vector<16xi32>
        tpu.vector_store %arg7[%swap3A_295], %swap3A_298 {strides = array<i32>} : memref<3072xi32, #tpu.memory_space<vmem>>, vector<16xi32>,
        %scan3A_299 = arith.constant 3 : i32
        %scan3A_300 = arith.addi %scan3A_222, %scan3A_299 : i32
        %mul3A_301 = arith.constant 16 : i32
        %mul3A_302 = arith.muli %scan3A_300, %mul3A_301 : i32
        %add3A_303 = arith.constant 1024 : i32
        %add3A_304 = arith.addi %add3A_303, %mul3A_302 : i32
        %get3A_305 = arith.index_cast %add3A_304 : i32 to index
        %get3A_306 = tpu.vector_load %arg6[%get3A_305] {strides = array<i32>} : memref<3072xi32, #tpu.memory_space<vmem>>, vector<16xi32>,
        %get3A_307 = vector.shape_cast %get3A_306 : vector<16xi32> to vector<16xi32>
        %mul3A_308 = arith.constant 16 : i32
        %mul3A_309 = arith.muli %scan3A_300, %mul3A_308 : i32
        %add3A_310 = arith.constant 1024 : i32
        %add3A_311 = arith.addi %add3A_310, %mul3A_309 : i32
        %sub3A_312 = arith.constant 64 : i32
        %sub3A_313 = arith.subi %add3A_311, %sub3A_312 : i32
        %get3A_314 = arith.index_cast %sub3A_313 : i32 to index
        %get3A_315 = tpu.vector_load %arg6[%get3A_314] {strides = array<i32>} : memref<3072xi32, #tpu.memory_space<vmem>>, vector<16xi32>,
        %get3A_316 = vector.shape_cast %get3A_315 : vector<16xi32> to vector<16xi32>
        %add3A_317 = arith.addi %get3A_307, %get3A_316 : vector<16xi32>
        %mul3A_318 = arith.constant 16 : i32
        %mul3A_319 = arith.muli %scan3A_300, %mul3A_318 : i32
        %add3A_320 = arith.constant 1024 : i32
        %add3A_321 = arith.addi %add3A_320, %mul3A_319 : i32
        %swap3A_322 = arith.index_cast %add3A_321 : i32 to index
        %swap3A_323 = tpu.vector_load %arg7[%swap3A_322] {strides = array<i32>} : memref<3072xi32, #tpu.memory_space<vmem>>, vector<16xi32>,
        %swap3A_324 = vector.shape_cast %swap3A_323 : vector<16xi32> to vector<16xi32>
        %swap3A_325 = vector.shape_cast %add3A_317 : vector<16xi32> to vector<16xi32>
        tpu.vector_store %arg7[%swap3A_322], %swap3A_325 {strides = array<i32>} : memref<3072xi32, #tpu.memory_space<vmem>>, vector<16xi32>,
      }
      %scan3A_73 = arith.constant 128 : i32
      %scan3A_74 = arith.constant 0 : i32
      %scan3A_75 = arith.constant 0 : i32
      %scan3A_76 = arith.constant 128 : i32
      %scan3A_77 = arith.addi %scan3A_75, %scan3A_76 : i32
      %scan3A_78 = arith.constant 4 : i32
      scf.for %scan3A_222 = %scan3A_75 to %scan3A_77 step %scan3A_78  : i32 {
        %mul3A_223 = arith.constant 16 : i32
        %mul3A_224 = arith.muli %scan3A_222, %mul3A_223 : i32
        %add3A_225 = arith.constant 1024 : i32
        %add3A_226 = arith.addi %add3A_225, %mul3A_224 : i32
        %get3A = arith.index_cast %add3A_226 : i32 to index
        %get3A_227 = tpu.vector_load %arg7[%get3A] {strides = array<i32>} : memref<3072xi32, #tpu.memory_space<vmem>>, vector<16xi32>,
        %get3A_228 = vector.shape_cast %get3A_227 : vector<16xi32> to vector<16xi32>
        %mul3A_229 = arith.constant 16 : i32
        %mul3A_230 = arith.muli %scan3A_222, %mul3A_229 : i32
        %add3A_231 = arith.constant 1024 : i32
        %add3A_232 = arith.addi %add3A_231, %mul3A_230 : i32
        %sub3A = arith.constant 128 : i32
        %sub3A_233 = arith.subi %add3A_232, %sub3A : i32
        %get3A_234 = arith.index_cast %sub3A_233 : i32 to index
        %get3A_235 = tpu.vector_load %arg7[%get3A_234] {strides = array<i32>} : memref<3072xi32, #tpu.memory_space<vmem>>, vector<16xi32>,
        %get3A_236 = vector.shape_cast %get3A_235 : vector<16xi32> to vector<16xi32>
        %add3A_237 = arith.addi %get3A_228, %get3A_236 : vector<16xi32>
        %mul3A_238 = arith.constant 16 : i32
        %mul3A_239 = arith.muli %scan3A_222, %mul3A_238 : i32
        %add3A_240 = arith.constant 1024 : i32
        %add3A_241 = arith.addi %add3A_240, %mul3A_239 : i32
        %swap3A = arith.index_cast %add3A_241 : i32 to index
        %swap3A_242 = tpu.vector_load %arg6[%swap3A] {strides = array<i32>} : memref<3072xi32, #tpu.memory_space<vmem>>, vector<16xi32>,
        %swap3A_243 = vector.shape_cast %swap3A_242 : vector<16xi32> to vector<16xi32>
        %swap3A_244 = vector.shape_cast %add3A_237 : vector<16xi32> to vector<16xi32>
        tpu.vector_store %arg6[%swap3A], %swap3A_244 {strides = array<i32>} : memref<3072xi32, #tpu.memory_space<vmem>>, vector<16xi32>,
        %scan3A_245 = arith.constant 1 : i32
        %scan3A_246 = arith.addi %scan3A_222, %scan3A_245 : i32
        %mul3A_247 = arith.constant 16 : i32
        %mul3A_248 = arith.muli %scan3A_246, %mul3A_247 : i32
        %add3A_249 = arith.constant 1024 : i32
        %add3A_250 = arith.addi %add3A_249, %mul3A_248 : i32
        %get3A_251 = arith.index_cast %add3A_250 : i32 to index
        %get3A_252 = tpu.vector_load %arg7[%get3A_251] {strides = array<i32>} : memref<3072xi32, #tpu.memory_space<vmem>>, vector<16xi32>,
        %get3A_253 = vector.shape_cast %get3A_252 : vector<16xi32> to vector<16xi32>
        %mul3A_254 = arith.constant 16 : i32
        %mul3A_255 = arith.muli %scan3A_246, %mul3A_254 : i32
        %add3A_256 = arith.constant 1024 : i32
        %add3A_257 = arith.addi %add3A_256, %mul3A_255 : i32
        %sub3A_258 = arith.constant 128 : i32
        %sub3A_259 = arith.subi %add3A_257, %sub3A_258 : i32
        %get3A_260 = arith.index_cast %sub3A_259 : i32 to index
        %get3A_261 = tpu.vector_load %arg7[%get3A_260] {strides = array<i32>} : memref<3072xi32, #tpu.memory_space<vmem>>, vector<16xi32>,
        %get3A_262 = vector.shape_cast %get3A_261 : vector<16xi32> to vector<16xi32>
        %add3A_263 = arith.addi %get3A_253, %get3A_262 : vector<16xi32>
        %mul3A_264 = arith.constant 16 : i32
        %mul3A_265 = arith.muli %scan3A_246, %mul3A_264 : i32
        %add3A_266 = arith.constant 1024 : i32
        %add3A_267 = arith.addi %add3A_266, %mul3A_265 : i32
        %swap3A_268 = arith.index_cast %add3A_267 : i32 to index
        %swap3A_269 = tpu.vector_load %arg6[%swap3A_268] {strides = array<i32>} : memref<3072xi32, #tpu.memory_space<vmem>>, vector<16xi32>,
        %swap3A_270 = vector.shape_cast %swap3A_269 : vector<16xi32> to vector<16xi32>
        %swap3A_271 = vector.shape_cast %add3A_263 : vector<16xi32> to vector<16xi32>
        tpu.vector_store %arg6[%swap3A_268], %swap3A_271 {strides = array<i32>} : memref<3072xi32, #tpu.memory_space<vmem>>, vector<16xi32>,
        %scan3A_272 = arith.constant 2 : i32
        %scan3A_273 = arith.addi %scan3A_222, %scan3A_272 : i32
        %mul3A_274 = arith.constant 16 : i32
        %mul3A_275 = arith.muli %scan3A_273, %mul3A_274 : i32
        %add3A_276 = arith.constant 1024 : i32
        %add3A_277 = arith.addi %add3A_276, %mul3A_275 : i32
        %get3A_278 = arith.index_cast %add3A_277 : i32 to index
        %get3A_279 = tpu.vector_load %arg7[%get3A_278] {strides = array<i32>} : memref<3072xi32, #tpu.memory_space<vmem>>, vector<16xi32>,
        %get3A_280 = vector.shape_cast %get3A_279 : vector<16xi32> to vector<16xi32>
        %mul3A_281 = arith.constant 16 : i32
        %mul3A_282 = arith.muli %scan3A_273, %mul3A_281 : i32
        %add3A_283 = arith.constant 1024 : i32
        %add3A_284 = arith.addi %add3A_283, %mul3A_282 : i32
        %sub3A_285 = arith.constant 128 : i32
        %sub3A_286 = arith.subi %add3A_284, %sub3A_285 : i32
        %get3A_287 = arith.index_cast %sub3A_286 : i32 to index
        %get3A_288 = tpu.vector_load %arg7[%get3A_287] {strides = array<i32>} : memref<3072xi32, #tpu.memory_space<vmem>>, vector<16xi32>,
        %get3A_289 = vector.shape_cast %get3A_288 : vector<16xi32> to vector<16xi32>
        %add3A_290 = arith.addi %get3A_280, %get3A_289 : vector<16xi32>
        %mul3A_291 = arith.constant 16 : i32
        %mul3A_292 = arith.muli %scan3A_273, %mul3A_291 : i32
        %add3A_293 = arith.constant 1024 : i32
        %add3A_294 = arith.addi %add3A_293, %mul3A_292 : i32
        %swap3A_295 = arith.index_cast %add3A_294 : i32 to index
        %swap3A_296 = tpu.vector_load %arg6[%swap3A_295] {strides = array<i32>} : memref<3072xi32, #tpu.memory_space<vmem>>, vector<16xi32>,
        %swap3A_297 = vector.shape_cast %swap3A_296 : vector<16xi32> to vector<16xi32>
        %swap3A_298 = vector.shape_cast %add3A_290 : vector<16xi32> to vector<16xi32>
        tpu.vector_store %arg6[%swap3A_295], %swap3A_298 {strides = array<i32>} : memref<3072xi32, #tpu.memory_space<vmem>>, vector<16xi32>,
        %scan3A_299 = arith.constant 3 : i32
        %scan3A_300 = arith.addi %scan3A_222, %scan3A_299 : i32
        %mul3A_301 = arith.constant 16 : i32
        %mul3A_302 = arith.muli %scan3A_300, %mul3A_301 : i32
        %add3A_303 = arith.constant 1024 : i32
        %add3A_304 = arith.addi %add3A_303, %mul3A_302 : i32
        %get3A_305 = arith.index_cast %add3A_304 : i32 to index
        %get3A_306 = tpu.vector_load %arg7[%get3A_305] {strides = array<i32>} : memref<3072xi32, #tpu.memory_space<vmem>>, vector<16xi32>,
        %get3A_307 = vector.shape_cast %get3A_306 : vector<16xi32> to vector<16xi32>
        %mul3A_308 = arith.constant 16 : i32
        %mul3A_309 = arith.muli %scan3A_300, %mul3A_308 : i32
        %add3A_310 = arith.constant 1024 : i32
        %add3A_311 = arith.addi %add3A_310, %mul3A_309 : i32
        %sub3A_312 = arith.constant 128 : i32
        %sub3A_313 = arith.subi %add3A_311, %sub3A_312 : i32
        %get3A_314 = arith.index_cast %sub3A_313 : i32 to index
        %get3A_315 = tpu.vector_load %arg7[%get3A_314] {strides = array<i32>} : memref<3072xi32, #tpu.memory_space<vmem>>, vector<16xi32>,
        %get3A_316 = vector.shape_cast %get3A_315 : vector<16xi32> to vector<16xi32>
        %add3A_317 = arith.addi %get3A_307, %get3A_316 : vector<16xi32>
        %mul3A_318 = arith.constant 16 : i32
        %mul3A_319 = arith.muli %scan3A_300, %mul3A_318 : i32
        %add3A_320 = arith.constant 1024 : i32
        %add3A_321 = arith.addi %add3A_320, %mul3A_319 : i32
        %swap3A_322 = arith.index_cast %add3A_321 : i32 to index
        %swap3A_323 = tpu.vector_load %arg6[%swap3A_322] {strides = array<i32>} : memref<3072xi32, #tpu.memory_space<vmem>>, vector<16xi32>,
        %swap3A_324 = vector.shape_cast %swap3A_323 : vector<16xi32> to vector<16xi32>
        %swap3A_325 = vector.shape_cast %add3A_317 : vector<16xi32> to vector<16xi32>
        tpu.vector_store %arg6[%swap3A_322], %swap3A_325 {strides = array<i32>} : memref<3072xi32, #tpu.memory_space<vmem>>, vector<16xi32>,
      }
      %scan3A_79 = arith.constant 128 : i32
      %scan3A_80 = arith.constant 0 : i32
      %scan3A_81 = arith.constant 0 : i32
      %scan3A_82 = arith.constant 128 : i32
      %scan3A_83 = arith.addi %scan3A_81, %scan3A_82 : i32
      %scan3A_84 = arith.constant 4 : i32
      scf.for %scan3A_222 = %scan3A_81 to %scan3A_83 step %scan3A_84  : i32 {
        %mul3A_223 = arith.constant 16 : i32
        %mul3A_224 = arith.muli %scan3A_222, %mul3A_223 : i32
        %add3A_225 = arith.constant 1024 : i32
        %add3A_226 = arith.addi %add3A_225, %mul3A_224 : i32
        %get3A = arith.index_cast %add3A_226 : i32 to index
        %get3A_227 = tpu.vector_load %arg6[%get3A] {strides = array<i32>} : memref<3072xi32, #tpu.memory_space<vmem>>, vector<16xi32>,
        %get3A_228 = vector.shape_cast %get3A_227 : vector<16xi32> to vector<16xi32>
        %mul3A_229 = arith.constant 16 : i32
        %mul3A_230 = arith.muli %scan3A_222, %mul3A_229 : i32
        %add3A_231 = arith.constant 1024 : i32
        %add3A_232 = arith.addi %add3A_231, %mul3A_230 : i32
        %sub3A = arith.constant 256 : i32
        %sub3A_233 = arith.subi %add3A_232, %sub3A : i32
        %get3A_234 = arith.index_cast %sub3A_233 : i32 to index
        %get3A_235 = tpu.vector_load %arg6[%get3A_234] {strides = array<i32>} : memref<3072xi32, #tpu.memory_space<vmem>>, vector<16xi32>,
        %get3A_236 = vector.shape_cast %get3A_235 : vector<16xi32> to vector<16xi32>
        %add3A_237 = arith.addi %get3A_228, %get3A_236 : vector<16xi32>
        %mul3A_238 = arith.constant 16 : i32
        %mul3A_239 = arith.muli %scan3A_222, %mul3A_238 : i32
        %add3A_240 = arith.constant 1024 : i32
        %add3A_241 = arith.addi %add3A_240, %mul3A_239 : i32
        %swap3A = arith.index_cast %add3A_241 : i32 to index
        %swap3A_242 = tpu.vector_load %arg7[%swap3A] {strides = array<i32>} : memref<3072xi32, #tpu.memory_space<vmem>>, vector<16xi32>,
        %swap3A_243 = vector.shape_cast %swap3A_242 : vector<16xi32> to vector<16xi32>
        %swap3A_244 = vector.shape_cast %add3A_237 : vector<16xi32> to vector<16xi32>
        tpu.vector_store %arg7[%swap3A], %swap3A_244 {strides = array<i32>} : memref<3072xi32, #tpu.memory_space<vmem>>, vector<16xi32>,
        %scan3A_245 = arith.constant 1 : i32
        %scan3A_246 = arith.addi %scan3A_222, %scan3A_245 : i32
        %mul3A_247 = arith.constant 16 : i32
        %mul3A_248 = arith.muli %scan3A_246, %mul3A_247 : i32
        %add3A_249 = arith.constant 1024 : i32
        %add3A_250 = arith.addi %add3A_249, %mul3A_248 : i32
        %get3A_251 = arith.index_cast %add3A_250 : i32 to index
        %get3A_252 = tpu.vector_load %arg6[%get3A_251] {strides = array<i32>} : memref<3072xi32, #tpu.memory_space<vmem>>, vector<16xi32>,
        %get3A_253 = vector.shape_cast %get3A_252 : vector<16xi32> to vector<16xi32>
        %mul3A_254 = arith.constant 16 : i32
        %mul3A_255 = arith.muli %scan3A_246, %mul3A_254 : i32
        %add3A_256 = arith.constant 1024 : i32
        %add3A_257 = arith.addi %add3A_256, %mul3A_255 : i32
        %sub3A_258 = arith.constant 256 : i32
        %sub3A_259 = arith.subi %add3A_257, %sub3A_258 : i32
        %get3A_260 = arith.index_cast %sub3A_259 : i32 to index
        %get3A_261 = tpu.vector_load %arg6[%get3A_260] {strides = array<i32>} : memref<3072xi32, #tpu.memory_space<vmem>>, vector<16xi32>,
        %get3A_262 = vector.shape_cast %get3A_261 : vector<16xi32> to vector<16xi32>
        %add3A_263 = arith.addi %get3A_253, %get3A_262 : vector<16xi32>
        %mul3A_264 = arith.constant 16 : i32
        %mul3A_265 = arith.muli %scan3A_246, %mul3A_264 : i32
        %add3A_266 = arith.constant 1024 : i32
        %add3A_267 = arith.addi %add3A_266, %mul3A_265 : i32
        %swap3A_268 = arith.index_cast %add3A_267 : i32 to index
        %swap3A_269 = tpu.vector_load %arg7[%swap3A_268] {strides = array<i32>} : memref<3072xi32, #tpu.memory_space<vmem>>, vector<16xi32>,
        %swap3A_270 = vector.shape_cast %swap3A_269 : vector<16xi32> to vector<16xi32>
        %swap3A_271 = vector.shape_cast %add3A_263 : vector<16xi32> to vector<16xi32>
        tpu.vector_store %arg7[%swap3A_268], %swap3A_271 {strides = array<i32>} : memref<3072xi32, #tpu.memory_space<vmem>>, vector<16xi32>,
        %scan3A_272 = arith.constant 2 : i32
        %scan3A_273 = arith.addi %scan3A_222, %scan3A_272 : i32
        %mul3A_274 = arith.constant 16 : i32
        %mul3A_275 = arith.muli %scan3A_273, %mul3A_274 : i32
        %add3A_276 = arith.constant 1024 : i32
        %add3A_277 = arith.addi %add3A_276, %mul3A_275 : i32
        %get3A_278 = arith.index_cast %add3A_277 : i32 to index
        %get3A_279 = tpu.vector_load %arg6[%get3A_278] {strides = array<i32>} : memref<3072xi32, #tpu.memory_space<vmem>>, vector<16xi32>,
        %get3A_280 = vector.shape_cast %get3A_279 : vector<16xi32> to vector<16xi32>
        %mul3A_281 = arith.constant 16 : i32
        %mul3A_282 = arith.muli %scan3A_273, %mul3A_281 : i32
        %add3A_283 = arith.constant 1024 : i32
        %add3A_284 = arith.addi %add3A_283, %mul3A_282 : i32
        %sub3A_285 = arith.constant 256 : i32
        %sub3A_286 = arith.subi %add3A_284, %sub3A_285 : i32
        %get3A_287 = arith.index_cast %sub3A_286 : i32 to index
        %get3A_288 = tpu.vector_load %arg6[%get3A_287] {strides = array<i32>} : memref<3072xi32, #tpu.memory_space<vmem>>, vector<16xi32>,
        %get3A_289 = vector.shape_cast %get3A_288 : vector<16xi32> to vector<16xi32>
        %add3A_290 = arith.addi %get3A_280, %get3A_289 : vector<16xi32>
        %mul3A_291 = arith.constant 16 : i32
        %mul3A_292 = arith.muli %scan3A_273, %mul3A_291 : i32
        %add3A_293 = arith.constant 1024 : i32
        %add3A_294 = arith.addi %add3A_293, %mul3A_292 : i32
        %swap3A_295 = arith.index_cast %add3A_294 : i32 to index
        %swap3A_296 = tpu.vector_load %arg7[%swap3A_295] {strides = array<i32>} : memref<3072xi32, #tpu.memory_space<vmem>>, vector<16xi32>,
        %swap3A_297 = vector.shape_cast %swap3A_296 : vector<16xi32> to vector<16xi32>
        %swap3A_298 = vector.shape_cast %add3A_290 : vector<16xi32> to vector<16xi32>
        tpu.vector_store %arg7[%swap3A_295], %swap3A_298 {strides = array<i32>} : memref<3072xi32, #tpu.memory_space<vmem>>, vector<16xi32>,
        %scan3A_299 = arith.constant 3 : i32
        %scan3A_300 = arith.addi %scan3A_222, %scan3A_299 : i32
        %mul3A_301 = arith.constant 16 : i32
        %mul3A_302 = arith.muli %scan3A_300, %mul3A_301 : i32
        %add3A_303 = arith.constant 1024 : i32
        %add3A_304 = arith.addi %add3A_303, %mul3A_302 : i32
        %get3A_305 = arith.index_cast %add3A_304 : i32 to index
        %get3A_306 = tpu.vector_load %arg6[%get3A_305] {strides = array<i32>} : memref<3072xi32, #tpu.memory_space<vmem>>, vector<16xi32>,
        %get3A_307 = vector.shape_cast %get3A_306 : vector<16xi32> to vector<16xi32>
        %mul3A_308 = arith.constant 16 : i32
        %mul3A_309 = arith.muli %scan3A_300, %mul3A_308 : i32
        %add3A_310 = arith.constant 1024 : i32
        %add3A_311 = arith.addi %add3A_310, %mul3A_309 : i32
        %sub3A_312 = arith.constant 256 : i32
        %sub3A_313 = arith.subi %add3A_311, %sub3A_312 : i32
        %get3A_314 = arith.index_cast %sub3A_313 : i32 to index
        %get3A_315 = tpu.vector_load %arg6[%get3A_314] {strides = array<i32>} : memref<3072xi32, #tpu.memory_space<vmem>>, vector<16xi32>,
        %get3A_316 = vector.shape_cast %get3A_315 : vector<16xi32> to vector<16xi32>
        %add3A_317 = arith.addi %get3A_307, %get3A_316 : vector<16xi32>
        %mul3A_318 = arith.constant 16 : i32
        %mul3A_319 = arith.muli %scan3A_300, %mul3A_318 : i32
        %add3A_320 = arith.constant 1024 : i32
        %add3A_321 = arith.addi %add3A_320, %mul3A_319 : i32
        %swap3A_322 = arith.index_cast %add3A_321 : i32 to index
        %swap3A_323 = tpu.vector_load %arg7[%swap3A_322] {strides = array<i32>} : memref<3072xi32, #tpu.memory_space<vmem>>, vector<16xi32>,
        %swap3A_324 = vector.shape_cast %swap3A_323 : vector<16xi32> to vector<16xi32>
        %swap3A_325 = vector.shape_cast %add3A_317 : vector<16xi32> to vector<16xi32>
        tpu.vector_store %arg7[%swap3A_322], %swap3A_325 {strides = array<i32>} : memref<3072xi32, #tpu.memory_space<vmem>>, vector<16xi32>,
      }
      %scan3A_85 = arith.constant 128 : i32
      %scan3A_86 = arith.constant 0 : i32
      %scan3A_87 = arith.constant 0 : i32
      %scan3A_88 = arith.constant 128 : i32
      %scan3A_89 = arith.addi %scan3A_87, %scan3A_88 : i32
      %scan3A_90 = arith.constant 4 : i32
      scf.for %scan3A_222 = %scan3A_87 to %scan3A_89 step %scan3A_90  : i32 {
        %mul3A_223 = arith.constant 16 : i32
        %mul3A_224 = arith.muli %scan3A_222, %mul3A_223 : i32
        %add3A_225 = arith.constant 1024 : i32
        %add3A_226 = arith.addi %add3A_225, %mul3A_224 : i32
        %get3A = arith.index_cast %add3A_226 : i32 to index
        %get3A_227 = tpu.vector_load %arg7[%get3A] {strides = array<i32>} : memref<3072xi32, #tpu.memory_space<vmem>>, vector<16xi32>,
        %get3A_228 = vector.shape_cast %get3A_227 : vector<16xi32> to vector<16xi32>
        %mul3A_229 = arith.constant 16 : i32
        %mul3A_230 = arith.muli %scan3A_222, %mul3A_229 : i32
        %add3A_231 = arith.constant 1024 : i32
        %add3A_232 = arith.addi %add3A_231, %mul3A_230 : i32
        %sub3A = arith.constant 512 : i32
        %sub3A_233 = arith.subi %add3A_232, %sub3A : i32
        %get3A_234 = arith.index_cast %sub3A_233 : i32 to index
        %get3A_235 = tpu.vector_load %arg7[%get3A_234] {strides = array<i32>} : memref<3072xi32, #tpu.memory_space<vmem>>, vector<16xi32>,
        %get3A_236 = vector.shape_cast %get3A_235 : vector<16xi32> to vector<16xi32>
        %add3A_237 = arith.addi %get3A_228, %get3A_236 : vector<16xi32>
        %mul3A_238 = arith.constant 16 : i32
        %mul3A_239 = arith.muli %scan3A_222, %mul3A_238 : i32
        %add3A_240 = arith.constant 1024 : i32
        %add3A_241 = arith.addi %add3A_240, %mul3A_239 : i32
        %swap3A = arith.index_cast %add3A_241 : i32 to index
        %swap3A_242 = tpu.vector_load %arg6[%swap3A] {strides = array<i32>} : memref<3072xi32, #tpu.memory_space<vmem>>, vector<16xi32>,
        %swap3A_243 = vector.shape_cast %swap3A_242 : vector<16xi32> to vector<16xi32>
        %swap3A_244 = vector.shape_cast %add3A_237 : vector<16xi32> to vector<16xi32>
        tpu.vector_store %arg6[%swap3A], %swap3A_244 {strides = array<i32>} : memref<3072xi32, #tpu.memory_space<vmem>>, vector<16xi32>,
        %scan3A_245 = arith.constant 1 : i32
        %scan3A_246 = arith.addi %scan3A_222, %scan3A_245 : i32
        %mul3A_247 = arith.constant 16 : i32
        %mul3A_248 = arith.muli %scan3A_246, %mul3A_247 : i32
        %add3A_249 = arith.constant 1024 : i32
        %add3A_250 = arith.addi %add3A_249, %mul3A_248 : i32
        %get3A_251 = arith.index_cast %add3A_250 : i32 to index
        %get3A_252 = tpu.vector_load %arg7[%get3A_251] {strides = array<i32>} : memref<3072xi32, #tpu.memory_space<vmem>>, vector<16xi32>,
        %get3A_253 = vector.shape_cast %get3A_252 : vector<16xi32> to vector<16xi32>
        %mul3A_254 = arith.constant 16 : i32
        %mul3A_255 = arith.muli %scan3A_246, %mul3A_254 : i32
        %add3A_256 = arith.constant 1024 : i32
        %add3A_257 = arith.addi %add3A_256, %mul3A_255 : i32
        %sub3A_258 = arith.constant 512 : i32
        %sub3A_259 = arith.subi %add3A_257, %sub3A_258 : i32
        %get3A_260 = arith.index_cast %sub3A_259 : i32 to index
        %get3A_261 = tpu.vector_load %arg7[%get3A_260] {strides = array<i32>} : memref<3072xi32, #tpu.memory_space<vmem>>, vector<16xi32>,
        %get3A_262 = vector.shape_cast %get3A_261 : vector<16xi32> to vector<16xi32>
        %add3A_263 = arith.addi %get3A_253, %get3A_262 : vector<16xi32>
        %mul3A_264 = arith.constant 16 : i32
        %mul3A_265 = arith.muli %scan3A_246, %mul3A_264 : i32
        %add3A_266 = arith.constant 1024 : i32
        %add3A_267 = arith.addi %add3A_266, %mul3A_265 : i32
        %swap3A_268 = arith.index_cast %add3A_267 : i32 to index
        %swap3A_269 = tpu.vector_load %arg6[%swap3A_268] {strides = array<i32>} : memref<3072xi32, #tpu.memory_space<vmem>>, vector<16xi32>,
        %swap3A_270 = vector.shape_cast %swap3A_269 : vector<16xi32> to vector<16xi32>
        %swap3A_271 = vector.shape_cast %add3A_263 : vector<16xi32> to vector<16xi32>
        tpu.vector_store %arg6[%swap3A_268], %swap3A_271 {strides = array<i32>} : memref<3072xi32, #tpu.memory_space<vmem>>, vector<16xi32>,
        %scan3A_272 = arith.constant 2 : i32
        %scan3A_273 = arith.addi %scan3A_222, %scan3A_272 : i32
        %mul3A_274 = arith.constant 16 : i32
        %mul3A_275 = arith.muli %scan3A_273, %mul3A_274 : i32
        %add3A_276 = arith.constant 1024 : i32
        %add3A_277 = arith.addi %add3A_276, %mul3A_275 : i32
        %get3A_278 = arith.index_cast %add3A_277 : i32 to index
        %get3A_279 = tpu.vector_load %arg7[%get3A_278] {strides = array<i32>} : memref<3072xi32, #tpu.memory_space<vmem>>, vector<16xi32>,
        %get3A_280 = vector.shape_cast %get3A_279 : vector<16xi32> to vector<16xi32>
        %mul3A_281 = arith.constant 16 : i32
        %mul3A_282 = arith.muli %scan3A_273, %mul3A_281 : i32
        %add3A_283 = arith.constant 1024 : i32
        %add3A_284 = arith.addi %add3A_283, %mul3A_282 : i32
        %sub3A_285 = arith.constant 512 : i32
        %sub3A_286 = arith.subi %add3A_284, %sub3A_285 : i32
        %get3A_287 = arith.index_cast %sub3A_286 : i32 to index
        %get3A_288 = tpu.vector_load %arg7[%get3A_287] {strides = array<i32>} : memref<3072xi32, #tpu.memory_space<vmem>>, vector<16xi32>,
        %get3A_289 = vector.shape_cast %get3A_288 : vector<16xi32> to vector<16xi32>
        %add3A_290 = arith.addi %get3A_280, %get3A_289 : vector<16xi32>
        %mul3A_291 = arith.constant 16 : i32
        %mul3A_292 = arith.muli %scan3A_273, %mul3A_291 : i32
        %add3A_293 = arith.constant 1024 : i32
        %add3A_294 = arith.addi %add3A_293, %mul3A_292 : i32
        %swap3A_295 = arith.index_cast %add3A_294 : i32 to index
        %swap3A_296 = tpu.vector_load %arg6[%swap3A_295] {strides = array<i32>} : memref<3072xi32, #tpu.memory_space<vmem>>, vector<16xi32>,
        %swap3A_297 = vector.shape_cast %swap3A_296 : vector<16xi32> to vector<16xi32>
        %swap3A_298 = vector.shape_cast %add3A_290 : vector<16xi32> to vector<16xi32>
        tpu.vector_store %arg6[%swap3A_295], %swap3A_298 {strides = array<i32>} : memref<3072xi32, #tpu.memory_space<vmem>>, vector<16xi32>,
        %scan3A_299 = arith.constant 3 : i32
        %scan3A_300 = arith.addi %scan3A_222, %scan3A_299 : i32
        %mul3A_301 = arith.constant 16 : i32
        %mul3A_302 = arith.muli %scan3A_300, %mul3A_301 : i32
        %add3A_303 = arith.constant 1024 : i32
        %add3A_304 = arith.addi %add3A_303, %mul3A_302 : i32
        %get3A_305 = arith.index_cast %add3A_304 : i32 to index
        %get3A_306 = tpu.vector_load %arg7[%get3A_305] {strides = array<i32>} : memref<3072xi32, #tpu.memory_space<vmem>>, vector<16xi32>,
        %get3A_307 = vector.shape_cast %get3A_306 : vector<16xi32> to vector<16xi32>
        %mul3A_308 = arith.constant 16 : i32
        %mul3A_309 = arith.muli %scan3A_300, %mul3A_308 : i32
        %add3A_310 = arith.constant 1024 : i32
        %add3A_311 = arith.addi %add3A_310, %mul3A_309 : i32
        %sub3A_312 = arith.constant 512 : i32
        %sub3A_313 = arith.subi %add3A_311, %sub3A_312 : i32
        %get3A_314 = arith.index_cast %sub3A_313 : i32 to index
        %get3A_315 = tpu.vector_load %arg7[%get3A_314] {strides = array<i32>} : memref<3072xi32, #tpu.memory_space<vmem>>, vector<16xi32>,
        %get3A_316 = vector.shape_cast %get3A_315 : vector<16xi32> to vector<16xi32>
        %add3A_317 = arith.addi %get3A_307, %get3A_316 : vector<16xi32>
        %mul3A_318 = arith.constant 16 : i32
        %mul3A_319 = arith.muli %scan3A_300, %mul3A_318 : i32
        %add3A_320 = arith.constant 1024 : i32
        %add3A_321 = arith.addi %add3A_320, %mul3A_319 : i32
        %swap3A_322 = arith.index_cast %add3A_321 : i32 to index
        %swap3A_323 = tpu.vector_load %arg6[%swap3A_322] {strides = array<i32>} : memref<3072xi32, #tpu.memory_space<vmem>>, vector<16xi32>,
        %swap3A_324 = vector.shape_cast %swap3A_323 : vector<16xi32> to vector<16xi32>
        %swap3A_325 = vector.shape_cast %add3A_317 : vector<16xi32> to vector<16xi32>
        tpu.vector_store %arg6[%swap3A_322], %swap3A_325 {strides = array<i32>} : memref<3072xi32, #tpu.memory_space<vmem>>, vector<16xi32>,
      }
      %scan3A_91 = arith.constant 128 : i32
      %scan3A_92 = arith.constant 0 : i32
      %scan3A_93 = arith.constant 0 : i32
      %scan3A_94 = arith.constant 128 : i32
      %scan3A_95 = arith.addi %scan3A_93, %scan3A_94 : i32
      %scan3A_96 = arith.constant 4 : i32
      scf.for %scan3A_222 = %scan3A_93 to %scan3A_95 step %scan3A_96  : i32 {
        %mul3A_223 = arith.constant 16 : i32
        %mul3A_224 = arith.muli %scan3A_222, %mul3A_223 : i32
        %add3A_225 = arith.constant 1024 : i32
        %add3A_226 = arith.addi %add3A_225, %mul3A_224 : i32
        %get3A = arith.index_cast %add3A_226 : i32 to index
        %get3A_227 = tpu.vector_load %arg6[%get3A] {strides = array<i32>} : memref<3072xi32, #tpu.memory_space<vmem>>, vector<16xi32>,
        %get3A_228 = vector.shape_cast %get3A_227 : vector<16xi32> to vector<16xi32>
        %mul3A_229 = arith.constant 16 : i32
        %mul3A_230 = arith.muli %scan3A_222, %mul3A_229 : i32
        %add3A_231 = arith.constant 1024 : i32
        %add3A_232 = arith.addi %add3A_231, %mul3A_230 : i32
        %sub3A = arith.constant 1024 : i32
        %sub3A_233 = arith.subi %add3A_232, %sub3A : i32
        %get3A_234 = arith.index_cast %sub3A_233 : i32 to index
        %get3A_235 = tpu.vector_load %arg6[%get3A_234] {strides = array<i32>} : memref<3072xi32, #tpu.memory_space<vmem>>, vector<16xi32>,
        %get3A_236 = vector.shape_cast %get3A_235 : vector<16xi32> to vector<16xi32>
        %add3A_237 = arith.addi %get3A_228, %get3A_236 : vector<16xi32>
        %mul3A_238 = arith.constant 16 : i32
        %mul3A_239 = arith.muli %scan3A_222, %mul3A_238 : i32
        %add3A_240 = arith.constant 1024 : i32
        %add3A_241 = arith.addi %add3A_240, %mul3A_239 : i32
        %swap3A = arith.index_cast %add3A_241 : i32 to index
        %swap3A_242 = tpu.vector_load %arg7[%swap3A] {strides = array<i32>} : memref<3072xi32, #tpu.memory_space<vmem>>, vector<16xi32>,
        %swap3A_243 = vector.shape_cast %swap3A_242 : vector<16xi32> to vector<16xi32>
        %swap3A_244 = vector.shape_cast %add3A_237 : vector<16xi32> to vector<16xi32>
        tpu.vector_store %arg7[%swap3A], %swap3A_244 {strides = array<i32>} : memref<3072xi32, #tpu.memory_space<vmem>>, vector<16xi32>,
        %scan3A_245 = arith.constant 1 : i32
        %scan3A_246 = arith.addi %scan3A_222, %scan3A_245 : i32
        %mul3A_247 = arith.constant 16 : i32
        %mul3A_248 = arith.muli %scan3A_246, %mul3A_247 : i32
        %add3A_249 = arith.constant 1024 : i32
        %add3A_250 = arith.addi %add3A_249, %mul3A_248 : i32
        %get3A_251 = arith.index_cast %add3A_250 : i32 to index
        %get3A_252 = tpu.vector_load %arg6[%get3A_251] {strides = array<i32>} : memref<3072xi32, #tpu.memory_space<vmem>>, vector<16xi32>,
        %get3A_253 = vector.shape_cast %get3A_252 : vector<16xi32> to vector<16xi32>
        %mul3A_254 = arith.constant 16 : i32
        %mul3A_255 = arith.muli %scan3A_246, %mul3A_254 : i32
        %add3A_256 = arith.constant 1024 : i32
        %add3A_257 = arith.addi %add3A_256, %mul3A_255 : i32
        %sub3A_258 = arith.constant 1024 : i32
        %sub3A_259 = arith.subi %add3A_257, %sub3A_258 : i32
        %get3A_260 = arith.index_cast %sub3A_259 : i32 to index
        %get3A_261 = tpu.vector_load %arg6[%get3A_260] {strides = array<i32>} : memref<3072xi32, #tpu.memory_space<vmem>>, vector<16xi32>,
        %get3A_262 = vector.shape_cast %get3A_261 : vector<16xi32> to vector<16xi32>
        %add3A_263 = arith.addi %get3A_253, %get3A_262 : vector<16xi32>
        %mul3A_264 = arith.constant 16 : i32
        %mul3A_265 = arith.muli %scan3A_246, %mul3A_264 : i32
        %add3A_266 = arith.constant 1024 : i32
        %add3A_267 = arith.addi %add3A_266, %mul3A_265 : i32
        %swap3A_268 = arith.index_cast %add3A_267 : i32 to index
        %swap3A_269 = tpu.vector_load %arg7[%swap3A_268] {strides = array<i32>} : memref<3072xi32, #tpu.memory_space<vmem>>, vector<16xi32>,
        %swap3A_270 = vector.shape_cast %swap3A_269 : vector<16xi32> to vector<16xi32>
        %swap3A_271 = vector.shape_cast %add3A_263 : vector<16xi32> to vector<16xi32>
        tpu.vector_store %arg7[%swap3A_268], %swap3A_271 {strides = array<i32>} : memref<3072xi32, #tpu.memory_space<vmem>>, vector<16xi32>,
        %scan3A_272 = arith.constant 2 : i32
        %scan3A_273 = arith.addi %scan3A_222, %scan3A_272 : i32
        %mul3A_274 = arith.constant 16 : i32
        %mul3A_275 = arith.muli %scan3A_273, %mul3A_274 : i32
        %add3A_276 = arith.constant 1024 : i32
        %add3A_277 = arith.addi %add3A_276, %mul3A_275 : i32
        %get3A_278 = arith.index_cast %add3A_277 : i32 to index
        %get3A_279 = tpu.vector_load %arg6[%get3A_278] {strides = array<i32>} : memref<3072xi32, #tpu.memory_space<vmem>>, vector<16xi32>,
        %get3A_280 = vector.shape_cast %get3A_279 : vector<16xi32> to vector<16xi32>
        %mul3A_281 = arith.constant 16 : i32
        %mul3A_282 = arith.muli %scan3A_273, %mul3A_281 : i32
        %add3A_283 = arith.constant 1024 : i32
        %add3A_284 = arith.addi %add3A_283, %mul3A_282 : i32
        %sub3A_285 = arith.constant 1024 : i32
        %sub3A_286 = arith.subi %add3A_284, %sub3A_285 : i32
        %get3A_287 = arith.index_cast %sub3A_286 : i32 to index
        %get3A_288 = tpu.vector_load %arg6[%get3A_287] {strides = array<i32>} : memref<3072xi32, #tpu.memory_space<vmem>>, vector<16xi32>,
        %get3A_289 = vector.shape_cast %get3A_288 : vector<16xi32> to vector<16xi32>
        %add3A_290 = arith.addi %get3A_280, %get3A_289 : vector<16xi32>
        %mul3A_291 = arith.constant 16 : i32
        %mul3A_292 = arith.muli %scan3A_273, %mul3A_291 : i32
        %add3A_293 = arith.constant 1024 : i32
        %add3A_294 = arith.addi %add3A_293, %mul3A_292 : i32
        %swap3A_295 = arith.index_cast %add3A_294 : i32 to index
        %swap3A_296 = tpu.vector_load %arg7[%swap3A_295] {strides = array<i32>} : memref<3072xi32, #tpu.memory_space<vmem>>, vector<16xi32>,
        %swap3A_297 = vector.shape_cast %swap3A_296 : vector<16xi32> to vector<16xi32>
        %swap3A_298 = vector.shape_cast %add3A_290 : vector<16xi32> to vector<16xi32>
        tpu.vector_store %arg7[%swap3A_295], %swap3A_298 {strides = array<i32>} : memref<3072xi32, #tpu.memory_space<vmem>>, vector<16xi32>,
        %scan3A_299 = arith.constant 3 : i32
        %scan3A_300 = arith.addi %scan3A_222, %scan3A_299 : i32
        %mul3A_301 = arith.constant 16 : i32
        %mul3A_302 = arith.muli %scan3A_300, %mul3A_301 : i32
        %add3A_303 = arith.constant 1024 : i32
        %add3A_304 = arith.addi %add3A_303, %mul3A_302 : i32
        %get3A_305 = arith.index_cast %add3A_304 : i32 to index
        %get3A_306 = tpu.vector_load %arg6[%get3A_305] {strides = array<i32>} : memref<3072xi32, #tpu.memory_space<vmem>>, vector<16xi32>,
        %get3A_307 = vector.shape_cast %get3A_306 : vector<16xi32> to vector<16xi32>
        %mul3A_308 = arith.constant 16 : i32
        %mul3A_309 = arith.muli %scan3A_300, %mul3A_308 : i32
        %add3A_310 = arith.constant 1024 : i32
        %add3A_311 = arith.addi %add3A_310, %mul3A_309 : i32
        %sub3A_312 = arith.constant 1024 : i32
        %sub3A_313 = arith.subi %add3A_311, %sub3A_312 : i32
        %get3A_314 = arith.index_cast %sub3A_313 : i32 to index
        %get3A_315 = tpu.vector_load %arg6[%get3A_314] {strides = array<i32>} : memref<3072xi32, #tpu.memory_space<vmem>>, vector<16xi32>,
        %get3A_316 = vector.shape_cast %get3A_315 : vector<16xi32> to vector<16xi32>
        %add3A_317 = arith.addi %get3A_307, %get3A_316 : vector<16xi32>
        %mul3A_318 = arith.constant 16 : i32
        %mul3A_319 = arith.muli %scan3A_300, %mul3A_318 : i32
        %add3A_320 = arith.constant 1024 : i32
        %add3A_321 = arith.addi %add3A_320, %mul3A_319 : i32
        %swap3A_322 = arith.index_cast %add3A_321 : i32 to index
        %swap3A_323 = tpu.vector_load %arg7[%swap3A_322] {strides = array<i32>} : memref<3072xi32, #tpu.memory_space<vmem>>, vector<16xi32>,
        %swap3A_324 = vector.shape_cast %swap3A_323 : vector<16xi32> to vector<16xi32>
        %swap3A_325 = vector.shape_cast %add3A_317 : vector<16xi32> to vector<16xi32>
        tpu.vector_store %arg7[%swap3A_322], %swap3A_325 {strides = array<i32>} : memref<3072xi32, #tpu.memory_space<vmem>>, vector<16xi32>,
      }
      %scan3A_97 = arith.constant 128 : i32
      %scan3A_98 = arith.constant 0 : i32
      %scan3A_99 = arith.constant 0 : i32
      %scan3A_100 = arith.constant 128 : i32
      %scan3A_101 = arith.addi %scan3A_99, %scan3A_100 : i32
      %scan3A_102 = arith.constant 4 : i32
      scf.for %scan3A_222 = %scan3A_99 to %scan3A_101 step %scan3A_102  : i32 {
        %mul3A_223 = arith.constant 16 : i32
        %mul3A_224 = arith.muli %scan3A_222, %mul3A_223 : i32
        %get3A = arith.index_cast %mul3A_224 : i32 to index
        %get3A_225 = tpu.vector_load %arg5[%get3A] {strides = array<i32>} : memref<2048xi32, #tpu.memory_space<vmem>>, vector<16xi32>,
        %get3A_226 = vector.shape_cast %get3A_225 : vector<16xi32> to vector<16xi32>
        %mul3A_227 = arith.constant 16 : i32
        %mul3A_228 = arith.muli %scan3A_222, %mul3A_227 : i32
        %add3A_229 = arith.constant 1024 : i32
        %add3A_230 = arith.addi %add3A_229, %mul3A_228 : i32
        %get3A_231 = arith.index_cast %add3A_230 : i32 to index
        %get3A_232 = tpu.vector_load %arg7[%get3A_231] {strides = array<i32>} : memref<3072xi32, #tpu.memory_space<vmem>>, vector<16xi32>,
        %get3A_233 = vector.shape_cast %get3A_232 : vector<16xi32> to vector<16xi32>
        %eq3A = arith.constant 1 : i32
        %eq3A_234 = vector.broadcast %eq3A : i32 to vector<16xi32>
        %eq3A_235 = arith.cmpi eq, %get3A_226, %eq3A_234 : vector<16xi32>
        %eq3A_236 = arith.constant 2 : i32
        %eq3A_237 = vector.broadcast %eq3A_236 : i32 to vector<16xi32>
        %eq3A_238 = arith.cmpi eq, %get3A_226, %eq3A_237 : vector<16xi32>
        %or3A = arith.ori %eq3A_235, %eq3A_238 : vector<16xi1>
        %sub3A = arith.constant 1 : i32
        %sub3A_239 = vector.broadcast %sub3A : i32 to vector<16xi32>
        %sub3A_240 = arith.subi %get3A_233, %sub3A_239 : vector<16xi32>
        %broadcast_in_dim3A = arith.constant 2048 : i32
        %broadcast_in_dim3A_241 = vector.broadcast %broadcast_in_dim3A : i32 to vector<16xi32>
        %select_n3A = arith.select %or3A, %sub3A_240, %broadcast_in_dim3A_241 : vector<16xi1>, vector<16xi32>
        %mul3A_242 = arith.constant 16 : i32
        %mul3A_243 = arith.muli %scan3A_222, %mul3A_242 : i32
        %add3A_244 = arith.constant 1024 : i32
        %add3A_245 = arith.addi %add3A_244, %mul3A_243 : i32
        %swap3A = arith.index_cast %add3A_245 : i32 to index
        %swap3A_246 = tpu.vector_load %arg6[%swap3A] {strides = array<i32>} : memref<3072xi32, #tpu.memory_space<vmem>>, vector<16xi32>,
        %swap3A_247 = vector.shape_cast %swap3A_246 : vector<16xi32> to vector<16xi32>
        %swap3A_248 = vector.shape_cast %select_n3A : vector<16xi32> to vector<16xi32>
        tpu.vector_store %arg6[%swap3A], %swap3A_248 {strides = array<i32>} : memref<3072xi32, #tpu.memory_space<vmem>>, vector<16xi32>,
        %scan3A_249 = arith.constant 1 : i32
        %scan3A_250 = arith.addi %scan3A_222, %scan3A_249 : i32
        %mul3A_251 = arith.constant 16 : i32
        %mul3A_252 = arith.muli %scan3A_250, %mul3A_251 : i32
        %get3A_253 = arith.index_cast %mul3A_252 : i32 to index
        %get3A_254 = tpu.vector_load %arg5[%get3A_253] {strides = array<i32>} : memref<2048xi32, #tpu.memory_space<vmem>>, vector<16xi32>,
        %get3A_255 = vector.shape_cast %get3A_254 : vector<16xi32> to vector<16xi32>
        %mul3A_256 = arith.constant 16 : i32
        %mul3A_257 = arith.muli %scan3A_250, %mul3A_256 : i32
        %add3A_258 = arith.constant 1024 : i32
        %add3A_259 = arith.addi %add3A_258, %mul3A_257 : i32
        %get3A_260 = arith.index_cast %add3A_259 : i32 to index
        %get3A_261 = tpu.vector_load %arg7[%get3A_260] {strides = array<i32>} : memref<3072xi32, #tpu.memory_space<vmem>>, vector<16xi32>,
        %get3A_262 = vector.shape_cast %get3A_261 : vector<16xi32> to vector<16xi32>
        %eq3A_263 = arith.constant 1 : i32
        %eq3A_264 = vector.broadcast %eq3A_263 : i32 to vector<16xi32>
        %eq3A_265 = arith.cmpi eq, %get3A_255, %eq3A_264 : vector<16xi32>
        %eq3A_266 = arith.constant 2 : i32
        %eq3A_267 = vector.broadcast %eq3A_266 : i32 to vector<16xi32>
        %eq3A_268 = arith.cmpi eq, %get3A_255, %eq3A_267 : vector<16xi32>
        %or3A_269 = arith.ori %eq3A_265, %eq3A_268 : vector<16xi1>
        %sub3A_270 = arith.constant 1 : i32
        %sub3A_271 = vector.broadcast %sub3A_270 : i32 to vector<16xi32>
        %sub3A_272 = arith.subi %get3A_262, %sub3A_271 : vector<16xi32>
        %broadcast_in_dim3A_273 = arith.constant 2048 : i32
        %broadcast_in_dim3A_274 = vector.broadcast %broadcast_in_dim3A_273 : i32 to vector<16xi32>
        %select_n3A_275 = arith.select %or3A_269, %sub3A_272, %broadcast_in_dim3A_274 : vector<16xi1>, vector<16xi32>
        %mul3A_276 = arith.constant 16 : i32
        %mul3A_277 = arith.muli %scan3A_250, %mul3A_276 : i32
        %add3A_278 = arith.constant 1024 : i32
        %add3A_279 = arith.addi %add3A_278, %mul3A_277 : i32
        %swap3A_280 = arith.index_cast %add3A_279 : i32 to index
        %swap3A_281 = tpu.vector_load %arg6[%swap3A_280] {strides = array<i32>} : memref<3072xi32, #tpu.memory_space<vmem>>, vector<16xi32>,
        %swap3A_282 = vector.shape_cast %swap3A_281 : vector<16xi32> to vector<16xi32>
        %swap3A_283 = vector.shape_cast %select_n3A_275 : vector<16xi32> to vector<16xi32>
        tpu.vector_store %arg6[%swap3A_280], %swap3A_283 {strides = array<i32>} : memref<3072xi32, #tpu.memory_space<vmem>>, vector<16xi32>,
        %scan3A_284 = arith.constant 2 : i32
        %scan3A_285 = arith.addi %scan3A_222, %scan3A_284 : i32
        %mul3A_286 = arith.constant 16 : i32
        %mul3A_287 = arith.muli %scan3A_285, %mul3A_286 : i32
        %get3A_288 = arith.index_cast %mul3A_287 : i32 to index
        %get3A_289 = tpu.vector_load %arg5[%get3A_288] {strides = array<i32>} : memref<2048xi32, #tpu.memory_space<vmem>>, vector<16xi32>,
        %get3A_290 = vector.shape_cast %get3A_289 : vector<16xi32> to vector<16xi32>
        %mul3A_291 = arith.constant 16 : i32
        %mul3A_292 = arith.muli %scan3A_285, %mul3A_291 : i32
        %add3A_293 = arith.constant 1024 : i32
        %add3A_294 = arith.addi %add3A_293, %mul3A_292 : i32
        %get3A_295 = arith.index_cast %add3A_294 : i32 to index
        %get3A_296 = tpu.vector_load %arg7[%get3A_295] {strides = array<i32>} : memref<3072xi32, #tpu.memory_space<vmem>>, vector<16xi32>,
        %get3A_297 = vector.shape_cast %get3A_296 : vector<16xi32> to vector<16xi32>
        %eq3A_298 = arith.constant 1 : i32
        %eq3A_299 = vector.broadcast %eq3A_298 : i32 to vector<16xi32>
        %eq3A_300 = arith.cmpi eq, %get3A_290, %eq3A_299 : vector<16xi32>
        %eq3A_301 = arith.constant 2 : i32
        %eq3A_302 = vector.broadcast %eq3A_301 : i32 to vector<16xi32>
        %eq3A_303 = arith.cmpi eq, %get3A_290, %eq3A_302 : vector<16xi32>
        %or3A_304 = arith.ori %eq3A_300, %eq3A_303 : vector<16xi1>
        %sub3A_305 = arith.constant 1 : i32
        %sub3A_306 = vector.broadcast %sub3A_305 : i32 to vector<16xi32>
        %sub3A_307 = arith.subi %get3A_297, %sub3A_306 : vector<16xi32>
        %broadcast_in_dim3A_308 = arith.constant 2048 : i32
        %broadcast_in_dim3A_309 = vector.broadcast %broadcast_in_dim3A_308 : i32 to vector<16xi32>
        %select_n3A_310 = arith.select %or3A_304, %sub3A_307, %broadcast_in_dim3A_309 : vector<16xi1>, vector<16xi32>
        %mul3A_311 = arith.constant 16 : i32
        %mul3A_312 = arith.muli %scan3A_285, %mul3A_311 : i32
        %add3A_313 = arith.constant 1024 : i32
        %add3A_314 = arith.addi %add3A_313, %mul3A_312 : i32
        %swap3A_315 = arith.index_cast %add3A_314 : i32 to index
        %swap3A_316 = tpu.vector_load %arg6[%swap3A_315] {strides = array<i32>} : memref<3072xi32, #tpu.memory_space<vmem>>, vector<16xi32>,
        %swap3A_317 = vector.shape_cast %swap3A_316 : vector<16xi32> to vector<16xi32>
        %swap3A_318 = vector.shape_cast %select_n3A_310 : vector<16xi32> to vector<16xi32>
        tpu.vector_store %arg6[%swap3A_315], %swap3A_318 {strides = array<i32>} : memref<3072xi32, #tpu.memory_space<vmem>>, vector<16xi32>,
        %scan3A_319 = arith.constant 3 : i32
        %scan3A_320 = arith.addi %scan3A_222, %scan3A_319 : i32
        %mul3A_321 = arith.constant 16 : i32
        %mul3A_322 = arith.muli %scan3A_320, %mul3A_321 : i32
        %get3A_323 = arith.index_cast %mul3A_322 : i32 to index
        %get3A_324 = tpu.vector_load %arg5[%get3A_323] {strides = array<i32>} : memref<2048xi32, #tpu.memory_space<vmem>>, vector<16xi32>,
        %get3A_325 = vector.shape_cast %get3A_324 : vector<16xi32> to vector<16xi32>
        %mul3A_326 = arith.constant 16 : i32
        %mul3A_327 = arith.muli %scan3A_320, %mul3A_326 : i32
        %add3A_328 = arith.constant 1024 : i32
        %add3A_329 = arith.addi %add3A_328, %mul3A_327 : i32
        %get3A_330 = arith.index_cast %add3A_329 : i32 to index
        %get3A_331 = tpu.vector_load %arg7[%get3A_330] {strides = array<i32>} : memref<3072xi32, #tpu.memory_space<vmem>>, vector<16xi32>,
        %get3A_332 = vector.shape_cast %get3A_331 : vector<16xi32> to vector<16xi32>
        %eq3A_333 = arith.constant 1 : i32
        %eq3A_334 = vector.broadcast %eq3A_333 : i32 to vector<16xi32>
        %eq3A_335 = arith.cmpi eq, %get3A_325, %eq3A_334 : vector<16xi32>
        %eq3A_336 = arith.constant 2 : i32
        %eq3A_337 = vector.broadcast %eq3A_336 : i32 to vector<16xi32>
        %eq3A_338 = arith.cmpi eq, %get3A_325, %eq3A_337 : vector<16xi32>
        %or3A_339 = arith.ori %eq3A_335, %eq3A_338 : vector<16xi1>
        %sub3A_340 = arith.constant 1 : i32
        %sub3A_341 = vector.broadcast %sub3A_340 : i32 to vector<16xi32>
        %sub3A_342 = arith.subi %get3A_332, %sub3A_341 : vector<16xi32>
        %broadcast_in_dim3A_343 = arith.constant 2048 : i32
        %broadcast_in_dim3A_344 = vector.broadcast %broadcast_in_dim3A_343 : i32 to vector<16xi32>
        %select_n3A_345 = arith.select %or3A_339, %sub3A_342, %broadcast_in_dim3A_344 : vector<16xi1>, vector<16xi32>
        %mul3A_346 = arith.constant 16 : i32
        %mul3A_347 = arith.muli %scan3A_320, %mul3A_346 : i32
        %add3A_348 = arith.constant 1024 : i32
        %add3A_349 = arith.addi %add3A_348, %mul3A_347 : i32
        %swap3A_350 = arith.index_cast %add3A_349 : i32 to index
        %swap3A_351 = tpu.vector_load %arg6[%swap3A_350] {strides = array<i32>} : memref<3072xi32, #tpu.memory_space<vmem>>, vector<16xi32>,
        %swap3A_352 = vector.shape_cast %swap3A_351 : vector<16xi32> to vector<16xi32>
        %swap3A_353 = vector.shape_cast %select_n3A_345 : vector<16xi32> to vector<16xi32>
        tpu.vector_store %arg6[%swap3A_350], %swap3A_353 {strides = array<i32>} : memref<3072xi32, #tpu.memory_space<vmem>>, vector<16xi32>,
      }
      %scan3A_103 = arith.constant 128 : i32
      %add3A_104 = arith.constant 0 : i32
      %add3A_105 = arith.addi %mul3A_4, %add3A_104 : i32
      "tpu.region"() ({
        %run_scoped3A = tpu.sem_alloc : memref<!tpu.dma_semaphore, #tpu.memory_space<semaphore_mem>>
        %dma_start3A_222 = arith.constant 0 : i32
        %dma_start3A_223 = tpu.memref_slice %arg17[%add3A_105, %dma_start3A_222] : memref<8200x16xf32, #tpu.memory_space<vmem_shared>> -> memref<256x16xf32, #tpu.memory_space<vmem_shared>>
        %dma_start3A_224 = arith.constant 0 : i32
        %dma_start3A_225 = tpu.memref_slice %arg17[%add3A_105, %dma_start3A_224] : memref<8200x16xf32, #tpu.memory_space<vmem_shared>> -> memref<256x16xf32, #tpu.memory_space<vmem_shared>>
        tpu.enqueue_dma source(%arg16 : memref<256x16xf32, #tpu.memory_space<vmem>>) target(%dma_start3A_225 : memref<256x16xf32, #tpu.memory_space<vmem_shared>>) target_semaphore(%run_scoped3A : memref<!tpu.dma_semaphore, #tpu.memory_space<semaphore_mem>>)
        %dma_wait3A_226 = arith.constant 0 : i32
        %dma_wait3A_227 = tpu.memref_slice %arg17[%add3A_105, %dma_wait3A_226] : memref<8200x16xf32, #tpu.memory_space<vmem_shared>> -> memref<256x16xf32, #tpu.memory_space<vmem_shared>>
        %dma_wait3A_228 = arith.constant 0 : i32
        %dma_wait3A_229 = tpu.memref_slice %arg17[%add3A_105, %dma_wait3A_228] : memref<8200x16xf32, #tpu.memory_space<vmem_shared>> -> memref<256x16xf32, #tpu.memory_space<vmem_shared>>
        tpu.wait_dma2 semaphore(%run_scoped3A : memref<!tpu.dma_semaphore, #tpu.memory_space<semaphore_mem>>) src(%arg16 : memref<256x16xf32, #tpu.memory_space<vmem>>) dst(%dma_wait3A_229 : memref<256x16xf32, #tpu.memory_space<vmem_shared>>)
        tpu.yield
      }) : () -> ()
      %add3A_106 = arith.constant 256 : i32
      %add3A_107 = arith.addi %mul3A_4, %add3A_106 : i32
      "tpu.region"() ({
        %run_scoped3A = tpu.sem_alloc : memref<!tpu.dma_semaphore, #tpu.memory_space<semaphore_mem>>
        %dma_start3A_222 = arith.constant 0 : i32
        %dma_start3A_223 = tpu.memref_slice %arg17[%add3A_107, %dma_start3A_222] : memref<8200x16xf32, #tpu.memory_space<vmem_shared>> -> memref<256x16xf32, #tpu.memory_space<vmem_shared>>
        %dma_start3A_224 = arith.constant 0 : i32
        %dma_start3A_225 = tpu.memref_slice %arg17[%add3A_107, %dma_start3A_224] : memref<8200x16xf32, #tpu.memory_space<vmem_shared>> -> memref<256x16xf32, #tpu.memory_space<vmem_shared>>
        tpu.enqueue_dma source(%arg16 : memref<256x16xf32, #tpu.memory_space<vmem>>) target(%dma_start3A_225 : memref<256x16xf32, #tpu.memory_space<vmem_shared>>) target_semaphore(%run_scoped3A : memref<!tpu.dma_semaphore, #tpu.memory_space<semaphore_mem>>)
        %dma_wait3A_226 = arith.constant 0 : i32
        %dma_wait3A_227 = tpu.memref_slice %arg17[%add3A_107, %dma_wait3A_226] : memref<8200x16xf32, #tpu.memory_space<vmem_shared>> -> memref<256x16xf32, #tpu.memory_space<vmem_shared>>
        %dma_wait3A_228 = arith.constant 0 : i32
        %dma_wait3A_229 = tpu.memref_slice %arg17[%add3A_107, %dma_wait3A_228] : memref<8200x16xf32, #tpu.memory_space<vmem_shared>> -> memref<256x16xf32, #tpu.memory_space<vmem_shared>>
        tpu.wait_dma2 semaphore(%run_scoped3A : memref<!tpu.dma_semaphore, #tpu.memory_space<semaphore_mem>>) src(%arg16 : memref<256x16xf32, #tpu.memory_space<vmem>>) dst(%dma_wait3A_229 : memref<256x16xf32, #tpu.memory_space<vmem_shared>>)
        tpu.yield
      }) : () -> ()
      %add3A_108 = arith.constant 512 : i32
      %add3A_109 = arith.addi %mul3A_4, %add3A_108 : i32
      "tpu.region"() ({
        %run_scoped3A = tpu.sem_alloc : memref<!tpu.dma_semaphore, #tpu.memory_space<semaphore_mem>>
        %dma_start3A_222 = arith.constant 0 : i32
        %dma_start3A_223 = tpu.memref_slice %arg17[%add3A_109, %dma_start3A_222] : memref<8200x16xf32, #tpu.memory_space<vmem_shared>> -> memref<256x16xf32, #tpu.memory_space<vmem_shared>>
        %dma_start3A_224 = arith.constant 0 : i32
        %dma_start3A_225 = tpu.memref_slice %arg17[%add3A_109, %dma_start3A_224] : memref<8200x16xf32, #tpu.memory_space<vmem_shared>> -> memref<256x16xf32, #tpu.memory_space<vmem_shared>>
        tpu.enqueue_dma source(%arg16 : memref<256x16xf32, #tpu.memory_space<vmem>>) target(%dma_start3A_225 : memref<256x16xf32, #tpu.memory_space<vmem_shared>>) target_semaphore(%run_scoped3A : memref<!tpu.dma_semaphore, #tpu.memory_space<semaphore_mem>>)
        %dma_wait3A_226 = arith.constant 0 : i32
        %dma_wait3A_227 = tpu.memref_slice %arg17[%add3A_109, %dma_wait3A_226] : memref<8200x16xf32, #tpu.memory_space<vmem_shared>> -> memref<256x16xf32, #tpu.memory_space<vmem_shared>>
        %dma_wait3A_228 = arith.constant 0 : i32
        %dma_wait3A_229 = tpu.memref_slice %arg17[%add3A_109, %dma_wait3A_228] : memref<8200x16xf32, #tpu.memory_space<vmem_shared>> -> memref<256x16xf32, #tpu.memory_space<vmem_shared>>
        tpu.wait_dma2 semaphore(%run_scoped3A : memref<!tpu.dma_semaphore, #tpu.memory_space<semaphore_mem>>) src(%arg16 : memref<256x16xf32, #tpu.memory_space<vmem>>) dst(%dma_wait3A_229 : memref<256x16xf32, #tpu.memory_space<vmem_shared>>)
        tpu.yield
      }) : () -> ()
      %add3A_110 = arith.constant 768 : i32
      %add3A_111 = arith.addi %mul3A_4, %add3A_110 : i32
      "tpu.region"() ({
        %run_scoped3A = tpu.sem_alloc : memref<!tpu.dma_semaphore, #tpu.memory_space<semaphore_mem>>
        %dma_start3A_222 = arith.constant 0 : i32
        %dma_start3A_223 = tpu.memref_slice %arg17[%add3A_111, %dma_start3A_222] : memref<8200x16xf32, #tpu.memory_space<vmem_shared>> -> memref<256x16xf32, #tpu.memory_space<vmem_shared>>
        %dma_start3A_224 = arith.constant 0 : i32
        %dma_start3A_225 = tpu.memref_slice %arg17[%add3A_111, %dma_start3A_224] : memref<8200x16xf32, #tpu.memory_space<vmem_shared>> -> memref<256x16xf32, #tpu.memory_space<vmem_shared>>
        tpu.enqueue_dma source(%arg16 : memref<256x16xf32, #tpu.memory_space<vmem>>) target(%dma_start3A_225 : memref<256x16xf32, #tpu.memory_space<vmem_shared>>) target_semaphore(%run_scoped3A : memref<!tpu.dma_semaphore, #tpu.memory_space<semaphore_mem>>)
        %dma_wait3A_226 = arith.constant 0 : i32
        %dma_wait3A_227 = tpu.memref_slice %arg17[%add3A_111, %dma_wait3A_226] : memref<8200x16xf32, #tpu.memory_space<vmem_shared>> -> memref<256x16xf32, #tpu.memory_space<vmem_shared>>
        %dma_wait3A_228 = arith.constant 0 : i32
        %dma_wait3A_229 = tpu.memref_slice %arg17[%add3A_111, %dma_wait3A_228] : memref<8200x16xf32, #tpu.memory_space<vmem_shared>> -> memref<256x16xf32, #tpu.memory_space<vmem_shared>>
        tpu.wait_dma2 semaphore(%run_scoped3A : memref<!tpu.dma_semaphore, #tpu.memory_space<semaphore_mem>>) src(%arg16 : memref<256x16xf32, #tpu.memory_space<vmem>>) dst(%dma_wait3A_229 : memref<256x16xf32, #tpu.memory_space<vmem_shared>>)
        tpu.yield
      }) : () -> ()
      %scan3A_112 = arith.constant 0 : i32
      %scan3A_113 = arith.constant 0 : i32
      %scan3A_114 = arith.constant 16 : i32
      %scan3A_115 = arith.addi %scan3A_113, %scan3A_114 : i32
      %scan3A_116 = arith.constant 4 : i32
      scf.for %scan3A_222 = %scan3A_113 to %scan3A_115 step %scan3A_116  : i32 {
        %add3A_223 = arith.constant 0 : i32
        %add3A_224 = arith.addi %add3A_223, %scan3A_222 : i32
        %mul3A_225 = arith.constant 16 : i32
        %mul3A_226 = arith.muli %add3A_224, %mul3A_225 : i32
        %add3A_227 = arith.constant 1024 : i32
        %add3A_228 = arith.addi %add3A_227, %mul3A_226 : i32
        %get3A = arith.index_cast %add3A_228 : i32 to index
        %get3A_229 = tpu.vector_load %arg6[%get3A] {strides = array<i32>} : memref<3072xi32, #tpu.memory_space<vmem>>, vector<16xi32>,
        %get3A_230 = vector.shape_cast %get3A_229 : vector<16xi32> to vector<16xi32>
        %sub3A = arith.constant 0 : i32
        %sub3A_231 = vector.broadcast %sub3A : i32 to vector<16xi32>
        %sub3A_232 = arith.subi %get3A_230, %sub3A_231 : vector<16xi32>
        %ge3A = arith.constant 0 : i32
        %ge3A_233 = vector.broadcast %ge3A : i32 to vector<16xi32>
        %ge3A_234 = arith.cmpi sge, %sub3A_232, %ge3A_233 : vector<16xi32>
        %lt3A_235 = arith.constant 1024 : i32
        %lt3A_236 = vector.broadcast %lt3A_235 : i32 to vector<16xi32>
        %lt3A_237 = arith.cmpi slt, %sub3A_232, %lt3A_236 : vector<16xi32>
        %and3A = arith.andi %ge3A_234, %lt3A_237 : vector<16xi1>
        %broadcast_in_dim3A = arith.constant 1024 : i32
        %broadcast_in_dim3A_238 = vector.broadcast %broadcast_in_dim3A : i32 to vector<16xi32>
        %select_n3A = arith.select %and3A, %sub3A_232, %broadcast_in_dim3A_238 : vector<16xi1>, vector<16xi32>
        %add3A_239 = vector.broadcast %mul3A_4 : i32 to vector<16xi32>
        %add3A_240 = arith.addi %add3A_239, %select_n3A : vector<16xi32>
        %mul3A_241 = arith.constant 16 : i32
        %mul3A_242 = arith.muli %scan3A_222, %mul3A_241 : i32
        %swap3A = arith.index_cast %mul3A_242 : i32 to index
        %swap3A_243 = tpu.vector_load %arg8[%swap3A] {strides = array<i32>} : memref<256xi32, #tpu.memory_space<vmem>>, vector<16xi32>,
        %swap3A_244 = vector.shape_cast %swap3A_243 : vector<16xi32> to vector<16xi32>
        %swap3A_245 = vector.shape_cast %add3A_240 : vector<16xi32> to vector<16xi32>
        tpu.vector_store %arg8[%swap3A], %swap3A_245 {strides = array<i32>} : memref<256xi32, #tpu.memory_space<vmem>>, vector<16xi32>,
        %scan3A_246 = arith.constant 1 : i32
        %scan3A_247 = arith.addi %scan3A_222, %scan3A_246 : i32
        %add3A_248 = arith.constant 0 : i32
        %add3A_249 = arith.addi %add3A_248, %scan3A_247 : i32
        %mul3A_250 = arith.constant 16 : i32
        %mul3A_251 = arith.muli %add3A_249, %mul3A_250 : i32
        %add3A_252 = arith.constant 1024 : i32
        %add3A_253 = arith.addi %add3A_252, %mul3A_251 : i32
        %get3A_254 = arith.index_cast %add3A_253 : i32 to index
        %get3A_255 = tpu.vector_load %arg6[%get3A_254] {strides = array<i32>} : memref<3072xi32, #tpu.memory_space<vmem>>, vector<16xi32>,
        %get3A_256 = vector.shape_cast %get3A_255 : vector<16xi32> to vector<16xi32>
        %sub3A_257 = arith.constant 0 : i32
        %sub3A_258 = vector.broadcast %sub3A_257 : i32 to vector<16xi32>
        %sub3A_259 = arith.subi %get3A_256, %sub3A_258 : vector<16xi32>
        %ge3A_260 = arith.constant 0 : i32
        %ge3A_261 = vector.broadcast %ge3A_260 : i32 to vector<16xi32>
        %ge3A_262 = arith.cmpi sge, %sub3A_259, %ge3A_261 : vector<16xi32>
        %lt3A_263 = arith.constant 1024 : i32
        %lt3A_264 = vector.broadcast %lt3A_263 : i32 to vector<16xi32>
        %lt3A_265 = arith.cmpi slt, %sub3A_259, %lt3A_264 : vector<16xi32>
        %and3A_266 = arith.andi %ge3A_262, %lt3A_265 : vector<16xi1>
        %broadcast_in_dim3A_267 = arith.constant 1024 : i32
        %broadcast_in_dim3A_268 = vector.broadcast %broadcast_in_dim3A_267 : i32 to vector<16xi32>
        %select_n3A_269 = arith.select %and3A_266, %sub3A_259, %broadcast_in_dim3A_268 : vector<16xi1>, vector<16xi32>
        %add3A_270 = vector.broadcast %mul3A_4 : i32 to vector<16xi32>
        %add3A_271 = arith.addi %add3A_270, %select_n3A_269 : vector<16xi32>
        %mul3A_272 = arith.constant 16 : i32
        %mul3A_273 = arith.muli %scan3A_247, %mul3A_272 : i32
        %swap3A_274 = arith.index_cast %mul3A_273 : i32 to index
        %swap3A_275 = tpu.vector_load %arg8[%swap3A_274] {strides = array<i32>} : memref<256xi32, #tpu.memory_space<vmem>>, vector<16xi32>,
        %swap3A_276 = vector.shape_cast %swap3A_275 : vector<16xi32> to vector<16xi32>
        %swap3A_277 = vector.shape_cast %add3A_271 : vector<16xi32> to vector<16xi32>
        tpu.vector_store %arg8[%swap3A_274], %swap3A_277 {strides = array<i32>} : memref<256xi32, #tpu.memory_space<vmem>>, vector<16xi32>,
        %scan3A_278 = arith.constant 2 : i32
        %scan3A_279 = arith.addi %scan3A_222, %scan3A_278 : i32
        %add3A_280 = arith.constant 0 : i32
        %add3A_281 = arith.addi %add3A_280, %scan3A_279 : i32
        %mul3A_282 = arith.constant 16 : i32
        %mul3A_283 = arith.muli %add3A_281, %mul3A_282 : i32
        %add3A_284 = arith.constant 1024 : i32
        %add3A_285 = arith.addi %add3A_284, %mul3A_283 : i32
        %get3A_286 = arith.index_cast %add3A_285 : i32 to index
        %get3A_287 = tpu.vector_load %arg6[%get3A_286] {strides = array<i32>} : memref<3072xi32, #tpu.memory_space<vmem>>, vector<16xi32>,
        %get3A_288 = vector.shape_cast %get3A_287 : vector<16xi32> to vector<16xi32>
        %sub3A_289 = arith.constant 0 : i32
        %sub3A_290 = vector.broadcast %sub3A_289 : i32 to vector<16xi32>
        %sub3A_291 = arith.subi %get3A_288, %sub3A_290 : vector<16xi32>
        %ge3A_292 = arith.constant 0 : i32
        %ge3A_293 = vector.broadcast %ge3A_292 : i32 to vector<16xi32>
        %ge3A_294 = arith.cmpi sge, %sub3A_291, %ge3A_293 : vector<16xi32>
        %lt3A_295 = arith.constant 1024 : i32
        %lt3A_296 = vector.broadcast %lt3A_295 : i32 to vector<16xi32>
        %lt3A_297 = arith.cmpi slt, %sub3A_291, %lt3A_296 : vector<16xi32>
        %and3A_298 = arith.andi %ge3A_294, %lt3A_297 : vector<16xi1>
        %broadcast_in_dim3A_299 = arith.constant 1024 : i32
        %broadcast_in_dim3A_300 = vector.broadcast %broadcast_in_dim3A_299 : i32 to vector<16xi32>
        %select_n3A_301 = arith.select %and3A_298, %sub3A_291, %broadcast_in_dim3A_300 : vector<16xi1>, vector<16xi32>
        %add3A_302 = vector.broadcast %mul3A_4 : i32 to vector<16xi32>
        %add3A_303 = arith.addi %add3A_302, %select_n3A_301 : vector<16xi32>
        %mul3A_304 = arith.constant 16 : i32
        %mul3A_305 = arith.muli %scan3A_279, %mul3A_304 : i32
        %swap3A_306 = arith.index_cast %mul3A_305 : i32 to index
        %swap3A_307 = tpu.vector_load %arg8[%swap3A_306] {strides = array<i32>} : memref<256xi32, #tpu.memory_space<vmem>>, vector<16xi32>,
        %swap3A_308 = vector.shape_cast %swap3A_307 : vector<16xi32> to vector<16xi32>
        %swap3A_309 = vector.shape_cast %add3A_303 : vector<16xi32> to vector<16xi32>
        tpu.vector_store %arg8[%swap3A_306], %swap3A_309 {strides = array<i32>} : memref<256xi32, #tpu.memory_space<vmem>>, vector<16xi32>,
        %scan3A_310 = arith.constant 3 : i32
        %scan3A_311 = arith.addi %scan3A_222, %scan3A_310 : i32
        %add3A_312 = arith.constant 0 : i32
        %add3A_313 = arith.addi %add3A_312, %scan3A_311 : i32
        %mul3A_314 = arith.constant 16 : i32
        %mul3A_315 = arith.muli %add3A_313, %mul3A_314 : i32
        %add3A_316 = arith.constant 1024 : i32
        %add3A_317 = arith.addi %add3A_316, %mul3A_315 : i32
        %get3A_318 = arith.index_cast %add3A_317 : i32 to index
        %get3A_319 = tpu.vector_load %arg6[%get3A_318] {strides = array<i32>} : memref<3072xi32, #tpu.memory_space<vmem>>, vector<16xi32>,
        %get3A_320 = vector.shape_cast %get3A_319 : vector<16xi32> to vector<16xi32>
        %sub3A_321 = arith.constant 0 : i32
        %sub3A_322 = vector.broadcast %sub3A_321 : i32 to vector<16xi32>
        %sub3A_323 = arith.subi %get3A_320, %sub3A_322 : vector<16xi32>
        %ge3A_324 = arith.constant 0 : i32
        %ge3A_325 = vector.broadcast %ge3A_324 : i32 to vector<16xi32>
        %ge3A_326 = arith.cmpi sge, %sub3A_323, %ge3A_325 : vector<16xi32>
        %lt3A_327 = arith.constant 1024 : i32
        %lt3A_328 = vector.broadcast %lt3A_327 : i32 to vector<16xi32>
        %lt3A_329 = arith.cmpi slt, %sub3A_323, %lt3A_328 : vector<16xi32>
        %and3A_330 = arith.andi %ge3A_326, %lt3A_329 : vector<16xi1>
        %broadcast_in_dim3A_331 = arith.constant 1024 : i32
        %broadcast_in_dim3A_332 = vector.broadcast %broadcast_in_dim3A_331 : i32 to vector<16xi32>
        %select_n3A_333 = arith.select %and3A_330, %sub3A_323, %broadcast_in_dim3A_332 : vector<16xi1>, vector<16xi32>
        %add3A_334 = vector.broadcast %mul3A_4 : i32 to vector<16xi32>
        %add3A_335 = arith.addi %add3A_334, %select_n3A_333 : vector<16xi32>
        %mul3A_336 = arith.constant 16 : i32
        %mul3A_337 = arith.muli %scan3A_311, %mul3A_336 : i32
        %swap3A_338 = arith.index_cast %mul3A_337 : i32 to index
        %swap3A_339 = tpu.vector_load %arg8[%swap3A_338] {strides = array<i32>} : memref<256xi32, #tpu.memory_space<vmem>>, vector<16xi32>,
        %swap3A_340 = vector.shape_cast %swap3A_339 : vector<16xi32> to vector<16xi32>
        %swap3A_341 = vector.shape_cast %add3A_335 : vector<16xi32> to vector<16xi32>
        tpu.vector_store %arg8[%swap3A_338], %swap3A_341 {strides = array<i32>} : memref<256xi32, #tpu.memory_space<vmem>>, vector<16xi32>,
      }
      %scan3A_117 = arith.constant 16 : i32
      %scan3A_118 = arith.constant 0 : i32
      %scan3A_119 = arith.constant 0 : i32
      %scan3A_120 = arith.constant 16 : i32
      %scan3A_121 = arith.addi %scan3A_119, %scan3A_120 : i32
      %scan3A_122 = arith.constant 4 : i32
      scf.for %scan3A_222 = %scan3A_119 to %scan3A_121 step %scan3A_122  : i32 {
        %add3A_223 = arith.constant 16 : i32
        %add3A_224 = arith.addi %add3A_223, %scan3A_222 : i32
        %mul3A_225 = arith.constant 16 : i32
        %mul3A_226 = arith.muli %add3A_224, %mul3A_225 : i32
        %add3A_227 = arith.constant 1024 : i32
        %add3A_228 = arith.addi %add3A_227, %mul3A_226 : i32
        %get3A = arith.index_cast %add3A_228 : i32 to index
        %get3A_229 = tpu.vector_load %arg6[%get3A] {strides = array<i32>} : memref<3072xi32, #tpu.memory_space<vmem>>, vector<16xi32>,
        %get3A_230 = vector.shape_cast %get3A_229 : vector<16xi32> to vector<16xi32>
        %sub3A = arith.constant 0 : i32
        %sub3A_231 = vector.broadcast %sub3A : i32 to vector<16xi32>
        %sub3A_232 = arith.subi %get3A_230, %sub3A_231 : vector<16xi32>
        %ge3A = arith.constant 0 : i32
        %ge3A_233 = vector.broadcast %ge3A : i32 to vector<16xi32>
        %ge3A_234 = arith.cmpi sge, %sub3A_232, %ge3A_233 : vector<16xi32>
        %lt3A_235 = arith.constant 1024 : i32
        %lt3A_236 = vector.broadcast %lt3A_235 : i32 to vector<16xi32>
        %lt3A_237 = arith.cmpi slt, %sub3A_232, %lt3A_236 : vector<16xi32>
        %and3A = arith.andi %ge3A_234, %lt3A_237 : vector<16xi1>
        %broadcast_in_dim3A = arith.constant 1024 : i32
        %broadcast_in_dim3A_238 = vector.broadcast %broadcast_in_dim3A : i32 to vector<16xi32>
        %select_n3A = arith.select %and3A, %sub3A_232, %broadcast_in_dim3A_238 : vector<16xi1>, vector<16xi32>
        %add3A_239 = vector.broadcast %mul3A_4 : i32 to vector<16xi32>
        %add3A_240 = arith.addi %add3A_239, %select_n3A : vector<16xi32>
        %mul3A_241 = arith.constant 16 : i32
        %mul3A_242 = arith.muli %scan3A_222, %mul3A_241 : i32
        %swap3A = arith.index_cast %mul3A_242 : i32 to index
        %swap3A_243 = tpu.vector_load %arg9[%swap3A] {strides = array<i32>} : memref<256xi32, #tpu.memory_space<vmem>>, vector<16xi32>,
        %swap3A_244 = vector.shape_cast %swap3A_243 : vector<16xi32> to vector<16xi32>
        %swap3A_245 = vector.shape_cast %add3A_240 : vector<16xi32> to vector<16xi32>
        tpu.vector_store %arg9[%swap3A], %swap3A_245 {strides = array<i32>} : memref<256xi32, #tpu.memory_space<vmem>>, vector<16xi32>,
        %scan3A_246 = arith.constant 1 : i32
        %scan3A_247 = arith.addi %scan3A_222, %scan3A_246 : i32
        %add3A_248 = arith.constant 16 : i32
        %add3A_249 = arith.addi %add3A_248, %scan3A_247 : i32
        %mul3A_250 = arith.constant 16 : i32
        %mul3A_251 = arith.muli %add3A_249, %mul3A_250 : i32
        %add3A_252 = arith.constant 1024 : i32
        %add3A_253 = arith.addi %add3A_252, %mul3A_251 : i32
        %get3A_254 = arith.index_cast %add3A_253 : i32 to index
        %get3A_255 = tpu.vector_load %arg6[%get3A_254] {strides = array<i32>} : memref<3072xi32, #tpu.memory_space<vmem>>, vector<16xi32>,
        %get3A_256 = vector.shape_cast %get3A_255 : vector<16xi32> to vector<16xi32>
        %sub3A_257 = arith.constant 0 : i32
        %sub3A_258 = vector.broadcast %sub3A_257 : i32 to vector<16xi32>
        %sub3A_259 = arith.subi %get3A_256, %sub3A_258 : vector<16xi32>
        %ge3A_260 = arith.constant 0 : i32
        %ge3A_261 = vector.broadcast %ge3A_260 : i32 to vector<16xi32>
        %ge3A_262 = arith.cmpi sge, %sub3A_259, %ge3A_261 : vector<16xi32>
        %lt3A_263 = arith.constant 1024 : i32
        %lt3A_264 = vector.broadcast %lt3A_263 : i32 to vector<16xi32>
        %lt3A_265 = arith.cmpi slt, %sub3A_259, %lt3A_264 : vector<16xi32>
        %and3A_266 = arith.andi %ge3A_262, %lt3A_265 : vector<16xi1>
        %broadcast_in_dim3A_267 = arith.constant 1024 : i32
        %broadcast_in_dim3A_268 = vector.broadcast %broadcast_in_dim3A_267 : i32 to vector<16xi32>
        %select_n3A_269 = arith.select %and3A_266, %sub3A_259, %broadcast_in_dim3A_268 : vector<16xi1>, vector<16xi32>
        %add3A_270 = vector.broadcast %mul3A_4 : i32 to vector<16xi32>
        %add3A_271 = arith.addi %add3A_270, %select_n3A_269 : vector<16xi32>
        %mul3A_272 = arith.constant 16 : i32
        %mul3A_273 = arith.muli %scan3A_247, %mul3A_272 : i32
        %swap3A_274 = arith.index_cast %mul3A_273 : i32 to index
        %swap3A_275 = tpu.vector_load %arg9[%swap3A_274] {strides = array<i32>} : memref<256xi32, #tpu.memory_space<vmem>>, vector<16xi32>,
        %swap3A_276 = vector.shape_cast %swap3A_275 : vector<16xi32> to vector<16xi32>
        %swap3A_277 = vector.shape_cast %add3A_271 : vector<16xi32> to vector<16xi32>
        tpu.vector_store %arg9[%swap3A_274], %swap3A_277 {strides = array<i32>} : memref<256xi32, #tpu.memory_space<vmem>>, vector<16xi32>,
        %scan3A_278 = arith.constant 2 : i32
        %scan3A_279 = arith.addi %scan3A_222, %scan3A_278 : i32
        %add3A_280 = arith.constant 16 : i32
        %add3A_281 = arith.addi %add3A_280, %scan3A_279 : i32
        %mul3A_282 = arith.constant 16 : i32
        %mul3A_283 = arith.muli %add3A_281, %mul3A_282 : i32
        %add3A_284 = arith.constant 1024 : i32
        %add3A_285 = arith.addi %add3A_284, %mul3A_283 : i32
        %get3A_286 = arith.index_cast %add3A_285 : i32 to index
        %get3A_287 = tpu.vector_load %arg6[%get3A_286] {strides = array<i32>} : memref<3072xi32, #tpu.memory_space<vmem>>, vector<16xi32>,
        %get3A_288 = vector.shape_cast %get3A_287 : vector<16xi32> to vector<16xi32>
        %sub3A_289 = arith.constant 0 : i32
        %sub3A_290 = vector.broadcast %sub3A_289 : i32 to vector<16xi32>
        %sub3A_291 = arith.subi %get3A_288, %sub3A_290 : vector<16xi32>
        %ge3A_292 = arith.constant 0 : i32
        %ge3A_293 = vector.broadcast %ge3A_292 : i32 to vector<16xi32>
        %ge3A_294 = arith.cmpi sge, %sub3A_291, %ge3A_293 : vector<16xi32>
        %lt3A_295 = arith.constant 1024 : i32
        %lt3A_296 = vector.broadcast %lt3A_295 : i32 to vector<16xi32>
        %lt3A_297 = arith.cmpi slt, %sub3A_291, %lt3A_296 : vector<16xi32>
        %and3A_298 = arith.andi %ge3A_294, %lt3A_297 : vector<16xi1>
        %broadcast_in_dim3A_299 = arith.constant 1024 : i32
        %broadcast_in_dim3A_300 = vector.broadcast %broadcast_in_dim3A_299 : i32 to vector<16xi32>
        %select_n3A_301 = arith.select %and3A_298, %sub3A_291, %broadcast_in_dim3A_300 : vector<16xi1>, vector<16xi32>
        %add3A_302 = vector.broadcast %mul3A_4 : i32 to vector<16xi32>
        %add3A_303 = arith.addi %add3A_302, %select_n3A_301 : vector<16xi32>
        %mul3A_304 = arith.constant 16 : i32
        %mul3A_305 = arith.muli %scan3A_279, %mul3A_304 : i32
        %swap3A_306 = arith.index_cast %mul3A_305 : i32 to index
        %swap3A_307 = tpu.vector_load %arg9[%swap3A_306] {strides = array<i32>} : memref<256xi32, #tpu.memory_space<vmem>>, vector<16xi32>,
        %swap3A_308 = vector.shape_cast %swap3A_307 : vector<16xi32> to vector<16xi32>
        %swap3A_309 = vector.shape_cast %add3A_303 : vector<16xi32> to vector<16xi32>
        tpu.vector_store %arg9[%swap3A_306], %swap3A_309 {strides = array<i32>} : memref<256xi32, #tpu.memory_space<vmem>>, vector<16xi32>,
        %scan3A_310 = arith.constant 3 : i32
        %scan3A_311 = arith.addi %scan3A_222, %scan3A_310 : i32
        %add3A_312 = arith.constant 16 : i32
        %add3A_313 = arith.addi %add3A_312, %scan3A_311 : i32
        %mul3A_314 = arith.constant 16 : i32
        %mul3A_315 = arith.muli %add3A_313, %mul3A_314 : i32
        %add3A_316 = arith.constant 1024 : i32
        %add3A_317 = arith.addi %add3A_316, %mul3A_315 : i32
        %get3A_318 = arith.index_cast %add3A_317 : i32 to index
        %get3A_319 = tpu.vector_load %arg6[%get3A_318] {strides = array<i32>} : memref<3072xi32, #tpu.memory_space<vmem>>, vector<16xi32>,
        %get3A_320 = vector.shape_cast %get3A_319 : vector<16xi32> to vector<16xi32>
        %sub3A_321 = arith.constant 0 : i32
        %sub3A_322 = vector.broadcast %sub3A_321 : i32 to vector<16xi32>
        %sub3A_323 = arith.subi %get3A_320, %sub3A_322 : vector<16xi32>
        %ge3A_324 = arith.constant 0 : i32
        %ge3A_325 = vector.broadcast %ge3A_324 : i32 to vector<16xi32>
        %ge3A_326 = arith.cmpi sge, %sub3A_323, %ge3A_325 : vector<16xi32>
        %lt3A_327 = arith.constant 1024 : i32
        %lt3A_328 = vector.broadcast %lt3A_327 : i32 to vector<16xi32>
        %lt3A_329 = arith.cmpi slt, %sub3A_323, %lt3A_328 : vector<16xi32>
        %and3A_330 = arith.andi %ge3A_326, %lt3A_329 : vector<16xi1>
        %broadcast_in_dim3A_331 = arith.constant 1024 : i32
        %broadcast_in_dim3A_332 = vector.broadcast %broadcast_in_dim3A_331 : i32 to vector<16xi32>
        %select_n3A_333 = arith.select %and3A_330, %sub3A_323, %broadcast_in_dim3A_332 : vector<16xi1>, vector<16xi32>
        %add3A_334 = vector.broadcast %mul3A_4 : i32 to vector<16xi32>
        %add3A_335 = arith.addi %add3A_334, %select_n3A_333 : vector<16xi32>
        %mul3A_336 = arith.constant 16 : i32
        %mul3A_337 = arith.muli %scan3A_311, %mul3A_336 : i32
        %swap3A_338 = arith.index_cast %mul3A_337 : i32 to index
        %swap3A_339 = tpu.vector_load %arg9[%swap3A_338] {strides = array<i32>} : memref<256xi32, #tpu.memory_space<vmem>>, vector<16xi32>,
        %swap3A_340 = vector.shape_cast %swap3A_339 : vector<16xi32> to vector<16xi32>
        %swap3A_341 = vector.shape_cast %add3A_335 : vector<16xi32> to vector<16xi32>
        tpu.vector_store %arg9[%swap3A_338], %swap3A_341 {strides = array<i32>} : memref<256xi32, #tpu.memory_space<vmem>>, vector<16xi32>,
      }
      %scan3A_123 = arith.constant 16 : i32
      %scan3A_124 = arith.constant 0 : i32
      %scan3A_125 = arith.constant 0 : i32
      %scan3A_126 = arith.constant 16 : i32
      %scan3A_127 = arith.addi %scan3A_125, %scan3A_126 : i32
      %scan3A_128 = arith.constant 4 : i32
      scf.for %scan3A_222 = %scan3A_125 to %scan3A_127 step %scan3A_128  : i32 {
        %add3A_223 = arith.constant 32 : i32
        %add3A_224 = arith.addi %add3A_223, %scan3A_222 : i32
        %mul3A_225 = arith.constant 16 : i32
        %mul3A_226 = arith.muli %add3A_224, %mul3A_225 : i32
        %add3A_227 = arith.constant 1024 : i32
        %add3A_228 = arith.addi %add3A_227, %mul3A_226 : i32
        %get3A = arith.index_cast %add3A_228 : i32 to index
        %get3A_229 = tpu.vector_load %arg6[%get3A] {strides = array<i32>} : memref<3072xi32, #tpu.memory_space<vmem>>, vector<16xi32>,
        %get3A_230 = vector.shape_cast %get3A_229 : vector<16xi32> to vector<16xi32>
        %sub3A = arith.constant 0 : i32
        %sub3A_231 = vector.broadcast %sub3A : i32 to vector<16xi32>
        %sub3A_232 = arith.subi %get3A_230, %sub3A_231 : vector<16xi32>
        %ge3A = arith.constant 0 : i32
        %ge3A_233 = vector.broadcast %ge3A : i32 to vector<16xi32>
        %ge3A_234 = arith.cmpi sge, %sub3A_232, %ge3A_233 : vector<16xi32>
        %lt3A_235 = arith.constant 1024 : i32
        %lt3A_236 = vector.broadcast %lt3A_235 : i32 to vector<16xi32>
        %lt3A_237 = arith.cmpi slt, %sub3A_232, %lt3A_236 : vector<16xi32>
        %and3A = arith.andi %ge3A_234, %lt3A_237 : vector<16xi1>
        %broadcast_in_dim3A = arith.constant 1024 : i32
        %broadcast_in_dim3A_238 = vector.broadcast %broadcast_in_dim3A : i32 to vector<16xi32>
        %select_n3A = arith.select %and3A, %sub3A_232, %broadcast_in_dim3A_238 : vector<16xi1>, vector<16xi32>
        %add3A_239 = vector.broadcast %mul3A_4 : i32 to vector<16xi32>
        %add3A_240 = arith.addi %add3A_239, %select_n3A : vector<16xi32>
        %mul3A_241 = arith.constant 16 : i32
        %mul3A_242 = arith.muli %scan3A_222, %mul3A_241 : i32
        %swap3A = arith.index_cast %mul3A_242 : i32 to index
        %swap3A_243 = tpu.vector_load %arg10[%swap3A] {strides = array<i32>} : memref<256xi32, #tpu.memory_space<vmem>>, vector<16xi32>,
        %swap3A_244 = vector.shape_cast %swap3A_243 : vector<16xi32> to vector<16xi32>
        %swap3A_245 = vector.shape_cast %add3A_240 : vector<16xi32> to vector<16xi32>
        tpu.vector_store %arg10[%swap3A], %swap3A_245 {strides = array<i32>} : memref<256xi32, #tpu.memory_space<vmem>>, vector<16xi32>,
        %scan3A_246 = arith.constant 1 : i32
        %scan3A_247 = arith.addi %scan3A_222, %scan3A_246 : i32
        %add3A_248 = arith.constant 32 : i32
        %add3A_249 = arith.addi %add3A_248, %scan3A_247 : i32
        %mul3A_250 = arith.constant 16 : i32
        %mul3A_251 = arith.muli %add3A_249, %mul3A_250 : i32
        %add3A_252 = arith.constant 1024 : i32
        %add3A_253 = arith.addi %add3A_252, %mul3A_251 : i32
        %get3A_254 = arith.index_cast %add3A_253 : i32 to index
        %get3A_255 = tpu.vector_load %arg6[%get3A_254] {strides = array<i32>} : memref<3072xi32, #tpu.memory_space<vmem>>, vector<16xi32>,
        %get3A_256 = vector.shape_cast %get3A_255 : vector<16xi32> to vector<16xi32>
        %sub3A_257 = arith.constant 0 : i32
        %sub3A_258 = vector.broadcast %sub3A_257 : i32 to vector<16xi32>
        %sub3A_259 = arith.subi %get3A_256, %sub3A_258 : vector<16xi32>
        %ge3A_260 = arith.constant 0 : i32
        %ge3A_261 = vector.broadcast %ge3A_260 : i32 to vector<16xi32>
        %ge3A_262 = arith.cmpi sge, %sub3A_259, %ge3A_261 : vector<16xi32>
        %lt3A_263 = arith.constant 1024 : i32
        %lt3A_264 = vector.broadcast %lt3A_263 : i32 to vector<16xi32>
        %lt3A_265 = arith.cmpi slt, %sub3A_259, %lt3A_264 : vector<16xi32>
        %and3A_266 = arith.andi %ge3A_262, %lt3A_265 : vector<16xi1>
        %broadcast_in_dim3A_267 = arith.constant 1024 : i32
        %broadcast_in_dim3A_268 = vector.broadcast %broadcast_in_dim3A_267 : i32 to vector<16xi32>
        %select_n3A_269 = arith.select %and3A_266, %sub3A_259, %broadcast_in_dim3A_268 : vector<16xi1>, vector<16xi32>
        %add3A_270 = vector.broadcast %mul3A_4 : i32 to vector<16xi32>
        %add3A_271 = arith.addi %add3A_270, %select_n3A_269 : vector<16xi32>
        %mul3A_272 = arith.constant 16 : i32
        %mul3A_273 = arith.muli %scan3A_247, %mul3A_272 : i32
        %swap3A_274 = arith.index_cast %mul3A_273 : i32 to index
        %swap3A_275 = tpu.vector_load %arg10[%swap3A_274] {strides = array<i32>} : memref<256xi32, #tpu.memory_space<vmem>>, vector<16xi32>,
        %swap3A_276 = vector.shape_cast %swap3A_275 : vector<16xi32> to vector<16xi32>
        %swap3A_277 = vector.shape_cast %add3A_271 : vector<16xi32> to vector<16xi32>
        tpu.vector_store %arg10[%swap3A_274], %swap3A_277 {strides = array<i32>} : memref<256xi32, #tpu.memory_space<vmem>>, vector<16xi32>,
        %scan3A_278 = arith.constant 2 : i32
        %scan3A_279 = arith.addi %scan3A_222, %scan3A_278 : i32
        %add3A_280 = arith.constant 32 : i32
        %add3A_281 = arith.addi %add3A_280, %scan3A_279 : i32
        %mul3A_282 = arith.constant 16 : i32
        %mul3A_283 = arith.muli %add3A_281, %mul3A_282 : i32
        %add3A_284 = arith.constant 1024 : i32
        %add3A_285 = arith.addi %add3A_284, %mul3A_283 : i32
        %get3A_286 = arith.index_cast %add3A_285 : i32 to index
        %get3A_287 = tpu.vector_load %arg6[%get3A_286] {strides = array<i32>} : memref<3072xi32, #tpu.memory_space<vmem>>, vector<16xi32>,
        %get3A_288 = vector.shape_cast %get3A_287 : vector<16xi32> to vector<16xi32>
        %sub3A_289 = arith.constant 0 : i32
        %sub3A_290 = vector.broadcast %sub3A_289 : i32 to vector<16xi32>
        %sub3A_291 = arith.subi %get3A_288, %sub3A_290 : vector<16xi32>
        %ge3A_292 = arith.constant 0 : i32
        %ge3A_293 = vector.broadcast %ge3A_292 : i32 to vector<16xi32>
        %ge3A_294 = arith.cmpi sge, %sub3A_291, %ge3A_293 : vector<16xi32>
        %lt3A_295 = arith.constant 1024 : i32
        %lt3A_296 = vector.broadcast %lt3A_295 : i32 to vector<16xi32>
        %lt3A_297 = arith.cmpi slt, %sub3A_291, %lt3A_296 : vector<16xi32>
        %and3A_298 = arith.andi %ge3A_294, %lt3A_297 : vector<16xi1>
        %broadcast_in_dim3A_299 = arith.constant 1024 : i32
        %broadcast_in_dim3A_300 = vector.broadcast %broadcast_in_dim3A_299 : i32 to vector<16xi32>
        %select_n3A_301 = arith.select %and3A_298, %sub3A_291, %broadcast_in_dim3A_300 : vector<16xi1>, vector<16xi32>
        %add3A_302 = vector.broadcast %mul3A_4 : i32 to vector<16xi32>
        %add3A_303 = arith.addi %add3A_302, %select_n3A_301 : vector<16xi32>
        %mul3A_304 = arith.constant 16 : i32
        %mul3A_305 = arith.muli %scan3A_279, %mul3A_304 : i32
        %swap3A_306 = arith.index_cast %mul3A_305 : i32 to index
        %swap3A_307 = tpu.vector_load %arg10[%swap3A_306] {strides = array<i32>} : memref<256xi32, #tpu.memory_space<vmem>>, vector<16xi32>,
        %swap3A_308 = vector.shape_cast %swap3A_307 : vector<16xi32> to vector<16xi32>
        %swap3A_309 = vector.shape_cast %add3A_303 : vector<16xi32> to vector<16xi32>
        tpu.vector_store %arg10[%swap3A_306], %swap3A_309 {strides = array<i32>} : memref<256xi32, #tpu.memory_space<vmem>>, vector<16xi32>,
        %scan3A_310 = arith.constant 3 : i32
        %scan3A_311 = arith.addi %scan3A_222, %scan3A_310 : i32
        %add3A_312 = arith.constant 32 : i32
        %add3A_313 = arith.addi %add3A_312, %scan3A_311 : i32
        %mul3A_314 = arith.constant 16 : i32
        %mul3A_315 = arith.muli %add3A_313, %mul3A_314 : i32
        %add3A_316 = arith.constant 1024 : i32
        %add3A_317 = arith.addi %add3A_316, %mul3A_315 : i32
        %get3A_318 = arith.index_cast %add3A_317 : i32 to index
        %get3A_319 = tpu.vector_load %arg6[%get3A_318] {strides = array<i32>} : memref<3072xi32, #tpu.memory_space<vmem>>, vector<16xi32>,
        %get3A_320 = vector.shape_cast %get3A_319 : vector<16xi32> to vector<16xi32>
        %sub3A_321 = arith.constant 0 : i32
        %sub3A_322 = vector.broadcast %sub3A_321 : i32 to vector<16xi32>
        %sub3A_323 = arith.subi %get3A_320, %sub3A_322 : vector<16xi32>
        %ge3A_324 = arith.constant 0 : i32
        %ge3A_325 = vector.broadcast %ge3A_324 : i32 to vector<16xi32>
        %ge3A_326 = arith.cmpi sge, %sub3A_323, %ge3A_325 : vector<16xi32>
        %lt3A_327 = arith.constant 1024 : i32
        %lt3A_328 = vector.broadcast %lt3A_327 : i32 to vector<16xi32>
        %lt3A_329 = arith.cmpi slt, %sub3A_323, %lt3A_328 : vector<16xi32>
        %and3A_330 = arith.andi %ge3A_326, %lt3A_329 : vector<16xi1>
        %broadcast_in_dim3A_331 = arith.constant 1024 : i32
        %broadcast_in_dim3A_332 = vector.broadcast %broadcast_in_dim3A_331 : i32 to vector<16xi32>
        %select_n3A_333 = arith.select %and3A_330, %sub3A_323, %broadcast_in_dim3A_332 : vector<16xi1>, vector<16xi32>
        %add3A_334 = vector.broadcast %mul3A_4 : i32 to vector<16xi32>
        %add3A_335 = arith.addi %add3A_334, %select_n3A_333 : vector<16xi32>
        %mul3A_336 = arith.constant 16 : i32
        %mul3A_337 = arith.muli %scan3A_311, %mul3A_336 : i32
        %swap3A_338 = arith.index_cast %mul3A_337 : i32 to index
        %swap3A_339 = tpu.vector_load %arg10[%swap3A_338] {strides = array<i32>} : memref<256xi32, #tpu.memory_space<vmem>>, vector<16xi32>,
        %swap3A_340 = vector.shape_cast %swap3A_339 : vector<16xi32> to vector<16xi32>
        %swap3A_341 = vector.shape_cast %add3A_335 : vector<16xi32> to vector<16xi32>
        tpu.vector_store %arg10[%swap3A_338], %swap3A_341 {strides = array<i32>} : memref<256xi32, #tpu.memory_space<vmem>>, vector<16xi32>,
      }
      %scan3A_129 = arith.constant 16 : i32
      %scan3A_130 = arith.constant 0 : i32
      %scan3A_131 = arith.constant 0 : i32
      %scan3A_132 = arith.constant 16 : i32
      %scan3A_133 = arith.addi %scan3A_131, %scan3A_132 : i32
      %scan3A_134 = arith.constant 4 : i32
      scf.for %scan3A_222 = %scan3A_131 to %scan3A_133 step %scan3A_134  : i32 {
        %add3A_223 = arith.constant 48 : i32
        %add3A_224 = arith.addi %add3A_223, %scan3A_222 : i32
        %mul3A_225 = arith.constant 16 : i32
        %mul3A_226 = arith.muli %add3A_224, %mul3A_225 : i32
        %add3A_227 = arith.constant 1024 : i32
        %add3A_228 = arith.addi %add3A_227, %mul3A_226 : i32
        %get3A = arith.index_cast %add3A_228 : i32 to index
        %get3A_229 = tpu.vector_load %arg6[%get3A] {strides = array<i32>} : memref<3072xi32, #tpu.memory_space<vmem>>, vector<16xi32>,
        %get3A_230 = vector.shape_cast %get3A_229 : vector<16xi32> to vector<16xi32>
        %sub3A = arith.constant 0 : i32
        %sub3A_231 = vector.broadcast %sub3A : i32 to vector<16xi32>
        %sub3A_232 = arith.subi %get3A_230, %sub3A_231 : vector<16xi32>
        %ge3A = arith.constant 0 : i32
        %ge3A_233 = vector.broadcast %ge3A : i32 to vector<16xi32>
        %ge3A_234 = arith.cmpi sge, %sub3A_232, %ge3A_233 : vector<16xi32>
        %lt3A_235 = arith.constant 1024 : i32
        %lt3A_236 = vector.broadcast %lt3A_235 : i32 to vector<16xi32>
        %lt3A_237 = arith.cmpi slt, %sub3A_232, %lt3A_236 : vector<16xi32>
        %and3A = arith.andi %ge3A_234, %lt3A_237 : vector<16xi1>
        %broadcast_in_dim3A = arith.constant 1024 : i32
        %broadcast_in_dim3A_238 = vector.broadcast %broadcast_in_dim3A : i32 to vector<16xi32>
        %select_n3A = arith.select %and3A, %sub3A_232, %broadcast_in_dim3A_238 : vector<16xi1>, vector<16xi32>
        %add3A_239 = vector.broadcast %mul3A_4 : i32 to vector<16xi32>
        %add3A_240 = arith.addi %add3A_239, %select_n3A : vector<16xi32>
        %mul3A_241 = arith.constant 16 : i32
        %mul3A_242 = arith.muli %scan3A_222, %mul3A_241 : i32
        %swap3A = arith.index_cast %mul3A_242 : i32 to index
        %swap3A_243 = tpu.vector_load %arg11[%swap3A] {strides = array<i32>} : memref<256xi32, #tpu.memory_space<vmem>>, vector<16xi32>,
        %swap3A_244 = vector.shape_cast %swap3A_243 : vector<16xi32> to vector<16xi32>
        %swap3A_245 = vector.shape_cast %add3A_240 : vector<16xi32> to vector<16xi32>
        tpu.vector_store %arg11[%swap3A], %swap3A_245 {strides = array<i32>} : memref<256xi32, #tpu.memory_space<vmem>>, vector<16xi32>,
        %scan3A_246 = arith.constant 1 : i32
        %scan3A_247 = arith.addi %scan3A_222, %scan3A_246 : i32
        %add3A_248 = arith.constant 48 : i32
        %add3A_249 = arith.addi %add3A_248, %scan3A_247 : i32
        %mul3A_250 = arith.constant 16 : i32
        %mul3A_251 = arith.muli %add3A_249, %mul3A_250 : i32
        %add3A_252 = arith.constant 1024 : i32
        %add3A_253 = arith.addi %add3A_252, %mul3A_251 : i32
        %get3A_254 = arith.index_cast %add3A_253 : i32 to index
        %get3A_255 = tpu.vector_load %arg6[%get3A_254] {strides = array<i32>} : memref<3072xi32, #tpu.memory_space<vmem>>, vector<16xi32>,
        %get3A_256 = vector.shape_cast %get3A_255 : vector<16xi32> to vector<16xi32>
        %sub3A_257 = arith.constant 0 : i32
        %sub3A_258 = vector.broadcast %sub3A_257 : i32 to vector<16xi32>
        %sub3A_259 = arith.subi %get3A_256, %sub3A_258 : vector<16xi32>
        %ge3A_260 = arith.constant 0 : i32
        %ge3A_261 = vector.broadcast %ge3A_260 : i32 to vector<16xi32>
        %ge3A_262 = arith.cmpi sge, %sub3A_259, %ge3A_261 : vector<16xi32>
        %lt3A_263 = arith.constant 1024 : i32
        %lt3A_264 = vector.broadcast %lt3A_263 : i32 to vector<16xi32>
        %lt3A_265 = arith.cmpi slt, %sub3A_259, %lt3A_264 : vector<16xi32>
        %and3A_266 = arith.andi %ge3A_262, %lt3A_265 : vector<16xi1>
        %broadcast_in_dim3A_267 = arith.constant 1024 : i32
        %broadcast_in_dim3A_268 = vector.broadcast %broadcast_in_dim3A_267 : i32 to vector<16xi32>
        %select_n3A_269 = arith.select %and3A_266, %sub3A_259, %broadcast_in_dim3A_268 : vector<16xi1>, vector<16xi32>
        %add3A_270 = vector.broadcast %mul3A_4 : i32 to vector<16xi32>
        %add3A_271 = arith.addi %add3A_270, %select_n3A_269 : vector<16xi32>
        %mul3A_272 = arith.constant 16 : i32
        %mul3A_273 = arith.muli %scan3A_247, %mul3A_272 : i32
        %swap3A_274 = arith.index_cast %mul3A_273 : i32 to index
        %swap3A_275 = tpu.vector_load %arg11[%swap3A_274] {strides = array<i32>} : memref<256xi32, #tpu.memory_space<vmem>>, vector<16xi32>,
        %swap3A_276 = vector.shape_cast %swap3A_275 : vector<16xi32> to vector<16xi32>
        %swap3A_277 = vector.shape_cast %add3A_271 : vector<16xi32> to vector<16xi32>
        tpu.vector_store %arg11[%swap3A_274], %swap3A_277 {strides = array<i32>} : memref<256xi32, #tpu.memory_space<vmem>>, vector<16xi32>,
        %scan3A_278 = arith.constant 2 : i32
        %scan3A_279 = arith.addi %scan3A_222, %scan3A_278 : i32
        %add3A_280 = arith.constant 48 : i32
        %add3A_281 = arith.addi %add3A_280, %scan3A_279 : i32
        %mul3A_282 = arith.constant 16 : i32
        %mul3A_283 = arith.muli %add3A_281, %mul3A_282 : i32
        %add3A_284 = arith.constant 1024 : i32
        %add3A_285 = arith.addi %add3A_284, %mul3A_283 : i32
        %get3A_286 = arith.index_cast %add3A_285 : i32 to index
        %get3A_287 = tpu.vector_load %arg6[%get3A_286] {strides = array<i32>} : memref<3072xi32, #tpu.memory_space<vmem>>, vector<16xi32>,
        %get3A_288 = vector.shape_cast %get3A_287 : vector<16xi32> to vector<16xi32>
        %sub3A_289 = arith.constant 0 : i32
        %sub3A_290 = vector.broadcast %sub3A_289 : i32 to vector<16xi32>
        %sub3A_291 = arith.subi %get3A_288, %sub3A_290 : vector<16xi32>
        %ge3A_292 = arith.constant 0 : i32
        %ge3A_293 = vector.broadcast %ge3A_292 : i32 to vector<16xi32>
        %ge3A_294 = arith.cmpi sge, %sub3A_291, %ge3A_293 : vector<16xi32>
        %lt3A_295 = arith.constant 1024 : i32
        %lt3A_296 = vector.broadcast %lt3A_295 : i32 to vector<16xi32>
        %lt3A_297 = arith.cmpi slt, %sub3A_291, %lt3A_296 : vector<16xi32>
        %and3A_298 = arith.andi %ge3A_294, %lt3A_297 : vector<16xi1>
        %broadcast_in_dim3A_299 = arith.constant 1024 : i32
        %broadcast_in_dim3A_300 = vector.broadcast %broadcast_in_dim3A_299 : i32 to vector<16xi32>
        %select_n3A_301 = arith.select %and3A_298, %sub3A_291, %broadcast_in_dim3A_300 : vector<16xi1>, vector<16xi32>
        %add3A_302 = vector.broadcast %mul3A_4 : i32 to vector<16xi32>
        %add3A_303 = arith.addi %add3A_302, %select_n3A_301 : vector<16xi32>
        %mul3A_304 = arith.constant 16 : i32
        %mul3A_305 = arith.muli %scan3A_279, %mul3A_304 : i32
        %swap3A_306 = arith.index_cast %mul3A_305 : i32 to index
        %swap3A_307 = tpu.vector_load %arg11[%swap3A_306] {strides = array<i32>} : memref<256xi32, #tpu.memory_space<vmem>>, vector<16xi32>,
        %swap3A_308 = vector.shape_cast %swap3A_307 : vector<16xi32> to vector<16xi32>
        %swap3A_309 = vector.shape_cast %add3A_303 : vector<16xi32> to vector<16xi32>
        tpu.vector_store %arg11[%swap3A_306], %swap3A_309 {strides = array<i32>} : memref<256xi32, #tpu.memory_space<vmem>>, vector<16xi32>,
        %scan3A_310 = arith.constant 3 : i32
        %scan3A_311 = arith.addi %scan3A_222, %scan3A_310 : i32
        %add3A_312 = arith.constant 48 : i32
        %add3A_313 = arith.addi %add3A_312, %scan3A_311 : i32
        %mul3A_314 = arith.constant 16 : i32
        %mul3A_315 = arith.muli %add3A_313, %mul3A_314 : i32
        %add3A_316 = arith.constant 1024 : i32
        %add3A_317 = arith.addi %add3A_316, %mul3A_315 : i32
        %get3A_318 = arith.index_cast %add3A_317 : i32 to index
        %get3A_319 = tpu.vector_load %arg6[%get3A_318] {strides = array<i32>} : memref<3072xi32, #tpu.memory_space<vmem>>, vector<16xi32>,
        %get3A_320 = vector.shape_cast %get3A_319 : vector<16xi32> to vector<16xi32>
        %sub3A_321 = arith.constant 0 : i32
        %sub3A_322 = vector.broadcast %sub3A_321 : i32 to vector<16xi32>
        %sub3A_323 = arith.subi %get3A_320, %sub3A_322 : vector<16xi32>
        %ge3A_324 = arith.constant 0 : i32
        %ge3A_325 = vector.broadcast %ge3A_324 : i32 to vector<16xi32>
        %ge3A_326 = arith.cmpi sge, %sub3A_323, %ge3A_325 : vector<16xi32>
        %lt3A_327 = arith.constant 1024 : i32
        %lt3A_328 = vector.broadcast %lt3A_327 : i32 to vector<16xi32>
        %lt3A_329 = arith.cmpi slt, %sub3A_323, %lt3A_328 : vector<16xi32>
        %and3A_330 = arith.andi %ge3A_326, %lt3A_329 : vector<16xi1>
        %broadcast_in_dim3A_331 = arith.constant 1024 : i32
        %broadcast_in_dim3A_332 = vector.broadcast %broadcast_in_dim3A_331 : i32 to vector<16xi32>
        %select_n3A_333 = arith.select %and3A_330, %sub3A_323, %broadcast_in_dim3A_332 : vector<16xi1>, vector<16xi32>
        %add3A_334 = vector.broadcast %mul3A_4 : i32 to vector<16xi32>
        %add3A_335 = arith.addi %add3A_334, %select_n3A_333 : vector<16xi32>
        %mul3A_336 = arith.constant 16 : i32
        %mul3A_337 = arith.muli %scan3A_311, %mul3A_336 : i32
        %swap3A_338 = arith.index_cast %mul3A_337 : i32 to index
        %swap3A_339 = tpu.vector_load %arg11[%swap3A_338] {strides = array<i32>} : memref<256xi32, #tpu.memory_space<vmem>>, vector<16xi32>,
        %swap3A_340 = vector.shape_cast %swap3A_339 : vector<16xi32> to vector<16xi32>
        %swap3A_341 = vector.shape_cast %add3A_335 : vector<16xi32> to vector<16xi32>
        tpu.vector_store %arg11[%swap3A_338], %swap3A_341 {strides = array<i32>} : memref<256xi32, #tpu.memory_space<vmem>>, vector<16xi32>,
      }
      %scan3A_135 = arith.constant 16 : i32
      %scan3A_136 = arith.constant 0 : i32
      %scan3A_137 = arith.constant 0 : i32
      %scan3A_138 = arith.constant 16 : i32
      %scan3A_139 = arith.addi %scan3A_137, %scan3A_138 : i32
      %scan3A_140 = arith.constant 4 : i32
      scf.for %scan3A_222 = %scan3A_137 to %scan3A_139 step %scan3A_140  : i32 {
        %add3A_223 = arith.constant 64 : i32
        %add3A_224 = arith.addi %add3A_223, %scan3A_222 : i32
        %mul3A_225 = arith.constant 16 : i32
        %mul3A_226 = arith.muli %add3A_224, %mul3A_225 : i32
        %add3A_227 = arith.constant 1024 : i32
        %add3A_228 = arith.addi %add3A_227, %mul3A_226 : i32
        %get3A = arith.index_cast %add3A_228 : i32 to index
        %get3A_229 = tpu.vector_load %arg6[%get3A] {strides = array<i32>} : memref<3072xi32, #tpu.memory_space<vmem>>, vector<16xi32>,
        %get3A_230 = vector.shape_cast %get3A_229 : vector<16xi32> to vector<16xi32>
        %sub3A = arith.constant 0 : i32
        %sub3A_231 = vector.broadcast %sub3A : i32 to vector<16xi32>
        %sub3A_232 = arith.subi %get3A_230, %sub3A_231 : vector<16xi32>
        %ge3A = arith.constant 0 : i32
        %ge3A_233 = vector.broadcast %ge3A : i32 to vector<16xi32>
        %ge3A_234 = arith.cmpi sge, %sub3A_232, %ge3A_233 : vector<16xi32>
        %lt3A_235 = arith.constant 1024 : i32
        %lt3A_236 = vector.broadcast %lt3A_235 : i32 to vector<16xi32>
        %lt3A_237 = arith.cmpi slt, %sub3A_232, %lt3A_236 : vector<16xi32>
        %and3A = arith.andi %ge3A_234, %lt3A_237 : vector<16xi1>
        %broadcast_in_dim3A = arith.constant 1024 : i32
        %broadcast_in_dim3A_238 = vector.broadcast %broadcast_in_dim3A : i32 to vector<16xi32>
        %select_n3A = arith.select %and3A, %sub3A_232, %broadcast_in_dim3A_238 : vector<16xi1>, vector<16xi32>
        %add3A_239 = vector.broadcast %mul3A_4 : i32 to vector<16xi32>
        %add3A_240 = arith.addi %add3A_239, %select_n3A : vector<16xi32>
        %mul3A_241 = arith.constant 16 : i32
        %mul3A_242 = arith.muli %scan3A_222, %mul3A_241 : i32
        %swap3A = arith.index_cast %mul3A_242 : i32 to index
        %swap3A_243 = tpu.vector_load %arg12[%swap3A] {strides = array<i32>} : memref<256xi32, #tpu.memory_space<vmem>>, vector<16xi32>,
        %swap3A_244 = vector.shape_cast %swap3A_243 : vector<16xi32> to vector<16xi32>
        %swap3A_245 = vector.shape_cast %add3A_240 : vector<16xi32> to vector<16xi32>
        tpu.vector_store %arg12[%swap3A], %swap3A_245 {strides = array<i32>} : memref<256xi32, #tpu.memory_space<vmem>>, vector<16xi32>,
        %scan3A_246 = arith.constant 1 : i32
        %scan3A_247 = arith.addi %scan3A_222, %scan3A_246 : i32
        %add3A_248 = arith.constant 64 : i32
        %add3A_249 = arith.addi %add3A_248, %scan3A_247 : i32
        %mul3A_250 = arith.constant 16 : i32
        %mul3A_251 = arith.muli %add3A_249, %mul3A_250 : i32
        %add3A_252 = arith.constant 1024 : i32
        %add3A_253 = arith.addi %add3A_252, %mul3A_251 : i32
        %get3A_254 = arith.index_cast %add3A_253 : i32 to index
        %get3A_255 = tpu.vector_load %arg6[%get3A_254] {strides = array<i32>} : memref<3072xi32, #tpu.memory_space<vmem>>, vector<16xi32>,
        %get3A_256 = vector.shape_cast %get3A_255 : vector<16xi32> to vector<16xi32>
        %sub3A_257 = arith.constant 0 : i32
        %sub3A_258 = vector.broadcast %sub3A_257 : i32 to vector<16xi32>
        %sub3A_259 = arith.subi %get3A_256, %sub3A_258 : vector<16xi32>
        %ge3A_260 = arith.constant 0 : i32
        %ge3A_261 = vector.broadcast %ge3A_260 : i32 to vector<16xi32>
        %ge3A_262 = arith.cmpi sge, %sub3A_259, %ge3A_261 : vector<16xi32>
        %lt3A_263 = arith.constant 1024 : i32
        %lt3A_264 = vector.broadcast %lt3A_263 : i32 to vector<16xi32>
        %lt3A_265 = arith.cmpi slt, %sub3A_259, %lt3A_264 : vector<16xi32>
        %and3A_266 = arith.andi %ge3A_262, %lt3A_265 : vector<16xi1>
        %broadcast_in_dim3A_267 = arith.constant 1024 : i32
        %broadcast_in_dim3A_268 = vector.broadcast %broadcast_in_dim3A_267 : i32 to vector<16xi32>
        %select_n3A_269 = arith.select %and3A_266, %sub3A_259, %broadcast_in_dim3A_268 : vector<16xi1>, vector<16xi32>
        %add3A_270 = vector.broadcast %mul3A_4 : i32 to vector<16xi32>
        %add3A_271 = arith.addi %add3A_270, %select_n3A_269 : vector<16xi32>
        %mul3A_272 = arith.constant 16 : i32
        %mul3A_273 = arith.muli %scan3A_247, %mul3A_272 : i32
        %swap3A_274 = arith.index_cast %mul3A_273 : i32 to index
        %swap3A_275 = tpu.vector_load %arg12[%swap3A_274] {strides = array<i32>} : memref<256xi32, #tpu.memory_space<vmem>>, vector<16xi32>,
        %swap3A_276 = vector.shape_cast %swap3A_275 : vector<16xi32> to vector<16xi32>
        %swap3A_277 = vector.shape_cast %add3A_271 : vector<16xi32> to vector<16xi32>
        tpu.vector_store %arg12[%swap3A_274], %swap3A_277 {strides = array<i32>} : memref<256xi32, #tpu.memory_space<vmem>>, vector<16xi32>,
        %scan3A_278 = arith.constant 2 : i32
        %scan3A_279 = arith.addi %scan3A_222, %scan3A_278 : i32
        %add3A_280 = arith.constant 64 : i32
        %add3A_281 = arith.addi %add3A_280, %scan3A_279 : i32
        %mul3A_282 = arith.constant 16 : i32
        %mul3A_283 = arith.muli %add3A_281, %mul3A_282 : i32
        %add3A_284 = arith.constant 1024 : i32
        %add3A_285 = arith.addi %add3A_284, %mul3A_283 : i32
        %get3A_286 = arith.index_cast %add3A_285 : i32 to index
        %get3A_287 = tpu.vector_load %arg6[%get3A_286] {strides = array<i32>} : memref<3072xi32, #tpu.memory_space<vmem>>, vector<16xi32>,
        %get3A_288 = vector.shape_cast %get3A_287 : vector<16xi32> to vector<16xi32>
        %sub3A_289 = arith.constant 0 : i32
        %sub3A_290 = vector.broadcast %sub3A_289 : i32 to vector<16xi32>
        %sub3A_291 = arith.subi %get3A_288, %sub3A_290 : vector<16xi32>
        %ge3A_292 = arith.constant 0 : i32
        %ge3A_293 = vector.broadcast %ge3A_292 : i32 to vector<16xi32>
        %ge3A_294 = arith.cmpi sge, %sub3A_291, %ge3A_293 : vector<16xi32>
        %lt3A_295 = arith.constant 1024 : i32
        %lt3A_296 = vector.broadcast %lt3A_295 : i32 to vector<16xi32>
        %lt3A_297 = arith.cmpi slt, %sub3A_291, %lt3A_296 : vector<16xi32>
        %and3A_298 = arith.andi %ge3A_294, %lt3A_297 : vector<16xi1>
        %broadcast_in_dim3A_299 = arith.constant 1024 : i32
        %broadcast_in_dim3A_300 = vector.broadcast %broadcast_in_dim3A_299 : i32 to vector<16xi32>
        %select_n3A_301 = arith.select %and3A_298, %sub3A_291, %broadcast_in_dim3A_300 : vector<16xi1>, vector<16xi32>
        %add3A_302 = vector.broadcast %mul3A_4 : i32 to vector<16xi32>
        %add3A_303 = arith.addi %add3A_302, %select_n3A_301 : vector<16xi32>
        %mul3A_304 = arith.constant 16 : i32
        %mul3A_305 = arith.muli %scan3A_279, %mul3A_304 : i32
        %swap3A_306 = arith.index_cast %mul3A_305 : i32 to index
        %swap3A_307 = tpu.vector_load %arg12[%swap3A_306] {strides = array<i32>} : memref<256xi32, #tpu.memory_space<vmem>>, vector<16xi32>,
        %swap3A_308 = vector.shape_cast %swap3A_307 : vector<16xi32> to vector<16xi32>
        %swap3A_309 = vector.shape_cast %add3A_303 : vector<16xi32> to vector<16xi32>
        tpu.vector_store %arg12[%swap3A_306], %swap3A_309 {strides = array<i32>} : memref<256xi32, #tpu.memory_space<vmem>>, vector<16xi32>,
        %scan3A_310 = arith.constant 3 : i32
        %scan3A_311 = arith.addi %scan3A_222, %scan3A_310 : i32
        %add3A_312 = arith.constant 64 : i32
        %add3A_313 = arith.addi %add3A_312, %scan3A_311 : i32
        %mul3A_314 = arith.constant 16 : i32
        %mul3A_315 = arith.muli %add3A_313, %mul3A_314 : i32
        %add3A_316 = arith.constant 1024 : i32
        %add3A_317 = arith.addi %add3A_316, %mul3A_315 : i32
        %get3A_318 = arith.index_cast %add3A_317 : i32 to index
        %get3A_319 = tpu.vector_load %arg6[%get3A_318] {strides = array<i32>} : memref<3072xi32, #tpu.memory_space<vmem>>, vector<16xi32>,
        %get3A_320 = vector.shape_cast %get3A_319 : vector<16xi32> to vector<16xi32>
        %sub3A_321 = arith.constant 0 : i32
        %sub3A_322 = vector.broadcast %sub3A_321 : i32 to vector<16xi32>
        %sub3A_323 = arith.subi %get3A_320, %sub3A_322 : vector<16xi32>
        %ge3A_324 = arith.constant 0 : i32
        %ge3A_325 = vector.broadcast %ge3A_324 : i32 to vector<16xi32>
        %ge3A_326 = arith.cmpi sge, %sub3A_323, %ge3A_325 : vector<16xi32>
        %lt3A_327 = arith.constant 1024 : i32
        %lt3A_328 = vector.broadcast %lt3A_327 : i32 to vector<16xi32>
        %lt3A_329 = arith.cmpi slt, %sub3A_323, %lt3A_328 : vector<16xi32>
        %and3A_330 = arith.andi %ge3A_326, %lt3A_329 : vector<16xi1>
        %broadcast_in_dim3A_331 = arith.constant 1024 : i32
        %broadcast_in_dim3A_332 = vector.broadcast %broadcast_in_dim3A_331 : i32 to vector<16xi32>
        %select_n3A_333 = arith.select %and3A_330, %sub3A_323, %broadcast_in_dim3A_332 : vector<16xi1>, vector<16xi32>
        %add3A_334 = vector.broadcast %mul3A_4 : i32 to vector<16xi32>
        %add3A_335 = arith.addi %add3A_334, %select_n3A_333 : vector<16xi32>
        %mul3A_336 = arith.constant 16 : i32
        %mul3A_337 = arith.muli %scan3A_311, %mul3A_336 : i32
        %swap3A_338 = arith.index_cast %mul3A_337 : i32 to index
        %swap3A_339 = tpu.vector_load %arg12[%swap3A_338] {strides = array<i32>} : memref<256xi32, #tpu.memory_space<vmem>>, vector<16xi32>,
        %swap3A_340 = vector.shape_cast %swap3A_339 : vector<16xi32> to vector<16xi32>
        %swap3A_341 = vector.shape_cast %add3A_335 : vector<16xi32> to vector<16xi32>
        tpu.vector_store %arg12[%swap3A_338], %swap3A_341 {strides = array<i32>} : memref<256xi32, #tpu.memory_space<vmem>>, vector<16xi32>,
      }
      %scan3A_141 = arith.constant 16 : i32
      %scan3A_142 = arith.constant 0 : i32
      %scan3A_143 = arith.constant 0 : i32
      %scan3A_144 = arith.constant 16 : i32
      %scan3A_145 = arith.addi %scan3A_143, %scan3A_144 : i32
      %scan3A_146 = arith.constant 4 : i32
      scf.for %scan3A_222 = %scan3A_143 to %scan3A_145 step %scan3A_146  : i32 {
        %add3A_223 = arith.constant 80 : i32
        %add3A_224 = arith.addi %add3A_223, %scan3A_222 : i32
        %mul3A_225 = arith.constant 16 : i32
        %mul3A_226 = arith.muli %add3A_224, %mul3A_225 : i32
        %add3A_227 = arith.constant 1024 : i32
        %add3A_228 = arith.addi %add3A_227, %mul3A_226 : i32
        %get3A = arith.index_cast %add3A_228 : i32 to index
        %get3A_229 = tpu.vector_load %arg6[%get3A] {strides = array<i32>} : memref<3072xi32, #tpu.memory_space<vmem>>, vector<16xi32>,
        %get3A_230 = vector.shape_cast %get3A_229 : vector<16xi32> to vector<16xi32>
        %sub3A = arith.constant 0 : i32
        %sub3A_231 = vector.broadcast %sub3A : i32 to vector<16xi32>
        %sub3A_232 = arith.subi %get3A_230, %sub3A_231 : vector<16xi32>
        %ge3A = arith.constant 0 : i32
        %ge3A_233 = vector.broadcast %ge3A : i32 to vector<16xi32>
        %ge3A_234 = arith.cmpi sge, %sub3A_232, %ge3A_233 : vector<16xi32>
        %lt3A_235 = arith.constant 1024 : i32
        %lt3A_236 = vector.broadcast %lt3A_235 : i32 to vector<16xi32>
        %lt3A_237 = arith.cmpi slt, %sub3A_232, %lt3A_236 : vector<16xi32>
        %and3A = arith.andi %ge3A_234, %lt3A_237 : vector<16xi1>
        %broadcast_in_dim3A = arith.constant 1024 : i32
        %broadcast_in_dim3A_238 = vector.broadcast %broadcast_in_dim3A : i32 to vector<16xi32>
        %select_n3A = arith.select %and3A, %sub3A_232, %broadcast_in_dim3A_238 : vector<16xi1>, vector<16xi32>
        %add3A_239 = vector.broadcast %mul3A_4 : i32 to vector<16xi32>
        %add3A_240 = arith.addi %add3A_239, %select_n3A : vector<16xi32>
        %mul3A_241 = arith.constant 16 : i32
        %mul3A_242 = arith.muli %scan3A_222, %mul3A_241 : i32
        %swap3A = arith.index_cast %mul3A_242 : i32 to index
        %swap3A_243 = tpu.vector_load %arg13[%swap3A] {strides = array<i32>} : memref<256xi32, #tpu.memory_space<vmem>>, vector<16xi32>,
        %swap3A_244 = vector.shape_cast %swap3A_243 : vector<16xi32> to vector<16xi32>
        %swap3A_245 = vector.shape_cast %add3A_240 : vector<16xi32> to vector<16xi32>
        tpu.vector_store %arg13[%swap3A], %swap3A_245 {strides = array<i32>} : memref<256xi32, #tpu.memory_space<vmem>>, vector<16xi32>,
        %scan3A_246 = arith.constant 1 : i32
        %scan3A_247 = arith.addi %scan3A_222, %scan3A_246 : i32
        %add3A_248 = arith.constant 80 : i32
        %add3A_249 = arith.addi %add3A_248, %scan3A_247 : i32
        %mul3A_250 = arith.constant 16 : i32
        %mul3A_251 = arith.muli %add3A_249, %mul3A_250 : i32
        %add3A_252 = arith.constant 1024 : i32
        %add3A_253 = arith.addi %add3A_252, %mul3A_251 : i32
        %get3A_254 = arith.index_cast %add3A_253 : i32 to index
        %get3A_255 = tpu.vector_load %arg6[%get3A_254] {strides = array<i32>} : memref<3072xi32, #tpu.memory_space<vmem>>, vector<16xi32>,
        %get3A_256 = vector.shape_cast %get3A_255 : vector<16xi32> to vector<16xi32>
        %sub3A_257 = arith.constant 0 : i32
        %sub3A_258 = vector.broadcast %sub3A_257 : i32 to vector<16xi32>
        %sub3A_259 = arith.subi %get3A_256, %sub3A_258 : vector<16xi32>
        %ge3A_260 = arith.constant 0 : i32
        %ge3A_261 = vector.broadcast %ge3A_260 : i32 to vector<16xi32>
        %ge3A_262 = arith.cmpi sge, %sub3A_259, %ge3A_261 : vector<16xi32>
        %lt3A_263 = arith.constant 1024 : i32
        %lt3A_264 = vector.broadcast %lt3A_263 : i32 to vector<16xi32>
        %lt3A_265 = arith.cmpi slt, %sub3A_259, %lt3A_264 : vector<16xi32>
        %and3A_266 = arith.andi %ge3A_262, %lt3A_265 : vector<16xi1>
        %broadcast_in_dim3A_267 = arith.constant 1024 : i32
        %broadcast_in_dim3A_268 = vector.broadcast %broadcast_in_dim3A_267 : i32 to vector<16xi32>
        %select_n3A_269 = arith.select %and3A_266, %sub3A_259, %broadcast_in_dim3A_268 : vector<16xi1>, vector<16xi32>
        %add3A_270 = vector.broadcast %mul3A_4 : i32 to vector<16xi32>
        %add3A_271 = arith.addi %add3A_270, %select_n3A_269 : vector<16xi32>
        %mul3A_272 = arith.constant 16 : i32
        %mul3A_273 = arith.muli %scan3A_247, %mul3A_272 : i32
        %swap3A_274 = arith.index_cast %mul3A_273 : i32 to index
        %swap3A_275 = tpu.vector_load %arg13[%swap3A_274] {strides = array<i32>} : memref<256xi32, #tpu.memory_space<vmem>>, vector<16xi32>,
        %swap3A_276 = vector.shape_cast %swap3A_275 : vector<16xi32> to vector<16xi32>
        %swap3A_277 = vector.shape_cast %add3A_271 : vector<16xi32> to vector<16xi32>
        tpu.vector_store %arg13[%swap3A_274], %swap3A_277 {strides = array<i32>} : memref<256xi32, #tpu.memory_space<vmem>>, vector<16xi32>,
        %scan3A_278 = arith.constant 2 : i32
        %scan3A_279 = arith.addi %scan3A_222, %scan3A_278 : i32
        %add3A_280 = arith.constant 80 : i32
        %add3A_281 = arith.addi %add3A_280, %scan3A_279 : i32
        %mul3A_282 = arith.constant 16 : i32
        %mul3A_283 = arith.muli %add3A_281, %mul3A_282 : i32
        %add3A_284 = arith.constant 1024 : i32
        %add3A_285 = arith.addi %add3A_284, %mul3A_283 : i32
        %get3A_286 = arith.index_cast %add3A_285 : i32 to index
        %get3A_287 = tpu.vector_load %arg6[%get3A_286] {strides = array<i32>} : memref<3072xi32, #tpu.memory_space<vmem>>, vector<16xi32>,
        %get3A_288 = vector.shape_cast %get3A_287 : vector<16xi32> to vector<16xi32>
        %sub3A_289 = arith.constant 0 : i32
        %sub3A_290 = vector.broadcast %sub3A_289 : i32 to vector<16xi32>
        %sub3A_291 = arith.subi %get3A_288, %sub3A_290 : vector<16xi32>
        %ge3A_292 = arith.constant 0 : i32
        %ge3A_293 = vector.broadcast %ge3A_292 : i32 to vector<16xi32>
        %ge3A_294 = arith.cmpi sge, %sub3A_291, %ge3A_293 : vector<16xi32>
        %lt3A_295 = arith.constant 1024 : i32
        %lt3A_296 = vector.broadcast %lt3A_295 : i32 to vector<16xi32>
        %lt3A_297 = arith.cmpi slt, %sub3A_291, %lt3A_296 : vector<16xi32>
        %and3A_298 = arith.andi %ge3A_294, %lt3A_297 : vector<16xi1>
        %broadcast_in_dim3A_299 = arith.constant 1024 : i32
        %broadcast_in_dim3A_300 = vector.broadcast %broadcast_in_dim3A_299 : i32 to vector<16xi32>
        %select_n3A_301 = arith.select %and3A_298, %sub3A_291, %broadcast_in_dim3A_300 : vector<16xi1>, vector<16xi32>
        %add3A_302 = vector.broadcast %mul3A_4 : i32 to vector<16xi32>
        %add3A_303 = arith.addi %add3A_302, %select_n3A_301 : vector<16xi32>
        %mul3A_304 = arith.constant 16 : i32
        %mul3A_305 = arith.muli %scan3A_279, %mul3A_304 : i32
        %swap3A_306 = arith.index_cast %mul3A_305 : i32 to index
        %swap3A_307 = tpu.vector_load %arg13[%swap3A_306] {strides = array<i32>} : memref<256xi32, #tpu.memory_space<vmem>>, vector<16xi32>,
        %swap3A_308 = vector.shape_cast %swap3A_307 : vector<16xi32> to vector<16xi32>
        %swap3A_309 = vector.shape_cast %add3A_303 : vector<16xi32> to vector<16xi32>
        tpu.vector_store %arg13[%swap3A_306], %swap3A_309 {strides = array<i32>} : memref<256xi32, #tpu.memory_space<vmem>>, vector<16xi32>,
        %scan3A_310 = arith.constant 3 : i32
        %scan3A_311 = arith.addi %scan3A_222, %scan3A_310 : i32
        %add3A_312 = arith.constant 80 : i32
        %add3A_313 = arith.addi %add3A_312, %scan3A_311 : i32
        %mul3A_314 = arith.constant 16 : i32
        %mul3A_315 = arith.muli %add3A_313, %mul3A_314 : i32
        %add3A_316 = arith.constant 1024 : i32
        %add3A_317 = arith.addi %add3A_316, %mul3A_315 : i32
        %get3A_318 = arith.index_cast %add3A_317 : i32 to index
        %get3A_319 = tpu.vector_load %arg6[%get3A_318] {strides = array<i32>} : memref<3072xi32, #tpu.memory_space<vmem>>, vector<16xi32>,
        %get3A_320 = vector.shape_cast %get3A_319 : vector<16xi32> to vector<16xi32>
        %sub3A_321 = arith.constant 0 : i32
        %sub3A_322 = vector.broadcast %sub3A_321 : i32 to vector<16xi32>
        %sub3A_323 = arith.subi %get3A_320, %sub3A_322 : vector<16xi32>
        %ge3A_324 = arith.constant 0 : i32
        %ge3A_325 = vector.broadcast %ge3A_324 : i32 to vector<16xi32>
        %ge3A_326 = arith.cmpi sge, %sub3A_323, %ge3A_325 : vector<16xi32>
        %lt3A_327 = arith.constant 1024 : i32
        %lt3A_328 = vector.broadcast %lt3A_327 : i32 to vector<16xi32>
        %lt3A_329 = arith.cmpi slt, %sub3A_323, %lt3A_328 : vector<16xi32>
        %and3A_330 = arith.andi %ge3A_326, %lt3A_329 : vector<16xi1>
        %broadcast_in_dim3A_331 = arith.constant 1024 : i32
        %broadcast_in_dim3A_332 = vector.broadcast %broadcast_in_dim3A_331 : i32 to vector<16xi32>
        %select_n3A_333 = arith.select %and3A_330, %sub3A_323, %broadcast_in_dim3A_332 : vector<16xi1>, vector<16xi32>
        %add3A_334 = vector.broadcast %mul3A_4 : i32 to vector<16xi32>
        %add3A_335 = arith.addi %add3A_334, %select_n3A_333 : vector<16xi32>
        %mul3A_336 = arith.constant 16 : i32
        %mul3A_337 = arith.muli %scan3A_311, %mul3A_336 : i32
        %swap3A_338 = arith.index_cast %mul3A_337 : i32 to index
        %swap3A_339 = tpu.vector_load %arg13[%swap3A_338] {strides = array<i32>} : memref<256xi32, #tpu.memory_space<vmem>>, vector<16xi32>,
        %swap3A_340 = vector.shape_cast %swap3A_339 : vector<16xi32> to vector<16xi32>
        %swap3A_341 = vector.shape_cast %add3A_335 : vector<16xi32> to vector<16xi32>
        tpu.vector_store %arg13[%swap3A_338], %swap3A_341 {strides = array<i32>} : memref<256xi32, #tpu.memory_space<vmem>>, vector<16xi32>,
      }
      %scan3A_147 = arith.constant 16 : i32
      %scan3A_148 = arith.constant 0 : i32
      %scan3A_149 = arith.constant 0 : i32
      %scan3A_150 = arith.constant 16 : i32
      %scan3A_151 = arith.addi %scan3A_149, %scan3A_150 : i32
      %scan3A_152 = arith.constant 4 : i32
      scf.for %scan3A_222 = %scan3A_149 to %scan3A_151 step %scan3A_152  : i32 {
        %add3A_223 = arith.constant 96 : i32
        %add3A_224 = arith.addi %add3A_223, %scan3A_222 : i32
        %mul3A_225 = arith.constant 16 : i32
        %mul3A_226 = arith.muli %add3A_224, %mul3A_225 : i32
        %add3A_227 = arith.constant 1024 : i32
        %add3A_228 = arith.addi %add3A_227, %mul3A_226 : i32
        %get3A = arith.index_cast %add3A_228 : i32 to index
        %get3A_229 = tpu.vector_load %arg6[%get3A] {strides = array<i32>} : memref<3072xi32, #tpu.memory_space<vmem>>, vector<16xi32>,
        %get3A_230 = vector.shape_cast %get3A_229 : vector<16xi32> to vector<16xi32>
        %sub3A = arith.constant 0 : i32
        %sub3A_231 = vector.broadcast %sub3A : i32 to vector<16xi32>
        %sub3A_232 = arith.subi %get3A_230, %sub3A_231 : vector<16xi32>
        %ge3A = arith.constant 0 : i32
        %ge3A_233 = vector.broadcast %ge3A : i32 to vector<16xi32>
        %ge3A_234 = arith.cmpi sge, %sub3A_232, %ge3A_233 : vector<16xi32>
        %lt3A_235 = arith.constant 1024 : i32
        %lt3A_236 = vector.broadcast %lt3A_235 : i32 to vector<16xi32>
        %lt3A_237 = arith.cmpi slt, %sub3A_232, %lt3A_236 : vector<16xi32>
        %and3A = arith.andi %ge3A_234, %lt3A_237 : vector<16xi1>
        %broadcast_in_dim3A = arith.constant 1024 : i32
        %broadcast_in_dim3A_238 = vector.broadcast %broadcast_in_dim3A : i32 to vector<16xi32>
        %select_n3A = arith.select %and3A, %sub3A_232, %broadcast_in_dim3A_238 : vector<16xi1>, vector<16xi32>
        %add3A_239 = vector.broadcast %mul3A_4 : i32 to vector<16xi32>
        %add3A_240 = arith.addi %add3A_239, %select_n3A : vector<16xi32>
        %mul3A_241 = arith.constant 16 : i32
        %mul3A_242 = arith.muli %scan3A_222, %mul3A_241 : i32
        %swap3A = arith.index_cast %mul3A_242 : i32 to index
        %swap3A_243 = tpu.vector_load %arg14[%swap3A] {strides = array<i32>} : memref<256xi32, #tpu.memory_space<vmem>>, vector<16xi32>,
        %swap3A_244 = vector.shape_cast %swap3A_243 : vector<16xi32> to vector<16xi32>
        %swap3A_245 = vector.shape_cast %add3A_240 : vector<16xi32> to vector<16xi32>
        tpu.vector_store %arg14[%swap3A], %swap3A_245 {strides = array<i32>} : memref<256xi32, #tpu.memory_space<vmem>>, vector<16xi32>,
        %scan3A_246 = arith.constant 1 : i32
        %scan3A_247 = arith.addi %scan3A_222, %scan3A_246 : i32
        %add3A_248 = arith.constant 96 : i32
        %add3A_249 = arith.addi %add3A_248, %scan3A_247 : i32
        %mul3A_250 = arith.constant 16 : i32
        %mul3A_251 = arith.muli %add3A_249, %mul3A_250 : i32
        %add3A_252 = arith.constant 1024 : i32
        %add3A_253 = arith.addi %add3A_252, %mul3A_251 : i32
        %get3A_254 = arith.index_cast %add3A_253 : i32 to index
        %get3A_255 = tpu.vector_load %arg6[%get3A_254] {strides = array<i32>} : memref<3072xi32, #tpu.memory_space<vmem>>, vector<16xi32>,
        %get3A_256 = vector.shape_cast %get3A_255 : vector<16xi32> to vector<16xi32>
        %sub3A_257 = arith.constant 0 : i32
        %sub3A_258 = vector.broadcast %sub3A_257 : i32 to vector<16xi32>
        %sub3A_259 = arith.subi %get3A_256, %sub3A_258 : vector<16xi32>
        %ge3A_260 = arith.constant 0 : i32
        %ge3A_261 = vector.broadcast %ge3A_260 : i32 to vector<16xi32>
        %ge3A_262 = arith.cmpi sge, %sub3A_259, %ge3A_261 : vector<16xi32>
        %lt3A_263 = arith.constant 1024 : i32
        %lt3A_264 = vector.broadcast %lt3A_263 : i32 to vector<16xi32>
        %lt3A_265 = arith.cmpi slt, %sub3A_259, %lt3A_264 : vector<16xi32>
        %and3A_266 = arith.andi %ge3A_262, %lt3A_265 : vector<16xi1>
        %broadcast_in_dim3A_267 = arith.constant 1024 : i32
        %broadcast_in_dim3A_268 = vector.broadcast %broadcast_in_dim3A_267 : i32 to vector<16xi32>
        %select_n3A_269 = arith.select %and3A_266, %sub3A_259, %broadcast_in_dim3A_268 : vector<16xi1>, vector<16xi32>
        %add3A_270 = vector.broadcast %mul3A_4 : i32 to vector<16xi32>
        %add3A_271 = arith.addi %add3A_270, %select_n3A_269 : vector<16xi32>
        %mul3A_272 = arith.constant 16 : i32
        %mul3A_273 = arith.muli %scan3A_247, %mul3A_272 : i32
        %swap3A_274 = arith.index_cast %mul3A_273 : i32 to index
        %swap3A_275 = tpu.vector_load %arg14[%swap3A_274] {strides = array<i32>} : memref<256xi32, #tpu.memory_space<vmem>>, vector<16xi32>,
        %swap3A_276 = vector.shape_cast %swap3A_275 : vector<16xi32> to vector<16xi32>
        %swap3A_277 = vector.shape_cast %add3A_271 : vector<16xi32> to vector<16xi32>
        tpu.vector_store %arg14[%swap3A_274], %swap3A_277 {strides = array<i32>} : memref<256xi32, #tpu.memory_space<vmem>>, vector<16xi32>,
        %scan3A_278 = arith.constant 2 : i32
        %scan3A_279 = arith.addi %scan3A_222, %scan3A_278 : i32
        %add3A_280 = arith.constant 96 : i32
        %add3A_281 = arith.addi %add3A_280, %scan3A_279 : i32
        %mul3A_282 = arith.constant 16 : i32
        %mul3A_283 = arith.muli %add3A_281, %mul3A_282 : i32
        %add3A_284 = arith.constant 1024 : i32
        %add3A_285 = arith.addi %add3A_284, %mul3A_283 : i32
        %get3A_286 = arith.index_cast %add3A_285 : i32 to index
        %get3A_287 = tpu.vector_load %arg6[%get3A_286] {strides = array<i32>} : memref<3072xi32, #tpu.memory_space<vmem>>, vector<16xi32>,
        %get3A_288 = vector.shape_cast %get3A_287 : vector<16xi32> to vector<16xi32>
        %sub3A_289 = arith.constant 0 : i32
        %sub3A_290 = vector.broadcast %sub3A_289 : i32 to vector<16xi32>
        %sub3A_291 = arith.subi %get3A_288, %sub3A_290 : vector<16xi32>
        %ge3A_292 = arith.constant 0 : i32
        %ge3A_293 = vector.broadcast %ge3A_292 : i32 to vector<16xi32>
        %ge3A_294 = arith.cmpi sge, %sub3A_291, %ge3A_293 : vector<16xi32>
        %lt3A_295 = arith.constant 1024 : i32
        %lt3A_296 = vector.broadcast %lt3A_295 : i32 to vector<16xi32>
        %lt3A_297 = arith.cmpi slt, %sub3A_291, %lt3A_296 : vector<16xi32>
        %and3A_298 = arith.andi %ge3A_294, %lt3A_297 : vector<16xi1>
        %broadcast_in_dim3A_299 = arith.constant 1024 : i32
        %broadcast_in_dim3A_300 = vector.broadcast %broadcast_in_dim3A_299 : i32 to vector<16xi32>
        %select_n3A_301 = arith.select %and3A_298, %sub3A_291, %broadcast_in_dim3A_300 : vector<16xi1>, vector<16xi32>
        %add3A_302 = vector.broadcast %mul3A_4 : i32 to vector<16xi32>
        %add3A_303 = arith.addi %add3A_302, %select_n3A_301 : vector<16xi32>
        %mul3A_304 = arith.constant 16 : i32
        %mul3A_305 = arith.muli %scan3A_279, %mul3A_304 : i32
        %swap3A_306 = arith.index_cast %mul3A_305 : i32 to index
        %swap3A_307 = tpu.vector_load %arg14[%swap3A_306] {strides = array<i32>} : memref<256xi32, #tpu.memory_space<vmem>>, vector<16xi32>,
        %swap3A_308 = vector.shape_cast %swap3A_307 : vector<16xi32> to vector<16xi32>
        %swap3A_309 = vector.shape_cast %add3A_303 : vector<16xi32> to vector<16xi32>
        tpu.vector_store %arg14[%swap3A_306], %swap3A_309 {strides = array<i32>} : memref<256xi32, #tpu.memory_space<vmem>>, vector<16xi32>,
        %scan3A_310 = arith.constant 3 : i32
        %scan3A_311 = arith.addi %scan3A_222, %scan3A_310 : i32
        %add3A_312 = arith.constant 96 : i32
        %add3A_313 = arith.addi %add3A_312, %scan3A_311 : i32
        %mul3A_314 = arith.constant 16 : i32
        %mul3A_315 = arith.muli %add3A_313, %mul3A_314 : i32
        %add3A_316 = arith.constant 1024 : i32
        %add3A_317 = arith.addi %add3A_316, %mul3A_315 : i32
        %get3A_318 = arith.index_cast %add3A_317 : i32 to index
        %get3A_319 = tpu.vector_load %arg6[%get3A_318] {strides = array<i32>} : memref<3072xi32, #tpu.memory_space<vmem>>, vector<16xi32>,
        %get3A_320 = vector.shape_cast %get3A_319 : vector<16xi32> to vector<16xi32>
        %sub3A_321 = arith.constant 0 : i32
        %sub3A_322 = vector.broadcast %sub3A_321 : i32 to vector<16xi32>
        %sub3A_323 = arith.subi %get3A_320, %sub3A_322 : vector<16xi32>
        %ge3A_324 = arith.constant 0 : i32
        %ge3A_325 = vector.broadcast %ge3A_324 : i32 to vector<16xi32>
        %ge3A_326 = arith.cmpi sge, %sub3A_323, %ge3A_325 : vector<16xi32>
        %lt3A_327 = arith.constant 1024 : i32
        %lt3A_328 = vector.broadcast %lt3A_327 : i32 to vector<16xi32>
        %lt3A_329 = arith.cmpi slt, %sub3A_323, %lt3A_328 : vector<16xi32>
        %and3A_330 = arith.andi %ge3A_326, %lt3A_329 : vector<16xi1>
        %broadcast_in_dim3A_331 = arith.constant 1024 : i32
        %broadcast_in_dim3A_332 = vector.broadcast %broadcast_in_dim3A_331 : i32 to vector<16xi32>
        %select_n3A_333 = arith.select %and3A_330, %sub3A_323, %broadcast_in_dim3A_332 : vector<16xi1>, vector<16xi32>
        %add3A_334 = vector.broadcast %mul3A_4 : i32 to vector<16xi32>
        %add3A_335 = arith.addi %add3A_334, %select_n3A_333 : vector<16xi32>
        %mul3A_336 = arith.constant 16 : i32
        %mul3A_337 = arith.muli %scan3A_311, %mul3A_336 : i32
        %swap3A_338 = arith.index_cast %mul3A_337 : i32 to index
        %swap3A_339 = tpu.vector_load %arg14[%swap3A_338] {strides = array<i32>} : memref<256xi32, #tpu.memory_space<vmem>>, vector<16xi32>,
        %swap3A_340 = vector.shape_cast %swap3A_339 : vector<16xi32> to vector<16xi32>
        %swap3A_341 = vector.shape_cast %add3A_335 : vector<16xi32> to vector<16xi32>
        tpu.vector_store %arg14[%swap3A_338], %swap3A_341 {strides = array<i32>} : memref<256xi32, #tpu.memory_space<vmem>>, vector<16xi32>,
      }
      %scan3A_153 = arith.constant 16 : i32
      %scan3A_154 = arith.constant 0 : i32
      %scan3A_155 = arith.constant 0 : i32
      %scan3A_156 = arith.constant 16 : i32
      %scan3A_157 = arith.addi %scan3A_155, %scan3A_156 : i32
      %scan3A_158 = arith.constant 4 : i32
      scf.for %scan3A_222 = %scan3A_155 to %scan3A_157 step %scan3A_158  : i32 {
        %add3A_223 = arith.constant 112 : i32
        %add3A_224 = arith.addi %add3A_223, %scan3A_222 : i32
        %mul3A_225 = arith.constant 16 : i32
        %mul3A_226 = arith.muli %add3A_224, %mul3A_225 : i32
        %add3A_227 = arith.constant 1024 : i32
        %add3A_228 = arith.addi %add3A_227, %mul3A_226 : i32
        %get3A = arith.index_cast %add3A_228 : i32 to index
        %get3A_229 = tpu.vector_load %arg6[%get3A] {strides = array<i32>} : memref<3072xi32, #tpu.memory_space<vmem>>, vector<16xi32>,
        %get3A_230 = vector.shape_cast %get3A_229 : vector<16xi32> to vector<16xi32>
        %sub3A = arith.constant 0 : i32
        %sub3A_231 = vector.broadcast %sub3A : i32 to vector<16xi32>
        %sub3A_232 = arith.subi %get3A_230, %sub3A_231 : vector<16xi32>
        %ge3A = arith.constant 0 : i32
        %ge3A_233 = vector.broadcast %ge3A : i32 to vector<16xi32>
        %ge3A_234 = arith.cmpi sge, %sub3A_232, %ge3A_233 : vector<16xi32>
        %lt3A_235 = arith.constant 1024 : i32
        %lt3A_236 = vector.broadcast %lt3A_235 : i32 to vector<16xi32>
        %lt3A_237 = arith.cmpi slt, %sub3A_232, %lt3A_236 : vector<16xi32>
        %and3A = arith.andi %ge3A_234, %lt3A_237 : vector<16xi1>
        %broadcast_in_dim3A = arith.constant 1024 : i32
        %broadcast_in_dim3A_238 = vector.broadcast %broadcast_in_dim3A : i32 to vector<16xi32>
        %select_n3A = arith.select %and3A, %sub3A_232, %broadcast_in_dim3A_238 : vector<16xi1>, vector<16xi32>
        %add3A_239 = vector.broadcast %mul3A_4 : i32 to vector<16xi32>
        %add3A_240 = arith.addi %add3A_239, %select_n3A : vector<16xi32>
        %mul3A_241 = arith.constant 16 : i32
        %mul3A_242 = arith.muli %scan3A_222, %mul3A_241 : i32
        %swap3A = arith.index_cast %mul3A_242 : i32 to index
        %swap3A_243 = tpu.vector_load %arg15[%swap3A] {strides = array<i32>} : memref<256xi32, #tpu.memory_space<vmem>>, vector<16xi32>,
        %swap3A_244 = vector.shape_cast %swap3A_243 : vector<16xi32> to vector<16xi32>
        %swap3A_245 = vector.shape_cast %add3A_240 : vector<16xi32> to vector<16xi32>
        tpu.vector_store %arg15[%swap3A], %swap3A_245 {strides = array<i32>} : memref<256xi32, #tpu.memory_space<vmem>>, vector<16xi32>,
        %scan3A_246 = arith.constant 1 : i32
        %scan3A_247 = arith.addi %scan3A_222, %scan3A_246 : i32
        %add3A_248 = arith.constant 112 : i32
        %add3A_249 = arith.addi %add3A_248, %scan3A_247 : i32
        %mul3A_250 = arith.constant 16 : i32
        %mul3A_251 = arith.muli %add3A_249, %mul3A_250 : i32
        %add3A_252 = arith.constant 1024 : i32
        %add3A_253 = arith.addi %add3A_252, %mul3A_251 : i32
        %get3A_254 = arith.index_cast %add3A_253 : i32 to index
        %get3A_255 = tpu.vector_load %arg6[%get3A_254] {strides = array<i32>} : memref<3072xi32, #tpu.memory_space<vmem>>, vector<16xi32>,
        %get3A_256 = vector.shape_cast %get3A_255 : vector<16xi32> to vector<16xi32>
        %sub3A_257 = arith.constant 0 : i32
        %sub3A_258 = vector.broadcast %sub3A_257 : i32 to vector<16xi32>
        %sub3A_259 = arith.subi %get3A_256, %sub3A_258 : vector<16xi32>
        %ge3A_260 = arith.constant 0 : i32
        %ge3A_261 = vector.broadcast %ge3A_260 : i32 to vector<16xi32>
        %ge3A_262 = arith.cmpi sge, %sub3A_259, %ge3A_261 : vector<16xi32>
        %lt3A_263 = arith.constant 1024 : i32
        %lt3A_264 = vector.broadcast %lt3A_263 : i32 to vector<16xi32>
        %lt3A_265 = arith.cmpi slt, %sub3A_259, %lt3A_264 : vector<16xi32>
        %and3A_266 = arith.andi %ge3A_262, %lt3A_265 : vector<16xi1>
        %broadcast_in_dim3A_267 = arith.constant 1024 : i32
        %broadcast_in_dim3A_268 = vector.broadcast %broadcast_in_dim3A_267 : i32 to vector<16xi32>
        %select_n3A_269 = arith.select %and3A_266, %sub3A_259, %broadcast_in_dim3A_268 : vector<16xi1>, vector<16xi32>
        %add3A_270 = vector.broadcast %mul3A_4 : i32 to vector<16xi32>
        %add3A_271 = arith.addi %add3A_270, %select_n3A_269 : vector<16xi32>
        %mul3A_272 = arith.constant 16 : i32
        %mul3A_273 = arith.muli %scan3A_247, %mul3A_272 : i32
        %swap3A_274 = arith.index_cast %mul3A_273 : i32 to index
        %swap3A_275 = tpu.vector_load %arg15[%swap3A_274] {strides = array<i32>} : memref<256xi32, #tpu.memory_space<vmem>>, vector<16xi32>,
        %swap3A_276 = vector.shape_cast %swap3A_275 : vector<16xi32> to vector<16xi32>
        %swap3A_277 = vector.shape_cast %add3A_271 : vector<16xi32> to vector<16xi32>
        tpu.vector_store %arg15[%swap3A_274], %swap3A_277 {strides = array<i32>} : memref<256xi32, #tpu.memory_space<vmem>>, vector<16xi32>,
        %scan3A_278 = arith.constant 2 : i32
        %scan3A_279 = arith.addi %scan3A_222, %scan3A_278 : i32
        %add3A_280 = arith.constant 112 : i32
        %add3A_281 = arith.addi %add3A_280, %scan3A_279 : i32
        %mul3A_282 = arith.constant 16 : i32
        %mul3A_283 = arith.muli %add3A_281, %mul3A_282 : i32
        %add3A_284 = arith.constant 1024 : i32
        %add3A_285 = arith.addi %add3A_284, %mul3A_283 : i32
        %get3A_286 = arith.index_cast %add3A_285 : i32 to index
        %get3A_287 = tpu.vector_load %arg6[%get3A_286] {strides = array<i32>} : memref<3072xi32, #tpu.memory_space<vmem>>, vector<16xi32>,
        %get3A_288 = vector.shape_cast %get3A_287 : vector<16xi32> to vector<16xi32>
        %sub3A_289 = arith.constant 0 : i32
        %sub3A_290 = vector.broadcast %sub3A_289 : i32 to vector<16xi32>
        %sub3A_291 = arith.subi %get3A_288, %sub3A_290 : vector<16xi32>
        %ge3A_292 = arith.constant 0 : i32
        %ge3A_293 = vector.broadcast %ge3A_292 : i32 to vector<16xi32>
        %ge3A_294 = arith.cmpi sge, %sub3A_291, %ge3A_293 : vector<16xi32>
        %lt3A_295 = arith.constant 1024 : i32
        %lt3A_296 = vector.broadcast %lt3A_295 : i32 to vector<16xi32>
        %lt3A_297 = arith.cmpi slt, %sub3A_291, %lt3A_296 : vector<16xi32>
        %and3A_298 = arith.andi %ge3A_294, %lt3A_297 : vector<16xi1>
        %broadcast_in_dim3A_299 = arith.constant 1024 : i32
        %broadcast_in_dim3A_300 = vector.broadcast %broadcast_in_dim3A_299 : i32 to vector<16xi32>
        %select_n3A_301 = arith.select %and3A_298, %sub3A_291, %broadcast_in_dim3A_300 : vector<16xi1>, vector<16xi32>
        %add3A_302 = vector.broadcast %mul3A_4 : i32 to vector<16xi32>
        %add3A_303 = arith.addi %add3A_302, %select_n3A_301 : vector<16xi32>
        %mul3A_304 = arith.constant 16 : i32
        %mul3A_305 = arith.muli %scan3A_279, %mul3A_304 : i32
        %swap3A_306 = arith.index_cast %mul3A_305 : i32 to index
        %swap3A_307 = tpu.vector_load %arg15[%swap3A_306] {strides = array<i32>} : memref<256xi32, #tpu.memory_space<vmem>>, vector<16xi32>,
        %swap3A_308 = vector.shape_cast %swap3A_307 : vector<16xi32> to vector<16xi32>
        %swap3A_309 = vector.shape_cast %add3A_303 : vector<16xi32> to vector<16xi32>
        tpu.vector_store %arg15[%swap3A_306], %swap3A_309 {strides = array<i32>} : memref<256xi32, #tpu.memory_space<vmem>>, vector<16xi32>,
        %scan3A_310 = arith.constant 3 : i32
        %scan3A_311 = arith.addi %scan3A_222, %scan3A_310 : i32
        %add3A_312 = arith.constant 112 : i32
        %add3A_313 = arith.addi %add3A_312, %scan3A_311 : i32
        %mul3A_314 = arith.constant 16 : i32
        %mul3A_315 = arith.muli %add3A_313, %mul3A_314 : i32
        %add3A_316 = arith.constant 1024 : i32
        %add3A_317 = arith.addi %add3A_316, %mul3A_315 : i32
        %get3A_318 = arith.index_cast %add3A_317 : i32 to index
        %get3A_319 = tpu.vector_load %arg6[%get3A_318] {strides = array<i32>} : memref<3072xi32, #tpu.memory_space<vmem>>, vector<16xi32>,
        %get3A_320 = vector.shape_cast %get3A_319 : vector<16xi32> to vector<16xi32>
        %sub3A_321 = arith.constant 0 : i32
        %sub3A_322 = vector.broadcast %sub3A_321 : i32 to vector<16xi32>
        %sub3A_323 = arith.subi %get3A_320, %sub3A_322 : vector<16xi32>
        %ge3A_324 = arith.constant 0 : i32
        %ge3A_325 = vector.broadcast %ge3A_324 : i32 to vector<16xi32>
        %ge3A_326 = arith.cmpi sge, %sub3A_323, %ge3A_325 : vector<16xi32>
        %lt3A_327 = arith.constant 1024 : i32
        %lt3A_328 = vector.broadcast %lt3A_327 : i32 to vector<16xi32>
        %lt3A_329 = arith.cmpi slt, %sub3A_323, %lt3A_328 : vector<16xi32>
        %and3A_330 = arith.andi %ge3A_326, %lt3A_329 : vector<16xi1>
        %broadcast_in_dim3A_331 = arith.constant 1024 : i32
        %broadcast_in_dim3A_332 = vector.broadcast %broadcast_in_dim3A_331 : i32 to vector<16xi32>
        %select_n3A_333 = arith.select %and3A_330, %sub3A_323, %broadcast_in_dim3A_332 : vector<16xi1>, vector<16xi32>
        %add3A_334 = vector.broadcast %mul3A_4 : i32 to vector<16xi32>
        %add3A_335 = arith.addi %add3A_334, %select_n3A_333 : vector<16xi32>
        %mul3A_336 = arith.constant 16 : i32
        %mul3A_337 = arith.muli %scan3A_311, %mul3A_336 : i32
        %swap3A_338 = arith.index_cast %mul3A_337 : i32 to index
        %swap3A_339 = tpu.vector_load %arg15[%swap3A_338] {strides = array<i32>} : memref<256xi32, #tpu.memory_space<vmem>>, vector<16xi32>,
        %swap3A_340 = vector.shape_cast %swap3A_339 : vector<16xi32> to vector<16xi32>
        %swap3A_341 = vector.shape_cast %add3A_335 : vector<16xi32> to vector<16xi32>
        tpu.vector_store %arg15[%swap3A_338], %swap3A_341 {strides = array<i32>} : memref<256xi32, #tpu.memory_space<vmem>>, vector<16xi32>,
      }
      %scan3A_159 = arith.constant 16 : i32
      "tpu.region"() ({
        %run_scoped3A = tpu.sem_alloc : memref<!tpu.dma_semaphore, #tpu.memory_space<semaphore_mem>>
        %dma_start3A_222 = arith.constant 0 : i32
        %dma_start3A_223 = arith.constant 0 : i32
        %dma_start3A_224 = tpu.memref_slice %arg2[%add3A, %dma_start3A_222, %dma_start3A_223] : memref<16x2048x16xf32, #tpu.memory_space<hbm>> -> memref<1x256x16xf32, #tpu.memory_space<hbm>>
        %dma_start3A_225 = tpu.memref_squeeze %dma_start3A_224 : memref<1x256x16xf32, #tpu.memory_space<hbm>> -> memref<256x16xf32, #tpu.memory_space<hbm>>
        %dma_start3A_226 = arith.constant 0 : i32
        %dma_start3A_227 = arith.constant 0 : i32
        %dma_start3A_228 = tpu.memref_slice %arg2[%add3A, %dma_start3A_226, %dma_start3A_227] : memref<16x2048x16xf32, #tpu.memory_space<hbm>> -> memref<1x256x16xf32, #tpu.memory_space<hbm>>
        %dma_start3A_229 = tpu.memref_squeeze %dma_start3A_228 : memref<1x256x16xf32, #tpu.memory_space<hbm>> -> memref<256x16xf32, #tpu.memory_space<hbm>>
        tpu.enqueue_dma source(%dma_start3A_229 : memref<256x16xf32, #tpu.memory_space<hbm>>) target(%arg16 : memref<256x16xf32, #tpu.memory_space<vmem>>) target_semaphore(%run_scoped3A : memref<!tpu.dma_semaphore, #tpu.memory_space<semaphore_mem>>)
        %dma_wait3A_230 = arith.constant 0 : i32
        %dma_wait3A_231 = arith.constant 0 : i32
        %dma_wait3A_232 = tpu.memref_slice %arg2[%add3A, %dma_wait3A_230, %dma_wait3A_231] : memref<16x2048x16xf32, #tpu.memory_space<hbm>> -> memref<1x256x16xf32, #tpu.memory_space<hbm>>
        %dma_wait3A_233 = tpu.memref_squeeze %dma_wait3A_232 : memref<1x256x16xf32, #tpu.memory_space<hbm>> -> memref<256x16xf32, #tpu.memory_space<hbm>>
        %dma_wait3A_234 = arith.constant 0 : i32
        %dma_wait3A_235 = arith.constant 0 : i32
        %dma_wait3A_236 = tpu.memref_slice %arg2[%add3A, %dma_wait3A_234, %dma_wait3A_235] : memref<16x2048x16xf32, #tpu.memory_space<hbm>> -> memref<1x256x16xf32, #tpu.memory_space<hbm>>
        %dma_wait3A_237 = tpu.memref_squeeze %dma_wait3A_236 : memref<1x256x16xf32, #tpu.memory_space<hbm>> -> memref<256x16xf32, #tpu.memory_space<hbm>>
        tpu.wait_dma2 semaphore(%run_scoped3A : memref<!tpu.dma_semaphore, #tpu.memory_space<semaphore_mem>>) src(%dma_wait3A_237 : memref<256x16xf32, #tpu.memory_space<hbm>>) dst(%arg16 : memref<256x16xf32, #tpu.memory_space<vmem>>)
        tpu.yield
      }) : () -> ()
      "tpu.region"() ({
        %run_scoped3A = tpu.sem_alloc : memref<!tpu.dma_semaphore, #tpu.memory_space<semaphore_mem>>
        %dma_start3A_222 = arith.constant 0 : i32
        %dma_start3A_223 = arith.constant 0 : i32
        %dma_start3A_224 = tpu.memref_slice %arg17[%dma_start3A_222, %dma_start3A_223] : memref<8200x16xf32, #tpu.memory_space<vmem_shared>> -> memref<8200x16xf32, #tpu.memory_space<vmem_shared>>
        tpu.enqueue_indirect_dma source(%arg16 : memref<256x16xf32, #tpu.memory_space<vmem>>) target(%dma_start3A_224 : memref<8200x16xf32, #tpu.memory_space<vmem_shared>>) offsets(%arg8 : memref<256xi32, #tpu.memory_space<vmem>>) semaphore(%run_scoped3A : memref<!tpu.dma_semaphore, #tpu.memory_space<semaphore_mem>>) {add = true}
        %dma_wait3A_225 = arith.constant 0 : i32
        %dma_wait3A_226 = arith.constant 0 : i32
        %dma_wait3A_227 = tpu.memref_slice %arg17[%dma_wait3A_225, %dma_wait3A_226] : memref<8200x16xf32, #tpu.memory_space<vmem_shared>> -> memref<8200x16xf32, #tpu.memory_space<vmem_shared>>
        tpu.wait_indirect_dma semaphore(%run_scoped3A : memref<!tpu.dma_semaphore, #tpu.memory_space<semaphore_mem>>) src(%arg16 : memref<256x16xf32, #tpu.memory_space<vmem>>) dst(%dma_wait3A_227 : memref<8200x16xf32, #tpu.memory_space<vmem_shared>>)
        tpu.yield
      }) : () -> ()
      "tpu.region"() ({
        %run_scoped3A = tpu.sem_alloc : memref<!tpu.dma_semaphore, #tpu.memory_space<semaphore_mem>>
        %dma_start3A_222 = arith.constant 256 : i32
        %dma_start3A_223 = arith.constant 0 : i32
        %dma_start3A_224 = tpu.memref_slice %arg2[%add3A, %dma_start3A_222, %dma_start3A_223] : memref<16x2048x16xf32, #tpu.memory_space<hbm>> -> memref<1x256x16xf32, #tpu.memory_space<hbm>>
        %dma_start3A_225 = tpu.memref_squeeze %dma_start3A_224 : memref<1x256x16xf32, #tpu.memory_space<hbm>> -> memref<256x16xf32, #tpu.memory_space<hbm>>
        %dma_start3A_226 = arith.constant 256 : i32
        %dma_start3A_227 = arith.constant 0 : i32
        %dma_start3A_228 = tpu.memref_slice %arg2[%add3A, %dma_start3A_226, %dma_start3A_227] : memref<16x2048x16xf32, #tpu.memory_space<hbm>> -> memref<1x256x16xf32, #tpu.memory_space<hbm>>
        %dma_start3A_229 = tpu.memref_squeeze %dma_start3A_228 : memref<1x256x16xf32, #tpu.memory_space<hbm>> -> memref<256x16xf32, #tpu.memory_space<hbm>>
        tpu.enqueue_dma source(%dma_start3A_229 : memref<256x16xf32, #tpu.memory_space<hbm>>) target(%arg16 : memref<256x16xf32, #tpu.memory_space<vmem>>) target_semaphore(%run_scoped3A : memref<!tpu.dma_semaphore, #tpu.memory_space<semaphore_mem>>)
        %dma_wait3A_230 = arith.constant 256 : i32
        %dma_wait3A_231 = arith.constant 0 : i32
        %dma_wait3A_232 = tpu.memref_slice %arg2[%add3A, %dma_wait3A_230, %dma_wait3A_231] : memref<16x2048x16xf32, #tpu.memory_space<hbm>> -> memref<1x256x16xf32, #tpu.memory_space<hbm>>
        %dma_wait3A_233 = tpu.memref_squeeze %dma_wait3A_232 : memref<1x256x16xf32, #tpu.memory_space<hbm>> -> memref<256x16xf32, #tpu.memory_space<hbm>>
        %dma_wait3A_234 = arith.constant 256 : i32
        %dma_wait3A_235 = arith.constant 0 : i32
        %dma_wait3A_236 = tpu.memref_slice %arg2[%add3A, %dma_wait3A_234, %dma_wait3A_235] : memref<16x2048x16xf32, #tpu.memory_space<hbm>> -> memref<1x256x16xf32, #tpu.memory_space<hbm>>
        %dma_wait3A_237 = tpu.memref_squeeze %dma_wait3A_236 : memref<1x256x16xf32, #tpu.memory_space<hbm>> -> memref<256x16xf32, #tpu.memory_space<hbm>>
        tpu.wait_dma2 semaphore(%run_scoped3A : memref<!tpu.dma_semaphore, #tpu.memory_space<semaphore_mem>>) src(%dma_wait3A_237 : memref<256x16xf32, #tpu.memory_space<hbm>>) dst(%arg16 : memref<256x16xf32, #tpu.memory_space<vmem>>)
        tpu.yield
      }) : () -> ()
      "tpu.region"() ({
        %run_scoped3A = tpu.sem_alloc : memref<!tpu.dma_semaphore, #tpu.memory_space<semaphore_mem>>
        %dma_start3A_222 = arith.constant 0 : i32
        %dma_start3A_223 = arith.constant 0 : i32
        %dma_start3A_224 = tpu.memref_slice %arg17[%dma_start3A_222, %dma_start3A_223] : memref<8200x16xf32, #tpu.memory_space<vmem_shared>> -> memref<8200x16xf32, #tpu.memory_space<vmem_shared>>
        tpu.enqueue_indirect_dma source(%arg16 : memref<256x16xf32, #tpu.memory_space<vmem>>) target(%dma_start3A_224 : memref<8200x16xf32, #tpu.memory_space<vmem_shared>>) offsets(%arg9 : memref<256xi32, #tpu.memory_space<vmem>>) semaphore(%run_scoped3A : memref<!tpu.dma_semaphore, #tpu.memory_space<semaphore_mem>>) {add = true}
        %dma_wait3A_225 = arith.constant 0 : i32
        %dma_wait3A_226 = arith.constant 0 : i32
        %dma_wait3A_227 = tpu.memref_slice %arg17[%dma_wait3A_225, %dma_wait3A_226] : memref<8200x16xf32, #tpu.memory_space<vmem_shared>> -> memref<8200x16xf32, #tpu.memory_space<vmem_shared>>
        tpu.wait_indirect_dma semaphore(%run_scoped3A : memref<!tpu.dma_semaphore, #tpu.memory_space<semaphore_mem>>) src(%arg16 : memref<256x16xf32, #tpu.memory_space<vmem>>) dst(%dma_wait3A_227 : memref<8200x16xf32, #tpu.memory_space<vmem_shared>>)
        tpu.yield
      }) : () -> ()
      "tpu.region"() ({
        %run_scoped3A = tpu.sem_alloc : memref<!tpu.dma_semaphore, #tpu.memory_space<semaphore_mem>>
        %dma_start3A_222 = arith.constant 512 : i32
        %dma_start3A_223 = arith.constant 0 : i32
        %dma_start3A_224 = tpu.memref_slice %arg2[%add3A, %dma_start3A_222, %dma_start3A_223] : memref<16x2048x16xf32, #tpu.memory_space<hbm>> -> memref<1x256x16xf32, #tpu.memory_space<hbm>>
        %dma_start3A_225 = tpu.memref_squeeze %dma_start3A_224 : memref<1x256x16xf32, #tpu.memory_space<hbm>> -> memref<256x16xf32, #tpu.memory_space<hbm>>
        %dma_start3A_226 = arith.constant 512 : i32
        %dma_start3A_227 = arith.constant 0 : i32
        %dma_start3A_228 = tpu.memref_slice %arg2[%add3A, %dma_start3A_226, %dma_start3A_227] : memref<16x2048x16xf32, #tpu.memory_space<hbm>> -> memref<1x256x16xf32, #tpu.memory_space<hbm>>
        %dma_start3A_229 = tpu.memref_squeeze %dma_start3A_228 : memref<1x256x16xf32, #tpu.memory_space<hbm>> -> memref<256x16xf32, #tpu.memory_space<hbm>>
        tpu.enqueue_dma source(%dma_start3A_229 : memref<256x16xf32, #tpu.memory_space<hbm>>) target(%arg16 : memref<256x16xf32, #tpu.memory_space<vmem>>) target_semaphore(%run_scoped3A : memref<!tpu.dma_semaphore, #tpu.memory_space<semaphore_mem>>)
        %dma_wait3A_230 = arith.constant 512 : i32
        %dma_wait3A_231 = arith.constant 0 : i32
        %dma_wait3A_232 = tpu.memref_slice %arg2[%add3A, %dma_wait3A_230, %dma_wait3A_231] : memref<16x2048x16xf32, #tpu.memory_space<hbm>> -> memref<1x256x16xf32, #tpu.memory_space<hbm>>
        %dma_wait3A_233 = tpu.memref_squeeze %dma_wait3A_232 : memref<1x256x16xf32, #tpu.memory_space<hbm>> -> memref<256x16xf32, #tpu.memory_space<hbm>>
        %dma_wait3A_234 = arith.constant 512 : i32
        %dma_wait3A_235 = arith.constant 0 : i32
        %dma_wait3A_236 = tpu.memref_slice %arg2[%add3A, %dma_wait3A_234, %dma_wait3A_235] : memref<16x2048x16xf32, #tpu.memory_space<hbm>> -> memref<1x256x16xf32, #tpu.memory_space<hbm>>
        %dma_wait3A_237 = tpu.memref_squeeze %dma_wait3A_236 : memref<1x256x16xf32, #tpu.memory_space<hbm>> -> memref<256x16xf32, #tpu.memory_space<hbm>>
        tpu.wait_dma2 semaphore(%run_scoped3A : memref<!tpu.dma_semaphore, #tpu.memory_space<semaphore_mem>>) src(%dma_wait3A_237 : memref<256x16xf32, #tpu.memory_space<hbm>>) dst(%arg16 : memref<256x16xf32, #tpu.memory_space<vmem>>)
        tpu.yield
      }) : () -> ()
      "tpu.region"() ({
        %run_scoped3A = tpu.sem_alloc : memref<!tpu.dma_semaphore, #tpu.memory_space<semaphore_mem>>
        %dma_start3A_222 = arith.constant 0 : i32
        %dma_start3A_223 = arith.constant 0 : i32
        %dma_start3A_224 = tpu.memref_slice %arg17[%dma_start3A_222, %dma_start3A_223] : memref<8200x16xf32, #tpu.memory_space<vmem_shared>> -> memref<8200x16xf32, #tpu.memory_space<vmem_shared>>
        tpu.enqueue_indirect_dma source(%arg16 : memref<256x16xf32, #tpu.memory_space<vmem>>) target(%dma_start3A_224 : memref<8200x16xf32, #tpu.memory_space<vmem_shared>>) offsets(%arg10 : memref<256xi32, #tpu.memory_space<vmem>>) semaphore(%run_scoped3A : memref<!tpu.dma_semaphore, #tpu.memory_space<semaphore_mem>>) {add = true}
        %dma_wait3A_225 = arith.constant 0 : i32
        %dma_wait3A_226 = arith.constant 0 : i32
        %dma_wait3A_227 = tpu.memref_slice %arg17[%dma_wait3A_225, %dma_wait3A_226] : memref<8200x16xf32, #tpu.memory_space<vmem_shared>> -> memref<8200x16xf32, #tpu.memory_space<vmem_shared>>
        tpu.wait_indirect_dma semaphore(%run_scoped3A : memref<!tpu.dma_semaphore, #tpu.memory_space<semaphore_mem>>) src(%arg16 : memref<256x16xf32, #tpu.memory_space<vmem>>) dst(%dma_wait3A_227 : memref<8200x16xf32, #tpu.memory_space<vmem_shared>>)
        tpu.yield
      }) : () -> ()
      "tpu.region"() ({
        %run_scoped3A = tpu.sem_alloc : memref<!tpu.dma_semaphore, #tpu.memory_space<semaphore_mem>>
        %dma_start3A_222 = arith.constant 768 : i32
        %dma_start3A_223 = arith.constant 0 : i32
        %dma_start3A_224 = tpu.memref_slice %arg2[%add3A, %dma_start3A_222, %dma_start3A_223] : memref<16x2048x16xf32, #tpu.memory_space<hbm>> -> memref<1x256x16xf32, #tpu.memory_space<hbm>>
        %dma_start3A_225 = tpu.memref_squeeze %dma_start3A_224 : memref<1x256x16xf32, #tpu.memory_space<hbm>> -> memref<256x16xf32, #tpu.memory_space<hbm>>
        %dma_start3A_226 = arith.constant 768 : i32
        %dma_start3A_227 = arith.constant 0 : i32
        %dma_start3A_228 = tpu.memref_slice %arg2[%add3A, %dma_start3A_226, %dma_start3A_227] : memref<16x2048x16xf32, #tpu.memory_space<hbm>> -> memref<1x256x16xf32, #tpu.memory_space<hbm>>
        %dma_start3A_229 = tpu.memref_squeeze %dma_start3A_228 : memref<1x256x16xf32, #tpu.memory_space<hbm>> -> memref<256x16xf32, #tpu.memory_space<hbm>>
        tpu.enqueue_dma source(%dma_start3A_229 : memref<256x16xf32, #tpu.memory_space<hbm>>) target(%arg16 : memref<256x16xf32, #tpu.memory_space<vmem>>) target_semaphore(%run_scoped3A : memref<!tpu.dma_semaphore, #tpu.memory_space<semaphore_mem>>)
        %dma_wait3A_230 = arith.constant 768 : i32
        %dma_wait3A_231 = arith.constant 0 : i32
        %dma_wait3A_232 = tpu.memref_slice %arg2[%add3A, %dma_wait3A_230, %dma_wait3A_231] : memref<16x2048x16xf32, #tpu.memory_space<hbm>> -> memref<1x256x16xf32, #tpu.memory_space<hbm>>
        %dma_wait3A_233 = tpu.memref_squeeze %dma_wait3A_232 : memref<1x256x16xf32, #tpu.memory_space<hbm>> -> memref<256x16xf32, #tpu.memory_space<hbm>>
        %dma_wait3A_234 = arith.constant 768 : i32
        %dma_wait3A_235 = arith.constant 0 : i32
        %dma_wait3A_236 = tpu.memref_slice %arg2[%add3A, %dma_wait3A_234, %dma_wait3A_235] : memref<16x2048x16xf32, #tpu.memory_space<hbm>> -> memref<1x256x16xf32, #tpu.memory_space<hbm>>
        %dma_wait3A_237 = tpu.memref_squeeze %dma_wait3A_236 : memref<1x256x16xf32, #tpu.memory_space<hbm>> -> memref<256x16xf32, #tpu.memory_space<hbm>>
        tpu.wait_dma2 semaphore(%run_scoped3A : memref<!tpu.dma_semaphore, #tpu.memory_space<semaphore_mem>>) src(%dma_wait3A_237 : memref<256x16xf32, #tpu.memory_space<hbm>>) dst(%arg16 : memref<256x16xf32, #tpu.memory_space<vmem>>)
        tpu.yield
      }) : () -> ()
      "tpu.region"() ({
        %run_scoped3A = tpu.sem_alloc : memref<!tpu.dma_semaphore, #tpu.memory_space<semaphore_mem>>
        %dma_start3A_222 = arith.constant 0 : i32
        %dma_start3A_223 = arith.constant 0 : i32
        %dma_start3A_224 = tpu.memref_slice %arg17[%dma_start3A_222, %dma_start3A_223] : memref<8200x16xf32, #tpu.memory_space<vmem_shared>> -> memref<8200x16xf32, #tpu.memory_space<vmem_shared>>
        tpu.enqueue_indirect_dma source(%arg16 : memref<256x16xf32, #tpu.memory_space<vmem>>) target(%dma_start3A_224 : memref<8200x16xf32, #tpu.memory_space<vmem_shared>>) offsets(%arg11 : memref<256xi32, #tpu.memory_space<vmem>>) semaphore(%run_scoped3A : memref<!tpu.dma_semaphore, #tpu.memory_space<semaphore_mem>>) {add = true}
        %dma_wait3A_225 = arith.constant 0 : i32
        %dma_wait3A_226 = arith.constant 0 : i32
        %dma_wait3A_227 = tpu.memref_slice %arg17[%dma_wait3A_225, %dma_wait3A_226] : memref<8200x16xf32, #tpu.memory_space<vmem_shared>> -> memref<8200x16xf32, #tpu.memory_space<vmem_shared>>
        tpu.wait_indirect_dma semaphore(%run_scoped3A : memref<!tpu.dma_semaphore, #tpu.memory_space<semaphore_mem>>) src(%arg16 : memref<256x16xf32, #tpu.memory_space<vmem>>) dst(%dma_wait3A_227 : memref<8200x16xf32, #tpu.memory_space<vmem_shared>>)
        tpu.yield
      }) : () -> ()
      "tpu.region"() ({
        %run_scoped3A = tpu.sem_alloc : memref<!tpu.dma_semaphore, #tpu.memory_space<semaphore_mem>>
        %dma_start3A_222 = arith.constant 1024 : i32
        %dma_start3A_223 = arith.constant 0 : i32
        %dma_start3A_224 = tpu.memref_slice %arg2[%add3A, %dma_start3A_222, %dma_start3A_223] : memref<16x2048x16xf32, #tpu.memory_space<hbm>> -> memref<1x256x16xf32, #tpu.memory_space<hbm>>
        %dma_start3A_225 = tpu.memref_squeeze %dma_start3A_224 : memref<1x256x16xf32, #tpu.memory_space<hbm>> -> memref<256x16xf32, #tpu.memory_space<hbm>>
        %dma_start3A_226 = arith.constant 1024 : i32
        %dma_start3A_227 = arith.constant 0 : i32
        %dma_start3A_228 = tpu.memref_slice %arg2[%add3A, %dma_start3A_226, %dma_start3A_227] : memref<16x2048x16xf32, #tpu.memory_space<hbm>> -> memref<1x256x16xf32, #tpu.memory_space<hbm>>
        %dma_start3A_229 = tpu.memref_squeeze %dma_start3A_228 : memref<1x256x16xf32, #tpu.memory_space<hbm>> -> memref<256x16xf32, #tpu.memory_space<hbm>>
        tpu.enqueue_dma source(%dma_start3A_229 : memref<256x16xf32, #tpu.memory_space<hbm>>) target(%arg16 : memref<256x16xf32, #tpu.memory_space<vmem>>) target_semaphore(%run_scoped3A : memref<!tpu.dma_semaphore, #tpu.memory_space<semaphore_mem>>)
        %dma_wait3A_230 = arith.constant 1024 : i32
        %dma_wait3A_231 = arith.constant 0 : i32
        %dma_wait3A_232 = tpu.memref_slice %arg2[%add3A, %dma_wait3A_230, %dma_wait3A_231] : memref<16x2048x16xf32, #tpu.memory_space<hbm>> -> memref<1x256x16xf32, #tpu.memory_space<hbm>>
        %dma_wait3A_233 = tpu.memref_squeeze %dma_wait3A_232 : memref<1x256x16xf32, #tpu.memory_space<hbm>> -> memref<256x16xf32, #tpu.memory_space<hbm>>
        %dma_wait3A_234 = arith.constant 1024 : i32
        %dma_wait3A_235 = arith.constant 0 : i32
        %dma_wait3A_236 = tpu.memref_slice %arg2[%add3A, %dma_wait3A_234, %dma_wait3A_235] : memref<16x2048x16xf32, #tpu.memory_space<hbm>> -> memref<1x256x16xf32, #tpu.memory_space<hbm>>
        %dma_wait3A_237 = tpu.memref_squeeze %dma_wait3A_236 : memref<1x256x16xf32, #tpu.memory_space<hbm>> -> memref<256x16xf32, #tpu.memory_space<hbm>>
        tpu.wait_dma2 semaphore(%run_scoped3A : memref<!tpu.dma_semaphore, #tpu.memory_space<semaphore_mem>>) src(%dma_wait3A_237 : memref<256x16xf32, #tpu.memory_space<hbm>>) dst(%arg16 : memref<256x16xf32, #tpu.memory_space<vmem>>)
        tpu.yield
      }) : () -> ()
      "tpu.region"() ({
        %run_scoped3A = tpu.sem_alloc : memref<!tpu.dma_semaphore, #tpu.memory_space<semaphore_mem>>
        %dma_start3A_222 = arith.constant 0 : i32
        %dma_start3A_223 = arith.constant 0 : i32
        %dma_start3A_224 = tpu.memref_slice %arg17[%dma_start3A_222, %dma_start3A_223] : memref<8200x16xf32, #tpu.memory_space<vmem_shared>> -> memref<8200x16xf32, #tpu.memory_space<vmem_shared>>
        tpu.enqueue_indirect_dma source(%arg16 : memref<256x16xf32, #tpu.memory_space<vmem>>) target(%dma_start3A_224 : memref<8200x16xf32, #tpu.memory_space<vmem_shared>>) offsets(%arg12 : memref<256xi32, #tpu.memory_space<vmem>>) semaphore(%run_scoped3A : memref<!tpu.dma_semaphore, #tpu.memory_space<semaphore_mem>>) {add = true}
        %dma_wait3A_225 = arith.constant 0 : i32
        %dma_wait3A_226 = arith.constant 0 : i32
        %dma_wait3A_227 = tpu.memref_slice %arg17[%dma_wait3A_225, %dma_wait3A_226] : memref<8200x16xf32, #tpu.memory_space<vmem_shared>> -> memref<8200x16xf32, #tpu.memory_space<vmem_shared>>
        tpu.wait_indirect_dma semaphore(%run_scoped3A : memref<!tpu.dma_semaphore, #tpu.memory_space<semaphore_mem>>) src(%arg16 : memref<256x16xf32, #tpu.memory_space<vmem>>) dst(%dma_wait3A_227 : memref<8200x16xf32, #tpu.memory_space<vmem_shared>>)
        tpu.yield
      }) : () -> ()
      "tpu.region"() ({
        %run_scoped3A = tpu.sem_alloc : memref<!tpu.dma_semaphore, #tpu.memory_space<semaphore_mem>>
        %dma_start3A_222 = arith.constant 1280 : i32
        %dma_start3A_223 = arith.constant 0 : i32
        %dma_start3A_224 = tpu.memref_slice %arg2[%add3A, %dma_start3A_222, %dma_start3A_223] : memref<16x2048x16xf32, #tpu.memory_space<hbm>> -> memref<1x256x16xf32, #tpu.memory_space<hbm>>
        %dma_start3A_225 = tpu.memref_squeeze %dma_start3A_224 : memref<1x256x16xf32, #tpu.memory_space<hbm>> -> memref<256x16xf32, #tpu.memory_space<hbm>>
        %dma_start3A_226 = arith.constant 1280 : i32
        %dma_start3A_227 = arith.constant 0 : i32
        %dma_start3A_228 = tpu.memref_slice %arg2[%add3A, %dma_start3A_226, %dma_start3A_227] : memref<16x2048x16xf32, #tpu.memory_space<hbm>> -> memref<1x256x16xf32, #tpu.memory_space<hbm>>
        %dma_start3A_229 = tpu.memref_squeeze %dma_start3A_228 : memref<1x256x16xf32, #tpu.memory_space<hbm>> -> memref<256x16xf32, #tpu.memory_space<hbm>>
        tpu.enqueue_dma source(%dma_start3A_229 : memref<256x16xf32, #tpu.memory_space<hbm>>) target(%arg16 : memref<256x16xf32, #tpu.memory_space<vmem>>) target_semaphore(%run_scoped3A : memref<!tpu.dma_semaphore, #tpu.memory_space<semaphore_mem>>)
        %dma_wait3A_230 = arith.constant 1280 : i32
        %dma_wait3A_231 = arith.constant 0 : i32
        %dma_wait3A_232 = tpu.memref_slice %arg2[%add3A, %dma_wait3A_230, %dma_wait3A_231] : memref<16x2048x16xf32, #tpu.memory_space<hbm>> -> memref<1x256x16xf32, #tpu.memory_space<hbm>>
        %dma_wait3A_233 = tpu.memref_squeeze %dma_wait3A_232 : memref<1x256x16xf32, #tpu.memory_space<hbm>> -> memref<256x16xf32, #tpu.memory_space<hbm>>
        %dma_wait3A_234 = arith.constant 1280 : i32
        %dma_wait3A_235 = arith.constant 0 : i32
        %dma_wait3A_236 = tpu.memref_slice %arg2[%add3A, %dma_wait3A_234, %dma_wait3A_235] : memref<16x2048x16xf32, #tpu.memory_space<hbm>> -> memref<1x256x16xf32, #tpu.memory_space<hbm>>
        %dma_wait3A_237 = tpu.memref_squeeze %dma_wait3A_236 : memref<1x256x16xf32, #tpu.memory_space<hbm>> -> memref<256x16xf32, #tpu.memory_space<hbm>>
        tpu.wait_dma2 semaphore(%run_scoped3A : memref<!tpu.dma_semaphore, #tpu.memory_space<semaphore_mem>>) src(%dma_wait3A_237 : memref<256x16xf32, #tpu.memory_space<hbm>>) dst(%arg16 : memref<256x16xf32, #tpu.memory_space<vmem>>)
        tpu.yield
      }) : () -> ()
      "tpu.region"() ({
        %run_scoped3A = tpu.sem_alloc : memref<!tpu.dma_semaphore, #tpu.memory_space<semaphore_mem>>
        %dma_start3A_222 = arith.constant 0 : i32
        %dma_start3A_223 = arith.constant 0 : i32
        %dma_start3A_224 = tpu.memref_slice %arg17[%dma_start3A_222, %dma_start3A_223] : memref<8200x16xf32, #tpu.memory_space<vmem_shared>> -> memref<8200x16xf32, #tpu.memory_space<vmem_shared>>
        tpu.enqueue_indirect_dma source(%arg16 : memref<256x16xf32, #tpu.memory_space<vmem>>) target(%dma_start3A_224 : memref<8200x16xf32, #tpu.memory_space<vmem_shared>>) offsets(%arg13 : memref<256xi32, #tpu.memory_space<vmem>>) semaphore(%run_scoped3A : memref<!tpu.dma_semaphore, #tpu.memory_space<semaphore_mem>>) {add = true}
        %dma_wait3A_225 = arith.constant 0 : i32
        %dma_wait3A_226 = arith.constant 0 : i32
        %dma_wait3A_227 = tpu.memref_slice %arg17[%dma_wait3A_225, %dma_wait3A_226] : memref<8200x16xf32, #tpu.memory_space<vmem_shared>> -> memref<8200x16xf32, #tpu.memory_space<vmem_shared>>
        tpu.wait_indirect_dma semaphore(%run_scoped3A : memref<!tpu.dma_semaphore, #tpu.memory_space<semaphore_mem>>) src(%arg16 : memref<256x16xf32, #tpu.memory_space<vmem>>) dst(%dma_wait3A_227 : memref<8200x16xf32, #tpu.memory_space<vmem_shared>>)
        tpu.yield
      }) : () -> ()
      "tpu.region"() ({
        %run_scoped3A = tpu.sem_alloc : memref<!tpu.dma_semaphore, #tpu.memory_space<semaphore_mem>>
        %dma_start3A_222 = arith.constant 1536 : i32
        %dma_start3A_223 = arith.constant 0 : i32
        %dma_start3A_224 = tpu.memref_slice %arg2[%add3A, %dma_start3A_222, %dma_start3A_223] : memref<16x2048x16xf32, #tpu.memory_space<hbm>> -> memref<1x256x16xf32, #tpu.memory_space<hbm>>
        %dma_start3A_225 = tpu.memref_squeeze %dma_start3A_224 : memref<1x256x16xf32, #tpu.memory_space<hbm>> -> memref<256x16xf32, #tpu.memory_space<hbm>>
        %dma_start3A_226 = arith.constant 1536 : i32
        %dma_start3A_227 = arith.constant 0 : i32
        %dma_start3A_228 = tpu.memref_slice %arg2[%add3A, %dma_start3A_226, %dma_start3A_227] : memref<16x2048x16xf32, #tpu.memory_space<hbm>> -> memref<1x256x16xf32, #tpu.memory_space<hbm>>
        %dma_start3A_229 = tpu.memref_squeeze %dma_start3A_228 : memref<1x256x16xf32, #tpu.memory_space<hbm>> -> memref<256x16xf32, #tpu.memory_space<hbm>>
        tpu.enqueue_dma source(%dma_start3A_229 : memref<256x16xf32, #tpu.memory_space<hbm>>) target(%arg16 : memref<256x16xf32, #tpu.memory_space<vmem>>) target_semaphore(%run_scoped3A : memref<!tpu.dma_semaphore, #tpu.memory_space<semaphore_mem>>)
        %dma_wait3A_230 = arith.constant 1536 : i32
        %dma_wait3A_231 = arith.constant 0 : i32
        %dma_wait3A_232 = tpu.memref_slice %arg2[%add3A, %dma_wait3A_230, %dma_wait3A_231] : memref<16x2048x16xf32, #tpu.memory_space<hbm>> -> memref<1x256x16xf32, #tpu.memory_space<hbm>>
        %dma_wait3A_233 = tpu.memref_squeeze %dma_wait3A_232 : memref<1x256x16xf32, #tpu.memory_space<hbm>> -> memref<256x16xf32, #tpu.memory_space<hbm>>
        %dma_wait3A_234 = arith.constant 1536 : i32
        %dma_wait3A_235 = arith.constant 0 : i32
        %dma_wait3A_236 = tpu.memref_slice %arg2[%add3A, %dma_wait3A_234, %dma_wait3A_235] : memref<16x2048x16xf32, #tpu.memory_space<hbm>> -> memref<1x256x16xf32, #tpu.memory_space<hbm>>
        %dma_wait3A_237 = tpu.memref_squeeze %dma_wait3A_236 : memref<1x256x16xf32, #tpu.memory_space<hbm>> -> memref<256x16xf32, #tpu.memory_space<hbm>>
        tpu.wait_dma2 semaphore(%run_scoped3A : memref<!tpu.dma_semaphore, #tpu.memory_space<semaphore_mem>>) src(%dma_wait3A_237 : memref<256x16xf32, #tpu.memory_space<hbm>>) dst(%arg16 : memref<256x16xf32, #tpu.memory_space<vmem>>)
        tpu.yield
      }) : () -> ()
      "tpu.region"() ({
        %run_scoped3A = tpu.sem_alloc : memref<!tpu.dma_semaphore, #tpu.memory_space<semaphore_mem>>
        %dma_start3A_222 = arith.constant 0 : i32
        %dma_start3A_223 = arith.constant 0 : i32
        %dma_start3A_224 = tpu.memref_slice %arg17[%dma_start3A_222, %dma_start3A_223] : memref<8200x16xf32, #tpu.memory_space<vmem_shared>> -> memref<8200x16xf32, #tpu.memory_space<vmem_shared>>
        tpu.enqueue_indirect_dma source(%arg16 : memref<256x16xf32, #tpu.memory_space<vmem>>) target(%dma_start3A_224 : memref<8200x16xf32, #tpu.memory_space<vmem_shared>>) offsets(%arg14 : memref<256xi32, #tpu.memory_space<vmem>>) semaphore(%run_scoped3A : memref<!tpu.dma_semaphore, #tpu.memory_space<semaphore_mem>>) {add = true}
        %dma_wait3A_225 = arith.constant 0 : i32
        %dma_wait3A_226 = arith.constant 0 : i32
        %dma_wait3A_227 = tpu.memref_slice %arg17[%dma_wait3A_225, %dma_wait3A_226] : memref<8200x16xf32, #tpu.memory_space<vmem_shared>> -> memref<8200x16xf32, #tpu.memory_space<vmem_shared>>
        tpu.wait_indirect_dma semaphore(%run_scoped3A : memref<!tpu.dma_semaphore, #tpu.memory_space<semaphore_mem>>) src(%arg16 : memref<256x16xf32, #tpu.memory_space<vmem>>) dst(%dma_wait3A_227 : memref<8200x16xf32, #tpu.memory_space<vmem_shared>>)
        tpu.yield
      }) : () -> ()
      "tpu.region"() ({
        %run_scoped3A = tpu.sem_alloc : memref<!tpu.dma_semaphore, #tpu.memory_space<semaphore_mem>>
        %dma_start3A_222 = arith.constant 1792 : i32
        %dma_start3A_223 = arith.constant 0 : i32
        %dma_start3A_224 = tpu.memref_slice %arg2[%add3A, %dma_start3A_222, %dma_start3A_223] : memref<16x2048x16xf32, #tpu.memory_space<hbm>> -> memref<1x256x16xf32, #tpu.memory_space<hbm>>
        %dma_start3A_225 = tpu.memref_squeeze %dma_start3A_224 : memref<1x256x16xf32, #tpu.memory_space<hbm>> -> memref<256x16xf32, #tpu.memory_space<hbm>>
        %dma_start3A_226 = arith.constant 1792 : i32
        %dma_start3A_227 = arith.constant 0 : i32
        %dma_start3A_228 = tpu.memref_slice %arg2[%add3A, %dma_start3A_226, %dma_start3A_227] : memref<16x2048x16xf32, #tpu.memory_space<hbm>> -> memref<1x256x16xf32, #tpu.memory_space<hbm>>
        %dma_start3A_229 = tpu.memref_squeeze %dma_start3A_228 : memref<1x256x16xf32, #tpu.memory_space<hbm>> -> memref<256x16xf32, #tpu.memory_space<hbm>>
        tpu.enqueue_dma source(%dma_start3A_229 : memref<256x16xf32, #tpu.memory_space<hbm>>) target(%arg16 : memref<256x16xf32, #tpu.memory_space<vmem>>) target_semaphore(%run_scoped3A : memref<!tpu.dma_semaphore, #tpu.memory_space<semaphore_mem>>)
        %dma_wait3A_230 = arith.constant 1792 : i32
        %dma_wait3A_231 = arith.constant 0 : i32
        %dma_wait3A_232 = tpu.memref_slice %arg2[%add3A, %dma_wait3A_230, %dma_wait3A_231] : memref<16x2048x16xf32, #tpu.memory_space<hbm>> -> memref<1x256x16xf32, #tpu.memory_space<hbm>>
        %dma_wait3A_233 = tpu.memref_squeeze %dma_wait3A_232 : memref<1x256x16xf32, #tpu.memory_space<hbm>> -> memref<256x16xf32, #tpu.memory_space<hbm>>
        %dma_wait3A_234 = arith.constant 1792 : i32
        %dma_wait3A_235 = arith.constant 0 : i32
        %dma_wait3A_236 = tpu.memref_slice %arg2[%add3A, %dma_wait3A_234, %dma_wait3A_235] : memref<16x2048x16xf32, #tpu.memory_space<hbm>> -> memref<1x256x16xf32, #tpu.memory_space<hbm>>
        %dma_wait3A_237 = tpu.memref_squeeze %dma_wait3A_236 : memref<1x256x16xf32, #tpu.memory_space<hbm>> -> memref<256x16xf32, #tpu.memory_space<hbm>>
        tpu.wait_dma2 semaphore(%run_scoped3A : memref<!tpu.dma_semaphore, #tpu.memory_space<semaphore_mem>>) src(%dma_wait3A_237 : memref<256x16xf32, #tpu.memory_space<hbm>>) dst(%arg16 : memref<256x16xf32, #tpu.memory_space<vmem>>)
        tpu.yield
      }) : () -> ()
      "tpu.region"() ({
        %run_scoped3A = tpu.sem_alloc : memref<!tpu.dma_semaphore, #tpu.memory_space<semaphore_mem>>
        %dma_start3A_222 = arith.constant 0 : i32
        %dma_start3A_223 = arith.constant 0 : i32
        %dma_start3A_224 = tpu.memref_slice %arg17[%dma_start3A_222, %dma_start3A_223] : memref<8200x16xf32, #tpu.memory_space<vmem_shared>> -> memref<8200x16xf32, #tpu.memory_space<vmem_shared>>
        tpu.enqueue_indirect_dma source(%arg16 : memref<256x16xf32, #tpu.memory_space<vmem>>) target(%dma_start3A_224 : memref<8200x16xf32, #tpu.memory_space<vmem_shared>>) offsets(%arg15 : memref<256xi32, #tpu.memory_space<vmem>>) semaphore(%run_scoped3A : memref<!tpu.dma_semaphore, #tpu.memory_space<semaphore_mem>>) {add = true}
        %dma_wait3A_225 = arith.constant 0 : i32
        %dma_wait3A_226 = arith.constant 0 : i32
        %dma_wait3A_227 = tpu.memref_slice %arg17[%dma_wait3A_225, %dma_wait3A_226] : memref<8200x16xf32, #tpu.memory_space<vmem_shared>> -> memref<8200x16xf32, #tpu.memory_space<vmem_shared>>
        tpu.wait_indirect_dma semaphore(%run_scoped3A : memref<!tpu.dma_semaphore, #tpu.memory_space<semaphore_mem>>) src(%arg16 : memref<256x16xf32, #tpu.memory_space<vmem>>) dst(%dma_wait3A_227 : memref<8200x16xf32, #tpu.memory_space<vmem_shared>>)
        tpu.yield
      }) : () -> ()
      "tpu.region"() ({
        %run_scoped3A = tpu.sem_alloc : memref<!tpu.dma_semaphore, #tpu.memory_space<semaphore_mem>>
        %dma_start3A_222 = arith.constant 0 : i32
        %dma_start3A_223 = arith.constant 0 : i32
        %dma_start3A_224 = tpu.memref_slice %arg4[%add3A, %dma_start3A_222, %dma_start3A_223] : memref<16x2048x16xf32, #tpu.memory_space<hbm>> -> memref<1x1024x16xf32, #tpu.memory_space<hbm>>
        %dma_start3A_225 = tpu.memref_squeeze %dma_start3A_224 : memref<1x1024x16xf32, #tpu.memory_space<hbm>> -> memref<1024x16xf32, #tpu.memory_space<hbm>>
        %dma_start3A_226 = arith.constant 0 : i32
        %dma_start3A_227 = tpu.memref_slice %arg17[%mul3A_4, %dma_start3A_226] : memref<8200x16xf32, #tpu.memory_space<vmem_shared>> -> memref<1024x16xf32, #tpu.memory_space<vmem_shared>>
        tpu.enqueue_dma source(%dma_start3A_227 : memref<1024x16xf32, #tpu.memory_space<vmem_shared>>) target(%dma_start3A_225 : memref<1024x16xf32, #tpu.memory_space<hbm>>) target_semaphore(%run_scoped3A : memref<!tpu.dma_semaphore, #tpu.memory_space<semaphore_mem>>)
        %dma_wait3A_228 = arith.constant 0 : i32
        %dma_wait3A_229 = arith.constant 0 : i32
        %dma_wait3A_230 = tpu.memref_slice %arg4[%add3A, %dma_wait3A_228, %dma_wait3A_229] : memref<16x2048x16xf32, #tpu.memory_space<hbm>> -> memref<1x1024x16xf32, #tpu.memory_space<hbm>>
        %dma_wait3A_231 = tpu.memref_squeeze %dma_wait3A_230 : memref<1x1024x16xf32, #tpu.memory_space<hbm>> -> memref<1024x16xf32, #tpu.memory_space<hbm>>
        %dma_wait3A_232 = arith.constant 0 : i32
        %dma_wait3A_233 = tpu.memref_slice %arg17[%mul3A_4, %dma_wait3A_232] : memref<8200x16xf32, #tpu.memory_space<vmem_shared>> -> memref<1024x16xf32, #tpu.memory_space<vmem_shared>>
        tpu.wait_dma2 semaphore(%run_scoped3A : memref<!tpu.dma_semaphore, #tpu.memory_space<semaphore_mem>>) src(%dma_wait3A_233 : memref<1024x16xf32, #tpu.memory_space<vmem_shared>>) dst(%dma_wait3A_231 : memref<1024x16xf32, #tpu.memory_space<hbm>>)
        tpu.yield
      }) : () -> ()
      %scan3A_160 = arith.constant 0 : i32
      %scan3A_161 = arith.constant 0 : i32
      %scan3A_162 = arith.constant 256 : i32
      %scan3A_163 = arith.addi %scan3A_161, %scan3A_162 : i32
      %scan3A_164 = arith.constant 8 : i32
      scf.for %scan3A_222 = %scan3A_161 to %scan3A_163 step %scan3A_164  : i32 {
        %broadcast_in_dim3A = arith.constant 0.000000e+00 : f32
        %broadcast_in_dim3A_223 = vector.broadcast %broadcast_in_dim3A : f32 to vector<16xf32>
        %swap3A = arith.index_cast %scan3A_222 : i32 to index
        %swap3A_224 = arith.constant 0 : index
        %swap3A_225 = tpu.vector_load %arg16[%swap3A, %swap3A_224] {strides = array<i32>} : memref<256x16xf32, #tpu.memory_space<vmem>>, vector<1x16xf32>,
        %swap3A_226 = vector.shape_cast %swap3A_225 : vector<1x16xf32> to vector<16xf32>
        %swap3A_227 = vector.shape_cast %broadcast_in_dim3A_223 : vector<16xf32> to vector<1x16xf32>
        tpu.vector_store %arg16[%swap3A, %swap3A_224], %swap3A_227 {strides = array<i32>} : memref<256x16xf32, #tpu.memory_space<vmem>>, vector<1x16xf32>,
        %scan3A_228 = arith.constant 1 : i32
        %scan3A_229 = arith.addi %scan3A_222, %scan3A_228 : i32
        %broadcast_in_dim3A_230 = arith.constant 0.000000e+00 : f32
        %broadcast_in_dim3A_231 = vector.broadcast %broadcast_in_dim3A_230 : f32 to vector<16xf32>
        %swap3A_232 = arith.index_cast %scan3A_229 : i32 to index
        %swap3A_233 = arith.constant 0 : index
        %swap3A_234 = tpu.vector_load %arg16[%swap3A_232, %swap3A_233] {strides = array<i32>} : memref<256x16xf32, #tpu.memory_space<vmem>>, vector<1x16xf32>,
        %swap3A_235 = vector.shape_cast %swap3A_234 : vector<1x16xf32> to vector<16xf32>
        %swap3A_236 = vector.shape_cast %broadcast_in_dim3A_231 : vector<16xf32> to vector<1x16xf32>
        tpu.vector_store %arg16[%swap3A_232, %swap3A_233], %swap3A_236 {strides = array<i32>} : memref<256x16xf32, #tpu.memory_space<vmem>>, vector<1x16xf32>,
        %scan3A_237 = arith.constant 2 : i32
        %scan3A_238 = arith.addi %scan3A_222, %scan3A_237 : i32
        %broadcast_in_dim3A_239 = arith.constant 0.000000e+00 : f32
        %broadcast_in_dim3A_240 = vector.broadcast %broadcast_in_dim3A_239 : f32 to vector<16xf32>
        %swap3A_241 = arith.index_cast %scan3A_238 : i32 to index
        %swap3A_242 = arith.constant 0 : index
        %swap3A_243 = tpu.vector_load %arg16[%swap3A_241, %swap3A_242] {strides = array<i32>} : memref<256x16xf32, #tpu.memory_space<vmem>>, vector<1x16xf32>,
        %swap3A_244 = vector.shape_cast %swap3A_243 : vector<1x16xf32> to vector<16xf32>
        %swap3A_245 = vector.shape_cast %broadcast_in_dim3A_240 : vector<16xf32> to vector<1x16xf32>
        tpu.vector_store %arg16[%swap3A_241, %swap3A_242], %swap3A_245 {strides = array<i32>} : memref<256x16xf32, #tpu.memory_space<vmem>>, vector<1x16xf32>,
        %scan3A_246 = arith.constant 3 : i32
        %scan3A_247 = arith.addi %scan3A_222, %scan3A_246 : i32
        %broadcast_in_dim3A_248 = arith.constant 0.000000e+00 : f32
        %broadcast_in_dim3A_249 = vector.broadcast %broadcast_in_dim3A_248 : f32 to vector<16xf32>
        %swap3A_250 = arith.index_cast %scan3A_247 : i32 to index
        %swap3A_251 = arith.constant 0 : index
        %swap3A_252 = tpu.vector_load %arg16[%swap3A_250, %swap3A_251] {strides = array<i32>} : memref<256x16xf32, #tpu.memory_space<vmem>>, vector<1x16xf32>,
        %swap3A_253 = vector.shape_cast %swap3A_252 : vector<1x16xf32> to vector<16xf32>
        %swap3A_254 = vector.shape_cast %broadcast_in_dim3A_249 : vector<16xf32> to vector<1x16xf32>
        tpu.vector_store %arg16[%swap3A_250, %swap3A_251], %swap3A_254 {strides = array<i32>} : memref<256x16xf32, #tpu.memory_space<vmem>>, vector<1x16xf32>,
        %scan3A_255 = arith.constant 4 : i32
        %scan3A_256 = arith.addi %scan3A_222, %scan3A_255 : i32
        %broadcast_in_dim3A_257 = arith.constant 0.000000e+00 : f32
        %broadcast_in_dim3A_258 = vector.broadcast %broadcast_in_dim3A_257 : f32 to vector<16xf32>
        %swap3A_259 = arith.index_cast %scan3A_256 : i32 to index
        %swap3A_260 = arith.constant 0 : index
        %swap3A_261 = tpu.vector_load %arg16[%swap3A_259, %swap3A_260] {strides = array<i32>} : memref<256x16xf32, #tpu.memory_space<vmem>>, vector<1x16xf32>,
        %swap3A_262 = vector.shape_cast %swap3A_261 : vector<1x16xf32> to vector<16xf32>
        %swap3A_263 = vector.shape_cast %broadcast_in_dim3A_258 : vector<16xf32> to vector<1x16xf32>
        tpu.vector_store %arg16[%swap3A_259, %swap3A_260], %swap3A_263 {strides = array<i32>} : memref<256x16xf32, #tpu.memory_space<vmem>>, vector<1x16xf32>,
        %scan3A_264 = arith.constant 5 : i32
        %scan3A_265 = arith.addi %scan3A_222, %scan3A_264 : i32
        %broadcast_in_dim3A_266 = arith.constant 0.000000e+00 : f32
        %broadcast_in_dim3A_267 = vector.broadcast %broadcast_in_dim3A_266 : f32 to vector<16xf32>
        %swap3A_268 = arith.index_cast %scan3A_265 : i32 to index
        %swap3A_269 = arith.constant 0 : index
        %swap3A_270 = tpu.vector_load %arg16[%swap3A_268, %swap3A_269] {strides = array<i32>} : memref<256x16xf32, #tpu.memory_space<vmem>>, vector<1x16xf32>,
        %swap3A_271 = vector.shape_cast %swap3A_270 : vector<1x16xf32> to vector<16xf32>
        %swap3A_272 = vector.shape_cast %broadcast_in_dim3A_267 : vector<16xf32> to vector<1x16xf32>
        tpu.vector_store %arg16[%swap3A_268, %swap3A_269], %swap3A_272 {strides = array<i32>} : memref<256x16xf32, #tpu.memory_space<vmem>>, vector<1x16xf32>,
        %scan3A_273 = arith.constant 6 : i32
        %scan3A_274 = arith.addi %scan3A_222, %scan3A_273 : i32
        %broadcast_in_dim3A_275 = arith.constant 0.000000e+00 : f32
        %broadcast_in_dim3A_276 = vector.broadcast %broadcast_in_dim3A_275 : f32 to vector<16xf32>
        %swap3A_277 = arith.index_cast %scan3A_274 : i32 to index
        %swap3A_278 = arith.constant 0 : index
        %swap3A_279 = tpu.vector_load %arg16[%swap3A_277, %swap3A_278] {strides = array<i32>} : memref<256x16xf32, #tpu.memory_space<vmem>>, vector<1x16xf32>,
        %swap3A_280 = vector.shape_cast %swap3A_279 : vector<1x16xf32> to vector<16xf32>
        %swap3A_281 = vector.shape_cast %broadcast_in_dim3A_276 : vector<16xf32> to vector<1x16xf32>
        tpu.vector_store %arg16[%swap3A_277, %swap3A_278], %swap3A_281 {strides = array<i32>} : memref<256x16xf32, #tpu.memory_space<vmem>>, vector<1x16xf32>,
        %scan3A_282 = arith.constant 7 : i32
        %scan3A_283 = arith.addi %scan3A_222, %scan3A_282 : i32
        %broadcast_in_dim3A_284 = arith.constant 0.000000e+00 : f32
        %broadcast_in_dim3A_285 = vector.broadcast %broadcast_in_dim3A_284 : f32 to vector<16xf32>
        %swap3A_286 = arith.index_cast %scan3A_283 : i32 to index
        %swap3A_287 = arith.constant 0 : index
        %swap3A_288 = tpu.vector_load %arg16[%swap3A_286, %swap3A_287] {strides = array<i32>} : memref<256x16xf32, #tpu.memory_space<vmem>>, vector<1x16xf32>,
        %swap3A_289 = vector.shape_cast %swap3A_288 : vector<1x16xf32> to vector<16xf32>
        %swap3A_290 = vector.shape_cast %broadcast_in_dim3A_285 : vector<16xf32> to vector<1x16xf32>
        tpu.vector_store %arg16[%swap3A_286, %swap3A_287], %swap3A_290 {strides = array<i32>} : memref<256x16xf32, #tpu.memory_space<vmem>>, vector<1x16xf32>,
      }
      %scan3A_165 = arith.constant 256 : i32
      %add3A_166 = arith.constant 0 : i32
      %add3A_167 = arith.addi %mul3A_4, %add3A_166 : i32
      "tpu.region"() ({
        %run_scoped3A = tpu.sem_alloc : memref<!tpu.dma_semaphore, #tpu.memory_space<semaphore_mem>>
        %dma_start3A_222 = arith.constant 0 : i32
        %dma_start3A_223 = tpu.memref_slice %arg17[%add3A_167, %dma_start3A_222] : memref<8200x16xf32, #tpu.memory_space<vmem_shared>> -> memref<256x16xf32, #tpu.memory_space<vmem_shared>>
        %dma_start3A_224 = arith.constant 0 : i32
        %dma_start3A_225 = tpu.memref_slice %arg17[%add3A_167, %dma_start3A_224] : memref<8200x16xf32, #tpu.memory_space<vmem_shared>> -> memref<256x16xf32, #tpu.memory_space<vmem_shared>>
        tpu.enqueue_dma source(%arg16 : memref<256x16xf32, #tpu.memory_space<vmem>>) target(%dma_start3A_225 : memref<256x16xf32, #tpu.memory_space<vmem_shared>>) target_semaphore(%run_scoped3A : memref<!tpu.dma_semaphore, #tpu.memory_space<semaphore_mem>>)
        %dma_wait3A_226 = arith.constant 0 : i32
        %dma_wait3A_227 = tpu.memref_slice %arg17[%add3A_167, %dma_wait3A_226] : memref<8200x16xf32, #tpu.memory_space<vmem_shared>> -> memref<256x16xf32, #tpu.memory_space<vmem_shared>>
        %dma_wait3A_228 = arith.constant 0 : i32
        %dma_wait3A_229 = tpu.memref_slice %arg17[%add3A_167, %dma_wait3A_228] : memref<8200x16xf32, #tpu.memory_space<vmem_shared>> -> memref<256x16xf32, #tpu.memory_space<vmem_shared>>
        tpu.wait_dma2 semaphore(%run_scoped3A : memref<!tpu.dma_semaphore, #tpu.memory_space<semaphore_mem>>) src(%arg16 : memref<256x16xf32, #tpu.memory_space<vmem>>) dst(%dma_wait3A_229 : memref<256x16xf32, #tpu.memory_space<vmem_shared>>)
        tpu.yield
      }) : () -> ()
      %add3A_168 = arith.constant 256 : i32
      %add3A_169 = arith.addi %mul3A_4, %add3A_168 : i32
      "tpu.region"() ({
        %run_scoped3A = tpu.sem_alloc : memref<!tpu.dma_semaphore, #tpu.memory_space<semaphore_mem>>
        %dma_start3A_222 = arith.constant 0 : i32
        %dma_start3A_223 = tpu.memref_slice %arg17[%add3A_169, %dma_start3A_222] : memref<8200x16xf32, #tpu.memory_space<vmem_shared>> -> memref<256x16xf32, #tpu.memory_space<vmem_shared>>
        %dma_start3A_224 = arith.constant 0 : i32
        %dma_start3A_225 = tpu.memref_slice %arg17[%add3A_169, %dma_start3A_224] : memref<8200x16xf32, #tpu.memory_space<vmem_shared>> -> memref<256x16xf32, #tpu.memory_space<vmem_shared>>
        tpu.enqueue_dma source(%arg16 : memref<256x16xf32, #tpu.memory_space<vmem>>) target(%dma_start3A_225 : memref<256x16xf32, #tpu.memory_space<vmem_shared>>) target_semaphore(%run_scoped3A : memref<!tpu.dma_semaphore, #tpu.memory_space<semaphore_mem>>)
        %dma_wait3A_226 = arith.constant 0 : i32
        %dma_wait3A_227 = tpu.memref_slice %arg17[%add3A_169, %dma_wait3A_226] : memref<8200x16xf32, #tpu.memory_space<vmem_shared>> -> memref<256x16xf32, #tpu.memory_space<vmem_shared>>
        %dma_wait3A_228 = arith.constant 0 : i32
        %dma_wait3A_229 = tpu.memref_slice %arg17[%add3A_169, %dma_wait3A_228] : memref<8200x16xf32, #tpu.memory_space<vmem_shared>> -> memref<256x16xf32, #tpu.memory_space<vmem_shared>>
        tpu.wait_dma2 semaphore(%run_scoped3A : memref<!tpu.dma_semaphore, #tpu.memory_space<semaphore_mem>>) src(%arg16 : memref<256x16xf32, #tpu.memory_space<vmem>>) dst(%dma_wait3A_229 : memref<256x16xf32, #tpu.memory_space<vmem_shared>>)
        tpu.yield
      }) : () -> ()
      %add3A_170 = arith.constant 512 : i32
      %add3A_171 = arith.addi %mul3A_4, %add3A_170 : i32
      "tpu.region"() ({
        %run_scoped3A = tpu.sem_alloc : memref<!tpu.dma_semaphore, #tpu.memory_space<semaphore_mem>>
        %dma_start3A_222 = arith.constant 0 : i32
        %dma_start3A_223 = tpu.memref_slice %arg17[%add3A_171, %dma_start3A_222] : memref<8200x16xf32, #tpu.memory_space<vmem_shared>> -> memref<256x16xf32, #tpu.memory_space<vmem_shared>>
        %dma_start3A_224 = arith.constant 0 : i32
        %dma_start3A_225 = tpu.memref_slice %arg17[%add3A_171, %dma_start3A_224] : memref<8200x16xf32, #tpu.memory_space<vmem_shared>> -> memref<256x16xf32, #tpu.memory_space<vmem_shared>>
        tpu.enqueue_dma source(%arg16 : memref<256x16xf32, #tpu.memory_space<vmem>>) target(%dma_start3A_225 : memref<256x16xf32, #tpu.memory_space<vmem_shared>>) target_semaphore(%run_scoped3A : memref<!tpu.dma_semaphore, #tpu.memory_space<semaphore_mem>>)
        %dma_wait3A_226 = arith.constant 0 : i32
        %dma_wait3A_227 = tpu.memref_slice %arg17[%add3A_171, %dma_wait3A_226] : memref<8200x16xf32, #tpu.memory_space<vmem_shared>> -> memref<256x16xf32, #tpu.memory_space<vmem_shared>>
        %dma_wait3A_228 = arith.constant 0 : i32
        %dma_wait3A_229 = tpu.memref_slice %arg17[%add3A_171, %dma_wait3A_228] : memref<8200x16xf32, #tpu.memory_space<vmem_shared>> -> memref<256x16xf32, #tpu.memory_space<vmem_shared>>
        tpu.wait_dma2 semaphore(%run_scoped3A : memref<!tpu.dma_semaphore, #tpu.memory_space<semaphore_mem>>) src(%arg16 : memref<256x16xf32, #tpu.memory_space<vmem>>) dst(%dma_wait3A_229 : memref<256x16xf32, #tpu.memory_space<vmem_shared>>)
        tpu.yield
      }) : () -> ()
      %add3A_172 = arith.constant 768 : i32
      %add3A_173 = arith.addi %mul3A_4, %add3A_172 : i32
      "tpu.region"() ({
        %run_scoped3A = tpu.sem_alloc : memref<!tpu.dma_semaphore, #tpu.memory_space<semaphore_mem>>
        %dma_start3A_222 = arith.constant 0 : i32
        %dma_start3A_223 = tpu.memref_slice %arg17[%add3A_173, %dma_start3A_222] : memref<8200x16xf32, #tpu.memory_space<vmem_shared>> -> memref<256x16xf32, #tpu.memory_space<vmem_shared>>
        %dma_start3A_224 = arith.constant 0 : i32
        %dma_start3A_225 = tpu.memref_slice %arg17[%add3A_173, %dma_start3A_224] : memref<8200x16xf32, #tpu.memory_space<vmem_shared>> -> memref<256x16xf32, #tpu.memory_space<vmem_shared>>
        tpu.enqueue_dma source(%arg16 : memref<256x16xf32, #tpu.memory_space<vmem>>) target(%dma_start3A_225 : memref<256x16xf32, #tpu.memory_space<vmem_shared>>) target_semaphore(%run_scoped3A : memref<!tpu.dma_semaphore, #tpu.memory_space<semaphore_mem>>)
        %dma_wait3A_226 = arith.constant 0 : i32
        %dma_wait3A_227 = tpu.memref_slice %arg17[%add3A_173, %dma_wait3A_226] : memref<8200x16xf32, #tpu.memory_space<vmem_shared>> -> memref<256x16xf32, #tpu.memory_space<vmem_shared>>
        %dma_wait3A_228 = arith.constant 0 : i32
        %dma_wait3A_229 = tpu.memref_slice %arg17[%add3A_173, %dma_wait3A_228] : memref<8200x16xf32, #tpu.memory_space<vmem_shared>> -> memref<256x16xf32, #tpu.memory_space<vmem_shared>>
        tpu.wait_dma2 semaphore(%run_scoped3A : memref<!tpu.dma_semaphore, #tpu.memory_space<semaphore_mem>>) src(%arg16 : memref<256x16xf32, #tpu.memory_space<vmem>>) dst(%dma_wait3A_229 : memref<256x16xf32, #tpu.memory_space<vmem_shared>>)
        tpu.yield
      }) : () -> ()
      %scan3A_174 = arith.constant 0 : i32
      %scan3A_175 = arith.constant 0 : i32
      %scan3A_176 = arith.constant 16 : i32
      %scan3A_177 = arith.addi %scan3A_175, %scan3A_176 : i32
      %scan3A_178 = arith.constant 4 : i32
      scf.for %scan3A_222 = %scan3A_175 to %scan3A_177 step %scan3A_178  : i32 {
        %add3A_223 = arith.constant 0 : i32
        %add3A_224 = arith.addi %add3A_223, %scan3A_222 : i32
        %mul3A_225 = arith.constant 16 : i32
        %mul3A_226 = arith.muli %add3A_224, %mul3A_225 : i32
        %add3A_227 = arith.constant 1024 : i32
        %add3A_228 = arith.addi %add3A_227, %mul3A_226 : i32
        %get3A = arith.index_cast %add3A_228 : i32 to index
        %get3A_229 = tpu.vector_load %arg6[%get3A] {strides = array<i32>} : memref<3072xi32, #tpu.memory_space<vmem>>, vector<16xi32>,
        %get3A_230 = vector.shape_cast %get3A_229 : vector<16xi32> to vector<16xi32>
        %sub3A = arith.constant 1024 : i32
        %sub3A_231 = vector.broadcast %sub3A : i32 to vector<16xi32>
        %sub3A_232 = arith.subi %get3A_230, %sub3A_231 : vector<16xi32>
        %ge3A = arith.constant 0 : i32
        %ge3A_233 = vector.broadcast %ge3A : i32 to vector<16xi32>
        %ge3A_234 = arith.cmpi sge, %sub3A_232, %ge3A_233 : vector<16xi32>
        %lt3A_235 = arith.constant 1024 : i32
        %lt3A_236 = vector.broadcast %lt3A_235 : i32 to vector<16xi32>
        %lt3A_237 = arith.cmpi slt, %sub3A_232, %lt3A_236 : vector<16xi32>
        %and3A = arith.andi %ge3A_234, %lt3A_237 : vector<16xi1>
        %broadcast_in_dim3A = arith.constant 1024 : i32
        %broadcast_in_dim3A_238 = vector.broadcast %broadcast_in_dim3A : i32 to vector<16xi32>
        %select_n3A = arith.select %and3A, %sub3A_232, %broadcast_in_dim3A_238 : vector<16xi1>, vector<16xi32>
        %add3A_239 = vector.broadcast %mul3A_4 : i32 to vector<16xi32>
        %add3A_240 = arith.addi %add3A_239, %select_n3A : vector<16xi32>
        %mul3A_241 = arith.constant 16 : i32
        %mul3A_242 = arith.muli %scan3A_222, %mul3A_241 : i32
        %swap3A = arith.index_cast %mul3A_242 : i32 to index
        %swap3A_243 = tpu.vector_load %arg8[%swap3A] {strides = array<i32>} : memref<256xi32, #tpu.memory_space<vmem>>, vector<16xi32>,
        %swap3A_244 = vector.shape_cast %swap3A_243 : vector<16xi32> to vector<16xi32>
        %swap3A_245 = vector.shape_cast %add3A_240 : vector<16xi32> to vector<16xi32>
        tpu.vector_store %arg8[%swap3A], %swap3A_245 {strides = array<i32>} : memref<256xi32, #tpu.memory_space<vmem>>, vector<16xi32>,
        %scan3A_246 = arith.constant 1 : i32
        %scan3A_247 = arith.addi %scan3A_222, %scan3A_246 : i32
        %add3A_248 = arith.constant 0 : i32
        %add3A_249 = arith.addi %add3A_248, %scan3A_247 : i32
        %mul3A_250 = arith.constant 16 : i32
        %mul3A_251 = arith.muli %add3A_249, %mul3A_250 : i32
        %add3A_252 = arith.constant 1024 : i32
        %add3A_253 = arith.addi %add3A_252, %mul3A_251 : i32
        %get3A_254 = arith.index_cast %add3A_253 : i32 to index
        %get3A_255 = tpu.vector_load %arg6[%get3A_254] {strides = array<i32>} : memref<3072xi32, #tpu.memory_space<vmem>>, vector<16xi32>,
        %get3A_256 = vector.shape_cast %get3A_255 : vector<16xi32> to vector<16xi32>
        %sub3A_257 = arith.constant 1024 : i32
        %sub3A_258 = vector.broadcast %sub3A_257 : i32 to vector<16xi32>
        %sub3A_259 = arith.subi %get3A_256, %sub3A_258 : vector<16xi32>
        %ge3A_260 = arith.constant 0 : i32
        %ge3A_261 = vector.broadcast %ge3A_260 : i32 to vector<16xi32>
        %ge3A_262 = arith.cmpi sge, %sub3A_259, %ge3A_261 : vector<16xi32>
        %lt3A_263 = arith.constant 1024 : i32
        %lt3A_264 = vector.broadcast %lt3A_263 : i32 to vector<16xi32>
        %lt3A_265 = arith.cmpi slt, %sub3A_259, %lt3A_264 : vector<16xi32>
        %and3A_266 = arith.andi %ge3A_262, %lt3A_265 : vector<16xi1>
        %broadcast_in_dim3A_267 = arith.constant 1024 : i32
        %broadcast_in_dim3A_268 = vector.broadcast %broadcast_in_dim3A_267 : i32 to vector<16xi32>
        %select_n3A_269 = arith.select %and3A_266, %sub3A_259, %broadcast_in_dim3A_268 : vector<16xi1>, vector<16xi32>
        %add3A_270 = vector.broadcast %mul3A_4 : i32 to vector<16xi32>
        %add3A_271 = arith.addi %add3A_270, %select_n3A_269 : vector<16xi32>
        %mul3A_272 = arith.constant 16 : i32
        %mul3A_273 = arith.muli %scan3A_247, %mul3A_272 : i32
        %swap3A_274 = arith.index_cast %mul3A_273 : i32 to index
        %swap3A_275 = tpu.vector_load %arg8[%swap3A_274] {strides = array<i32>} : memref<256xi32, #tpu.memory_space<vmem>>, vector<16xi32>,
        %swap3A_276 = vector.shape_cast %swap3A_275 : vector<16xi32> to vector<16xi32>
        %swap3A_277 = vector.shape_cast %add3A_271 : vector<16xi32> to vector<16xi32>
        tpu.vector_store %arg8[%swap3A_274], %swap3A_277 {strides = array<i32>} : memref<256xi32, #tpu.memory_space<vmem>>, vector<16xi32>,
        %scan3A_278 = arith.constant 2 : i32
        %scan3A_279 = arith.addi %scan3A_222, %scan3A_278 : i32
        %add3A_280 = arith.constant 0 : i32
        %add3A_281 = arith.addi %add3A_280, %scan3A_279 : i32
        %mul3A_282 = arith.constant 16 : i32
        %mul3A_283 = arith.muli %add3A_281, %mul3A_282 : i32
        %add3A_284 = arith.constant 1024 : i32
        %add3A_285 = arith.addi %add3A_284, %mul3A_283 : i32
        %get3A_286 = arith.index_cast %add3A_285 : i32 to index
        %get3A_287 = tpu.vector_load %arg6[%get3A_286] {strides = array<i32>} : memref<3072xi32, #tpu.memory_space<vmem>>, vector<16xi32>,
        %get3A_288 = vector.shape_cast %get3A_287 : vector<16xi32> to vector<16xi32>
        %sub3A_289 = arith.constant 1024 : i32
        %sub3A_290 = vector.broadcast %sub3A_289 : i32 to vector<16xi32>
        %sub3A_291 = arith.subi %get3A_288, %sub3A_290 : vector<16xi32>
        %ge3A_292 = arith.constant 0 : i32
        %ge3A_293 = vector.broadcast %ge3A_292 : i32 to vector<16xi32>
        %ge3A_294 = arith.cmpi sge, %sub3A_291, %ge3A_293 : vector<16xi32>
        %lt3A_295 = arith.constant 1024 : i32
        %lt3A_296 = vector.broadcast %lt3A_295 : i32 to vector<16xi32>
        %lt3A_297 = arith.cmpi slt, %sub3A_291, %lt3A_296 : vector<16xi32>
        %and3A_298 = arith.andi %ge3A_294, %lt3A_297 : vector<16xi1>
        %broadcast_in_dim3A_299 = arith.constant 1024 : i32
        %broadcast_in_dim3A_300 = vector.broadcast %broadcast_in_dim3A_299 : i32 to vector<16xi32>
        %select_n3A_301 = arith.select %and3A_298, %sub3A_291, %broadcast_in_dim3A_300 : vector<16xi1>, vector<16xi32>
        %add3A_302 = vector.broadcast %mul3A_4 : i32 to vector<16xi32>
        %add3A_303 = arith.addi %add3A_302, %select_n3A_301 : vector<16xi32>
        %mul3A_304 = arith.constant 16 : i32
        %mul3A_305 = arith.muli %scan3A_279, %mul3A_304 : i32
        %swap3A_306 = arith.index_cast %mul3A_305 : i32 to index
        %swap3A_307 = tpu.vector_load %arg8[%swap3A_306] {strides = array<i32>} : memref<256xi32, #tpu.memory_space<vmem>>, vector<16xi32>,
        %swap3A_308 = vector.shape_cast %swap3A_307 : vector<16xi32> to vector<16xi32>
        %swap3A_309 = vector.shape_cast %add3A_303 : vector<16xi32> to vector<16xi32>
        tpu.vector_store %arg8[%swap3A_306], %swap3A_309 {strides = array<i32>} : memref<256xi32, #tpu.memory_space<vmem>>, vector<16xi32>,
        %scan3A_310 = arith.constant 3 : i32
        %scan3A_311 = arith.addi %scan3A_222, %scan3A_310 : i32
        %add3A_312 = arith.constant 0 : i32
        %add3A_313 = arith.addi %add3A_312, %scan3A_311 : i32
        %mul3A_314 = arith.constant 16 : i32
        %mul3A_315 = arith.muli %add3A_313, %mul3A_314 : i32
        %add3A_316 = arith.constant 1024 : i32
        %add3A_317 = arith.addi %add3A_316, %mul3A_315 : i32
        %get3A_318 = arith.index_cast %add3A_317 : i32 to index
        %get3A_319 = tpu.vector_load %arg6[%get3A_318] {strides = array<i32>} : memref<3072xi32, #tpu.memory_space<vmem>>, vector<16xi32>,
        %get3A_320 = vector.shape_cast %get3A_319 : vector<16xi32> to vector<16xi32>
        %sub3A_321 = arith.constant 1024 : i32
        %sub3A_322 = vector.broadcast %sub3A_321 : i32 to vector<16xi32>
        %sub3A_323 = arith.subi %get3A_320, %sub3A_322 : vector<16xi32>
        %ge3A_324 = arith.constant 0 : i32
        %ge3A_325 = vector.broadcast %ge3A_324 : i32 to vector<16xi32>
        %ge3A_326 = arith.cmpi sge, %sub3A_323, %ge3A_325 : vector<16xi32>
        %lt3A_327 = arith.constant 1024 : i32
        %lt3A_328 = vector.broadcast %lt3A_327 : i32 to vector<16xi32>
        %lt3A_329 = arith.cmpi slt, %sub3A_323, %lt3A_328 : vector<16xi32>
        %and3A_330 = arith.andi %ge3A_326, %lt3A_329 : vector<16xi1>
        %broadcast_in_dim3A_331 = arith.constant 1024 : i32
        %broadcast_in_dim3A_332 = vector.broadcast %broadcast_in_dim3A_331 : i32 to vector<16xi32>
        %select_n3A_333 = arith.select %and3A_330, %sub3A_323, %broadcast_in_dim3A_332 : vector<16xi1>, vector<16xi32>
        %add3A_334 = vector.broadcast %mul3A_4 : i32 to vector<16xi32>
        %add3A_335 = arith.addi %add3A_334, %select_n3A_333 : vector<16xi32>
        %mul3A_336 = arith.constant 16 : i32
        %mul3A_337 = arith.muli %scan3A_311, %mul3A_336 : i32
        %swap3A_338 = arith.index_cast %mul3A_337 : i32 to index
        %swap3A_339 = tpu.vector_load %arg8[%swap3A_338] {strides = array<i32>} : memref<256xi32, #tpu.memory_space<vmem>>, vector<16xi32>,
        %swap3A_340 = vector.shape_cast %swap3A_339 : vector<16xi32> to vector<16xi32>
        %swap3A_341 = vector.shape_cast %add3A_335 : vector<16xi32> to vector<16xi32>
        tpu.vector_store %arg8[%swap3A_338], %swap3A_341 {strides = array<i32>} : memref<256xi32, #tpu.memory_space<vmem>>, vector<16xi32>,
      }
      %scan3A_179 = arith.constant 16 : i32
      %scan3A_180 = arith.constant 0 : i32
      %scan3A_181 = arith.constant 0 : i32
      %scan3A_182 = arith.constant 16 : i32
      %scan3A_183 = arith.addi %scan3A_181, %scan3A_182 : i32
      %scan3A_184 = arith.constant 4 : i32
      scf.for %scan3A_222 = %scan3A_181 to %scan3A_183 step %scan3A_184  : i32 {
        %add3A_223 = arith.constant 16 : i32
        %add3A_224 = arith.addi %add3A_223, %scan3A_222 : i32
        %mul3A_225 = arith.constant 16 : i32
        %mul3A_226 = arith.muli %add3A_224, %mul3A_225 : i32
        %add3A_227 = arith.constant 1024 : i32
        %add3A_228 = arith.addi %add3A_227, %mul3A_226 : i32
        %get3A = arith.index_cast %add3A_228 : i32 to index
        %get3A_229 = tpu.vector_load %arg6[%get3A] {strides = array<i32>} : memref<3072xi32, #tpu.memory_space<vmem>>, vector<16xi32>,
        %get3A_230 = vector.shape_cast %get3A_229 : vector<16xi32> to vector<16xi32>
        %sub3A = arith.constant 1024 : i32
        %sub3A_231 = vector.broadcast %sub3A : i32 to vector<16xi32>
        %sub3A_232 = arith.subi %get3A_230, %sub3A_231 : vector<16xi32>
        %ge3A = arith.constant 0 : i32
        %ge3A_233 = vector.broadcast %ge3A : i32 to vector<16xi32>
        %ge3A_234 = arith.cmpi sge, %sub3A_232, %ge3A_233 : vector<16xi32>
        %lt3A_235 = arith.constant 1024 : i32
        %lt3A_236 = vector.broadcast %lt3A_235 : i32 to vector<16xi32>
        %lt3A_237 = arith.cmpi slt, %sub3A_232, %lt3A_236 : vector<16xi32>
        %and3A = arith.andi %ge3A_234, %lt3A_237 : vector<16xi1>
        %broadcast_in_dim3A = arith.constant 1024 : i32
        %broadcast_in_dim3A_238 = vector.broadcast %broadcast_in_dim3A : i32 to vector<16xi32>
        %select_n3A = arith.select %and3A, %sub3A_232, %broadcast_in_dim3A_238 : vector<16xi1>, vector<16xi32>
        %add3A_239 = vector.broadcast %mul3A_4 : i32 to vector<16xi32>
        %add3A_240 = arith.addi %add3A_239, %select_n3A : vector<16xi32>
        %mul3A_241 = arith.constant 16 : i32
        %mul3A_242 = arith.muli %scan3A_222, %mul3A_241 : i32
        %swap3A = arith.index_cast %mul3A_242 : i32 to index
        %swap3A_243 = tpu.vector_load %arg9[%swap3A] {strides = array<i32>} : memref<256xi32, #tpu.memory_space<vmem>>, vector<16xi32>,
        %swap3A_244 = vector.shape_cast %swap3A_243 : vector<16xi32> to vector<16xi32>
        %swap3A_245 = vector.shape_cast %add3A_240 : vector<16xi32> to vector<16xi32>
        tpu.vector_store %arg9[%swap3A], %swap3A_245 {strides = array<i32>} : memref<256xi32, #tpu.memory_space<vmem>>, vector<16xi32>,
        %scan3A_246 = arith.constant 1 : i32
        %scan3A_247 = arith.addi %scan3A_222, %scan3A_246 : i32
        %add3A_248 = arith.constant 16 : i32
        %add3A_249 = arith.addi %add3A_248, %scan3A_247 : i32
        %mul3A_250 = arith.constant 16 : i32
        %mul3A_251 = arith.muli %add3A_249, %mul3A_250 : i32
        %add3A_252 = arith.constant 1024 : i32
        %add3A_253 = arith.addi %add3A_252, %mul3A_251 : i32
        %get3A_254 = arith.index_cast %add3A_253 : i32 to index
        %get3A_255 = tpu.vector_load %arg6[%get3A_254] {strides = array<i32>} : memref<3072xi32, #tpu.memory_space<vmem>>, vector<16xi32>,
        %get3A_256 = vector.shape_cast %get3A_255 : vector<16xi32> to vector<16xi32>
        %sub3A_257 = arith.constant 1024 : i32
        %sub3A_258 = vector.broadcast %sub3A_257 : i32 to vector<16xi32>
        %sub3A_259 = arith.subi %get3A_256, %sub3A_258 : vector<16xi32>
        %ge3A_260 = arith.constant 0 : i32
        %ge3A_261 = vector.broadcast %ge3A_260 : i32 to vector<16xi32>
        %ge3A_262 = arith.cmpi sge, %sub3A_259, %ge3A_261 : vector<16xi32>
        %lt3A_263 = arith.constant 1024 : i32
        %lt3A_264 = vector.broadcast %lt3A_263 : i32 to vector<16xi32>
        %lt3A_265 = arith.cmpi slt, %sub3A_259, %lt3A_264 : vector<16xi32>
        %and3A_266 = arith.andi %ge3A_262, %lt3A_265 : vector<16xi1>
        %broadcast_in_dim3A_267 = arith.constant 1024 : i32
        %broadcast_in_dim3A_268 = vector.broadcast %broadcast_in_dim3A_267 : i32 to vector<16xi32>
        %select_n3A_269 = arith.select %and3A_266, %sub3A_259, %broadcast_in_dim3A_268 : vector<16xi1>, vector<16xi32>
        %add3A_270 = vector.broadcast %mul3A_4 : i32 to vector<16xi32>
        %add3A_271 = arith.addi %add3A_270, %select_n3A_269 : vector<16xi32>
        %mul3A_272 = arith.constant 16 : i32
        %mul3A_273 = arith.muli %scan3A_247, %mul3A_272 : i32
        %swap3A_274 = arith.index_cast %mul3A_273 : i32 to index
        %swap3A_275 = tpu.vector_load %arg9[%swap3A_274] {strides = array<i32>} : memref<256xi32, #tpu.memory_space<vmem>>, vector<16xi32>,
        %swap3A_276 = vector.shape_cast %swap3A_275 : vector<16xi32> to vector<16xi32>
        %swap3A_277 = vector.shape_cast %add3A_271 : vector<16xi32> to vector<16xi32>
        tpu.vector_store %arg9[%swap3A_274], %swap3A_277 {strides = array<i32>} : memref<256xi32, #tpu.memory_space<vmem>>, vector<16xi32>,
        %scan3A_278 = arith.constant 2 : i32
        %scan3A_279 = arith.addi %scan3A_222, %scan3A_278 : i32
        %add3A_280 = arith.constant 16 : i32
        %add3A_281 = arith.addi %add3A_280, %scan3A_279 : i32
        %mul3A_282 = arith.constant 16 : i32
        %mul3A_283 = arith.muli %add3A_281, %mul3A_282 : i32
        %add3A_284 = arith.constant 1024 : i32
        %add3A_285 = arith.addi %add3A_284, %mul3A_283 : i32
        %get3A_286 = arith.index_cast %add3A_285 : i32 to index
        %get3A_287 = tpu.vector_load %arg6[%get3A_286] {strides = array<i32>} : memref<3072xi32, #tpu.memory_space<vmem>>, vector<16xi32>,
        %get3A_288 = vector.shape_cast %get3A_287 : vector<16xi32> to vector<16xi32>
        %sub3A_289 = arith.constant 1024 : i32
        %sub3A_290 = vector.broadcast %sub3A_289 : i32 to vector<16xi32>
        %sub3A_291 = arith.subi %get3A_288, %sub3A_290 : vector<16xi32>
        %ge3A_292 = arith.constant 0 : i32
        %ge3A_293 = vector.broadcast %ge3A_292 : i32 to vector<16xi32>
        %ge3A_294 = arith.cmpi sge, %sub3A_291, %ge3A_293 : vector<16xi32>
        %lt3A_295 = arith.constant 1024 : i32
        %lt3A_296 = vector.broadcast %lt3A_295 : i32 to vector<16xi32>
        %lt3A_297 = arith.cmpi slt, %sub3A_291, %lt3A_296 : vector<16xi32>
        %and3A_298 = arith.andi %ge3A_294, %lt3A_297 : vector<16xi1>
        %broadcast_in_dim3A_299 = arith.constant 1024 : i32
        %broadcast_in_dim3A_300 = vector.broadcast %broadcast_in_dim3A_299 : i32 to vector<16xi32>
        %select_n3A_301 = arith.select %and3A_298, %sub3A_291, %broadcast_in_dim3A_300 : vector<16xi1>, vector<16xi32>
        %add3A_302 = vector.broadcast %mul3A_4 : i32 to vector<16xi32>
        %add3A_303 = arith.addi %add3A_302, %select_n3A_301 : vector<16xi32>
        %mul3A_304 = arith.constant 16 : i32
        %mul3A_305 = arith.muli %scan3A_279, %mul3A_304 : i32
        %swap3A_306 = arith.index_cast %mul3A_305 : i32 to index
        %swap3A_307 = tpu.vector_load %arg9[%swap3A_306] {strides = array<i32>} : memref<256xi32, #tpu.memory_space<vmem>>, vector<16xi32>,
        %swap3A_308 = vector.shape_cast %swap3A_307 : vector<16xi32> to vector<16xi32>
        %swap3A_309 = vector.shape_cast %add3A_303 : vector<16xi32> to vector<16xi32>
        tpu.vector_store %arg9[%swap3A_306], %swap3A_309 {strides = array<i32>} : memref<256xi32, #tpu.memory_space<vmem>>, vector<16xi32>,
        %scan3A_310 = arith.constant 3 : i32
        %scan3A_311 = arith.addi %scan3A_222, %scan3A_310 : i32
        %add3A_312 = arith.constant 16 : i32
        %add3A_313 = arith.addi %add3A_312, %scan3A_311 : i32
        %mul3A_314 = arith.constant 16 : i32
        %mul3A_315 = arith.muli %add3A_313, %mul3A_314 : i32
        %add3A_316 = arith.constant 1024 : i32
        %add3A_317 = arith.addi %add3A_316, %mul3A_315 : i32
        %get3A_318 = arith.index_cast %add3A_317 : i32 to index
        %get3A_319 = tpu.vector_load %arg6[%get3A_318] {strides = array<i32>} : memref<3072xi32, #tpu.memory_space<vmem>>, vector<16xi32>,
        %get3A_320 = vector.shape_cast %get3A_319 : vector<16xi32> to vector<16xi32>
        %sub3A_321 = arith.constant 1024 : i32
        %sub3A_322 = vector.broadcast %sub3A_321 : i32 to vector<16xi32>
        %sub3A_323 = arith.subi %get3A_320, %sub3A_322 : vector<16xi32>
        %ge3A_324 = arith.constant 0 : i32
        %ge3A_325 = vector.broadcast %ge3A_324 : i32 to vector<16xi32>
        %ge3A_326 = arith.cmpi sge, %sub3A_323, %ge3A_325 : vector<16xi32>
        %lt3A_327 = arith.constant 1024 : i32
        %lt3A_328 = vector.broadcast %lt3A_327 : i32 to vector<16xi32>
        %lt3A_329 = arith.cmpi slt, %sub3A_323, %lt3A_328 : vector<16xi32>
        %and3A_330 = arith.andi %ge3A_326, %lt3A_329 : vector<16xi1>
        %broadcast_in_dim3A_331 = arith.constant 1024 : i32
        %broadcast_in_dim3A_332 = vector.broadcast %broadcast_in_dim3A_331 : i32 to vector<16xi32>
        %select_n3A_333 = arith.select %and3A_330, %sub3A_323, %broadcast_in_dim3A_332 : vector<16xi1>, vector<16xi32>
        %add3A_334 = vector.broadcast %mul3A_4 : i32 to vector<16xi32>
        %add3A_335 = arith.addi %add3A_334, %select_n3A_333 : vector<16xi32>
        %mul3A_336 = arith.constant 16 : i32
        %mul3A_337 = arith.muli %scan3A_311, %mul3A_336 : i32
        %swap3A_338 = arith.index_cast %mul3A_337 : i32 to index
        %swap3A_339 = tpu.vector_load %arg9[%swap3A_338] {strides = array<i32>} : memref<256xi32, #tpu.memory_space<vmem>>, vector<16xi32>,
        %swap3A_340 = vector.shape_cast %swap3A_339 : vector<16xi32> to vector<16xi32>
        %swap3A_341 = vector.shape_cast %add3A_335 : vector<16xi32> to vector<16xi32>
        tpu.vector_store %arg9[%swap3A_338], %swap3A_341 {strides = array<i32>} : memref<256xi32, #tpu.memory_space<vmem>>, vector<16xi32>,
      }
      %scan3A_185 = arith.constant 16 : i32
      %scan3A_186 = arith.constant 0 : i32
      %scan3A_187 = arith.constant 0 : i32
      %scan3A_188 = arith.constant 16 : i32
      %scan3A_189 = arith.addi %scan3A_187, %scan3A_188 : i32
      %scan3A_190 = arith.constant 4 : i32
      scf.for %scan3A_222 = %scan3A_187 to %scan3A_189 step %scan3A_190  : i32 {
        %add3A_223 = arith.constant 32 : i32
        %add3A_224 = arith.addi %add3A_223, %scan3A_222 : i32
        %mul3A_225 = arith.constant 16 : i32
        %mul3A_226 = arith.muli %add3A_224, %mul3A_225 : i32
        %add3A_227 = arith.constant 1024 : i32
        %add3A_228 = arith.addi %add3A_227, %mul3A_226 : i32
        %get3A = arith.index_cast %add3A_228 : i32 to index
        %get3A_229 = tpu.vector_load %arg6[%get3A] {strides = array<i32>} : memref<3072xi32, #tpu.memory_space<vmem>>, vector<16xi32>,
        %get3A_230 = vector.shape_cast %get3A_229 : vector<16xi32> to vector<16xi32>
        %sub3A = arith.constant 1024 : i32
        %sub3A_231 = vector.broadcast %sub3A : i32 to vector<16xi32>
        %sub3A_232 = arith.subi %get3A_230, %sub3A_231 : vector<16xi32>
        %ge3A = arith.constant 0 : i32
        %ge3A_233 = vector.broadcast %ge3A : i32 to vector<16xi32>
        %ge3A_234 = arith.cmpi sge, %sub3A_232, %ge3A_233 : vector<16xi32>
        %lt3A_235 = arith.constant 1024 : i32
        %lt3A_236 = vector.broadcast %lt3A_235 : i32 to vector<16xi32>
        %lt3A_237 = arith.cmpi slt, %sub3A_232, %lt3A_236 : vector<16xi32>
        %and3A = arith.andi %ge3A_234, %lt3A_237 : vector<16xi1>
        %broadcast_in_dim3A = arith.constant 1024 : i32
        %broadcast_in_dim3A_238 = vector.broadcast %broadcast_in_dim3A : i32 to vector<16xi32>
        %select_n3A = arith.select %and3A, %sub3A_232, %broadcast_in_dim3A_238 : vector<16xi1>, vector<16xi32>
        %add3A_239 = vector.broadcast %mul3A_4 : i32 to vector<16xi32>
        %add3A_240 = arith.addi %add3A_239, %select_n3A : vector<16xi32>
        %mul3A_241 = arith.constant 16 : i32
        %mul3A_242 = arith.muli %scan3A_222, %mul3A_241 : i32
        %swap3A = arith.index_cast %mul3A_242 : i32 to index
        %swap3A_243 = tpu.vector_load %arg10[%swap3A] {strides = array<i32>} : memref<256xi32, #tpu.memory_space<vmem>>, vector<16xi32>,
        %swap3A_244 = vector.shape_cast %swap3A_243 : vector<16xi32> to vector<16xi32>
        %swap3A_245 = vector.shape_cast %add3A_240 : vector<16xi32> to vector<16xi32>
        tpu.vector_store %arg10[%swap3A], %swap3A_245 {strides = array<i32>} : memref<256xi32, #tpu.memory_space<vmem>>, vector<16xi32>,
        %scan3A_246 = arith.constant 1 : i32
        %scan3A_247 = arith.addi %scan3A_222, %scan3A_246 : i32
        %add3A_248 = arith.constant 32 : i32
        %add3A_249 = arith.addi %add3A_248, %scan3A_247 : i32
        %mul3A_250 = arith.constant 16 : i32
        %mul3A_251 = arith.muli %add3A_249, %mul3A_250 : i32
        %add3A_252 = arith.constant 1024 : i32
        %add3A_253 = arith.addi %add3A_252, %mul3A_251 : i32
        %get3A_254 = arith.index_cast %add3A_253 : i32 to index
        %get3A_255 = tpu.vector_load %arg6[%get3A_254] {strides = array<i32>} : memref<3072xi32, #tpu.memory_space<vmem>>, vector<16xi32>,
        %get3A_256 = vector.shape_cast %get3A_255 : vector<16xi32> to vector<16xi32>
        %sub3A_257 = arith.constant 1024 : i32
        %sub3A_258 = vector.broadcast %sub3A_257 : i32 to vector<16xi32>
        %sub3A_259 = arith.subi %get3A_256, %sub3A_258 : vector<16xi32>
        %ge3A_260 = arith.constant 0 : i32
        %ge3A_261 = vector.broadcast %ge3A_260 : i32 to vector<16xi32>
        %ge3A_262 = arith.cmpi sge, %sub3A_259, %ge3A_261 : vector<16xi32>
        %lt3A_263 = arith.constant 1024 : i32
        %lt3A_264 = vector.broadcast %lt3A_263 : i32 to vector<16xi32>
        %lt3A_265 = arith.cmpi slt, %sub3A_259, %lt3A_264 : vector<16xi32>
        %and3A_266 = arith.andi %ge3A_262, %lt3A_265 : vector<16xi1>
        %broadcast_in_dim3A_267 = arith.constant 1024 : i32
        %broadcast_in_dim3A_268 = vector.broadcast %broadcast_in_dim3A_267 : i32 to vector<16xi32>
        %select_n3A_269 = arith.select %and3A_266, %sub3A_259, %broadcast_in_dim3A_268 : vector<16xi1>, vector<16xi32>
        %add3A_270 = vector.broadcast %mul3A_4 : i32 to vector<16xi32>
        %add3A_271 = arith.addi %add3A_270, %select_n3A_269 : vector<16xi32>
        %mul3A_272 = arith.constant 16 : i32
        %mul3A_273 = arith.muli %scan3A_247, %mul3A_272 : i32
        %swap3A_274 = arith.index_cast %mul3A_273 : i32 to index
        %swap3A_275 = tpu.vector_load %arg10[%swap3A_274] {strides = array<i32>} : memref<256xi32, #tpu.memory_space<vmem>>, vector<16xi32>,
        %swap3A_276 = vector.shape_cast %swap3A_275 : vector<16xi32> to vector<16xi32>
        %swap3A_277 = vector.shape_cast %add3A_271 : vector<16xi32> to vector<16xi32>
        tpu.vector_store %arg10[%swap3A_274], %swap3A_277 {strides = array<i32>} : memref<256xi32, #tpu.memory_space<vmem>>, vector<16xi32>,
        %scan3A_278 = arith.constant 2 : i32
        %scan3A_279 = arith.addi %scan3A_222, %scan3A_278 : i32
        %add3A_280 = arith.constant 32 : i32
        %add3A_281 = arith.addi %add3A_280, %scan3A_279 : i32
        %mul3A_282 = arith.constant 16 : i32
        %mul3A_283 = arith.muli %add3A_281, %mul3A_282 : i32
        %add3A_284 = arith.constant 1024 : i32
        %add3A_285 = arith.addi %add3A_284, %mul3A_283 : i32
        %get3A_286 = arith.index_cast %add3A_285 : i32 to index
        %get3A_287 = tpu.vector_load %arg6[%get3A_286] {strides = array<i32>} : memref<3072xi32, #tpu.memory_space<vmem>>, vector<16xi32>,
        %get3A_288 = vector.shape_cast %get3A_287 : vector<16xi32> to vector<16xi32>
        %sub3A_289 = arith.constant 1024 : i32
        %sub3A_290 = vector.broadcast %sub3A_289 : i32 to vector<16xi32>
        %sub3A_291 = arith.subi %get3A_288, %sub3A_290 : vector<16xi32>
        %ge3A_292 = arith.constant 0 : i32
        %ge3A_293 = vector.broadcast %ge3A_292 : i32 to vector<16xi32>
        %ge3A_294 = arith.cmpi sge, %sub3A_291, %ge3A_293 : vector<16xi32>
        %lt3A_295 = arith.constant 1024 : i32
        %lt3A_296 = vector.broadcast %lt3A_295 : i32 to vector<16xi32>
        %lt3A_297 = arith.cmpi slt, %sub3A_291, %lt3A_296 : vector<16xi32>
        %and3A_298 = arith.andi %ge3A_294, %lt3A_297 : vector<16xi1>
        %broadcast_in_dim3A_299 = arith.constant 1024 : i32
        %broadcast_in_dim3A_300 = vector.broadcast %broadcast_in_dim3A_299 : i32 to vector<16xi32>
        %select_n3A_301 = arith.select %and3A_298, %sub3A_291, %broadcast_in_dim3A_300 : vector<16xi1>, vector<16xi32>
        %add3A_302 = vector.broadcast %mul3A_4 : i32 to vector<16xi32>
        %add3A_303 = arith.addi %add3A_302, %select_n3A_301 : vector<16xi32>
        %mul3A_304 = arith.constant 16 : i32
        %mul3A_305 = arith.muli %scan3A_279, %mul3A_304 : i32
        %swap3A_306 = arith.index_cast %mul3A_305 : i32 to index
        %swap3A_307 = tpu.vector_load %arg10[%swap3A_306] {strides = array<i32>} : memref<256xi32, #tpu.memory_space<vmem>>, vector<16xi32>,
        %swap3A_308 = vector.shape_cast %swap3A_307 : vector<16xi32> to vector<16xi32>
        %swap3A_309 = vector.shape_cast %add3A_303 : vector<16xi32> to vector<16xi32>
        tpu.vector_store %arg10[%swap3A_306], %swap3A_309 {strides = array<i32>} : memref<256xi32, #tpu.memory_space<vmem>>, vector<16xi32>,
        %scan3A_310 = arith.constant 3 : i32
        %scan3A_311 = arith.addi %scan3A_222, %scan3A_310 : i32
        %add3A_312 = arith.constant 32 : i32
        %add3A_313 = arith.addi %add3A_312, %scan3A_311 : i32
        %mul3A_314 = arith.constant 16 : i32
        %mul3A_315 = arith.muli %add3A_313, %mul3A_314 : i32
        %add3A_316 = arith.constant 1024 : i32
        %add3A_317 = arith.addi %add3A_316, %mul3A_315 : i32
        %get3A_318 = arith.index_cast %add3A_317 : i32 to index
        %get3A_319 = tpu.vector_load %arg6[%get3A_318] {strides = array<i32>} : memref<3072xi32, #tpu.memory_space<vmem>>, vector<16xi32>,
        %get3A_320 = vector.shape_cast %get3A_319 : vector<16xi32> to vector<16xi32>
        %sub3A_321 = arith.constant 1024 : i32
        %sub3A_322 = vector.broadcast %sub3A_321 : i32 to vector<16xi32>
        %sub3A_323 = arith.subi %get3A_320, %sub3A_322 : vector<16xi32>
        %ge3A_324 = arith.constant 0 : i32
        %ge3A_325 = vector.broadcast %ge3A_324 : i32 to vector<16xi32>
        %ge3A_326 = arith.cmpi sge, %sub3A_323, %ge3A_325 : vector<16xi32>
        %lt3A_327 = arith.constant 1024 : i32
        %lt3A_328 = vector.broadcast %lt3A_327 : i32 to vector<16xi32>
        %lt3A_329 = arith.cmpi slt, %sub3A_323, %lt3A_328 : vector<16xi32>
        %and3A_330 = arith.andi %ge3A_326, %lt3A_329 : vector<16xi1>
        %broadcast_in_dim3A_331 = arith.constant 1024 : i32
        %broadcast_in_dim3A_332 = vector.broadcast %broadcast_in_dim3A_331 : i32 to vector<16xi32>
        %select_n3A_333 = arith.select %and3A_330, %sub3A_323, %broadcast_in_dim3A_332 : vector<16xi1>, vector<16xi32>
        %add3A_334 = vector.broadcast %mul3A_4 : i32 to vector<16xi32>
        %add3A_335 = arith.addi %add3A_334, %select_n3A_333 : vector<16xi32>
        %mul3A_336 = arith.constant 16 : i32
        %mul3A_337 = arith.muli %scan3A_311, %mul3A_336 : i32
        %swap3A_338 = arith.index_cast %mul3A_337 : i32 to index
        %swap3A_339 = tpu.vector_load %arg10[%swap3A_338] {strides = array<i32>} : memref<256xi32, #tpu.memory_space<vmem>>, vector<16xi32>,
        %swap3A_340 = vector.shape_cast %swap3A_339 : vector<16xi32> to vector<16xi32>
        %swap3A_341 = vector.shape_cast %add3A_335 : vector<16xi32> to vector<16xi32>
        tpu.vector_store %arg10[%swap3A_338], %swap3A_341 {strides = array<i32>} : memref<256xi32, #tpu.memory_space<vmem>>, vector<16xi32>,
      }
      %scan3A_191 = arith.constant 16 : i32
      %scan3A_192 = arith.constant 0 : i32
      %scan3A_193 = arith.constant 0 : i32
      %scan3A_194 = arith.constant 16 : i32
      %scan3A_195 = arith.addi %scan3A_193, %scan3A_194 : i32
      %scan3A_196 = arith.constant 4 : i32
      scf.for %scan3A_222 = %scan3A_193 to %scan3A_195 step %scan3A_196  : i32 {
        %add3A_223 = arith.constant 48 : i32
        %add3A_224 = arith.addi %add3A_223, %scan3A_222 : i32
        %mul3A_225 = arith.constant 16 : i32
        %mul3A_226 = arith.muli %add3A_224, %mul3A_225 : i32
        %add3A_227 = arith.constant 1024 : i32
        %add3A_228 = arith.addi %add3A_227, %mul3A_226 : i32
        %get3A = arith.index_cast %add3A_228 : i32 to index
        %get3A_229 = tpu.vector_load %arg6[%get3A] {strides = array<i32>} : memref<3072xi32, #tpu.memory_space<vmem>>, vector<16xi32>,
        %get3A_230 = vector.shape_cast %get3A_229 : vector<16xi32> to vector<16xi32>
        %sub3A = arith.constant 1024 : i32
        %sub3A_231 = vector.broadcast %sub3A : i32 to vector<16xi32>
        %sub3A_232 = arith.subi %get3A_230, %sub3A_231 : vector<16xi32>
        %ge3A = arith.constant 0 : i32
        %ge3A_233 = vector.broadcast %ge3A : i32 to vector<16xi32>
        %ge3A_234 = arith.cmpi sge, %sub3A_232, %ge3A_233 : vector<16xi32>
        %lt3A_235 = arith.constant 1024 : i32
        %lt3A_236 = vector.broadcast %lt3A_235 : i32 to vector<16xi32>
        %lt3A_237 = arith.cmpi slt, %sub3A_232, %lt3A_236 : vector<16xi32>
        %and3A = arith.andi %ge3A_234, %lt3A_237 : vector<16xi1>
        %broadcast_in_dim3A = arith.constant 1024 : i32
        %broadcast_in_dim3A_238 = vector.broadcast %broadcast_in_dim3A : i32 to vector<16xi32>
        %select_n3A = arith.select %and3A, %sub3A_232, %broadcast_in_dim3A_238 : vector<16xi1>, vector<16xi32>
        %add3A_239 = vector.broadcast %mul3A_4 : i32 to vector<16xi32>
        %add3A_240 = arith.addi %add3A_239, %select_n3A : vector<16xi32>
        %mul3A_241 = arith.constant 16 : i32
        %mul3A_242 = arith.muli %scan3A_222, %mul3A_241 : i32
        %swap3A = arith.index_cast %mul3A_242 : i32 to index
        %swap3A_243 = tpu.vector_load %arg11[%swap3A] {strides = array<i32>} : memref<256xi32, #tpu.memory_space<vmem>>, vector<16xi32>,
        %swap3A_244 = vector.shape_cast %swap3A_243 : vector<16xi32> to vector<16xi32>
        %swap3A_245 = vector.shape_cast %add3A_240 : vector<16xi32> to vector<16xi32>
        tpu.vector_store %arg11[%swap3A], %swap3A_245 {strides = array<i32>} : memref<256xi32, #tpu.memory_space<vmem>>, vector<16xi32>,
        %scan3A_246 = arith.constant 1 : i32
        %scan3A_247 = arith.addi %scan3A_222, %scan3A_246 : i32
        %add3A_248 = arith.constant 48 : i32
        %add3A_249 = arith.addi %add3A_248, %scan3A_247 : i32
        %mul3A_250 = arith.constant 16 : i32
        %mul3A_251 = arith.muli %add3A_249, %mul3A_250 : i32
        %add3A_252 = arith.constant 1024 : i32
        %add3A_253 = arith.addi %add3A_252, %mul3A_251 : i32
        %get3A_254 = arith.index_cast %add3A_253 : i32 to index
        %get3A_255 = tpu.vector_load %arg6[%get3A_254] {strides = array<i32>} : memref<3072xi32, #tpu.memory_space<vmem>>, vector<16xi32>,
        %get3A_256 = vector.shape_cast %get3A_255 : vector<16xi32> to vector<16xi32>
        %sub3A_257 = arith.constant 1024 : i32
        %sub3A_258 = vector.broadcast %sub3A_257 : i32 to vector<16xi32>
        %sub3A_259 = arith.subi %get3A_256, %sub3A_258 : vector<16xi32>
        %ge3A_260 = arith.constant 0 : i32
        %ge3A_261 = vector.broadcast %ge3A_260 : i32 to vector<16xi32>
        %ge3A_262 = arith.cmpi sge, %sub3A_259, %ge3A_261 : vector<16xi32>
        %lt3A_263 = arith.constant 1024 : i32
        %lt3A_264 = vector.broadcast %lt3A_263 : i32 to vector<16xi32>
        %lt3A_265 = arith.cmpi slt, %sub3A_259, %lt3A_264 : vector<16xi32>
        %and3A_266 = arith.andi %ge3A_262, %lt3A_265 : vector<16xi1>
        %broadcast_in_dim3A_267 = arith.constant 1024 : i32
        %broadcast_in_dim3A_268 = vector.broadcast %broadcast_in_dim3A_267 : i32 to vector<16xi32>
        %select_n3A_269 = arith.select %and3A_266, %sub3A_259, %broadcast_in_dim3A_268 : vector<16xi1>, vector<16xi32>
        %add3A_270 = vector.broadcast %mul3A_4 : i32 to vector<16xi32>
        %add3A_271 = arith.addi %add3A_270, %select_n3A_269 : vector<16xi32>
        %mul3A_272 = arith.constant 16 : i32
        %mul3A_273 = arith.muli %scan3A_247, %mul3A_272 : i32
        %swap3A_274 = arith.index_cast %mul3A_273 : i32 to index
        %swap3A_275 = tpu.vector_load %arg11[%swap3A_274] {strides = array<i32>} : memref<256xi32, #tpu.memory_space<vmem>>, vector<16xi32>,
        %swap3A_276 = vector.shape_cast %swap3A_275 : vector<16xi32> to vector<16xi32>
        %swap3A_277 = vector.shape_cast %add3A_271 : vector<16xi32> to vector<16xi32>
        tpu.vector_store %arg11[%swap3A_274], %swap3A_277 {strides = array<i32>} : memref<256xi32, #tpu.memory_space<vmem>>, vector<16xi32>,
        %scan3A_278 = arith.constant 2 : i32
        %scan3A_279 = arith.addi %scan3A_222, %scan3A_278 : i32
        %add3A_280 = arith.constant 48 : i32
        %add3A_281 = arith.addi %add3A_280, %scan3A_279 : i32
        %mul3A_282 = arith.constant 16 : i32
        %mul3A_283 = arith.muli %add3A_281, %mul3A_282 : i32
        %add3A_284 = arith.constant 1024 : i32
        %add3A_285 = arith.addi %add3A_284, %mul3A_283 : i32
        %get3A_286 = arith.index_cast %add3A_285 : i32 to index
        %get3A_287 = tpu.vector_load %arg6[%get3A_286] {strides = array<i32>} : memref<3072xi32, #tpu.memory_space<vmem>>, vector<16xi32>,
        %get3A_288 = vector.shape_cast %get3A_287 : vector<16xi32> to vector<16xi32>
        %sub3A_289 = arith.constant 1024 : i32
        %sub3A_290 = vector.broadcast %sub3A_289 : i32 to vector<16xi32>
        %sub3A_291 = arith.subi %get3A_288, %sub3A_290 : vector<16xi32>
        %ge3A_292 = arith.constant 0 : i32
        %ge3A_293 = vector.broadcast %ge3A_292 : i32 to vector<16xi32>
        %ge3A_294 = arith.cmpi sge, %sub3A_291, %ge3A_293 : vector<16xi32>
        %lt3A_295 = arith.constant 1024 : i32
        %lt3A_296 = vector.broadcast %lt3A_295 : i32 to vector<16xi32>
        %lt3A_297 = arith.cmpi slt, %sub3A_291, %lt3A_296 : vector<16xi32>
        %and3A_298 = arith.andi %ge3A_294, %lt3A_297 : vector<16xi1>
        %broadcast_in_dim3A_299 = arith.constant 1024 : i32
        %broadcast_in_dim3A_300 = vector.broadcast %broadcast_in_dim3A_299 : i32 to vector<16xi32>
        %select_n3A_301 = arith.select %and3A_298, %sub3A_291, %broadcast_in_dim3A_300 : vector<16xi1>, vector<16xi32>
        %add3A_302 = vector.broadcast %mul3A_4 : i32 to vector<16xi32>
        %add3A_303 = arith.addi %add3A_302, %select_n3A_301 : vector<16xi32>
        %mul3A_304 = arith.constant 16 : i32
        %mul3A_305 = arith.muli %scan3A_279, %mul3A_304 : i32
        %swap3A_306 = arith.index_cast %mul3A_305 : i32 to index
        %swap3A_307 = tpu.vector_load %arg11[%swap3A_306] {strides = array<i32>} : memref<256xi32, #tpu.memory_space<vmem>>, vector<16xi32>,
        %swap3A_308 = vector.shape_cast %swap3A_307 : vector<16xi32> to vector<16xi32>
        %swap3A_309 = vector.shape_cast %add3A_303 : vector<16xi32> to vector<16xi32>
        tpu.vector_store %arg11[%swap3A_306], %swap3A_309 {strides = array<i32>} : memref<256xi32, #tpu.memory_space<vmem>>, vector<16xi32>,
        %scan3A_310 = arith.constant 3 : i32
        %scan3A_311 = arith.addi %scan3A_222, %scan3A_310 : i32
        %add3A_312 = arith.constant 48 : i32
        %add3A_313 = arith.addi %add3A_312, %scan3A_311 : i32
        %mul3A_314 = arith.constant 16 : i32
        %mul3A_315 = arith.muli %add3A_313, %mul3A_314 : i32
        %add3A_316 = arith.constant 1024 : i32
        %add3A_317 = arith.addi %add3A_316, %mul3A_315 : i32
        %get3A_318 = arith.index_cast %add3A_317 : i32 to index
        %get3A_319 = tpu.vector_load %arg6[%get3A_318] {strides = array<i32>} : memref<3072xi32, #tpu.memory_space<vmem>>, vector<16xi32>,
        %get3A_320 = vector.shape_cast %get3A_319 : vector<16xi32> to vector<16xi32>
        %sub3A_321 = arith.constant 1024 : i32
        %sub3A_322 = vector.broadcast %sub3A_321 : i32 to vector<16xi32>
        %sub3A_323 = arith.subi %get3A_320, %sub3A_322 : vector<16xi32>
        %ge3A_324 = arith.constant 0 : i32
        %ge3A_325 = vector.broadcast %ge3A_324 : i32 to vector<16xi32>
        %ge3A_326 = arith.cmpi sge, %sub3A_323, %ge3A_325 : vector<16xi32>
        %lt3A_327 = arith.constant 1024 : i32
        %lt3A_328 = vector.broadcast %lt3A_327 : i32 to vector<16xi32>
        %lt3A_329 = arith.cmpi slt, %sub3A_323, %lt3A_328 : vector<16xi32>
        %and3A_330 = arith.andi %ge3A_326, %lt3A_329 : vector<16xi1>
        %broadcast_in_dim3A_331 = arith.constant 1024 : i32
        %broadcast_in_dim3A_332 = vector.broadcast %broadcast_in_dim3A_331 : i32 to vector<16xi32>
        %select_n3A_333 = arith.select %and3A_330, %sub3A_323, %broadcast_in_dim3A_332 : vector<16xi1>, vector<16xi32>
        %add3A_334 = vector.broadcast %mul3A_4 : i32 to vector<16xi32>
        %add3A_335 = arith.addi %add3A_334, %select_n3A_333 : vector<16xi32>
        %mul3A_336 = arith.constant 16 : i32
        %mul3A_337 = arith.muli %scan3A_311, %mul3A_336 : i32
        %swap3A_338 = arith.index_cast %mul3A_337 : i32 to index
        %swap3A_339 = tpu.vector_load %arg11[%swap3A_338] {strides = array<i32>} : memref<256xi32, #tpu.memory_space<vmem>>, vector<16xi32>,
        %swap3A_340 = vector.shape_cast %swap3A_339 : vector<16xi32> to vector<16xi32>
        %swap3A_341 = vector.shape_cast %add3A_335 : vector<16xi32> to vector<16xi32>
        tpu.vector_store %arg11[%swap3A_338], %swap3A_341 {strides = array<i32>} : memref<256xi32, #tpu.memory_space<vmem>>, vector<16xi32>,
      }
      %scan3A_197 = arith.constant 16 : i32
      %scan3A_198 = arith.constant 0 : i32
      %scan3A_199 = arith.constant 0 : i32
      %scan3A_200 = arith.constant 16 : i32
      %scan3A_201 = arith.addi %scan3A_199, %scan3A_200 : i32
      %scan3A_202 = arith.constant 4 : i32
      scf.for %scan3A_222 = %scan3A_199 to %scan3A_201 step %scan3A_202  : i32 {
        %add3A_223 = arith.constant 64 : i32
        %add3A_224 = arith.addi %add3A_223, %scan3A_222 : i32
        %mul3A_225 = arith.constant 16 : i32
        %mul3A_226 = arith.muli %add3A_224, %mul3A_225 : i32
        %add3A_227 = arith.constant 1024 : i32
        %add3A_228 = arith.addi %add3A_227, %mul3A_226 : i32
        %get3A = arith.index_cast %add3A_228 : i32 to index
        %get3A_229 = tpu.vector_load %arg6[%get3A] {strides = array<i32>} : memref<3072xi32, #tpu.memory_space<vmem>>, vector<16xi32>,
        %get3A_230 = vector.shape_cast %get3A_229 : vector<16xi32> to vector<16xi32>
        %sub3A = arith.constant 1024 : i32
        %sub3A_231 = vector.broadcast %sub3A : i32 to vector<16xi32>
        %sub3A_232 = arith.subi %get3A_230, %sub3A_231 : vector<16xi32>
        %ge3A = arith.constant 0 : i32
        %ge3A_233 = vector.broadcast %ge3A : i32 to vector<16xi32>
        %ge3A_234 = arith.cmpi sge, %sub3A_232, %ge3A_233 : vector<16xi32>
        %lt3A_235 = arith.constant 1024 : i32
        %lt3A_236 = vector.broadcast %lt3A_235 : i32 to vector<16xi32>
        %lt3A_237 = arith.cmpi slt, %sub3A_232, %lt3A_236 : vector<16xi32>
        %and3A = arith.andi %ge3A_234, %lt3A_237 : vector<16xi1>
        %broadcast_in_dim3A = arith.constant 1024 : i32
        %broadcast_in_dim3A_238 = vector.broadcast %broadcast_in_dim3A : i32 to vector<16xi32>
        %select_n3A = arith.select %and3A, %sub3A_232, %broadcast_in_dim3A_238 : vector<16xi1>, vector<16xi32>
        %add3A_239 = vector.broadcast %mul3A_4 : i32 to vector<16xi32>
        %add3A_240 = arith.addi %add3A_239, %select_n3A : vector<16xi32>
        %mul3A_241 = arith.constant 16 : i32
        %mul3A_242 = arith.muli %scan3A_222, %mul3A_241 : i32
        %swap3A = arith.index_cast %mul3A_242 : i32 to index
        %swap3A_243 = tpu.vector_load %arg12[%swap3A] {strides = array<i32>} : memref<256xi32, #tpu.memory_space<vmem>>, vector<16xi32>,
        %swap3A_244 = vector.shape_cast %swap3A_243 : vector<16xi32> to vector<16xi32>
        %swap3A_245 = vector.shape_cast %add3A_240 : vector<16xi32> to vector<16xi32>
        tpu.vector_store %arg12[%swap3A], %swap3A_245 {strides = array<i32>} : memref<256xi32, #tpu.memory_space<vmem>>, vector<16xi32>,
        %scan3A_246 = arith.constant 1 : i32
        %scan3A_247 = arith.addi %scan3A_222, %scan3A_246 : i32
        %add3A_248 = arith.constant 64 : i32
        %add3A_249 = arith.addi %add3A_248, %scan3A_247 : i32
        %mul3A_250 = arith.constant 16 : i32
        %mul3A_251 = arith.muli %add3A_249, %mul3A_250 : i32
        %add3A_252 = arith.constant 1024 : i32
        %add3A_253 = arith.addi %add3A_252, %mul3A_251 : i32
        %get3A_254 = arith.index_cast %add3A_253 : i32 to index
        %get3A_255 = tpu.vector_load %arg6[%get3A_254] {strides = array<i32>} : memref<3072xi32, #tpu.memory_space<vmem>>, vector<16xi32>,
        %get3A_256 = vector.shape_cast %get3A_255 : vector<16xi32> to vector<16xi32>
        %sub3A_257 = arith.constant 1024 : i32
        %sub3A_258 = vector.broadcast %sub3A_257 : i32 to vector<16xi32>
        %sub3A_259 = arith.subi %get3A_256, %sub3A_258 : vector<16xi32>
        %ge3A_260 = arith.constant 0 : i32
        %ge3A_261 = vector.broadcast %ge3A_260 : i32 to vector<16xi32>
        %ge3A_262 = arith.cmpi sge, %sub3A_259, %ge3A_261 : vector<16xi32>
        %lt3A_263 = arith.constant 1024 : i32
        %lt3A_264 = vector.broadcast %lt3A_263 : i32 to vector<16xi32>
        %lt3A_265 = arith.cmpi slt, %sub3A_259, %lt3A_264 : vector<16xi32>
        %and3A_266 = arith.andi %ge3A_262, %lt3A_265 : vector<16xi1>
        %broadcast_in_dim3A_267 = arith.constant 1024 : i32
        %broadcast_in_dim3A_268 = vector.broadcast %broadcast_in_dim3A_267 : i32 to vector<16xi32>
        %select_n3A_269 = arith.select %and3A_266, %sub3A_259, %broadcast_in_dim3A_268 : vector<16xi1>, vector<16xi32>
        %add3A_270 = vector.broadcast %mul3A_4 : i32 to vector<16xi32>
        %add3A_271 = arith.addi %add3A_270, %select_n3A_269 : vector<16xi32>
        %mul3A_272 = arith.constant 16 : i32
        %mul3A_273 = arith.muli %scan3A_247, %mul3A_272 : i32
        %swap3A_274 = arith.index_cast %mul3A_273 : i32 to index
        %swap3A_275 = tpu.vector_load %arg12[%swap3A_274] {strides = array<i32>} : memref<256xi32, #tpu.memory_space<vmem>>, vector<16xi32>,
        %swap3A_276 = vector.shape_cast %swap3A_275 : vector<16xi32> to vector<16xi32>
        %swap3A_277 = vector.shape_cast %add3A_271 : vector<16xi32> to vector<16xi32>
        tpu.vector_store %arg12[%swap3A_274], %swap3A_277 {strides = array<i32>} : memref<256xi32, #tpu.memory_space<vmem>>, vector<16xi32>,
        %scan3A_278 = arith.constant 2 : i32
        %scan3A_279 = arith.addi %scan3A_222, %scan3A_278 : i32
        %add3A_280 = arith.constant 64 : i32
        %add3A_281 = arith.addi %add3A_280, %scan3A_279 : i32
        %mul3A_282 = arith.constant 16 : i32
        %mul3A_283 = arith.muli %add3A_281, %mul3A_282 : i32
        %add3A_284 = arith.constant 1024 : i32
        %add3A_285 = arith.addi %add3A_284, %mul3A_283 : i32
        %get3A_286 = arith.index_cast %add3A_285 : i32 to index
        %get3A_287 = tpu.vector_load %arg6[%get3A_286] {strides = array<i32>} : memref<3072xi32, #tpu.memory_space<vmem>>, vector<16xi32>,
        %get3A_288 = vector.shape_cast %get3A_287 : vector<16xi32> to vector<16xi32>
        %sub3A_289 = arith.constant 1024 : i32
        %sub3A_290 = vector.broadcast %sub3A_289 : i32 to vector<16xi32>
        %sub3A_291 = arith.subi %get3A_288, %sub3A_290 : vector<16xi32>
        %ge3A_292 = arith.constant 0 : i32
        %ge3A_293 = vector.broadcast %ge3A_292 : i32 to vector<16xi32>
        %ge3A_294 = arith.cmpi sge, %sub3A_291, %ge3A_293 : vector<16xi32>
        %lt3A_295 = arith.constant 1024 : i32
        %lt3A_296 = vector.broadcast %lt3A_295 : i32 to vector<16xi32>
        %lt3A_297 = arith.cmpi slt, %sub3A_291, %lt3A_296 : vector<16xi32>
        %and3A_298 = arith.andi %ge3A_294, %lt3A_297 : vector<16xi1>
        %broadcast_in_dim3A_299 = arith.constant 1024 : i32
        %broadcast_in_dim3A_300 = vector.broadcast %broadcast_in_dim3A_299 : i32 to vector<16xi32>
        %select_n3A_301 = arith.select %and3A_298, %sub3A_291, %broadcast_in_dim3A_300 : vector<16xi1>, vector<16xi32>
        %add3A_302 = vector.broadcast %mul3A_4 : i32 to vector<16xi32>
        %add3A_303 = arith.addi %add3A_302, %select_n3A_301 : vector<16xi32>
        %mul3A_304 = arith.constant 16 : i32
        %mul3A_305 = arith.muli %scan3A_279, %mul3A_304 : i32
        %swap3A_306 = arith.index_cast %mul3A_305 : i32 to index
        %swap3A_307 = tpu.vector_load %arg12[%swap3A_306] {strides = array<i32>} : memref<256xi32, #tpu.memory_space<vmem>>, vector<16xi32>,
        %swap3A_308 = vector.shape_cast %swap3A_307 : vector<16xi32> to vector<16xi32>
        %swap3A_309 = vector.shape_cast %add3A_303 : vector<16xi32> to vector<16xi32>
        tpu.vector_store %arg12[%swap3A_306], %swap3A_309 {strides = array<i32>} : memref<256xi32, #tpu.memory_space<vmem>>, vector<16xi32>,
        %scan3A_310 = arith.constant 3 : i32
        %scan3A_311 = arith.addi %scan3A_222, %scan3A_310 : i32
        %add3A_312 = arith.constant 64 : i32
        %add3A_313 = arith.addi %add3A_312, %scan3A_311 : i32
        %mul3A_314 = arith.constant 16 : i32
        %mul3A_315 = arith.muli %add3A_313, %mul3A_314 : i32
        %add3A_316 = arith.constant 1024 : i32
        %add3A_317 = arith.addi %add3A_316, %mul3A_315 : i32
        %get3A_318 = arith.index_cast %add3A_317 : i32 to index
        %get3A_319 = tpu.vector_load %arg6[%get3A_318] {strides = array<i32>} : memref<3072xi32, #tpu.memory_space<vmem>>, vector<16xi32>,
        %get3A_320 = vector.shape_cast %get3A_319 : vector<16xi32> to vector<16xi32>
        %sub3A_321 = arith.constant 1024 : i32
        %sub3A_322 = vector.broadcast %sub3A_321 : i32 to vector<16xi32>
        %sub3A_323 = arith.subi %get3A_320, %sub3A_322 : vector<16xi32>
        %ge3A_324 = arith.constant 0 : i32
        %ge3A_325 = vector.broadcast %ge3A_324 : i32 to vector<16xi32>
        %ge3A_326 = arith.cmpi sge, %sub3A_323, %ge3A_325 : vector<16xi32>
        %lt3A_327 = arith.constant 1024 : i32
        %lt3A_328 = vector.broadcast %lt3A_327 : i32 to vector<16xi32>
        %lt3A_329 = arith.cmpi slt, %sub3A_323, %lt3A_328 : vector<16xi32>
        %and3A_330 = arith.andi %ge3A_326, %lt3A_329 : vector<16xi1>
        %broadcast_in_dim3A_331 = arith.constant 1024 : i32
        %broadcast_in_dim3A_332 = vector.broadcast %broadcast_in_dim3A_331 : i32 to vector<16xi32>
        %select_n3A_333 = arith.select %and3A_330, %sub3A_323, %broadcast_in_dim3A_332 : vector<16xi1>, vector<16xi32>
        %add3A_334 = vector.broadcast %mul3A_4 : i32 to vector<16xi32>
        %add3A_335 = arith.addi %add3A_334, %select_n3A_333 : vector<16xi32>
        %mul3A_336 = arith.constant 16 : i32
        %mul3A_337 = arith.muli %scan3A_311, %mul3A_336 : i32
        %swap3A_338 = arith.index_cast %mul3A_337 : i32 to index
        %swap3A_339 = tpu.vector_load %arg12[%swap3A_338] {strides = array<i32>} : memref<256xi32, #tpu.memory_space<vmem>>, vector<16xi32>,
        %swap3A_340 = vector.shape_cast %swap3A_339 : vector<16xi32> to vector<16xi32>
        %swap3A_341 = vector.shape_cast %add3A_335 : vector<16xi32> to vector<16xi32>
        tpu.vector_store %arg12[%swap3A_338], %swap3A_341 {strides = array<i32>} : memref<256xi32, #tpu.memory_space<vmem>>, vector<16xi32>,
      }
      %scan3A_203 = arith.constant 16 : i32
      %scan3A_204 = arith.constant 0 : i32
      %scan3A_205 = arith.constant 0 : i32
      %scan3A_206 = arith.constant 16 : i32
      %scan3A_207 = arith.addi %scan3A_205, %scan3A_206 : i32
      %scan3A_208 = arith.constant 4 : i32
      scf.for %scan3A_222 = %scan3A_205 to %scan3A_207 step %scan3A_208  : i32 {
        %add3A_223 = arith.constant 80 : i32
        %add3A_224 = arith.addi %add3A_223, %scan3A_222 : i32
        %mul3A_225 = arith.constant 16 : i32
        %mul3A_226 = arith.muli %add3A_224, %mul3A_225 : i32
        %add3A_227 = arith.constant 1024 : i32
        %add3A_228 = arith.addi %add3A_227, %mul3A_226 : i32
        %get3A = arith.index_cast %add3A_228 : i32 to index
        %get3A_229 = tpu.vector_load %arg6[%get3A] {strides = array<i32>} : memref<3072xi32, #tpu.memory_space<vmem>>, vector<16xi32>,
        %get3A_230 = vector.shape_cast %get3A_229 : vector<16xi32> to vector<16xi32>
        %sub3A = arith.constant 1024 : i32
        %sub3A_231 = vector.broadcast %sub3A : i32 to vector<16xi32>
        %sub3A_232 = arith.subi %get3A_230, %sub3A_231 : vector<16xi32>
        %ge3A = arith.constant 0 : i32
        %ge3A_233 = vector.broadcast %ge3A : i32 to vector<16xi32>
        %ge3A_234 = arith.cmpi sge, %sub3A_232, %ge3A_233 : vector<16xi32>
        %lt3A_235 = arith.constant 1024 : i32
        %lt3A_236 = vector.broadcast %lt3A_235 : i32 to vector<16xi32>
        %lt3A_237 = arith.cmpi slt, %sub3A_232, %lt3A_236 : vector<16xi32>
        %and3A = arith.andi %ge3A_234, %lt3A_237 : vector<16xi1>
        %broadcast_in_dim3A = arith.constant 1024 : i32
        %broadcast_in_dim3A_238 = vector.broadcast %broadcast_in_dim3A : i32 to vector<16xi32>
        %select_n3A = arith.select %and3A, %sub3A_232, %broadcast_in_dim3A_238 : vector<16xi1>, vector<16xi32>
        %add3A_239 = vector.broadcast %mul3A_4 : i32 to vector<16xi32>
        %add3A_240 = arith.addi %add3A_239, %select_n3A : vector<16xi32>
        %mul3A_241 = arith.constant 16 : i32
        %mul3A_242 = arith.muli %scan3A_222, %mul3A_241 : i32
        %swap3A = arith.index_cast %mul3A_242 : i32 to index
        %swap3A_243 = tpu.vector_load %arg13[%swap3A] {strides = array<i32>} : memref<256xi32, #tpu.memory_space<vmem>>, vector<16xi32>,
        %swap3A_244 = vector.shape_cast %swap3A_243 : vector<16xi32> to vector<16xi32>
        %swap3A_245 = vector.shape_cast %add3A_240 : vector<16xi32> to vector<16xi32>
        tpu.vector_store %arg13[%swap3A], %swap3A_245 {strides = array<i32>} : memref<256xi32, #tpu.memory_space<vmem>>, vector<16xi32>,
        %scan3A_246 = arith.constant 1 : i32
        %scan3A_247 = arith.addi %scan3A_222, %scan3A_246 : i32
        %add3A_248 = arith.constant 80 : i32
        %add3A_249 = arith.addi %add3A_248, %scan3A_247 : i32
        %mul3A_250 = arith.constant 16 : i32
        %mul3A_251 = arith.muli %add3A_249, %mul3A_250 : i32
        %add3A_252 = arith.constant 1024 : i32
        %add3A_253 = arith.addi %add3A_252, %mul3A_251 : i32
        %get3A_254 = arith.index_cast %add3A_253 : i32 to index
        %get3A_255 = tpu.vector_load %arg6[%get3A_254] {strides = array<i32>} : memref<3072xi32, #tpu.memory_space<vmem>>, vector<16xi32>,
        %get3A_256 = vector.shape_cast %get3A_255 : vector<16xi32> to vector<16xi32>
        %sub3A_257 = arith.constant 1024 : i32
        %sub3A_258 = vector.broadcast %sub3A_257 : i32 to vector<16xi32>
        %sub3A_259 = arith.subi %get3A_256, %sub3A_258 : vector<16xi32>
        %ge3A_260 = arith.constant 0 : i32
        %ge3A_261 = vector.broadcast %ge3A_260 : i32 to vector<16xi32>
        %ge3A_262 = arith.cmpi sge, %sub3A_259, %ge3A_261 : vector<16xi32>
        %lt3A_263 = arith.constant 1024 : i32
        %lt3A_264 = vector.broadcast %lt3A_263 : i32 to vector<16xi32>
        %lt3A_265 = arith.cmpi slt, %sub3A_259, %lt3A_264 : vector<16xi32>
        %and3A_266 = arith.andi %ge3A_262, %lt3A_265 : vector<16xi1>
        %broadcast_in_dim3A_267 = arith.constant 1024 : i32
        %broadcast_in_dim3A_268 = vector.broadcast %broadcast_in_dim3A_267 : i32 to vector<16xi32>
        %select_n3A_269 = arith.select %and3A_266, %sub3A_259, %broadcast_in_dim3A_268 : vector<16xi1>, vector<16xi32>
        %add3A_270 = vector.broadcast %mul3A_4 : i32 to vector<16xi32>
        %add3A_271 = arith.addi %add3A_270, %select_n3A_269 : vector<16xi32>
        %mul3A_272 = arith.constant 16 : i32
        %mul3A_273 = arith.muli %scan3A_247, %mul3A_272 : i32
        %swap3A_274 = arith.index_cast %mul3A_273 : i32 to index
        %swap3A_275 = tpu.vector_load %arg13[%swap3A_274] {strides = array<i32>} : memref<256xi32, #tpu.memory_space<vmem>>, vector<16xi32>,
        %swap3A_276 = vector.shape_cast %swap3A_275 : vector<16xi32> to vector<16xi32>
        %swap3A_277 = vector.shape_cast %add3A_271 : vector<16xi32> to vector<16xi32>
        tpu.vector_store %arg13[%swap3A_274], %swap3A_277 {strides = array<i32>} : memref<256xi32, #tpu.memory_space<vmem>>, vector<16xi32>,
        %scan3A_278 = arith.constant 2 : i32
        %scan3A_279 = arith.addi %scan3A_222, %scan3A_278 : i32
        %add3A_280 = arith.constant 80 : i32
        %add3A_281 = arith.addi %add3A_280, %scan3A_279 : i32
        %mul3A_282 = arith.constant 16 : i32
        %mul3A_283 = arith.muli %add3A_281, %mul3A_282 : i32
        %add3A_284 = arith.constant 1024 : i32
        %add3A_285 = arith.addi %add3A_284, %mul3A_283 : i32
        %get3A_286 = arith.index_cast %add3A_285 : i32 to index
        %get3A_287 = tpu.vector_load %arg6[%get3A_286] {strides = array<i32>} : memref<3072xi32, #tpu.memory_space<vmem>>, vector<16xi32>,
        %get3A_288 = vector.shape_cast %get3A_287 : vector<16xi32> to vector<16xi32>
        %sub3A_289 = arith.constant 1024 : i32
        %sub3A_290 = vector.broadcast %sub3A_289 : i32 to vector<16xi32>
        %sub3A_291 = arith.subi %get3A_288, %sub3A_290 : vector<16xi32>
        %ge3A_292 = arith.constant 0 : i32
        %ge3A_293 = vector.broadcast %ge3A_292 : i32 to vector<16xi32>
        %ge3A_294 = arith.cmpi sge, %sub3A_291, %ge3A_293 : vector<16xi32>
        %lt3A_295 = arith.constant 1024 : i32
        %lt3A_296 = vector.broadcast %lt3A_295 : i32 to vector<16xi32>
        %lt3A_297 = arith.cmpi slt, %sub3A_291, %lt3A_296 : vector<16xi32>
        %and3A_298 = arith.andi %ge3A_294, %lt3A_297 : vector<16xi1>
        %broadcast_in_dim3A_299 = arith.constant 1024 : i32
        %broadcast_in_dim3A_300 = vector.broadcast %broadcast_in_dim3A_299 : i32 to vector<16xi32>
        %select_n3A_301 = arith.select %and3A_298, %sub3A_291, %broadcast_in_dim3A_300 : vector<16xi1>, vector<16xi32>
        %add3A_302 = vector.broadcast %mul3A_4 : i32 to vector<16xi32>
        %add3A_303 = arith.addi %add3A_302, %select_n3A_301 : vector<16xi32>
        %mul3A_304 = arith.constant 16 : i32
        %mul3A_305 = arith.muli %scan3A_279, %mul3A_304 : i32
        %swap3A_306 = arith.index_cast %mul3A_305 : i32 to index
        %swap3A_307 = tpu.vector_load %arg13[%swap3A_306] {strides = array<i32>} : memref<256xi32, #tpu.memory_space<vmem>>, vector<16xi32>,
        %swap3A_308 = vector.shape_cast %swap3A_307 : vector<16xi32> to vector<16xi32>
        %swap3A_309 = vector.shape_cast %add3A_303 : vector<16xi32> to vector<16xi32>
        tpu.vector_store %arg13[%swap3A_306], %swap3A_309 {strides = array<i32>} : memref<256xi32, #tpu.memory_space<vmem>>, vector<16xi32>,
        %scan3A_310 = arith.constant 3 : i32
        %scan3A_311 = arith.addi %scan3A_222, %scan3A_310 : i32
        %add3A_312 = arith.constant 80 : i32
        %add3A_313 = arith.addi %add3A_312, %scan3A_311 : i32
        %mul3A_314 = arith.constant 16 : i32
        %mul3A_315 = arith.muli %add3A_313, %mul3A_314 : i32
        %add3A_316 = arith.constant 1024 : i32
        %add3A_317 = arith.addi %add3A_316, %mul3A_315 : i32
        %get3A_318 = arith.index_cast %add3A_317 : i32 to index
        %get3A_319 = tpu.vector_load %arg6[%get3A_318] {strides = array<i32>} : memref<3072xi32, #tpu.memory_space<vmem>>, vector<16xi32>,
        %get3A_320 = vector.shape_cast %get3A_319 : vector<16xi32> to vector<16xi32>
        %sub3A_321 = arith.constant 1024 : i32
        %sub3A_322 = vector.broadcast %sub3A_321 : i32 to vector<16xi32>
        %sub3A_323 = arith.subi %get3A_320, %sub3A_322 : vector<16xi32>
        %ge3A_324 = arith.constant 0 : i32
        %ge3A_325 = vector.broadcast %ge3A_324 : i32 to vector<16xi32>
        %ge3A_326 = arith.cmpi sge, %sub3A_323, %ge3A_325 : vector<16xi32>
        %lt3A_327 = arith.constant 1024 : i32
        %lt3A_328 = vector.broadcast %lt3A_327 : i32 to vector<16xi32>
        %lt3A_329 = arith.cmpi slt, %sub3A_323, %lt3A_328 : vector<16xi32>
        %and3A_330 = arith.andi %ge3A_326, %lt3A_329 : vector<16xi1>
        %broadcast_in_dim3A_331 = arith.constant 1024 : i32
        %broadcast_in_dim3A_332 = vector.broadcast %broadcast_in_dim3A_331 : i32 to vector<16xi32>
        %select_n3A_333 = arith.select %and3A_330, %sub3A_323, %broadcast_in_dim3A_332 : vector<16xi1>, vector<16xi32>
        %add3A_334 = vector.broadcast %mul3A_4 : i32 to vector<16xi32>
        %add3A_335 = arith.addi %add3A_334, %select_n3A_333 : vector<16xi32>
        %mul3A_336 = arith.constant 16 : i32
        %mul3A_337 = arith.muli %scan3A_311, %mul3A_336 : i32
        %swap3A_338 = arith.index_cast %mul3A_337 : i32 to index
        %swap3A_339 = tpu.vector_load %arg13[%swap3A_338] {strides = array<i32>} : memref<256xi32, #tpu.memory_space<vmem>>, vector<16xi32>,
        %swap3A_340 = vector.shape_cast %swap3A_339 : vector<16xi32> to vector<16xi32>
        %swap3A_341 = vector.shape_cast %add3A_335 : vector<16xi32> to vector<16xi32>
        tpu.vector_store %arg13[%swap3A_338], %swap3A_341 {strides = array<i32>} : memref<256xi32, #tpu.memory_space<vmem>>, vector<16xi32>,
      }
      %scan3A_209 = arith.constant 16 : i32
      %scan3A_210 = arith.constant 0 : i32
      %scan3A_211 = arith.constant 0 : i32
      %scan3A_212 = arith.constant 16 : i32
      %scan3A_213 = arith.addi %scan3A_211, %scan3A_212 : i32
      %scan3A_214 = arith.constant 4 : i32
      scf.for %scan3A_222 = %scan3A_211 to %scan3A_213 step %scan3A_214  : i32 {
        %add3A_223 = arith.constant 96 : i32
        %add3A_224 = arith.addi %add3A_223, %scan3A_222 : i32
        %mul3A_225 = arith.constant 16 : i32
        %mul3A_226 = arith.muli %add3A_224, %mul3A_225 : i32
        %add3A_227 = arith.constant 1024 : i32
        %add3A_228 = arith.addi %add3A_227, %mul3A_226 : i32
        %get3A = arith.index_cast %add3A_228 : i32 to index
        %get3A_229 = tpu.vector_load %arg6[%get3A] {strides = array<i32>} : memref<3072xi32, #tpu.memory_space<vmem>>, vector<16xi32>,
        %get3A_230 = vector.shape_cast %get3A_229 : vector<16xi32> to vector<16xi32>
        %sub3A = arith.constant 1024 : i32
        %sub3A_231 = vector.broadcast %sub3A : i32 to vector<16xi32>
        %sub3A_232 = arith.subi %get3A_230, %sub3A_231 : vector<16xi32>
        %ge3A = arith.constant 0 : i32
        %ge3A_233 = vector.broadcast %ge3A : i32 to vector<16xi32>
        %ge3A_234 = arith.cmpi sge, %sub3A_232, %ge3A_233 : vector<16xi32>
        %lt3A_235 = arith.constant 1024 : i32
        %lt3A_236 = vector.broadcast %lt3A_235 : i32 to vector<16xi32>
        %lt3A_237 = arith.cmpi slt, %sub3A_232, %lt3A_236 : vector<16xi32>
        %and3A = arith.andi %ge3A_234, %lt3A_237 : vector<16xi1>
        %broadcast_in_dim3A = arith.constant 1024 : i32
        %broadcast_in_dim3A_238 = vector.broadcast %broadcast_in_dim3A : i32 to vector<16xi32>
        %select_n3A = arith.select %and3A, %sub3A_232, %broadcast_in_dim3A_238 : vector<16xi1>, vector<16xi32>
        %add3A_239 = vector.broadcast %mul3A_4 : i32 to vector<16xi32>
        %add3A_240 = arith.addi %add3A_239, %select_n3A : vector<16xi32>
        %mul3A_241 = arith.constant 16 : i32
        %mul3A_242 = arith.muli %scan3A_222, %mul3A_241 : i32
        %swap3A = arith.index_cast %mul3A_242 : i32 to index
        %swap3A_243 = tpu.vector_load %arg14[%swap3A] {strides = array<i32>} : memref<256xi32, #tpu.memory_space<vmem>>, vector<16xi32>,
        %swap3A_244 = vector.shape_cast %swap3A_243 : vector<16xi32> to vector<16xi32>
        %swap3A_245 = vector.shape_cast %add3A_240 : vector<16xi32> to vector<16xi32>
        tpu.vector_store %arg14[%swap3A], %swap3A_245 {strides = array<i32>} : memref<256xi32, #tpu.memory_space<vmem>>, vector<16xi32>,
        %scan3A_246 = arith.constant 1 : i32
        %scan3A_247 = arith.addi %scan3A_222, %scan3A_246 : i32
        %add3A_248 = arith.constant 96 : i32
        %add3A_249 = arith.addi %add3A_248, %scan3A_247 : i32
        %mul3A_250 = arith.constant 16 : i32
        %mul3A_251 = arith.muli %add3A_249, %mul3A_250 : i32
        %add3A_252 = arith.constant 1024 : i32
        %add3A_253 = arith.addi %add3A_252, %mul3A_251 : i32
        %get3A_254 = arith.index_cast %add3A_253 : i32 to index
        %get3A_255 = tpu.vector_load %arg6[%get3A_254] {strides = array<i32>} : memref<3072xi32, #tpu.memory_space<vmem>>, vector<16xi32>,
        %get3A_256 = vector.shape_cast %get3A_255 : vector<16xi32> to vector<16xi32>
        %sub3A_257 = arith.constant 1024 : i32
        %sub3A_258 = vector.broadcast %sub3A_257 : i32 to vector<16xi32>
        %sub3A_259 = arith.subi %get3A_256, %sub3A_258 : vector<16xi32>
        %ge3A_260 = arith.constant 0 : i32
        %ge3A_261 = vector.broadcast %ge3A_260 : i32 to vector<16xi32>
        %ge3A_262 = arith.cmpi sge, %sub3A_259, %ge3A_261 : vector<16xi32>
        %lt3A_263 = arith.constant 1024 : i32
        %lt3A_264 = vector.broadcast %lt3A_263 : i32 to vector<16xi32>
        %lt3A_265 = arith.cmpi slt, %sub3A_259, %lt3A_264 : vector<16xi32>
        %and3A_266 = arith.andi %ge3A_262, %lt3A_265 : vector<16xi1>
        %broadcast_in_dim3A_267 = arith.constant 1024 : i32
        %broadcast_in_dim3A_268 = vector.broadcast %broadcast_in_dim3A_267 : i32 to vector<16xi32>
        %select_n3A_269 = arith.select %and3A_266, %sub3A_259, %broadcast_in_dim3A_268 : vector<16xi1>, vector<16xi32>
        %add3A_270 = vector.broadcast %mul3A_4 : i32 to vector<16xi32>
        %add3A_271 = arith.addi %add3A_270, %select_n3A_269 : vector<16xi32>
        %mul3A_272 = arith.constant 16 : i32
        %mul3A_273 = arith.muli %scan3A_247, %mul3A_272 : i32
        %swap3A_274 = arith.index_cast %mul3A_273 : i32 to index
        %swap3A_275 = tpu.vector_load %arg14[%swap3A_274] {strides = array<i32>} : memref<256xi32, #tpu.memory_space<vmem>>, vector<16xi32>,
        %swap3A_276 = vector.shape_cast %swap3A_275 : vector<16xi32> to vector<16xi32>
        %swap3A_277 = vector.shape_cast %add3A_271 : vector<16xi32> to vector<16xi32>
        tpu.vector_store %arg14[%swap3A_274], %swap3A_277 {strides = array<i32>} : memref<256xi32, #tpu.memory_space<vmem>>, vector<16xi32>,
        %scan3A_278 = arith.constant 2 : i32
        %scan3A_279 = arith.addi %scan3A_222, %scan3A_278 : i32
        %add3A_280 = arith.constant 96 : i32
        %add3A_281 = arith.addi %add3A_280, %scan3A_279 : i32
        %mul3A_282 = arith.constant 16 : i32
        %mul3A_283 = arith.muli %add3A_281, %mul3A_282 : i32
        %add3A_284 = arith.constant 1024 : i32
        %add3A_285 = arith.addi %add3A_284, %mul3A_283 : i32
        %get3A_286 = arith.index_cast %add3A_285 : i32 to index
        %get3A_287 = tpu.vector_load %arg6[%get3A_286] {strides = array<i32>} : memref<3072xi32, #tpu.memory_space<vmem>>, vector<16xi32>,
        %get3A_288 = vector.shape_cast %get3A_287 : vector<16xi32> to vector<16xi32>
        %sub3A_289 = arith.constant 1024 : i32
        %sub3A_290 = vector.broadcast %sub3A_289 : i32 to vector<16xi32>
        %sub3A_291 = arith.subi %get3A_288, %sub3A_290 : vector<16xi32>
        %ge3A_292 = arith.constant 0 : i32
        %ge3A_293 = vector.broadcast %ge3A_292 : i32 to vector<16xi32>
        %ge3A_294 = arith.cmpi sge, %sub3A_291, %ge3A_293 : vector<16xi32>
        %lt3A_295 = arith.constant 1024 : i32
        %lt3A_296 = vector.broadcast %lt3A_295 : i32 to vector<16xi32>
        %lt3A_297 = arith.cmpi slt, %sub3A_291, %lt3A_296 : vector<16xi32>
        %and3A_298 = arith.andi %ge3A_294, %lt3A_297 : vector<16xi1>
        %broadcast_in_dim3A_299 = arith.constant 1024 : i32
        %broadcast_in_dim3A_300 = vector.broadcast %broadcast_in_dim3A_299 : i32 to vector<16xi32>
        %select_n3A_301 = arith.select %and3A_298, %sub3A_291, %broadcast_in_dim3A_300 : vector<16xi1>, vector<16xi32>
        %add3A_302 = vector.broadcast %mul3A_4 : i32 to vector<16xi32>
        %add3A_303 = arith.addi %add3A_302, %select_n3A_301 : vector<16xi32>
        %mul3A_304 = arith.constant 16 : i32
        %mul3A_305 = arith.muli %scan3A_279, %mul3A_304 : i32
        %swap3A_306 = arith.index_cast %mul3A_305 : i32 to index
        %swap3A_307 = tpu.vector_load %arg14[%swap3A_306] {strides = array<i32>} : memref<256xi32, #tpu.memory_space<vmem>>, vector<16xi32>,
        %swap3A_308 = vector.shape_cast %swap3A_307 : vector<16xi32> to vector<16xi32>
        %swap3A_309 = vector.shape_cast %add3A_303 : vector<16xi32> to vector<16xi32>
        tpu.vector_store %arg14[%swap3A_306], %swap3A_309 {strides = array<i32>} : memref<256xi32, #tpu.memory_space<vmem>>, vector<16xi32>,
        %scan3A_310 = arith.constant 3 : i32
        %scan3A_311 = arith.addi %scan3A_222, %scan3A_310 : i32
        %add3A_312 = arith.constant 96 : i32
        %add3A_313 = arith.addi %add3A_312, %scan3A_311 : i32
        %mul3A_314 = arith.constant 16 : i32
        %mul3A_315 = arith.muli %add3A_313, %mul3A_314 : i32
        %add3A_316 = arith.constant 1024 : i32
        %add3A_317 = arith.addi %add3A_316, %mul3A_315 : i32
        %get3A_318 = arith.index_cast %add3A_317 : i32 to index
        %get3A_319 = tpu.vector_load %arg6[%get3A_318] {strides = array<i32>} : memref<3072xi32, #tpu.memory_space<vmem>>, vector<16xi32>,
        %get3A_320 = vector.shape_cast %get3A_319 : vector<16xi32> to vector<16xi32>
        %sub3A_321 = arith.constant 1024 : i32
        %sub3A_322 = vector.broadcast %sub3A_321 : i32 to vector<16xi32>
        %sub3A_323 = arith.subi %get3A_320, %sub3A_322 : vector<16xi32>
        %ge3A_324 = arith.constant 0 : i32
        %ge3A_325 = vector.broadcast %ge3A_324 : i32 to vector<16xi32>
        %ge3A_326 = arith.cmpi sge, %sub3A_323, %ge3A_325 : vector<16xi32>
        %lt3A_327 = arith.constant 1024 : i32
        %lt3A_328 = vector.broadcast %lt3A_327 : i32 to vector<16xi32>
        %lt3A_329 = arith.cmpi slt, %sub3A_323, %lt3A_328 : vector<16xi32>
        %and3A_330 = arith.andi %ge3A_326, %lt3A_329 : vector<16xi1>
        %broadcast_in_dim3A_331 = arith.constant 1024 : i32
        %broadcast_in_dim3A_332 = vector.broadcast %broadcast_in_dim3A_331 : i32 to vector<16xi32>
        %select_n3A_333 = arith.select %and3A_330, %sub3A_323, %broadcast_in_dim3A_332 : vector<16xi1>, vector<16xi32>
        %add3A_334 = vector.broadcast %mul3A_4 : i32 to vector<16xi32>
        %add3A_335 = arith.addi %add3A_334, %select_n3A_333 : vector<16xi32>
        %mul3A_336 = arith.constant 16 : i32
        %mul3A_337 = arith.muli %scan3A_311, %mul3A_336 : i32
        %swap3A_338 = arith.index_cast %mul3A_337 : i32 to index
        %swap3A_339 = tpu.vector_load %arg14[%swap3A_338] {strides = array<i32>} : memref<256xi32, #tpu.memory_space<vmem>>, vector<16xi32>,
        %swap3A_340 = vector.shape_cast %swap3A_339 : vector<16xi32> to vector<16xi32>
        %swap3A_341 = vector.shape_cast %add3A_335 : vector<16xi32> to vector<16xi32>
        tpu.vector_store %arg14[%swap3A_338], %swap3A_341 {strides = array<i32>} : memref<256xi32, #tpu.memory_space<vmem>>, vector<16xi32>,
      }
      %scan3A_215 = arith.constant 16 : i32
      %scan3A_216 = arith.constant 0 : i32
      %scan3A_217 = arith.constant 0 : i32
      %scan3A_218 = arith.constant 16 : i32
      %scan3A_219 = arith.addi %scan3A_217, %scan3A_218 : i32
      %scan3A_220 = arith.constant 4 : i32
      scf.for %scan3A_222 = %scan3A_217 to %scan3A_219 step %scan3A_220  : i32 {
        %add3A_223 = arith.constant 112 : i32
        %add3A_224 = arith.addi %add3A_223, %scan3A_222 : i32
        %mul3A_225 = arith.constant 16 : i32
        %mul3A_226 = arith.muli %add3A_224, %mul3A_225 : i32
        %add3A_227 = arith.constant 1024 : i32
        %add3A_228 = arith.addi %add3A_227, %mul3A_226 : i32
        %get3A = arith.index_cast %add3A_228 : i32 to index
        %get3A_229 = tpu.vector_load %arg6[%get3A] {strides = array<i32>} : memref<3072xi32, #tpu.memory_space<vmem>>, vector<16xi32>,
        %get3A_230 = vector.shape_cast %get3A_229 : vector<16xi32> to vector<16xi32>
        %sub3A = arith.constant 1024 : i32
        %sub3A_231 = vector.broadcast %sub3A : i32 to vector<16xi32>
        %sub3A_232 = arith.subi %get3A_230, %sub3A_231 : vector<16xi32>
        %ge3A = arith.constant 0 : i32
        %ge3A_233 = vector.broadcast %ge3A : i32 to vector<16xi32>
        %ge3A_234 = arith.cmpi sge, %sub3A_232, %ge3A_233 : vector<16xi32>
        %lt3A_235 = arith.constant 1024 : i32
        %lt3A_236 = vector.broadcast %lt3A_235 : i32 to vector<16xi32>
        %lt3A_237 = arith.cmpi slt, %sub3A_232, %lt3A_236 : vector<16xi32>
        %and3A = arith.andi %ge3A_234, %lt3A_237 : vector<16xi1>
        %broadcast_in_dim3A = arith.constant 1024 : i32
        %broadcast_in_dim3A_238 = vector.broadcast %broadcast_in_dim3A : i32 to vector<16xi32>
        %select_n3A = arith.select %and3A, %sub3A_232, %broadcast_in_dim3A_238 : vector<16xi1>, vector<16xi32>
        %add3A_239 = vector.broadcast %mul3A_4 : i32 to vector<16xi32>
        %add3A_240 = arith.addi %add3A_239, %select_n3A : vector<16xi32>
        %mul3A_241 = arith.constant 16 : i32
        %mul3A_242 = arith.muli %scan3A_222, %mul3A_241 : i32
        %swap3A = arith.index_cast %mul3A_242 : i32 to index
        %swap3A_243 = tpu.vector_load %arg15[%swap3A] {strides = array<i32>} : memref<256xi32, #tpu.memory_space<vmem>>, vector<16xi32>,
        %swap3A_244 = vector.shape_cast %swap3A_243 : vector<16xi32> to vector<16xi32>
        %swap3A_245 = vector.shape_cast %add3A_240 : vector<16xi32> to vector<16xi32>
        tpu.vector_store %arg15[%swap3A], %swap3A_245 {strides = array<i32>} : memref<256xi32, #tpu.memory_space<vmem>>, vector<16xi32>,
        %scan3A_246 = arith.constant 1 : i32
        %scan3A_247 = arith.addi %scan3A_222, %scan3A_246 : i32
        %add3A_248 = arith.constant 112 : i32
        %add3A_249 = arith.addi %add3A_248, %scan3A_247 : i32
        %mul3A_250 = arith.constant 16 : i32
        %mul3A_251 = arith.muli %add3A_249, %mul3A_250 : i32
        %add3A_252 = arith.constant 1024 : i32
        %add3A_253 = arith.addi %add3A_252, %mul3A_251 : i32
        %get3A_254 = arith.index_cast %add3A_253 : i32 to index
        %get3A_255 = tpu.vector_load %arg6[%get3A_254] {strides = array<i32>} : memref<3072xi32, #tpu.memory_space<vmem>>, vector<16xi32>,
        %get3A_256 = vector.shape_cast %get3A_255 : vector<16xi32> to vector<16xi32>
        %sub3A_257 = arith.constant 1024 : i32
        %sub3A_258 = vector.broadcast %sub3A_257 : i32 to vector<16xi32>
        %sub3A_259 = arith.subi %get3A_256, %sub3A_258 : vector<16xi32>
        %ge3A_260 = arith.constant 0 : i32
        %ge3A_261 = vector.broadcast %ge3A_260 : i32 to vector<16xi32>
        %ge3A_262 = arith.cmpi sge, %sub3A_259, %ge3A_261 : vector<16xi32>
        %lt3A_263 = arith.constant 1024 : i32
        %lt3A_264 = vector.broadcast %lt3A_263 : i32 to vector<16xi32>
        %lt3A_265 = arith.cmpi slt, %sub3A_259, %lt3A_264 : vector<16xi32>
        %and3A_266 = arith.andi %ge3A_262, %lt3A_265 : vector<16xi1>
        %broadcast_in_dim3A_267 = arith.constant 1024 : i32
        %broadcast_in_dim3A_268 = vector.broadcast %broadcast_in_dim3A_267 : i32 to vector<16xi32>
        %select_n3A_269 = arith.select %and3A_266, %sub3A_259, %broadcast_in_dim3A_268 : vector<16xi1>, vector<16xi32>
        %add3A_270 = vector.broadcast %mul3A_4 : i32 to vector<16xi32>
        %add3A_271 = arith.addi %add3A_270, %select_n3A_269 : vector<16xi32>
        %mul3A_272 = arith.constant 16 : i32
        %mul3A_273 = arith.muli %scan3A_247, %mul3A_272 : i32
        %swap3A_274 = arith.index_cast %mul3A_273 : i32 to index
        %swap3A_275 = tpu.vector_load %arg15[%swap3A_274] {strides = array<i32>} : memref<256xi32, #tpu.memory_space<vmem>>, vector<16xi32>,
        %swap3A_276 = vector.shape_cast %swap3A_275 : vector<16xi32> to vector<16xi32>
        %swap3A_277 = vector.shape_cast %add3A_271 : vector<16xi32> to vector<16xi32>
        tpu.vector_store %arg15[%swap3A_274], %swap3A_277 {strides = array<i32>} : memref<256xi32, #tpu.memory_space<vmem>>, vector<16xi32>,
        %scan3A_278 = arith.constant 2 : i32
        %scan3A_279 = arith.addi %scan3A_222, %scan3A_278 : i32
        %add3A_280 = arith.constant 112 : i32
        %add3A_281 = arith.addi %add3A_280, %scan3A_279 : i32
        %mul3A_282 = arith.constant 16 : i32
        %mul3A_283 = arith.muli %add3A_281, %mul3A_282 : i32
        %add3A_284 = arith.constant 1024 : i32
        %add3A_285 = arith.addi %add3A_284, %mul3A_283 : i32
        %get3A_286 = arith.index_cast %add3A_285 : i32 to index
        %get3A_287 = tpu.vector_load %arg6[%get3A_286] {strides = array<i32>} : memref<3072xi32, #tpu.memory_space<vmem>>, vector<16xi32>,
        %get3A_288 = vector.shape_cast %get3A_287 : vector<16xi32> to vector<16xi32>
        %sub3A_289 = arith.constant 1024 : i32
        %sub3A_290 = vector.broadcast %sub3A_289 : i32 to vector<16xi32>
        %sub3A_291 = arith.subi %get3A_288, %sub3A_290 : vector<16xi32>
        %ge3A_292 = arith.constant 0 : i32
        %ge3A_293 = vector.broadcast %ge3A_292 : i32 to vector<16xi32>
        %ge3A_294 = arith.cmpi sge, %sub3A_291, %ge3A_293 : vector<16xi32>
        %lt3A_295 = arith.constant 1024 : i32
        %lt3A_296 = vector.broadcast %lt3A_295 : i32 to vector<16xi32>
        %lt3A_297 = arith.cmpi slt, %sub3A_291, %lt3A_296 : vector<16xi32>
        %and3A_298 = arith.andi %ge3A_294, %lt3A_297 : vector<16xi1>
        %broadcast_in_dim3A_299 = arith.constant 1024 : i32
        %broadcast_in_dim3A_300 = vector.broadcast %broadcast_in_dim3A_299 : i32 to vector<16xi32>
        %select_n3A_301 = arith.select %and3A_298, %sub3A_291, %broadcast_in_dim3A_300 : vector<16xi1>, vector<16xi32>
        %add3A_302 = vector.broadcast %mul3A_4 : i32 to vector<16xi32>
        %add3A_303 = arith.addi %add3A_302, %select_n3A_301 : vector<16xi32>
        %mul3A_304 = arith.constant 16 : i32
        %mul3A_305 = arith.muli %scan3A_279, %mul3A_304 : i32
        %swap3A_306 = arith.index_cast %mul3A_305 : i32 to index
        %swap3A_307 = tpu.vector_load %arg15[%swap3A_306] {strides = array<i32>} : memref<256xi32, #tpu.memory_space<vmem>>, vector<16xi32>,
        %swap3A_308 = vector.shape_cast %swap3A_307 : vector<16xi32> to vector<16xi32>
        %swap3A_309 = vector.shape_cast %add3A_303 : vector<16xi32> to vector<16xi32>
        tpu.vector_store %arg15[%swap3A_306], %swap3A_309 {strides = array<i32>} : memref<256xi32, #tpu.memory_space<vmem>>, vector<16xi32>,
        %scan3A_310 = arith.constant 3 : i32
        %scan3A_311 = arith.addi %scan3A_222, %scan3A_310 : i32
        %add3A_312 = arith.constant 112 : i32
        %add3A_313 = arith.addi %add3A_312, %scan3A_311 : i32
        %mul3A_314 = arith.constant 16 : i32
        %mul3A_315 = arith.muli %add3A_313, %mul3A_314 : i32
        %add3A_316 = arith.constant 1024 : i32
        %add3A_317 = arith.addi %add3A_316, %mul3A_315 : i32
        %get3A_318 = arith.index_cast %add3A_317 : i32 to index
        %get3A_319 = tpu.vector_load %arg6[%get3A_318] {strides = array<i32>} : memref<3072xi32, #tpu.memory_space<vmem>>, vector<16xi32>,
        %get3A_320 = vector.shape_cast %get3A_319 : vector<16xi32> to vector<16xi32>
        %sub3A_321 = arith.constant 1024 : i32
        %sub3A_322 = vector.broadcast %sub3A_321 : i32 to vector<16xi32>
        %sub3A_323 = arith.subi %get3A_320, %sub3A_322 : vector<16xi32>
        %ge3A_324 = arith.constant 0 : i32
        %ge3A_325 = vector.broadcast %ge3A_324 : i32 to vector<16xi32>
        %ge3A_326 = arith.cmpi sge, %sub3A_323, %ge3A_325 : vector<16xi32>
        %lt3A_327 = arith.constant 1024 : i32
        %lt3A_328 = vector.broadcast %lt3A_327 : i32 to vector<16xi32>
        %lt3A_329 = arith.cmpi slt, %sub3A_323, %lt3A_328 : vector<16xi32>
        %and3A_330 = arith.andi %ge3A_326, %lt3A_329 : vector<16xi1>
        %broadcast_in_dim3A_331 = arith.constant 1024 : i32
        %broadcast_in_dim3A_332 = vector.broadcast %broadcast_in_dim3A_331 : i32 to vector<16xi32>
        %select_n3A_333 = arith.select %and3A_330, %sub3A_323, %broadcast_in_dim3A_332 : vector<16xi1>, vector<16xi32>
        %add3A_334 = vector.broadcast %mul3A_4 : i32 to vector<16xi32>
        %add3A_335 = arith.addi %add3A_334, %select_n3A_333 : vector<16xi32>
        %mul3A_336 = arith.constant 16 : i32
        %mul3A_337 = arith.muli %scan3A_311, %mul3A_336 : i32
        %swap3A_338 = arith.index_cast %mul3A_337 : i32 to index
        %swap3A_339 = tpu.vector_load %arg15[%swap3A_338] {strides = array<i32>} : memref<256xi32, #tpu.memory_space<vmem>>, vector<16xi32>,
        %swap3A_340 = vector.shape_cast %swap3A_339 : vector<16xi32> to vector<16xi32>
        %swap3A_341 = vector.shape_cast %add3A_335 : vector<16xi32> to vector<16xi32>
        tpu.vector_store %arg15[%swap3A_338], %swap3A_341 {strides = array<i32>} : memref<256xi32, #tpu.memory_space<vmem>>, vector<16xi32>,
      }
      %scan3A_221 = arith.constant 16 : i32
      "tpu.region"() ({
        %run_scoped3A = tpu.sem_alloc : memref<!tpu.dma_semaphore, #tpu.memory_space<semaphore_mem>>
        %dma_start3A_222 = arith.constant 0 : i32
        %dma_start3A_223 = arith.constant 0 : i32
        %dma_start3A_224 = tpu.memref_slice %arg2[%add3A, %dma_start3A_222, %dma_start3A_223] : memref<16x2048x16xf32, #tpu.memory_space<hbm>> -> memref<1x256x16xf32, #tpu.memory_space<hbm>>
        %dma_start3A_225 = tpu.memref_squeeze %dma_start3A_224 : memref<1x256x16xf32, #tpu.memory_space<hbm>> -> memref<256x16xf32, #tpu.memory_space<hbm>>
        %dma_start3A_226 = arith.constant 0 : i32
        %dma_start3A_227 = arith.constant 0 : i32
        %dma_start3A_228 = tpu.memref_slice %arg2[%add3A, %dma_start3A_226, %dma_start3A_227] : memref<16x2048x16xf32, #tpu.memory_space<hbm>> -> memref<1x256x16xf32, #tpu.memory_space<hbm>>
        %dma_start3A_229 = tpu.memref_squeeze %dma_start3A_228 : memref<1x256x16xf32, #tpu.memory_space<hbm>> -> memref<256x16xf32, #tpu.memory_space<hbm>>
        tpu.enqueue_dma source(%dma_start3A_229 : memref<256x16xf32, #tpu.memory_space<hbm>>) target(%arg16 : memref<256x16xf32, #tpu.memory_space<vmem>>) target_semaphore(%run_scoped3A : memref<!tpu.dma_semaphore, #tpu.memory_space<semaphore_mem>>)
        %dma_wait3A_230 = arith.constant 0 : i32
        %dma_wait3A_231 = arith.constant 0 : i32
        %dma_wait3A_232 = tpu.memref_slice %arg2[%add3A, %dma_wait3A_230, %dma_wait3A_231] : memref<16x2048x16xf32, #tpu.memory_space<hbm>> -> memref<1x256x16xf32, #tpu.memory_space<hbm>>
        %dma_wait3A_233 = tpu.memref_squeeze %dma_wait3A_232 : memref<1x256x16xf32, #tpu.memory_space<hbm>> -> memref<256x16xf32, #tpu.memory_space<hbm>>
        %dma_wait3A_234 = arith.constant 0 : i32
        %dma_wait3A_235 = arith.constant 0 : i32
        %dma_wait3A_236 = tpu.memref_slice %arg2[%add3A, %dma_wait3A_234, %dma_wait3A_235] : memref<16x2048x16xf32, #tpu.memory_space<hbm>> -> memref<1x256x16xf32, #tpu.memory_space<hbm>>
        %dma_wait3A_237 = tpu.memref_squeeze %dma_wait3A_236 : memref<1x256x16xf32, #tpu.memory_space<hbm>> -> memref<256x16xf32, #tpu.memory_space<hbm>>
        tpu.wait_dma2 semaphore(%run_scoped3A : memref<!tpu.dma_semaphore, #tpu.memory_space<semaphore_mem>>) src(%dma_wait3A_237 : memref<256x16xf32, #tpu.memory_space<hbm>>) dst(%arg16 : memref<256x16xf32, #tpu.memory_space<vmem>>)
        tpu.yield
      }) : () -> ()
      "tpu.region"() ({
        %run_scoped3A = tpu.sem_alloc : memref<!tpu.dma_semaphore, #tpu.memory_space<semaphore_mem>>
        %dma_start3A_222 = arith.constant 0 : i32
        %dma_start3A_223 = arith.constant 0 : i32
        %dma_start3A_224 = tpu.memref_slice %arg17[%dma_start3A_222, %dma_start3A_223] : memref<8200x16xf32, #tpu.memory_space<vmem_shared>> -> memref<8200x16xf32, #tpu.memory_space<vmem_shared>>
        tpu.enqueue_indirect_dma source(%arg16 : memref<256x16xf32, #tpu.memory_space<vmem>>) target(%dma_start3A_224 : memref<8200x16xf32, #tpu.memory_space<vmem_shared>>) offsets(%arg8 : memref<256xi32, #tpu.memory_space<vmem>>) semaphore(%run_scoped3A : memref<!tpu.dma_semaphore, #tpu.memory_space<semaphore_mem>>) {add = true}
        %dma_wait3A_225 = arith.constant 0 : i32
        %dma_wait3A_226 = arith.constant 0 : i32
        %dma_wait3A_227 = tpu.memref_slice %arg17[%dma_wait3A_225, %dma_wait3A_226] : memref<8200x16xf32, #tpu.memory_space<vmem_shared>> -> memref<8200x16xf32, #tpu.memory_space<vmem_shared>>
        tpu.wait_indirect_dma semaphore(%run_scoped3A : memref<!tpu.dma_semaphore, #tpu.memory_space<semaphore_mem>>) src(%arg16 : memref<256x16xf32, #tpu.memory_space<vmem>>) dst(%dma_wait3A_227 : memref<8200x16xf32, #tpu.memory_space<vmem_shared>>)
        tpu.yield
      }) : () -> ()
      "tpu.region"() ({
        %run_scoped3A = tpu.sem_alloc : memref<!tpu.dma_semaphore, #tpu.memory_space<semaphore_mem>>
        %dma_start3A_222 = arith.constant 256 : i32
        %dma_start3A_223 = arith.constant 0 : i32
        %dma_start3A_224 = tpu.memref_slice %arg2[%add3A, %dma_start3A_222, %dma_start3A_223] : memref<16x2048x16xf32, #tpu.memory_space<hbm>> -> memref<1x256x16xf32, #tpu.memory_space<hbm>>
        %dma_start3A_225 = tpu.memref_squeeze %dma_start3A_224 : memref<1x256x16xf32, #tpu.memory_space<hbm>> -> memref<256x16xf32, #tpu.memory_space<hbm>>
        %dma_start3A_226 = arith.constant 256 : i32
        %dma_start3A_227 = arith.constant 0 : i32
        %dma_start3A_228 = tpu.memref_slice %arg2[%add3A, %dma_start3A_226, %dma_start3A_227] : memref<16x2048x16xf32, #tpu.memory_space<hbm>> -> memref<1x256x16xf32, #tpu.memory_space<hbm>>
        %dma_start3A_229 = tpu.memref_squeeze %dma_start3A_228 : memref<1x256x16xf32, #tpu.memory_space<hbm>> -> memref<256x16xf32, #tpu.memory_space<hbm>>
        tpu.enqueue_dma source(%dma_start3A_229 : memref<256x16xf32, #tpu.memory_space<hbm>>) target(%arg16 : memref<256x16xf32, #tpu.memory_space<vmem>>) target_semaphore(%run_scoped3A : memref<!tpu.dma_semaphore, #tpu.memory_space<semaphore_mem>>)
        %dma_wait3A_230 = arith.constant 256 : i32
        %dma_wait3A_231 = arith.constant 0 : i32
        %dma_wait3A_232 = tpu.memref_slice %arg2[%add3A, %dma_wait3A_230, %dma_wait3A_231] : memref<16x2048x16xf32, #tpu.memory_space<hbm>> -> memref<1x256x16xf32, #tpu.memory_space<hbm>>
        %dma_wait3A_233 = tpu.memref_squeeze %dma_wait3A_232 : memref<1x256x16xf32, #tpu.memory_space<hbm>> -> memref<256x16xf32, #tpu.memory_space<hbm>>
        %dma_wait3A_234 = arith.constant 256 : i32
        %dma_wait3A_235 = arith.constant 0 : i32
        %dma_wait3A_236 = tpu.memref_slice %arg2[%add3A, %dma_wait3A_234, %dma_wait3A_235] : memref<16x2048x16xf32, #tpu.memory_space<hbm>> -> memref<1x256x16xf32, #tpu.memory_space<hbm>>
        %dma_wait3A_237 = tpu.memref_squeeze %dma_wait3A_236 : memref<1x256x16xf32, #tpu.memory_space<hbm>> -> memref<256x16xf32, #tpu.memory_space<hbm>>
        tpu.wait_dma2 semaphore(%run_scoped3A : memref<!tpu.dma_semaphore, #tpu.memory_space<semaphore_mem>>) src(%dma_wait3A_237 : memref<256x16xf32, #tpu.memory_space<hbm>>) dst(%arg16 : memref<256x16xf32, #tpu.memory_space<vmem>>)
        tpu.yield
      }) : () -> ()
      "tpu.region"() ({
        %run_scoped3A = tpu.sem_alloc : memref<!tpu.dma_semaphore, #tpu.memory_space<semaphore_mem>>
        %dma_start3A_222 = arith.constant 0 : i32
        %dma_start3A_223 = arith.constant 0 : i32
        %dma_start3A_224 = tpu.memref_slice %arg17[%dma_start3A_222, %dma_start3A_223] : memref<8200x16xf32, #tpu.memory_space<vmem_shared>> -> memref<8200x16xf32, #tpu.memory_space<vmem_shared>>
        tpu.enqueue_indirect_dma source(%arg16 : memref<256x16xf32, #tpu.memory_space<vmem>>) target(%dma_start3A_224 : memref<8200x16xf32, #tpu.memory_space<vmem_shared>>) offsets(%arg9 : memref<256xi32, #tpu.memory_space<vmem>>) semaphore(%run_scoped3A : memref<!tpu.dma_semaphore, #tpu.memory_space<semaphore_mem>>) {add = true}
        %dma_wait3A_225 = arith.constant 0 : i32
        %dma_wait3A_226 = arith.constant 0 : i32
        %dma_wait3A_227 = tpu.memref_slice %arg17[%dma_wait3A_225, %dma_wait3A_226] : memref<8200x16xf32, #tpu.memory_space<vmem_shared>> -> memref<8200x16xf32, #tpu.memory_space<vmem_shared>>
        tpu.wait_indirect_dma semaphore(%run_scoped3A : memref<!tpu.dma_semaphore, #tpu.memory_space<semaphore_mem>>) src(%arg16 : memref<256x16xf32, #tpu.memory_space<vmem>>) dst(%dma_wait3A_227 : memref<8200x16xf32, #tpu.memory_space<vmem_shared>>)
        tpu.yield
      }) : () -> ()
      "tpu.region"() ({
        %run_scoped3A = tpu.sem_alloc : memref<!tpu.dma_semaphore, #tpu.memory_space<semaphore_mem>>
        %dma_start3A_222 = arith.constant 512 : i32
        %dma_start3A_223 = arith.constant 0 : i32
        %dma_start3A_224 = tpu.memref_slice %arg2[%add3A, %dma_start3A_222, %dma_start3A_223] : memref<16x2048x16xf32, #tpu.memory_space<hbm>> -> memref<1x256x16xf32, #tpu.memory_space<hbm>>
        %dma_start3A_225 = tpu.memref_squeeze %dma_start3A_224 : memref<1x256x16xf32, #tpu.memory_space<hbm>> -> memref<256x16xf32, #tpu.memory_space<hbm>>
        %dma_start3A_226 = arith.constant 512 : i32
        %dma_start3A_227 = arith.constant 0 : i32
        %dma_start3A_228 = tpu.memref_slice %arg2[%add3A, %dma_start3A_226, %dma_start3A_227] : memref<16x2048x16xf32, #tpu.memory_space<hbm>> -> memref<1x256x16xf32, #tpu.memory_space<hbm>>
        %dma_start3A_229 = tpu.memref_squeeze %dma_start3A_228 : memref<1x256x16xf32, #tpu.memory_space<hbm>> -> memref<256x16xf32, #tpu.memory_space<hbm>>
        tpu.enqueue_dma source(%dma_start3A_229 : memref<256x16xf32, #tpu.memory_space<hbm>>) target(%arg16 : memref<256x16xf32, #tpu.memory_space<vmem>>) target_semaphore(%run_scoped3A : memref<!tpu.dma_semaphore, #tpu.memory_space<semaphore_mem>>)
        %dma_wait3A_230 = arith.constant 512 : i32
        %dma_wait3A_231 = arith.constant 0 : i32
        %dma_wait3A_232 = tpu.memref_slice %arg2[%add3A, %dma_wait3A_230, %dma_wait3A_231] : memref<16x2048x16xf32, #tpu.memory_space<hbm>> -> memref<1x256x16xf32, #tpu.memory_space<hbm>>
        %dma_wait3A_233 = tpu.memref_squeeze %dma_wait3A_232 : memref<1x256x16xf32, #tpu.memory_space<hbm>> -> memref<256x16xf32, #tpu.memory_space<hbm>>
        %dma_wait3A_234 = arith.constant 512 : i32
        %dma_wait3A_235 = arith.constant 0 : i32
        %dma_wait3A_236 = tpu.memref_slice %arg2[%add3A, %dma_wait3A_234, %dma_wait3A_235] : memref<16x2048x16xf32, #tpu.memory_space<hbm>> -> memref<1x256x16xf32, #tpu.memory_space<hbm>>
        %dma_wait3A_237 = tpu.memref_squeeze %dma_wait3A_236 : memref<1x256x16xf32, #tpu.memory_space<hbm>> -> memref<256x16xf32, #tpu.memory_space<hbm>>
        tpu.wait_dma2 semaphore(%run_scoped3A : memref<!tpu.dma_semaphore, #tpu.memory_space<semaphore_mem>>) src(%dma_wait3A_237 : memref<256x16xf32, #tpu.memory_space<hbm>>) dst(%arg16 : memref<256x16xf32, #tpu.memory_space<vmem>>)
        tpu.yield
      }) : () -> ()
      "tpu.region"() ({
        %run_scoped3A = tpu.sem_alloc : memref<!tpu.dma_semaphore, #tpu.memory_space<semaphore_mem>>
        %dma_start3A_222 = arith.constant 0 : i32
        %dma_start3A_223 = arith.constant 0 : i32
        %dma_start3A_224 = tpu.memref_slice %arg17[%dma_start3A_222, %dma_start3A_223] : memref<8200x16xf32, #tpu.memory_space<vmem_shared>> -> memref<8200x16xf32, #tpu.memory_space<vmem_shared>>
        tpu.enqueue_indirect_dma source(%arg16 : memref<256x16xf32, #tpu.memory_space<vmem>>) target(%dma_start3A_224 : memref<8200x16xf32, #tpu.memory_space<vmem_shared>>) offsets(%arg10 : memref<256xi32, #tpu.memory_space<vmem>>) semaphore(%run_scoped3A : memref<!tpu.dma_semaphore, #tpu.memory_space<semaphore_mem>>) {add = true}
        %dma_wait3A_225 = arith.constant 0 : i32
        %dma_wait3A_226 = arith.constant 0 : i32
        %dma_wait3A_227 = tpu.memref_slice %arg17[%dma_wait3A_225, %dma_wait3A_226] : memref<8200x16xf32, #tpu.memory_space<vmem_shared>> -> memref<8200x16xf32, #tpu.memory_space<vmem_shared>>
        tpu.wait_indirect_dma semaphore(%run_scoped3A : memref<!tpu.dma_semaphore, #tpu.memory_space<semaphore_mem>>) src(%arg16 : memref<256x16xf32, #tpu.memory_space<vmem>>) dst(%dma_wait3A_227 : memref<8200x16xf32, #tpu.memory_space<vmem_shared>>)
        tpu.yield
      }) : () -> ()
      "tpu.region"() ({
        %run_scoped3A = tpu.sem_alloc : memref<!tpu.dma_semaphore, #tpu.memory_space<semaphore_mem>>
        %dma_start3A_222 = arith.constant 768 : i32
        %dma_start3A_223 = arith.constant 0 : i32
        %dma_start3A_224 = tpu.memref_slice %arg2[%add3A, %dma_start3A_222, %dma_start3A_223] : memref<16x2048x16xf32, #tpu.memory_space<hbm>> -> memref<1x256x16xf32, #tpu.memory_space<hbm>>
        %dma_start3A_225 = tpu.memref_squeeze %dma_start3A_224 : memref<1x256x16xf32, #tpu.memory_space<hbm>> -> memref<256x16xf32, #tpu.memory_space<hbm>>
        %dma_start3A_226 = arith.constant 768 : i32
        %dma_start3A_227 = arith.constant 0 : i32
        %dma_start3A_228 = tpu.memref_slice %arg2[%add3A, %dma_start3A_226, %dma_start3A_227] : memref<16x2048x16xf32, #tpu.memory_space<hbm>> -> memref<1x256x16xf32, #tpu.memory_space<hbm>>
        %dma_start3A_229 = tpu.memref_squeeze %dma_start3A_228 : memref<1x256x16xf32, #tpu.memory_space<hbm>> -> memref<256x16xf32, #tpu.memory_space<hbm>>
        tpu.enqueue_dma source(%dma_start3A_229 : memref<256x16xf32, #tpu.memory_space<hbm>>) target(%arg16 : memref<256x16xf32, #tpu.memory_space<vmem>>) target_semaphore(%run_scoped3A : memref<!tpu.dma_semaphore, #tpu.memory_space<semaphore_mem>>)
        %dma_wait3A_230 = arith.constant 768 : i32
        %dma_wait3A_231 = arith.constant 0 : i32
        %dma_wait3A_232 = tpu.memref_slice %arg2[%add3A, %dma_wait3A_230, %dma_wait3A_231] : memref<16x2048x16xf32, #tpu.memory_space<hbm>> -> memref<1x256x16xf32, #tpu.memory_space<hbm>>
        %dma_wait3A_233 = tpu.memref_squeeze %dma_wait3A_232 : memref<1x256x16xf32, #tpu.memory_space<hbm>> -> memref<256x16xf32, #tpu.memory_space<hbm>>
        %dma_wait3A_234 = arith.constant 768 : i32
        %dma_wait3A_235 = arith.constant 0 : i32
        %dma_wait3A_236 = tpu.memref_slice %arg2[%add3A, %dma_wait3A_234, %dma_wait3A_235] : memref<16x2048x16xf32, #tpu.memory_space<hbm>> -> memref<1x256x16xf32, #tpu.memory_space<hbm>>
        %dma_wait3A_237 = tpu.memref_squeeze %dma_wait3A_236 : memref<1x256x16xf32, #tpu.memory_space<hbm>> -> memref<256x16xf32, #tpu.memory_space<hbm>>
        tpu.wait_dma2 semaphore(%run_scoped3A : memref<!tpu.dma_semaphore, #tpu.memory_space<semaphore_mem>>) src(%dma_wait3A_237 : memref<256x16xf32, #tpu.memory_space<hbm>>) dst(%arg16 : memref<256x16xf32, #tpu.memory_space<vmem>>)
        tpu.yield
      }) : () -> ()
      "tpu.region"() ({
        %run_scoped3A = tpu.sem_alloc : memref<!tpu.dma_semaphore, #tpu.memory_space<semaphore_mem>>
        %dma_start3A_222 = arith.constant 0 : i32
        %dma_start3A_223 = arith.constant 0 : i32
        %dma_start3A_224 = tpu.memref_slice %arg17[%dma_start3A_222, %dma_start3A_223] : memref<8200x16xf32, #tpu.memory_space<vmem_shared>> -> memref<8200x16xf32, #tpu.memory_space<vmem_shared>>
        tpu.enqueue_indirect_dma source(%arg16 : memref<256x16xf32, #tpu.memory_space<vmem>>) target(%dma_start3A_224 : memref<8200x16xf32, #tpu.memory_space<vmem_shared>>) offsets(%arg11 : memref<256xi32, #tpu.memory_space<vmem>>) semaphore(%run_scoped3A : memref<!tpu.dma_semaphore, #tpu.memory_space<semaphore_mem>>) {add = true}
        %dma_wait3A_225 = arith.constant 0 : i32
        %dma_wait3A_226 = arith.constant 0 : i32
        %dma_wait3A_227 = tpu.memref_slice %arg17[%dma_wait3A_225, %dma_wait3A_226] : memref<8200x16xf32, #tpu.memory_space<vmem_shared>> -> memref<8200x16xf32, #tpu.memory_space<vmem_shared>>
        tpu.wait_indirect_dma semaphore(%run_scoped3A : memref<!tpu.dma_semaphore, #tpu.memory_space<semaphore_mem>>) src(%arg16 : memref<256x16xf32, #tpu.memory_space<vmem>>) dst(%dma_wait3A_227 : memref<8200x16xf32, #tpu.memory_space<vmem_shared>>)
        tpu.yield
      }) : () -> ()
      "tpu.region"() ({
        %run_scoped3A = tpu.sem_alloc : memref<!tpu.dma_semaphore, #tpu.memory_space<semaphore_mem>>
        %dma_start3A_222 = arith.constant 1024 : i32
        %dma_start3A_223 = arith.constant 0 : i32
        %dma_start3A_224 = tpu.memref_slice %arg2[%add3A, %dma_start3A_222, %dma_start3A_223] : memref<16x2048x16xf32, #tpu.memory_space<hbm>> -> memref<1x256x16xf32, #tpu.memory_space<hbm>>
        %dma_start3A_225 = tpu.memref_squeeze %dma_start3A_224 : memref<1x256x16xf32, #tpu.memory_space<hbm>> -> memref<256x16xf32, #tpu.memory_space<hbm>>
        %dma_start3A_226 = arith.constant 1024 : i32
        %dma_start3A_227 = arith.constant 0 : i32
        %dma_start3A_228 = tpu.memref_slice %arg2[%add3A, %dma_start3A_226, %dma_start3A_227] : memref<16x2048x16xf32, #tpu.memory_space<hbm>> -> memref<1x256x16xf32, #tpu.memory_space<hbm>>
        %dma_start3A_229 = tpu.memref_squeeze %dma_start3A_228 : memref<1x256x16xf32, #tpu.memory_space<hbm>> -> memref<256x16xf32, #tpu.memory_space<hbm>>
        tpu.enqueue_dma source(%dma_start3A_229 : memref<256x16xf32, #tpu.memory_space<hbm>>) target(%arg16 : memref<256x16xf32, #tpu.memory_space<vmem>>) target_semaphore(%run_scoped3A : memref<!tpu.dma_semaphore, #tpu.memory_space<semaphore_mem>>)
        %dma_wait3A_230 = arith.constant 1024 : i32
        %dma_wait3A_231 = arith.constant 0 : i32
        %dma_wait3A_232 = tpu.memref_slice %arg2[%add3A, %dma_wait3A_230, %dma_wait3A_231] : memref<16x2048x16xf32, #tpu.memory_space<hbm>> -> memref<1x256x16xf32, #tpu.memory_space<hbm>>
        %dma_wait3A_233 = tpu.memref_squeeze %dma_wait3A_232 : memref<1x256x16xf32, #tpu.memory_space<hbm>> -> memref<256x16xf32, #tpu.memory_space<hbm>>
        %dma_wait3A_234 = arith.constant 1024 : i32
        %dma_wait3A_235 = arith.constant 0 : i32
        %dma_wait3A_236 = tpu.memref_slice %arg2[%add3A, %dma_wait3A_234, %dma_wait3A_235] : memref<16x2048x16xf32, #tpu.memory_space<hbm>> -> memref<1x256x16xf32, #tpu.memory_space<hbm>>
        %dma_wait3A_237 = tpu.memref_squeeze %dma_wait3A_236 : memref<1x256x16xf32, #tpu.memory_space<hbm>> -> memref<256x16xf32, #tpu.memory_space<hbm>>
        tpu.wait_dma2 semaphore(%run_scoped3A : memref<!tpu.dma_semaphore, #tpu.memory_space<semaphore_mem>>) src(%dma_wait3A_237 : memref<256x16xf32, #tpu.memory_space<hbm>>) dst(%arg16 : memref<256x16xf32, #tpu.memory_space<vmem>>)
        tpu.yield
      }) : () -> ()
      "tpu.region"() ({
        %run_scoped3A = tpu.sem_alloc : memref<!tpu.dma_semaphore, #tpu.memory_space<semaphore_mem>>
        %dma_start3A_222 = arith.constant 0 : i32
        %dma_start3A_223 = arith.constant 0 : i32
        %dma_start3A_224 = tpu.memref_slice %arg17[%dma_start3A_222, %dma_start3A_223] : memref<8200x16xf32, #tpu.memory_space<vmem_shared>> -> memref<8200x16xf32, #tpu.memory_space<vmem_shared>>
        tpu.enqueue_indirect_dma source(%arg16 : memref<256x16xf32, #tpu.memory_space<vmem>>) target(%dma_start3A_224 : memref<8200x16xf32, #tpu.memory_space<vmem_shared>>) offsets(%arg12 : memref<256xi32, #tpu.memory_space<vmem>>) semaphore(%run_scoped3A : memref<!tpu.dma_semaphore, #tpu.memory_space<semaphore_mem>>) {add = true}
        %dma_wait3A_225 = arith.constant 0 : i32
        %dma_wait3A_226 = arith.constant 0 : i32
        %dma_wait3A_227 = tpu.memref_slice %arg17[%dma_wait3A_225, %dma_wait3A_226] : memref<8200x16xf32, #tpu.memory_space<vmem_shared>> -> memref<8200x16xf32, #tpu.memory_space<vmem_shared>>
        tpu.wait_indirect_dma semaphore(%run_scoped3A : memref<!tpu.dma_semaphore, #tpu.memory_space<semaphore_mem>>) src(%arg16 : memref<256x16xf32, #tpu.memory_space<vmem>>) dst(%dma_wait3A_227 : memref<8200x16xf32, #tpu.memory_space<vmem_shared>>)
        tpu.yield
      }) : () -> ()
      "tpu.region"() ({
        %run_scoped3A = tpu.sem_alloc : memref<!tpu.dma_semaphore, #tpu.memory_space<semaphore_mem>>
        %dma_start3A_222 = arith.constant 1280 : i32
        %dma_start3A_223 = arith.constant 0 : i32
        %dma_start3A_224 = tpu.memref_slice %arg2[%add3A, %dma_start3A_222, %dma_start3A_223] : memref<16x2048x16xf32, #tpu.memory_space<hbm>> -> memref<1x256x16xf32, #tpu.memory_space<hbm>>
        %dma_start3A_225 = tpu.memref_squeeze %dma_start3A_224 : memref<1x256x16xf32, #tpu.memory_space<hbm>> -> memref<256x16xf32, #tpu.memory_space<hbm>>
        %dma_start3A_226 = arith.constant 1280 : i32
        %dma_start3A_227 = arith.constant 0 : i32
        %dma_start3A_228 = tpu.memref_slice %arg2[%add3A, %dma_start3A_226, %dma_start3A_227] : memref<16x2048x16xf32, #tpu.memory_space<hbm>> -> memref<1x256x16xf32, #tpu.memory_space<hbm>>
        %dma_start3A_229 = tpu.memref_squeeze %dma_start3A_228 : memref<1x256x16xf32, #tpu.memory_space<hbm>> -> memref<256x16xf32, #tpu.memory_space<hbm>>
        tpu.enqueue_dma source(%dma_start3A_229 : memref<256x16xf32, #tpu.memory_space<hbm>>) target(%arg16 : memref<256x16xf32, #tpu.memory_space<vmem>>) target_semaphore(%run_scoped3A : memref<!tpu.dma_semaphore, #tpu.memory_space<semaphore_mem>>)
        %dma_wait3A_230 = arith.constant 1280 : i32
        %dma_wait3A_231 = arith.constant 0 : i32
        %dma_wait3A_232 = tpu.memref_slice %arg2[%add3A, %dma_wait3A_230, %dma_wait3A_231] : memref<16x2048x16xf32, #tpu.memory_space<hbm>> -> memref<1x256x16xf32, #tpu.memory_space<hbm>>
        %dma_wait3A_233 = tpu.memref_squeeze %dma_wait3A_232 : memref<1x256x16xf32, #tpu.memory_space<hbm>> -> memref<256x16xf32, #tpu.memory_space<hbm>>
        %dma_wait3A_234 = arith.constant 1280 : i32
        %dma_wait3A_235 = arith.constant 0 : i32
        %dma_wait3A_236 = tpu.memref_slice %arg2[%add3A, %dma_wait3A_234, %dma_wait3A_235] : memref<16x2048x16xf32, #tpu.memory_space<hbm>> -> memref<1x256x16xf32, #tpu.memory_space<hbm>>
        %dma_wait3A_237 = tpu.memref_squeeze %dma_wait3A_236 : memref<1x256x16xf32, #tpu.memory_space<hbm>> -> memref<256x16xf32, #tpu.memory_space<hbm>>
        tpu.wait_dma2 semaphore(%run_scoped3A : memref<!tpu.dma_semaphore, #tpu.memory_space<semaphore_mem>>) src(%dma_wait3A_237 : memref<256x16xf32, #tpu.memory_space<hbm>>) dst(%arg16 : memref<256x16xf32, #tpu.memory_space<vmem>>)
        tpu.yield
      }) : () -> ()
      "tpu.region"() ({
        %run_scoped3A = tpu.sem_alloc : memref<!tpu.dma_semaphore, #tpu.memory_space<semaphore_mem>>
        %dma_start3A_222 = arith.constant 0 : i32
        %dma_start3A_223 = arith.constant 0 : i32
        %dma_start3A_224 = tpu.memref_slice %arg17[%dma_start3A_222, %dma_start3A_223] : memref<8200x16xf32, #tpu.memory_space<vmem_shared>> -> memref<8200x16xf32, #tpu.memory_space<vmem_shared>>
        tpu.enqueue_indirect_dma source(%arg16 : memref<256x16xf32, #tpu.memory_space<vmem>>) target(%dma_start3A_224 : memref<8200x16xf32, #tpu.memory_space<vmem_shared>>) offsets(%arg13 : memref<256xi32, #tpu.memory_space<vmem>>) semaphore(%run_scoped3A : memref<!tpu.dma_semaphore, #tpu.memory_space<semaphore_mem>>) {add = true}
        %dma_wait3A_225 = arith.constant 0 : i32
        %dma_wait3A_226 = arith.constant 0 : i32
        %dma_wait3A_227 = tpu.memref_slice %arg17[%dma_wait3A_225, %dma_wait3A_226] : memref<8200x16xf32, #tpu.memory_space<vmem_shared>> -> memref<8200x16xf32, #tpu.memory_space<vmem_shared>>
        tpu.wait_indirect_dma semaphore(%run_scoped3A : memref<!tpu.dma_semaphore, #tpu.memory_space<semaphore_mem>>) src(%arg16 : memref<256x16xf32, #tpu.memory_space<vmem>>) dst(%dma_wait3A_227 : memref<8200x16xf32, #tpu.memory_space<vmem_shared>>)
        tpu.yield
      }) : () -> ()
      "tpu.region"() ({
        %run_scoped3A = tpu.sem_alloc : memref<!tpu.dma_semaphore, #tpu.memory_space<semaphore_mem>>
        %dma_start3A_222 = arith.constant 1536 : i32
        %dma_start3A_223 = arith.constant 0 : i32
        %dma_start3A_224 = tpu.memref_slice %arg2[%add3A, %dma_start3A_222, %dma_start3A_223] : memref<16x2048x16xf32, #tpu.memory_space<hbm>> -> memref<1x256x16xf32, #tpu.memory_space<hbm>>
        %dma_start3A_225 = tpu.memref_squeeze %dma_start3A_224 : memref<1x256x16xf32, #tpu.memory_space<hbm>> -> memref<256x16xf32, #tpu.memory_space<hbm>>
        %dma_start3A_226 = arith.constant 1536 : i32
        %dma_start3A_227 = arith.constant 0 : i32
        %dma_start3A_228 = tpu.memref_slice %arg2[%add3A, %dma_start3A_226, %dma_start3A_227] : memref<16x2048x16xf32, #tpu.memory_space<hbm>> -> memref<1x256x16xf32, #tpu.memory_space<hbm>>
        %dma_start3A_229 = tpu.memref_squeeze %dma_start3A_228 : memref<1x256x16xf32, #tpu.memory_space<hbm>> -> memref<256x16xf32, #tpu.memory_space<hbm>>
        tpu.enqueue_dma source(%dma_start3A_229 : memref<256x16xf32, #tpu.memory_space<hbm>>) target(%arg16 : memref<256x16xf32, #tpu.memory_space<vmem>>) target_semaphore(%run_scoped3A : memref<!tpu.dma_semaphore, #tpu.memory_space<semaphore_mem>>)
        %dma_wait3A_230 = arith.constant 1536 : i32
        %dma_wait3A_231 = arith.constant 0 : i32
        %dma_wait3A_232 = tpu.memref_slice %arg2[%add3A, %dma_wait3A_230, %dma_wait3A_231] : memref<16x2048x16xf32, #tpu.memory_space<hbm>> -> memref<1x256x16xf32, #tpu.memory_space<hbm>>
        %dma_wait3A_233 = tpu.memref_squeeze %dma_wait3A_232 : memref<1x256x16xf32, #tpu.memory_space<hbm>> -> memref<256x16xf32, #tpu.memory_space<hbm>>
        %dma_wait3A_234 = arith.constant 1536 : i32
        %dma_wait3A_235 = arith.constant 0 : i32
        %dma_wait3A_236 = tpu.memref_slice %arg2[%add3A, %dma_wait3A_234, %dma_wait3A_235] : memref<16x2048x16xf32, #tpu.memory_space<hbm>> -> memref<1x256x16xf32, #tpu.memory_space<hbm>>
        %dma_wait3A_237 = tpu.memref_squeeze %dma_wait3A_236 : memref<1x256x16xf32, #tpu.memory_space<hbm>> -> memref<256x16xf32, #tpu.memory_space<hbm>>
        tpu.wait_dma2 semaphore(%run_scoped3A : memref<!tpu.dma_semaphore, #tpu.memory_space<semaphore_mem>>) src(%dma_wait3A_237 : memref<256x16xf32, #tpu.memory_space<hbm>>) dst(%arg16 : memref<256x16xf32, #tpu.memory_space<vmem>>)
        tpu.yield
      }) : () -> ()
      "tpu.region"() ({
        %run_scoped3A = tpu.sem_alloc : memref<!tpu.dma_semaphore, #tpu.memory_space<semaphore_mem>>
        %dma_start3A_222 = arith.constant 0 : i32
        %dma_start3A_223 = arith.constant 0 : i32
        %dma_start3A_224 = tpu.memref_slice %arg17[%dma_start3A_222, %dma_start3A_223] : memref<8200x16xf32, #tpu.memory_space<vmem_shared>> -> memref<8200x16xf32, #tpu.memory_space<vmem_shared>>
        tpu.enqueue_indirect_dma source(%arg16 : memref<256x16xf32, #tpu.memory_space<vmem>>) target(%dma_start3A_224 : memref<8200x16xf32, #tpu.memory_space<vmem_shared>>) offsets(%arg14 : memref<256xi32, #tpu.memory_space<vmem>>) semaphore(%run_scoped3A : memref<!tpu.dma_semaphore, #tpu.memory_space<semaphore_mem>>) {add = true}
        %dma_wait3A_225 = arith.constant 0 : i32
        %dma_wait3A_226 = arith.constant 0 : i32
        %dma_wait3A_227 = tpu.memref_slice %arg17[%dma_wait3A_225, %dma_wait3A_226] : memref<8200x16xf32, #tpu.memory_space<vmem_shared>> -> memref<8200x16xf32, #tpu.memory_space<vmem_shared>>
        tpu.wait_indirect_dma semaphore(%run_scoped3A : memref<!tpu.dma_semaphore, #tpu.memory_space<semaphore_mem>>) src(%arg16 : memref<256x16xf32, #tpu.memory_space<vmem>>) dst(%dma_wait3A_227 : memref<8200x16xf32, #tpu.memory_space<vmem_shared>>)
        tpu.yield
      }) : () -> ()
      "tpu.region"() ({
        %run_scoped3A = tpu.sem_alloc : memref<!tpu.dma_semaphore, #tpu.memory_space<semaphore_mem>>
        %dma_start3A_222 = arith.constant 1792 : i32
        %dma_start3A_223 = arith.constant 0 : i32
        %dma_start3A_224 = tpu.memref_slice %arg2[%add3A, %dma_start3A_222, %dma_start3A_223] : memref<16x2048x16xf32, #tpu.memory_space<hbm>> -> memref<1x256x16xf32, #tpu.memory_space<hbm>>
        %dma_start3A_225 = tpu.memref_squeeze %dma_start3A_224 : memref<1x256x16xf32, #tpu.memory_space<hbm>> -> memref<256x16xf32, #tpu.memory_space<hbm>>
        %dma_start3A_226 = arith.constant 1792 : i32
        %dma_start3A_227 = arith.constant 0 : i32
        %dma_start3A_228 = tpu.memref_slice %arg2[%add3A, %dma_start3A_226, %dma_start3A_227] : memref<16x2048x16xf32, #tpu.memory_space<hbm>> -> memref<1x256x16xf32, #tpu.memory_space<hbm>>
        %dma_start3A_229 = tpu.memref_squeeze %dma_start3A_228 : memref<1x256x16xf32, #tpu.memory_space<hbm>> -> memref<256x16xf32, #tpu.memory_space<hbm>>
        tpu.enqueue_dma source(%dma_start3A_229 : memref<256x16xf32, #tpu.memory_space<hbm>>) target(%arg16 : memref<256x16xf32, #tpu.memory_space<vmem>>) target_semaphore(%run_scoped3A : memref<!tpu.dma_semaphore, #tpu.memory_space<semaphore_mem>>)
        %dma_wait3A_230 = arith.constant 1792 : i32
        %dma_wait3A_231 = arith.constant 0 : i32
        %dma_wait3A_232 = tpu.memref_slice %arg2[%add3A, %dma_wait3A_230, %dma_wait3A_231] : memref<16x2048x16xf32, #tpu.memory_space<hbm>> -> memref<1x256x16xf32, #tpu.memory_space<hbm>>
        %dma_wait3A_233 = tpu.memref_squeeze %dma_wait3A_232 : memref<1x256x16xf32, #tpu.memory_space<hbm>> -> memref<256x16xf32, #tpu.memory_space<hbm>>
        %dma_wait3A_234 = arith.constant 1792 : i32
        %dma_wait3A_235 = arith.constant 0 : i32
        %dma_wait3A_236 = tpu.memref_slice %arg2[%add3A, %dma_wait3A_234, %dma_wait3A_235] : memref<16x2048x16xf32, #tpu.memory_space<hbm>> -> memref<1x256x16xf32, #tpu.memory_space<hbm>>
        %dma_wait3A_237 = tpu.memref_squeeze %dma_wait3A_236 : memref<1x256x16xf32, #tpu.memory_space<hbm>> -> memref<256x16xf32, #tpu.memory_space<hbm>>
        tpu.wait_dma2 semaphore(%run_scoped3A : memref<!tpu.dma_semaphore, #tpu.memory_space<semaphore_mem>>) src(%dma_wait3A_237 : memref<256x16xf32, #tpu.memory_space<hbm>>) dst(%arg16 : memref<256x16xf32, #tpu.memory_space<vmem>>)
        tpu.yield
      }) : () -> ()
      "tpu.region"() ({
        %run_scoped3A = tpu.sem_alloc : memref<!tpu.dma_semaphore, #tpu.memory_space<semaphore_mem>>
        %dma_start3A_222 = arith.constant 0 : i32
        %dma_start3A_223 = arith.constant 0 : i32
        %dma_start3A_224 = tpu.memref_slice %arg17[%dma_start3A_222, %dma_start3A_223] : memref<8200x16xf32, #tpu.memory_space<vmem_shared>> -> memref<8200x16xf32, #tpu.memory_space<vmem_shared>>
        tpu.enqueue_indirect_dma source(%arg16 : memref<256x16xf32, #tpu.memory_space<vmem>>) target(%dma_start3A_224 : memref<8200x16xf32, #tpu.memory_space<vmem_shared>>) offsets(%arg15 : memref<256xi32, #tpu.memory_space<vmem>>) semaphore(%run_scoped3A : memref<!tpu.dma_semaphore, #tpu.memory_space<semaphore_mem>>) {add = true}
        %dma_wait3A_225 = arith.constant 0 : i32
        %dma_wait3A_226 = arith.constant 0 : i32
        %dma_wait3A_227 = tpu.memref_slice %arg17[%dma_wait3A_225, %dma_wait3A_226] : memref<8200x16xf32, #tpu.memory_space<vmem_shared>> -> memref<8200x16xf32, #tpu.memory_space<vmem_shared>>
        tpu.wait_indirect_dma semaphore(%run_scoped3A : memref<!tpu.dma_semaphore, #tpu.memory_space<semaphore_mem>>) src(%arg16 : memref<256x16xf32, #tpu.memory_space<vmem>>) dst(%dma_wait3A_227 : memref<8200x16xf32, #tpu.memory_space<vmem_shared>>)
        tpu.yield
      }) : () -> ()
      "tpu.region"() ({
        %run_scoped3A = tpu.sem_alloc : memref<!tpu.dma_semaphore, #tpu.memory_space<semaphore_mem>>
        %dma_start3A_222 = arith.constant 1024 : i32
        %dma_start3A_223 = arith.constant 0 : i32
        %dma_start3A_224 = tpu.memref_slice %arg4[%add3A, %dma_start3A_222, %dma_start3A_223] : memref<16x2048x16xf32, #tpu.memory_space<hbm>> -> memref<1x1024x16xf32, #tpu.memory_space<hbm>>
        %dma_start3A_225 = tpu.memref_squeeze %dma_start3A_224 : memref<1x1024x16xf32, #tpu.memory_space<hbm>> -> memref<1024x16xf32, #tpu.memory_space<hbm>>
        %dma_start3A_226 = arith.constant 0 : i32
        %dma_start3A_227 = tpu.memref_slice %arg17[%mul3A_4, %dma_start3A_226] : memref<8200x16xf32, #tpu.memory_space<vmem_shared>> -> memref<1024x16xf32, #tpu.memory_space<vmem_shared>>
        tpu.enqueue_dma source(%dma_start3A_227 : memref<1024x16xf32, #tpu.memory_space<vmem_shared>>) target(%dma_start3A_225 : memref<1024x16xf32, #tpu.memory_space<hbm>>) target_semaphore(%run_scoped3A : memref<!tpu.dma_semaphore, #tpu.memory_space<semaphore_mem>>)
        %dma_wait3A_228 = arith.constant 1024 : i32
        %dma_wait3A_229 = arith.constant 0 : i32
        %dma_wait3A_230 = tpu.memref_slice %arg4[%add3A, %dma_wait3A_228, %dma_wait3A_229] : memref<16x2048x16xf32, #tpu.memory_space<hbm>> -> memref<1x1024x16xf32, #tpu.memory_space<hbm>>
        %dma_wait3A_231 = tpu.memref_squeeze %dma_wait3A_230 : memref<1x1024x16xf32, #tpu.memory_space<hbm>> -> memref<1024x16xf32, #tpu.memory_space<hbm>>
        %dma_wait3A_232 = arith.constant 0 : i32
        %dma_wait3A_233 = tpu.memref_slice %arg17[%mul3A_4, %dma_wait3A_232] : memref<8200x16xf32, #tpu.memory_space<vmem_shared>> -> memref<1024x16xf32, #tpu.memory_space<vmem_shared>>
        tpu.wait_dma2 semaphore(%run_scoped3A : memref<!tpu.dma_semaphore, #tpu.memory_space<semaphore_mem>>) src(%dma_wait3A_233 : memref<1024x16xf32, #tpu.memory_space<vmem_shared>>) dst(%dma_wait3A_231 : memref<1024x16xf32, #tpu.memory_space<hbm>>)
        tpu.yield
      }) : () -> ()
    } else {
    }
    return
  }
}

module attributes {stable_mosaic.version = 14 : i64} {
  func.func @_tc_scores_body(%arg0: i32, %arg1: memref<16xi32, #tpu.memory_space<smem>>, %arg2: memref<1x2048x256xf32, #tpu.memory_space<vmem>>, %arg3: memref<8x16x256xf32, #tpu.memory_space<vmem>>, %arg4: memref<1x2048x16xf32, #tpu.memory_space<vmem>>) attributes {dimension_semantics = [#tpu.dimension_semantics<arbitrary>], iteration_bounds = array<i64: 16>, scalar_prefetch = 1 : i64, scratch_operands = 0 : i64, tpu.core_type = #tpu.core_type<tc>, window_params = [{transform_indices = @transform_0, window_bounds = array<i64: 1, 2048, 256>}, {pipeline_mode = #tpu.pipeline_mode<synchronous>, transform_indices = @transform_1, window_bounds = array<i64: 8, 16, 256>}, {transform_indices = @transform_2, window_bounds = array<i64: 1, 2048, 16>}]} {
    %get3A = arith.index_cast %arg0 : i32 to index
    %get3A_0 = memref.load %arg1[%get3A] : memref<16xi32, #tpu.memory_space<smem>>
    %get3A_1 = arith.index_cast %get3A_0 : i32 to index
    %get3A_2 = arith.constant 0 : index
    %get3A_3 = arith.constant 0 : index
    %get3A_4 = vector.load %arg3[%get3A_1, %get3A_2, %get3A_3] : memref<8x16x256xf32, #tpu.memory_space<vmem>>, vector<1x16x256xf32>
    %get3A_5 = vector.shape_cast %get3A_4 : vector<1x16x256xf32> to vector<16x256xf32>
    %get3A_6 = arith.constant 0 : index
    %get3A_7 = arith.constant 0 : index
    %get3A_8 = arith.constant 0 : index
    %get3A_9 = vector.load %arg2[%get3A_6, %get3A_7, %get3A_8] : memref<1x2048x256xf32, #tpu.memory_space<vmem>>, vector<1x2048x256xf32>
    %get3A_10 = vector.shape_cast %get3A_9 : vector<1x2048x256xf32> to vector<2048x256xf32>
    %dot_general3A = arith.constant dense<0.000000e+00> : vector<2048x16xf32>
    %dot_general3A_11 = tpu.matmul %get3A_10, %get3A_5, %dot_general3A {dimension_numbers = #tpu.dot_dimension_numbers<[1], [1], [0], [0], [0, 0, 1, 0], [], []>, transpose_lhs_hint = false} : vector<2048x256xf32>, vector<16x256xf32>, vector<2048x16xf32> -> vector<2048x16xf32>
    %swap3A = arith.constant 0 : index
    %swap3A_12 = arith.constant 0 : index
    %swap3A_13 = arith.constant 0 : index
    %swap3A_14 = vector.load %arg4[%swap3A, %swap3A_12, %swap3A_13] : memref<1x2048x16xf32, #tpu.memory_space<vmem>>, vector<1x2048x16xf32>
    %swap3A_15 = vector.shape_cast %swap3A_14 : vector<1x2048x16xf32> to vector<2048x16xf32>
    %swap3A_16 = vector.shape_cast %dot_general3A_11 : vector<2048x16xf32> to vector<1x2048x16xf32>
    tpu.vector_store %arg4[%swap3A, %swap3A_12, %swap3A_13], %swap3A_16 {strides = array<i32>} : memref<1x2048x16xf32, #tpu.memory_space<vmem>>, vector<1x2048x16xf32>,
    return
  }
  func.func @transform_0(%arg0: i32, %arg1: memref<16xi32, #tpu.memory_space<smem>>) -> (i32, i32, i32) {
    %c0_i32 = arith.constant 0 : i32
    %c0_i32_0 = arith.constant 0 : i32
    %c0_i32_1 = arith.constant 0 : i32
    return %arg0, %c0_i32, %c0_i32_0 : i32, i32, i32
  }
  func.func @transform_1(%arg0: i32, %arg1: memref<16xi32, #tpu.memory_space<smem>>) -> (i32, i32, i32) {
    %c0_i32 = arith.constant 0 : i32
    %c0_i32_0 = arith.constant 0 : i32
    %c0_i32_1 = arith.constant 0 : i32
    %c0_i32_2 = arith.constant 0 : i32
    return %c0_i32, %c0_i32_0, %c0_i32_1 : i32, i32, i32
  }
  func.func @transform_2(%arg0: i32, %arg1: memref<16xi32, #tpu.memory_space<smem>>) -> (i32, i32, i32) {
    %c0_i32 = arith.constant 0 : i32
    %c0_i32_0 = arith.constant 0 : i32
    %c0_i32_1 = arith.constant 0 : i32
    return %arg0, %c0_i32, %c0_i32_0 : i32, i32, i32
  }
}

</mosaic_0001>

<sc_bundles>
// kernel: kernel.4.cloned.1.call-start
scs
__scs_entry_jumppad:
0x0: {  	(pc) =	sbr.rel $0x88, $3  }
0x1: {  	(tag) =	ssettag $0x0;
	lr =	simm.s32 $0x1  }
0x2: {  	[smem:$0x3F9D] =	sst lr;
	_ =	strace $0xD0000000  }
0x3: {  	_ = 	snop  }
0x4: {  	_ = 	snop  }
0x5: {  	_ = 	snop  }
0x6: {  	_ = 	snop  }
0x7: {  	_ = 	snop  }
__scs_overlays_trampoline_lowered:
0x8: {  	[smem:$0x3FAC] =	sst s0  }
0x9: {  	[smem:$0x3FAD] =	sst s1  }
0xa: {  	[smem:$0x3FAE] =	sst s2  }
0xb: {  	[smem:$0x3FAF] =	sst s3  }
0xc: {  	[smem:$0x3FB0] =	sst s4  }
0xd: {  	[smem:$0x3FB1] =	sst s5  }
0xe: {  	[smem:$0x3FB2] =	sst s6  }
0xf: {  	[smem:$0x3FB3] =	sst s7  }
0x10: {  	[smem:$0x3FB4] =	sst s8  }
0x11: {  	[smem:$0x3FB5] =	sst s9;
	s0 =	simm.s32 @!p0 $0x0  }
0x12: {  	s1 =	sld [smem:$0x3F9B];
	s0 =	simm.s32 @p0 $0x1  }
0x13: {  	[smem:$0x3FB6] =	sst s0;
	s0 =	simm.s32 @!p1 $0x0  }
0x14: {  	s2 =	sld [smem:$0x3F9A];
	s0 =	simm.s32 @p1 $0x1  }
0x15: {  	[smem:$0x3FB7] =	sst s0;
	s0 =	simm.s32 @!p2 $0x0  }
0x16: {  	s3 =	sld [smem:$0x3FDB];
	s0 =	simm.s32 @p2 $0x1  }
0x17: {  	s4 =	simm.s32 $0x1BF5;
	[smem:$0x3FB9] =	sst s0  }
0x18: {  	s0 =	sld [smem:$0x3F9C];
	_ =	swait.ge [sflag:s4], $0x0  }
0x19: {  	s7 =	sld [smem:$0x3F9D]  }
0x1a: {  	s8 =	sadd.s32 $0xFFFFE003, lr  }
0x1b: {  	s9 =	sadd.s32 $0xFFFFFEF7, lr;
	s5 =	simm.s32 $0xFFFFFFFF;
	p2 =	slt.u32 s8, $0xFFFFF086  }
0x1c: {  	p1 =	slt.u32 s9, $0xF7A;
	s5 =	simm.s32 @!p2 $0x0  }
0x1d: {  	s5 =	simm.s32 @p1 $0x1;
	p0 =	seq.s32 s7, s2  }
0x1e: {  	s7 =	smul.u32 @!p0 $0xF7A, s2;
	p2 =	seq.s32 @!p0 s5, $0x0  }
0x1f: {  	s9 =	smul.u32 $0xF7A, s1;
	s8 =	simm.s32 @!p0 $0x1BF5;
	p2 =	por !p2, p0  }
0x20: {  	[sflag:s8] =	ssyncset.s32 @!p0 $0xFFFFF086;
	s6 =	sadd.s32 @!p0 s3, s7;
	s7 =	simm.s32 @!p0 $0x108  }
0x21: {  	s3 =	sadd.s32 s3, s9;
	s6 =	sadd.s32 @!p0 $0x88, s6;
	s7 =	simm.s32 @p2 $0x1082  }
0x22: {  	[simem:s7], [sflag:s8] =	dma.local @!p0 [hbm:s6], $0xF7A  }
0x23: {  	s9 =	sor.u32 $0xD0000000, s2;
	s6 =	simm.s32 $0x108;
	_ =	swait.ge @!p0 [sflag:s8], $0x0  }
0x24: {  	s3 =	sadd.s32 $0x88, s3;
	s6 =	simm.s32 @!p1 $0x1082;
	[sflag:s4] =	ssyncset.s32 $0xFFFFF086  }
0x25: {  	[simem:s6], [sflag:s4] =	dma.local [hbm:s3], $0xF7A  }
0x26: {  	[smem:$0x3F9D] =	sst s1;
	(tag) =	ssettag s2;
	_ =	strace s9  }
0x27: {  	s1 =	sld [smem:$0x3FAD]  }
0x28: {  	s2 =	sld [smem:$0x3FAE]  }
0x29: {  	s4 =	sld [smem:$0x3FB0]  }
0x2a: {  	p0 =	seq.s32 s5, $0x0;
	s5 =	sld [smem:$0x3FB1]  }
0x2b: {  	s6 =	sld [smem:$0x3FB2]  }
0x2c: {  	s7 =	sld [smem:$0x3FB3]  }
0x2d: {  	s3 =	simm.s32 $0x108;
	s8 =	sld [smem:$0x3FB4]  }
0x2e: {  	s3 =	simm.s32 @!p0 $0x1082;
	s9 =	sld [smem:$0x3FB5]  }
0x2f: {  	lr =	sadd.s32 s0, s3;
	s0 =	sld [smem:$0x3FAC]  }
0x30: {  	s3 =	sld [smem:$0x3FAF]  }
0x31: {  	[smem:$0x3FB8] =	sst s10  }
0x32: {  	s10 =	sld [smem:$0x3FB6];
	_ =	sdelay $0x3  }
0x33: {  	p0 =	seq.s32 s10, $0x1;
	s10 =	sld [smem:$0x3FB8];
	_ =	sdelay $0x3  }
0x34: {  	[smem:$0x3FB8] =	sst s10  }
0x35: {  	s10 =	sld [smem:$0x3FB7];
	_ =	sdelay $0x3  }
0x36: {  	p1 =	seq.s32 s10, $0x1;
	s10 =	sld [smem:$0x3FB8];
	_ =	sdelay $0x3  }
0x37: {  	[smem:$0x3FB8] =	sst s10  }
0x38: {  	s10 =	sld [smem:$0x3FB9]  }
0x39: {  	_ = 	snop;
	(pc) =	sbr.ind lr, $3  }
0x3a: {  	_ = 	snop  }
0x3b: {  	_ = 	snop  }
0x3c: {  	p2 =	seq.s32 s10, $0x1;
	s10 =	sld [smem:$0x3FB8]  }
0x3d: {  	_ =	shalt  }
0x3e: {  	_ =	shalt  }
0x3f: {  	_ =	shalt  }
0x40: {  	_ =	shalt  }
0x41: {  	_ =	shalt  }
0x42: {  	_ =	shalt  }
0x43: {  	_ =	shalt  }
0x44: {  	_ =	shalt  }
0x45: {  	_ =	shalt  }
0x46: {  	_ =	shalt  }
0x47: {  	_ =	shalt  }
0x48: {  	_ =	shalt  }
0x49: {  	_ =	shalt  }
0x4a: {  	_ =	shalt  }
0x4b: {  	_ =	shalt  }
0x4c: {  	_ =	shalt  }
0x4d: {  	_ =	shalt  }
0x4e: {  	_ =	shalt  }
0x4f: {  	_ =	shalt  }
0x50: {  	_ =	shalt  }
0x51: {  	_ =	shalt  }
0x52: {  	_ =	shalt  }
0x53: {  	_ =	shalt  }
0x54: {  	_ =	shalt  }
0x55: {  	_ =	shalt  }
0x56: {  	_ =	shalt  }
0x57: {  	_ =	shalt  }
0x58: {  	_ =	shalt  }
0x59: {  	_ =	shalt  }
0x5a: {  	_ =	shalt  }
0x5b: {  	_ =	shalt  }
0x5c: {  	_ =	shalt  }
0x5d: {  	_ =	shalt  }
0x5e: {  	_ =	shalt  }
0x5f: {  	_ =	shalt  }
0x60: {  	_ =	shalt  }
0x61: {  	_ =	shalt  }
0x62: {  	_ =	shalt  }
0x63: {  	_ =	shalt  }
0x64: {  	_ =	shalt  }
0x65: {  	_ =	shalt  }
0x66: {  	_ =	shalt  }
0x67: {  	_ =	shalt  }
0x68: {  	_ =	shalt  }
0x69: {  	_ =	shalt  }
0x6a: {  	_ =	shalt  }
0x6b: {  	_ =	shalt  }
0x6c: {  	_ =	shalt  }
0x6d: {  	_ =	shalt  }
0x6e: {  	_ =	shalt  }
0x6f: {  	_ =	shalt  }
0x70: {  	_ =	shalt  }
0x71: {  	_ =	shalt  }
0x72: {  	_ =	shalt  }
0x73: {  	_ =	shalt  }
0x74: {  	_ =	shalt  }
0x75: {  	_ =	shalt  }
0x76: {  	_ =	shalt  }
0x77: {  	_ =	shalt  }
0x78: {  	_ =	shalt  }
0x79: {  	_ =	shalt  }
0x7a: {  	_ =	shalt  }
0x7b: {  	_ =	shalt  }
0x7c: {  	_ =	shalt  }
0x7d: {  	_ =	shalt  }
0x7e: {  	_ =	shalt  }
0x7f: {  	_ =	shalt  }
0x80: {  	_ =	shalt  }
0x81: {  	_ =	shalt  }
0x82: {  	_ =	shalt  }
0x83: {  	_ =	shalt  }
0x84: {  	_ =	shalt  }
0x85: {  	_ =	shalt  }
0x86: {  	_ =	shalt  }
0x87: {  	_ =	shalt  }
.Lfunc_end0:
.L_simem_size_0:
called_computation_lowered:
.L_overlay_start_0:
0x88: {  	s2 =	sld [smem:$0x3FD9]  }
0x89: {  	s3 =	sld [smem:$0x3FFE];
	_ =	sdelay $0x1  }
0x8a: {  	s1 =	srdreg.scid  }
0x8b: {  	s0 =	sand.u32 $0x1, s1  }
0x8c: {  	s17 =	sshll.u32 s0, $0xA;
	s2 =	sadd.s32 s3, s2  }
0x8d: {  	s2 =	sadd.s32 s2, s17  }
0x8e: {  	[smem:$0x3FC4] =	sst s2  }
0x8f: {  	_ = 	snop  }
0x90: {  	s2 =	sld [smem:$0x3FC6];
	(tm) =	ssettm $0x1  }
0x91: {  	s18 =	sld [smem:$0x3FFB];
	_ =	sdelay $0x3  }
0x92: {  	_ =	strace s18  }
0x93: {  	s3 =	sld [smem:$0x3FFC];
	_ =	sdelay $0x3  }
0x94: {  	_ =	strace s3  }
0x95: {  	s3 =	sld [smem:$0x3FFD];
	_ =	sdelay $0x3  }
0x96: {  	_ =	strace s3  }
0x97: {  	_ =	strace $0x8FFFFFFF  }
0x98: {  	s19 =	sld [smem:$0x3FDB];
	_ =	sdelay $0x1  }
0x99: {  	s4 =	simm.s32 $_scs_section_size  }
0x9a: {  	s5 =	simm.s32 $_size__tile_overlayer_lowered;
	s6 =	simm.s32 $_tile_overlayer_lowered  }
0x9b: {  	s22 =	simm.s32 $0x1BFF;
	s21 =	sshll.u32 s6, $0x1;
	s3 =	sadd.s32 s4, s19  }
0x9c: {  	s7 =	simm.s32 $0x0;
	s20 =	sshll.u32 s5, $0x1;
	s5 =	sadd.s32 s21, s3  }
0x9d: {  	[timem:s7], [sflag:s22] =	dma.local [hbm:s5], s20  }
0x9e: {  	_ =	swait.ge [sflag:s22], s20  }
0x9f: {  	s4 =	ssub.s32 $0x0, s20;
	[sflag:s22] =	ssyncset.done $0x0  }
0xa0: {  	[sflag:s22] =	ssyncadd.s32 s4;
	_ =	sdelay $0x1  }
0xa1: {  	s23 =	simm.s32 $0x1B8B  }
0xa2: {  	_ =	swait.ge [sflag:s23], $0x1  }
0xa3: {  	[sflag:s23] =	ssyncset.done $0x0  }
0xa4: {  	s25 =	simm.s32 $0x1B8E;
	s24 =	sld [smem:$0x3FFE];
	[sflag:s23] =	ssyncadd.s32 $0xFFFFFFFF  }
0xa5: {  	s26 =	simm.s32 $execute0_lowered;
	[smem:$0x3FD2] =	sst s25  }
0xa6: {  	s5 =	sshll.u32 s26, $0x1;
	_ =	strace $0x80000046;
	[dreg:$0x1] =	wrdreg $0xFFFFFFFF  }
0xa7: {  	s28 =	simm.s32 $_size_execute0_lowered;
	s3 =	sadd.s32 s3, s5;
	[dreg:$0x0] =	wrdreg $0x0  }
0xa8: {  	s5 =	sshll.u32 s28, $0x1;
	[dreg:$0x2] =	wrdreg s3  }
0xa9: {  	[dreg:$0x3] =	wrdreg s5  }
0xaa: {  	[dreg:$0x4] =	wrdreg $0xC0  }
0xab: {  	_ =	task [dreg:s7], $0x5FFFF  }
0xac: {  	[dreg:$0x1] =	wrdreg $0xFFFFFFFF  }
0xad: {  	[dreg:$0x0] =	wrdreg $0x60  }
0xae: {  	[dreg:$0x2] =	wrdreg s24  }
0xaf: {  	[dreg:$0x3] =	wrdreg s2  }
0xb0: {  	[dreg:$0x4] =	wrdreg $0xA8000  }
0xb1: {  	[dreg:$0x5] =	wrdreg $0x9  }
0xb2: {  	_ =	task.clear_ibuf [dreg:s7], $0x6FFFF;
	_ =	strace $0x90000046  }
0xb3: {  	s29 =	simm.s32 $0x9;
	_ =	strace $0x80000048  }
0xb4: {  	_ =	swait.ge [sflag:s29], $0x1  }
0xb5: {  	[sflag:s29] =	ssyncadd.s32 $0xFFFFFFFF  }
0xb6: {  	_ =	strace $0x90000048  }
0xb7: {  	_ =	sfence  }
0xb8: {  	s30 =	sld [smem:$0x0];
	_ =	sdelay $0x2  }
0xb9: {  	s31 =	sshll.u32 s1, $0xD;
	s1 =	sshrl.u32 s1, $0x2  }
0xba: {  	s3 =	sand.u32 $0x4000, s31;
	s1 =	sadd.s32 s1, s30  }
0xbb: {  	s0 =	sor.u32 s3, s0;
	s1 =	sshll.u32 s1, $0x11  }
0xbc: {  	s0 =	sor.u32 s1, s0  }
0xbd: {  	s0 =	sadd.s32 $0x8F2B, s0  }
0xbe: {  	[sflag:s0] =	ssyncadd.remote.s32 $0x1  }
0xbf: {  	_ =	sfence.sel $0xFFFF  }
0xc0: {  	[dreg:$0x0] =	wrdreg $0xFFFFFFFF;
	(pc) =	sbr.abs _section_cstart, $3  }
0xc1: {  	[dreg:$0x1] =	wrdreg $0xFFFFFFFF  }
0xc2: {  	_ =	task.clear_ibuf [dreg:s7], $0x2FFFF;
	_ =	strace $0x9FFFFFFF  }
0xc3: {  	(tm) =	ssettm $0x7FFFFFFF  }
tec
execute0_lowered:
.L_overlay_start_1:
0x0: {  	(tag) =	ssettag $0x1  }
0x1: {  	s4 =	stileid.u32  }
0x2: {  	p0 =	sgt.u32 s4, $0x7  }
.Ltmp0:
0x3: {  	_ = 	snop;
	(pc) =	sbr.rel @p0 .LBB2_33-.Ltmp0, $4  }
0x4: {  	s1 =	rddreg [dreg:$0x0]  }
0x5: {  	s0 =	rddreg [dreg:$0x1];
	s3 =	simm.s32 $0x0  }
0x6: {  	[smem:$0x7FF] =	sst s3  }
0x7: {  	s2 =	rddreg [dreg:$0x2];
	_ =	strace $0x80000047  }
0x8: {  	s21 =	stileid.u32;
	s12 =	sadd.s32 $0xA00, s1  }
0x9: {  	s5 =	srdreg.scid;
	s30 =	sadd.s32 $0x80A00, s1;
	s22 =	simm.s32 $0x1  }
0xa: {  	s23 =	simm.s32 $0x2800;
	s24 =	simm.s32 $0x2;
	s25 =	simm.s32 $0x100  }
0xb: {  	s4 =	smul.u32 $0x80200, s21;
	s16 =	sand.u32 $0x1, s5;
	s7 =	sshll.u32 s21, $0xF  }
0xc: {  	s20 =	smul.u32 $0x401, s21;
	s21 =	sshll.u32 s21, $0x4;
	s6 =	sshll.u32 s16, $0x12  }
0xd: {  	s19 =	ssub.s32 $0x2, s16;
	s0 =	sadd.s32 s0, s21;
	s16 =	sshll.u32 s16, $0xB  }
0xe: {  	s4 =	sshrl.u32 s4, $0x2;
	s17 =	sadd.s32 s7, s6;
	s31 =	sshrl.u32 s19, $0x1  }
0xf: {  	s4 =	sadd.s32 s4, s2;
	s8 =	sadd.s32 s12, s17;
	s18 =	sor.u32 $0x4000, s17  }
0x10: {  	s17 =	sadd.s32 s30, s17;
	s19 =	ssub.s32 s19, s31;
	s5 =	sadd.s32 $0x8000, s4  }
0x11: {  	s6 =	sadd.s32 $0x10000, s4;
	s7 =	sadd.s32 $0x18000, s4;
	s9 =	sadd.s32 $0x1000, s8  }
0x12: {  	s10 =	sadd.s32 $0x2000, s8;
	s11 =	sadd.s32 $0x3000, s8;
	s12 =	sadd.s32 s12, s18  }
0x13: {  	s13 =	sadd.s32 $0x5000, s8;
	s14 =	sadd.s32 $0x6000, s8;
	s15 =	sadd.s32 $0x7000, s8  }
0x14: {  	[dreg:$0x4] =	wrdreg s17;
	s1 =	sadd.s32 s30, s18;
	s18 =	sadd.s32 s16, s0  }
0x15: {  	v1 =	vimm.f32 $0.0e+00;
	v2 =	vimm.s32 $0x0;
	v0 =	vmov s20;
	s19 =	smax.u32 s19, $0x1;
	[dreg:$0x5] =	wrdreg s1;
	s1 =	simm.s32 $0x0  }
.LBB2_2:
0x16: {  	s0 =	simm.s32 $0x80;
	s16 =	simm.s32 $0x400  }
0x17: {  	[tilespmem:s3], [sflag:$0x1] =	stream.strided.gather [hbm4b:s18+s0], $0x800, s16, s0, $0x38;
	[tilespmem:$0xC808] =	vst v63  }
0x18: {  	s0 =	simm.s32 $0x2A00  }
0x19: {  	[tilespmem:s0+$0xFFFFFE00] =	vst v1  }
0x1a: {  	[tilespmem:s0+$0x180] =	vst v1  }
0x1b: {  	[tilespmem:s0+$0x100] =	vst v1  }
0x1c: {  	[tilespmem:s0+$0x80] =	vst v1  }
0x1d: {  	[tilespmem:s0+$0x0] =	vst v1  }
0x1e: {  	[tilespmem:s0+$0xFFFFFF80] =	vst v1  }
0x1f: {  	s16 =	simm.s32 $0x0;
	[tilespmem:s0+$0xFFFFFF00] =	vst v1  }
.LBB2_3:
0x20: {  	s16 =	sadd.s32 $0x8, s16;
	[tilespmem:s0+$0xFFFFFE80] =	vst v1;
	s0 =	sadd.s32 $0x400, s0  }
0x21: {  	[tilespmem:s0+$0xFFFFFE00] =	vst v1;
	p0 =	slt.u32 s16, $0xF8  }
0x22: {  	[tilespmem:s0+$0x180] =	vst v1  }
.Ltmp1:
0x23: {  	[tilespmem:s0+$0x100] =	vst v1;
	(pc) =	sbr.rel @p0 .LBB2_3-.Ltmp1, $4  }
0x24: {  	[tilespmem:s0+$0x80] =	vst v1  }
0x25: {  	[tilespmem:s0+$0x0] =	vst v1  }
0x26: {  	[tilespmem:s0+$0xFFFFFF80] =	vst v1  }
0x27: {  	[tilespmem:s0+$0xFFFFFF00] =	vst v1  }
0x28: {  	[tilespmem:s0+$0xFFFFFE80] =	vst v1  }
0x29: {  	[tilespmem:$0x800] =	vst v2  }
0x2a: {  	[tilespmem:$0x1400] =	vst v2  }
0x2b: {  	[tilespmem:$0x810] =	vst v2  }
0x2c: {  	[tilespmem:$0x1410] =	vst v2  }
0x2d: {  	[tilespmem:$0x820] =	vst v2  }
0x2e: {  	[tilespmem:$0x1420] =	vst v2  }
0x2f: {  	[tilespmem:$0x830] =	vst v2  }
0x30: {  	[tilespmem:$0x1430] =	vst v2  }
0x31: {  	[tilespmem:$0x840] =	vst v2  }
0x32: {  	[tilespmem:$0x1440] =	vst v2  }
0x33: {  	[tilespmem:$0x850] =	vst v2  }
0x34: {  	[tilespmem:$0x1450] =	vst v2  }
0x35: {  	[tilespmem:$0x860] =	vst v2  }
0x36: {  	[tilespmem:$0x1460] =	vst v2  }
0x37: {  	[tilespmem:$0x870] =	vst v2  }
0x38: {  	[tilespmem:$0x1470] =	vst v2  }
0x39: {  	[tilespmem:$0x880] =	vst v2  }
0x3a: {  	[tilespmem:$0x1480] =	vst v2  }
0x3b: {  	[tilespmem:$0x890] =	vst v2  }
0x3c: {  	[tilespmem:$0x1490] =	vst v2  }
0x3d: {  	[tilespmem:$0x8A0] =	vst v2  }
0x3e: {  	[tilespmem:$0x14A0] =	vst v2  }
0x3f: {  	[tilespmem:$0x8B0] =	vst v2  }
0x40: {  	[tilespmem:$0x14B0] =	vst v2  }
0x41: {  	[tilespmem:$0x8C0] =	vst v2  }
0x42: {  	[tilespmem:$0x14C0] =	vst v2  }
0x43: {  	[tilespmem:$0x8D0] =	vst v2  }
0x44: {  	[tilespmem:$0x14D0] =	vst v2  }
0x45: {  	[tilespmem:$0x8E0] =	vst v2  }
0x46: {  	[tilespmem:$0x14E0] =	vst v2  }
0x47: {  	[tilespmem:$0x8F0] =	vst v2  }
0x48: {  	[tilespmem:$0x14F0] =	vst v2  }
0x49: {  	[tilespmem:$0x900] =	vst v2  }
0x4a: {  	[tilespmem:$0x1500] =	vst v2  }
0x4b: {  	[tilespmem:$0x910] =	vst v2  }
0x4c: {  	[tilespmem:$0x1510] =	vst v2  }
0x4d: {  	[tilespmem:$0x920] =	vst v2  }
0x4e: {  	[tilespmem:$0x1520] =	vst v2  }
0x4f: {  	[tilespmem:$0x930] =	vst v2  }
0x50: {  	[tilespmem:$0x1530] =	vst v2  }
0x51: {  	[tilespmem:$0x940] =	vst v2  }
0x52: {  	[tilespmem:$0x1540] =	vst v2  }
0x53: {  	[tilespmem:$0x950] =	vst v2  }
0x54: {  	[tilespmem:$0x1550] =	vst v2  }
0x55: {  	[tilespmem:$0x960] =	vst v2  }
0x56: {  	[tilespmem:$0x1560] =	vst v2  }
0x57: {  	[tilespmem:$0x970] =	vst v2  }
0x58: {  	[tilespmem:$0x1570] =	vst v2  }
0x59: {  	[tilespmem:$0x980] =	vst v2  }
0x5a: {  	[tilespmem:$0x1580] =	vst v2  }
0x5b: {  	[tilespmem:$0x990] =	vst v2  }
0x5c: {  	[tilespmem:$0x1590] =	vst v2  }
0x5d: {  	[tilespmem:$0x9A0] =	vst v2  }
0x5e: {  	[tilespmem:$0x15A0] =	vst v2  }
0x5f: {  	[tilespmem:$0x9B0] =	vst v2  }
0x60: {  	[tilespmem:$0x15B0] =	vst v2  }
0x61: {  	[tilespmem:$0x9C0] =	vst v2  }
0x62: {  	[tilespmem:$0x15C0] =	vst v2  }
0x63: {  	[tilespmem:$0x9D0] =	vst v2  }
0x64: {  	[tilespmem:$0x15D0] =	vst v2  }
0x65: {  	[tilespmem:$0x9E0] =	vst v2  }
0x66: {  	[tilespmem:$0x15E0] =	vst v2  }
0x67: {  	[tilespmem:$0x9F0] =	vst v2  }
0x68: {  	[tilespmem:$0x15F0] =	vst v2  }
0x69: {  	[tilespmem:$0xA00] =	vst v2  }
0x6a: {  	[tilespmem:$0x1600] =	vst v2  }
0x6b: {  	[tilespmem:$0xA10] =	vst v2  }
0x6c: {  	[tilespmem:$0x1610] =	vst v2  }
0x6d: {  	[tilespmem:$0xA20] =	vst v2  }
0x6e: {  	[tilespmem:$0x1620] =	vst v2  }
0x6f: {  	[tilespmem:$0xA30] =	vst v2  }
0x70: {  	[tilespmem:$0x1630] =	vst v2  }
0x71: {  	[tilespmem:$0xA40] =	vst v2  }
0x72: {  	[tilespmem:$0x1640] =	vst v2  }
0x73: {  	[tilespmem:$0xA50] =	vst v2  }
0x74: {  	[tilespmem:$0x1650] =	vst v2  }
0x75: {  	[tilespmem:$0xA60] =	vst v2  }
0x76: {  	[tilespmem:$0x1660] =	vst v2  }
0x77: {  	[tilespmem:$0xA70] =	vst v2  }
0x78: {  	[tilespmem:$0x1670] =	vst v2  }
0x79: {  	[tilespmem:$0xA80] =	vst v2  }
0x7a: {  	[tilespmem:$0x1680] =	vst v2  }
0x7b: {  	[tilespmem:$0xA90] =	vst v2  }
0x7c: {  	[tilespmem:$0x1690] =	vst v2  }
0x7d: {  	[tilespmem:$0xAA0] =	vst v2  }
0x7e: {  	[tilespmem:$0x16A0] =	vst v2  }
0x7f: {  	[tilespmem:$0xAB0] =	vst v2  }
0x80: {  	[tilespmem:$0x16B0] =	vst v2  }
0x81: {  	[tilespmem:$0xAC0] =	vst v2  }
0x82: {  	[tilespmem:$0x16C0] =	vst v2  }
0x83: {  	[tilespmem:$0xAD0] =	vst v2  }
0x84: {  	[tilespmem:$0x16D0] =	vst v2  }
0x85: {  	[tilespmem:$0xAE0] =	vst v2  }
0x86: {  	[tilespmem:$0x16E0] =	vst v2  }
0x87: {  	[tilespmem:$0xAF0] =	vst v2  }
0x88: {  	[tilespmem:$0x16F0] =	vst v2  }
0x89: {  	[tilespmem:$0xB00] =	vst v2  }
0x8a: {  	[tilespmem:$0x1700] =	vst v2  }
0x8b: {  	[tilespmem:$0xB10] =	vst v2  }
0x8c: {  	[tilespmem:$0x1710] =	vst v2  }
0x8d: {  	[tilespmem:$0xB20] =	vst v2  }
0x8e: {  	[tilespmem:$0x1720] =	vst v2  }
0x8f: {  	[tilespmem:$0xB30] =	vst v2  }
0x90: {  	[tilespmem:$0x1730] =	vst v2  }
0x91: {  	[tilespmem:$0xB40] =	vst v2  }
0x92: {  	[tilespmem:$0x1740] =	vst v2  }
0x93: {  	[tilespmem:$0xB50] =	vst v2  }
0x94: {  	[tilespmem:$0x1750] =	vst v2  }
0x95: {  	[tilespmem:$0xB60] =	vst v2  }
0x96: {  	[tilespmem:$0x1760] =	vst v2  }
0x97: {  	[tilespmem:$0xB70] =	vst v2  }
0x98: {  	[tilespmem:$0x1770] =	vst v2  }
0x99: {  	[tilespmem:$0xB80] =	vst v2  }
0x9a: {  	[tilespmem:$0x1780] =	vst v2  }
0x9b: {  	[tilespmem:$0xB90] =	vst v2  }
0x9c: {  	[tilespmem:$0x1790] =	vst v2  }
0x9d: {  	[tilespmem:$0xBA0] =	vst v2  }
0x9e: {  	[tilespmem:$0x17A0] =	vst v2  }
0x9f: {  	[tilespmem:$0xBB0] =	vst v2  }
0xa0: {  	[tilespmem:$0x17B0] =	vst v2  }
0xa1: {  	[tilespmem:$0xBC0] =	vst v2  }
0xa2: {  	[tilespmem:$0x17C0] =	vst v2  }
0xa3: {  	[tilespmem:$0xBD0] =	vst v2  }
0xa4: {  	[tilespmem:$0x17D0] =	vst v2  }
0xa5: {  	[tilespmem:$0xBE0] =	vst v2  }
0xa6: {  	[tilespmem:$0x17E0] =	vst v2  }
0xa7: {  	[tilespmem:$0xBF0] =	vst v2  }
0xa8: {  	[tilespmem:$0x17F0] =	vst v2  }
0xa9: {  	_ =	swait.ge [sflag:s22], $0x800  }
0xaa: {  	[sflag:s22] =	ssyncset.done $0x0  }
0xab: {  	s29 =	simm.s32 $0x20;
	[sflag:s22] =	ssyncadd.s32 $0xFFFFF800  }
0xac: {  	v3 =	vld [tilespmem:s29+$0xFFFFFFE0];
	_ =	sdelay $0x4  }
0xad: {  	s0 =	simm.s32 $0x0;
	vm0 =	veq.s32 v3, $0x1  }
0xae: {  	s28 =	sand.u32 $0x7C0, s0;
	v3 =	vsel vm0, $0x1, v2  }
0xaf: {  	[tilespmem:s28+$0xC00] =	vst v3  }
0xb0: {  	v3 =	vld [tilespmem:s29+$0xFFFFFFF0];
	_ =	sdelay $0x4  }
0xb1: {  	vm13 =	veq.s32 v3, $0x1  }
0xb2: {  	s30 =	simm.s32 $0xC30;
	v3 =	vsel vm13, $0x1, v2  }
0xb3: {  	[tilespmem:s30+$0xFFFFFFE0] =	vst v3  }
0xb4: {  	v3 =	vld [tilespmem:s29+$0x0];
	_ =	sdelay $0x4  }
0xb5: {  	vm14 =	veq.s32 v3, $0x1  }
0xb6: {  	v3 =	vsel vm14, $0x1, v2  }
0xb7: {  	[tilespmem:s30+$0xFFFFFFF0] =	vst v3  }
0xb8: {  	v3 =	vld [tilespmem:s29+$0x10];
	_ =	sdelay $0x4  }
0xb9: {  	s31 =	simm.s32 $0x0;
	s20 =	simm.s32 $0xC70;
	vm15 =	veq.s32 v3, $0x1  }
0xba: {  	s26 =	simm.s32 $0x1830;
	s21 =	simm.s32 $0xC30;
	s16 =	simm.s32 $0x0;
	v3 =	vsel vm15, $0x1, v2  }
.LBB2_5:
0xbb: {  	s31 =	sadd.s32 $0x4, s31;
	[tilespmem:s21+$0x0] =	vst v3;
	s29 =	sadd.s32 $0x40, s29;
	s16 =	sadd.s32 $0x40, s16  }
0xbc: {  	s21 =	smov.u32 s20;
	v3 =	vld [tilespmem:s29+$0xFFFFFFE0];
	p0 =	slt.u32 s31, $0x7C;
	_ =	sdelay $0x4  }
0xbd: {  	vm0 =	veq.s32 v3, $0x1  }
0xbe: {  	s17 =	sand.u32 $0x7C0, s16;
	v3 =	vsel vm0, $0x1, v2  }
0xbf: {  	[tilespmem:s17+$0xC00] =	vst v3  }
0xc0: {  	v3 =	vld [tilespmem:s29+$0xFFFFFFF0];
	_ =	sdelay $0x4  }
0xc1: {  	vm0 =	veq.s32 v3, $0x1  }
0xc2: {  	v3 =	vsel vm0, $0x1, v2  }
0xc3: {  	[tilespmem:s20+$0xFFFFFFE0] =	vst v3  }
0xc4: {  	v3 =	vld [tilespmem:s29+$0x0];
	_ =	sdelay $0x4  }
0xc5: {  	vm0 =	veq.s32 v3, $0x1  }
0xc6: {  	v3 =	vsel vm0, $0x1, v2  }
0xc7: {  	[tilespmem:s20+$0xFFFFFFF0] =	vst v3  }
0xc8: {  	v3 =	vld [tilespmem:s29+$0x10];
	_ =	sdelay $0x1  }
.Ltmp2:
0xc9: {  	(pc) =	sbr.rel @p0 .LBB2_5-.Ltmp2, $3  }
0xca: {  	_ =	sdelay $0x1  }
0xcb: {  	vm0 =	veq.s32 v3, $0x1  }
0xcc: {  	s20 =	sadd.s32 $0x40, s20;
	v3 =	vsel vm0, $0x1, v2  }
0xcd: {  	[tilespmem:s21+$0x0] =	vst v3  }
0xce: {  	v3 =	vld [tilespmem:s30+$0xFFFFFFCF]  }
0xcf: {  	v4 =	vld [tilespmem:s28+$0xC00];
	_ =	sdelay $0x4  }
0xd0: {  	v3 =	vadd.s32 v4, v3  }
0xd1: {  	[tilespmem:s28+$0x1800] =	vst v3  }
0xd2: {  	v3 =	vld [tilespmem:s30+$0xFFFFFFE0]  }
0xd3: {  	v4 =	vld [tilespmem:s30+$0xFFFFFFDF];
	_ =	sdelay $0x4  }
0xd4: {  	v3 =	vadd.s32 v3, v4  }
0xd5: {  	[tilespmem:s26+$0xFFFFFFE0] =	vst v3  }
0xd6: {  	v3 =	vld [tilespmem:s30+$0xFFFFFFF0]  }
0xd7: {  	v4 =	vld [tilespmem:s30+$0xFFFFFFEF];
	_ =	sdelay $0x4  }
0xd8: {  	v3 =	vadd.s32 v3, v4  }
0xd9: {  	[tilespmem:s26+$0xFFFFFFF0] =	vst v3  }
0xda: {  	v3 =	vld [tilespmem:s30+$0x0]  }
0xdb: {  	v4 =	vld [tilespmem:s30+$0xFFFFFFFF];
	_ =	sdelay $0x1  }
0xdc: {  	s20 =	simm.s32 $0x0;
	s21 =	simm.s32 $0x1870;
	s31 =	simm.s32 $0x1830  }
.LBB2_7:
0xdd: {  	s20 =	sadd.s32 $0x4, s20;
	s0 =	sadd.s32 $0x40, s0;
	s30 =	sadd.s32 $0x40, s30  }
0xde: {  	p0 =	slt.u32 s20, $0x7C  }
0xdf: {  	v3 =	vadd.s32 v3, v4  }
0xe0: {  	[tilespmem:s31+$0x0] =	vst v3;
	s31 =	smov.u32 s21  }
0xe1: {  	s16 =	sand.u32 $0x7C0, s0;
	v3 =	vld [tilespmem:s30+$0xFFFFFFCF]  }
0xe2: {  	v4 =	vld [tilespmem:s16+$0xC00];
	_ =	sdelay $0x4  }
0xe3: {  	v3 =	vadd.s32 v4, v3  }
0xe4: {  	[tilespmem:s16+$0x1800] =	vst v3  }
0xe5: {  	v3 =	vld [tilespmem:s30+$0xFFFFFFE0]  }
0xe6: {  	v4 =	vld [tilespmem:s30+$0xFFFFFFDF];
	_ =	sdelay $0x4  }
0xe7: {  	v3 =	vadd.s32 v3, v4  }
0xe8: {  	[tilespmem:s21+$0xFFFFFFE0] =	vst v3  }
0xe9: {  	v3 =	vld [tilespmem:s30+$0xFFFFFFF0]  }
0xea: {  	v4 =	vld [tilespmem:s30+$0xFFFFFFEF];
	_ =	sdelay $0x4  }
0xeb: {  	v3 =	vadd.s32 v3, v4  }
.Ltmp3:
0xec: {  	[tilespmem:s21+$0xFFFFFFF0] =	vst v3;
	(pc) =	sbr.rel @p0 .LBB2_7-.Ltmp3, $4  }
0xed: {  	v3 =	vld [tilespmem:s30+$0x0]  }
0xee: {  	v4 =	vld [tilespmem:s30+$0xFFFFFFFF]  }
0xef: {  	s28 =	simm.s32 $0xC30  }
0xf0: {  	s29 =	simm.s32 $0x0;
	s21 =	sadd.s32 $0x40, s21  }
0xf1: {  	_ =	sdelay $0x1  }
0xf2: {  	v3 =	vadd.s32 v3, v4  }
0xf3: {  	[tilespmem:s31+$0x0] =	vst v3  }
0xf4: {  	s0 =	sand.u32 $0x7C0, s29;
	v3 =	vld [tilespmem:s26+$0xFFFFFFCE]  }
0xf5: {  	v4 =	vld [tilespmem:s0+$0x1800];
	_ =	sdelay $0x4  }
0xf6: {  	v3 =	vadd.s32 v4, v3  }
0xf7: {  	[tilespmem:s0+$0xC00] =	vst v3  }
0xf8: {  	v3 =	vld [tilespmem:s26+$0xFFFFFFE0]  }
0xf9: {  	v4 =	vld [tilespmem:s26+$0xFFFFFFDE];
	_ =	sdelay $0x4  }
0xfa: {  	v3 =	vadd.s32 v3, v4  }
0xfb: {  	[tilespmem:s28+$0xFFFFFFE0] =	vst v3  }
0xfc: {  	v3 =	vld [tilespmem:s26+$0xFFFFFFF0]  }
0xfd: {  	v4 =	vld [tilespmem:s26+$0xFFFFFFEE];
	_ =	sdelay $0x4  }
0xfe: {  	v3 =	vadd.s32 v3, v4  }
0xff: {  	[tilespmem:s28+$0xFFFFFFF0] =	vst v3  }
0x100: {  	v3 =	vld [tilespmem:s26+$0x0]  }
0x101: {  	v4 =	vld [tilespmem:s26+$0xFFFFFFFE]  }
0x102: {  	s20 =	simm.s32 $0xC70  }
0x103: {  	s16 =	simm.s32 $0x0;
	s21 =	simm.s32 $0xC30;
	s31 =	simm.s32 $0x0  }
.LBB2_9:
0x104: {  	s31 =	sadd.s32 $0x4, s31;
	s16 =	sadd.s32 $0x40, s16;
	s26 =	sadd.s32 $0x40, s26  }
0x105: {  	p0 =	slt.u32 s31, $0x7C  }
0x106: {  	v3 =	vadd.s32 v3, v4  }
0x107: {  	[tilespmem:s21+$0x0] =	vst v3;
	s21 =	smov.u32 s20  }
0x108: {  	s17 =	sand.u32 $0x7C0, s16;
	v3 =	vld [tilespmem:s26+$0xFFFFFFCE]  }
0x109: {  	v4 =	vld [tilespmem:s17+$0x1800];
	_ =	sdelay $0x4  }
0x10a: {  	v3 =	vadd.s32 v4, v3  }
0x10b: {  	[tilespmem:s17+$0xC00] =	vst v3  }
0x10c: {  	v3 =	vld [tilespmem:s26+$0xFFFFFFE0]  }
0x10d: {  	v4 =	vld [tilespmem:s26+$0xFFFFFFDE];
	_ =	sdelay $0x4  }
0x10e: {  	v3 =	vadd.s32 v3, v4  }
0x10f: {  	[tilespmem:s20+$0xFFFFFFE0] =	vst v3  }
0x110: {  	v3 =	vld [tilespmem:s26+$0xFFFFFFF0]  }
0x111: {  	v4 =	vld [tilespmem:s26+$0xFFFFFFEE];
	_ =	sdelay $0x4  }
0x112: {  	v3 =	vadd.s32 v3, v4  }
.Ltmp4:
0x113: {  	[tilespmem:s20+$0xFFFFFFF0] =	vst v3;
	(pc) =	sbr.rel @p0 .LBB2_9-.Ltmp4, $3  }
0x114: {  	v3 =	vld [tilespmem:s26+$0x0]  }
0x115: {  	v4 =	vld [tilespmem:s26+$0xFFFFFFFE];
	_ =	sdelay $0x1  }
0x116: {  	s30 =	simm.s32 $0x1830;
	s20 =	sadd.s32 $0x40, s20  }
0x117: {  	_ =	sdelay $0x1  }
0x118: {  	v3 =	vadd.s32 v3, v4  }
0x119: {  	[tilespmem:s21+$0x0] =	vst v3  }
0x11a: {  	v3 =	vld [tilespmem:s28+$0xFFFFFFCC]  }
0x11b: {  	v4 =	vld [tilespmem:s0+$0xC00];
	_ =	sdelay $0x4  }
0x11c: {  	v3 =	vadd.s32 v4, v3  }
0x11d: {  	[tilespmem:s0+$0x1800] =	vst v3  }
0x11e: {  	v3 =	vld [tilespmem:s28+$0xFFFFFFE0]  }
0x11f: {  	v4 =	vld [tilespmem:s28+$0xFFFFFFDC];
	_ =	sdelay $0x4  }
0x120: {  	v3 =	vadd.s32 v3, v4  }
0x121: {  	[tilespmem:s30+$0xFFFFFFE0] =	vst v3  }
0x122: {  	v3 =	vld [tilespmem:s28+$0xFFFFFFF0]  }
0x123: {  	v4 =	vld [tilespmem:s28+$0xFFFFFFEC];
	_ =	sdelay $0x4  }
0x124: {  	v3 =	vadd.s32 v3, v4  }
0x125: {  	[tilespmem:s30+$0xFFFFFFF0] =	vst v3  }
0x126: {  	v3 =	vld [tilespmem:s28+$0x0]  }
0x127: {  	v4 =	vld [tilespmem:s28+$0xFFFFFFFC];
	_ =	sdelay $0x1  }
0x128: {  	s20 =	simm.s32 $0x0;
	s26 =	simm.s32 $0x1830;
	s21 =	simm.s32 $0x1870  }
.LBB2_11:
0x129: {  	s20 =	sadd.s32 $0x4, s20;
	s29 =	sadd.s32 $0x40, s29;
	s28 =	sadd.s32 $0x40, s28  }
0x12a: {  	p0 =	slt.u32 s20, $0x7C  }
0x12b: {  	v3 =	vadd.s32 v3, v4  }
0x12c: {  	[tilespmem:s26+$0x0] =	vst v3;
	s26 =	smov.u32 s21  }
0x12d: {  	s0 =	sand.u32 $0x7C0, s29;
	v3 =	vld [tilespmem:s28+$0xFFFFFFCC]  }
0x12e: {  	v4 =	vld [tilespmem:s0+$0xC00];
	_ =	sdelay $0x4  }
0x12f: {  	v3 =	vadd.s32 v4, v3  }
0x130: {  	[tilespmem:s0+$0x1800] =	vst v3  }
0x131: {  	v3 =	vld [tilespmem:s28+$0xFFFFFFE0]  }
0x132: {  	v4 =	vld [tilespmem:s28+$0xFFFFFFDC];
	_ =	sdelay $0x4  }
0x133: {  	v3 =	vadd.s32 v3, v4  }
0x134: {  	[tilespmem:s21+$0xFFFFFFE0] =	vst v3  }
0x135: {  	v3 =	vld [tilespmem:s28+$0xFFFFFFF0]  }
0x136: {  	v4 =	vld [tilespmem:s28+$0xFFFFFFEC];
	_ =	sdelay $0x4  }
0x137: {  	v3 =	vadd.s32 v3, v4  }
.Ltmp5:
0x138: {  	[tilespmem:s21+$0xFFFFFFF0] =	vst v3;
	(pc) =	sbr.rel @p0 .LBB2_11-.Ltmp5, $4  }
0x139: {  	v3 =	vld [tilespmem:s28+$0x0]  }
0x13a: {  	v4 =	vld [tilespmem:s28+$0xFFFFFFFC]  }
0x13b: {  	s31 =	simm.s32 $0xC30  }
0x13c: {  	s0 =	simm.s32 $0x0;
	s21 =	sadd.s32 $0x40, s21  }
0x13d: {  	_ =	sdelay $0x1  }
0x13e: {  	v3 =	vadd.s32 v3, v4  }
0x13f: {  	[tilespmem:s26+$0x0] =	vst v3  }
0x140: {  	s26 =	sand.u32 $0x7C0, s0;
	v3 =	vld [tilespmem:s30+$0xFFFFFFC8]  }
0x141: {  	v4 =	vld [tilespmem:s26+$0x1800];
	_ =	sdelay $0x4  }
0x142: {  	v3 =	vadd.s32 v4, v3  }
0x143: {  	[tilespmem:s26+$0xC00] =	vst v3  }
0x144: {  	v3 =	vld [tilespmem:s30+$0xFFFFFFE0]  }
0x145: {  	v4 =	vld [tilespmem:s30+$0xFFFFFFD8];
	_ =	sdelay $0x4  }
0x146: {  	v3 =	vadd.s32 v3, v4  }
0x147: {  	[tilespmem:s31+$0xFFFFFFE0] =	vst v3  }
0x148: {  	v3 =	vld [tilespmem:s30+$0xFFFFFFF0]  }
0x149: {  	v4 =	vld [tilespmem:s30+$0xFFFFFFE8];
	_ =	sdelay $0x4  }
0x14a: {  	v3 =	vadd.s32 v3, v4  }
0x14b: {  	[tilespmem:s31+$0xFFFFFFF0] =	vst v3  }
0x14c: {  	v3 =	vld [tilespmem:s30+$0x0]  }
0x14d: {  	v4 =	vld [tilespmem:s30+$0xFFFFFFF8]  }
0x14e: {  	s29 =	simm.s32 $0x0  }
0x14f: {  	s20 =	simm.s32 $0xC70;
	s16 =	simm.s32 $0x0;
	s21 =	simm.s32 $0xC30  }
.LBB2_13:
0x150: {  	s29 =	sadd.s32 $0x4, s29;
	s16 =	sadd.s32 $0x40, s16;
	s30 =	sadd.s32 $0x40, s30  }
0x151: {  	p0 =	slt.u32 s29, $0x7C  }
0x152: {  	v3 =	vadd.s32 v3, v4  }
0x153: {  	[tilespmem:s21+$0x0] =	vst v3;
	s21 =	smov.u32 s20  }
0x154: {  	s17 =	sand.u32 $0x7C0, s16;
	v3 =	vld [tilespmem:s30+$0xFFFFFFC8]  }
0x155: {  	v4 =	vld [tilespmem:s17+$0x1800];
	_ =	sdelay $0x4  }
0x156: {  	v3 =	vadd.s32 v4, v3  }
0x157: {  	[tilespmem:s17+$0xC00] =	vst v3  }
0x158: {  	v3 =	vld [tilespmem:s30+$0xFFFFFFE0]  }
0x159: {  	v4 =	vld [tilespmem:s30+$0xFFFFFFD8];
	_ =	sdelay $0x4  }
0x15a: {  	v3 =	vadd.s32 v3, v4  }
0x15b: {  	[tilespmem:s20+$0xFFFFFFE0] =	vst v3  }
0x15c: {  	v3 =	vld [tilespmem:s30+$0xFFFFFFF0]  }
0x15d: {  	v4 =	vld [tilespmem:s30+$0xFFFFFFE8];
	_ =	sdelay $0x4  }
0x15e: {  	v3 =	vadd.s32 v3, v4  }
.Ltmp6:
0x15f: {  	[tilespmem:s20+$0xFFFFFFF0] =	vst v3;
	(pc) =	sbr.rel @p0 .LBB2_13-.Ltmp6, $3  }
0x160: {  	v3 =	vld [tilespmem:s30+$0x0]  }
0x161: {  	v4 =	vld [tilespmem:s30+$0xFFFFFFF8];
	_ =	sdelay $0x1  }
0x162: {  	s28 =	simm.s32 $0x1830;
	s20 =	sadd.s32 $0x40, s20  }
0x163: {  	_ =	sdelay $0x1  }
0x164: {  	v3 =	vadd.s32 v3, v4  }
0x165: {  	[tilespmem:s21+$0x0] =	vst v3  }
0x166: {  	v3 =	vld [tilespmem:s31+$0xFFFFFFC0]  }
0x167: {  	v4 =	vld [tilespmem:s26+$0xC00];
	_ =	sdelay $0x4  }
0x168: {  	v3 =	vadd.s32 v4, v3  }
0x169: {  	[tilespmem:s26+$0x1800] =	vst v3  }
0x16a: {  	v3 =	vld [tilespmem:s31+$0xFFFFFFE0];
	_ =	sdelay $0x4  }
0x16b: {  	v3 =	vadd.s32 v3, v4  }
0x16c: {  	[tilespmem:s28+$0xFFFFFFE0] =	vst v3  }
0x16d: {  	v3 =	vld [tilespmem:s31+$0xFFFFFFF0]  }
0x16e: {  	v4 =	vld [tilespmem:s31+$0xFFFFFFE0];
	_ =	sdelay $0x4  }
0x16f: {  	v3 =	vadd.s32 v3, v4  }
0x170: {  	[tilespmem:s28+$0xFFFFFFF0] =	vst v3  }
0x171: {  	v3 =	vld [tilespmem:s31+$0x0]  }
0x172: {  	v4 =	vld [tilespmem:s31+$0xFFFFFFF0];
	_ =	sdelay $0x2  }
0x173: {  	s20 =	simm.s32 $0x0;
	s16 =	simm.s32 $0x1830;
	s21 =	simm.s32 $0x1870  }
.LBB2_15:
0x174: {  	s20 =	sadd.s32 $0x4, s20;
	s0 =	sadd.s32 $0x40, s0;
	s31 =	sadd.s32 $0x40, s31  }
0x175: {  	p0 =	slt.u32 s20, $0x7C;
	v3 =	vadd.s32 v3, v4  }
0x176: {  	[tilespmem:s16+$0x0] =	vst v3;
	s16 =	smov.u32 s21  }
0x177: {  	s17 =	sand.u32 $0x7C0, s0;
	v3 =	vld [tilespmem:s31+$0xFFFFFFC0]  }
0x178: {  	v4 =	vld [tilespmem:s17+$0xC00];
	_ =	sdelay $0x4  }
0x179: {  	v3 =	vadd.s32 v4, v3  }
0x17a: {  	[tilespmem:s17+$0x1800] =	vst v3  }
0x17b: {  	v3 =	vld [tilespmem:s31+$0xFFFFFFE0];
	_ =	sdelay $0x4  }
0x17c: {  	v3 =	vadd.s32 v3, v4  }
0x17d: {  	[tilespmem:s21+$0xFFFFFFE0] =	vst v3  }
0x17e: {  	v3 =	vld [tilespmem:s31+$0xFFFFFFF0]  }
0x17f: {  	v4 =	vld [tilespmem:s31+$0xFFFFFFE0];
	_ =	sdelay $0x4  }
0x180: {  	v3 =	vadd.s32 v3, v4  }
0x181: {  	[tilespmem:s21+$0xFFFFFFF0] =	vst v3  }
.Ltmp7:
0x182: {  	v3 =	vld [tilespmem:s31+$0x0];
	(pc) =	sbr.rel @p0 .LBB2_15-.Ltmp7, $3  }
0x183: {  	v4 =	vld [tilespmem:s31+$0xFFFFFFF0];
	_ =	sdelay $0x1  }
0x184: {  	s26 =	simm.s32 $0xC30  }
0x185: {  	s29 =	simm.s32 $0x0;
	s21 =	sadd.s32 $0x40, s21  }
0x186: {  	_ = 	snop  }
0x187: {  	v3 =	vadd.s32 v3, v4  }
0x188: {  	[tilespmem:s16+$0x0] =	vst v3  }
0x189: {  	s0 =	sand.u32 $0x7C0, s29;
	v3 =	vld [tilespmem:s28+$0xFFFFFFB0]  }
0x18a: {  	v4 =	vld [tilespmem:s0+$0x1800];
	_ =	sdelay $0x4  }
0x18b: {  	v3 =	vadd.s32 v4, v3  }
0x18c: {  	[tilespmem:s0+$0xC00] =	vst v3  }
0x18d: {  	v3 =	vld [tilespmem:s28+$0xFFFFFFE0]  }
0x18e: {  	v4 =	vld [tilespmem:s28+$0xFFFFFFC0];
	_ =	sdelay $0x4  }
0x18f: {  	v3 =	vadd.s32 v3, v4  }
0x190: {  	[tilespmem:s26+$0xFFFFFFE0] =	vst v3  }
0x191: {  	v3 =	vld [tilespmem:s28+$0xFFFFFFF0]  }
0x192: {  	v4 =	vld [tilespmem:s0+$0x1800];
	_ =	sdelay $0x4  }
0x193: {  	v3 =	vadd.s32 v3, v4  }
0x194: {  	[tilespmem:s26+$0xFFFFFFF0] =	vst v3  }
0x195: {  	v3 =	vld [tilespmem:s28+$0x0]  }
0x196: {  	v4 =	vld [tilespmem:s28+$0xFFFFFFE0]  }
0x197: {  	s31 =	simm.s32 $0x0  }
0x198: {  	s20 =	simm.s32 $0xC70;
	s21 =	simm.s32 $0xC30;
	s16 =	simm.s32 $0x0  }
.LBB2_17:
0x199: {  	s31 =	sadd.s32 $0x4, s31;
	s16 =	sadd.s32 $0x40, s16;
	s28 =	sadd.s32 $0x40, s28  }
0x19a: {  	p0 =	slt.u32 s31, $0x7C  }
0x19b: {  	v3 =	vadd.s32 v3, v4  }
0x19c: {  	[tilespmem:s21+$0x0] =	vst v3;
	s21 =	smov.u32 s20  }
0x19d: {  	s17 =	sand.u32 $0x7C0, s16;
	v3 =	vld [tilespmem:s28+$0xFFFFFFB0]  }
0x19e: {  	v4 =	vld [tilespmem:s17+$0x1800];
	_ =	sdelay $0x4  }
0x19f: {  	v3 =	vadd.s32 v4, v3  }
0x1a0: {  	[tilespmem:s17+$0xC00] =	vst v3  }
0x1a1: {  	v3 =	vld [tilespmem:s28+$0xFFFFFFE0]  }
0x1a2: {  	v4 =	vld [tilespmem:s28+$0xFFFFFFC0];
	_ =	sdelay $0x4  }
0x1a3: {  	v3 =	vadd.s32 v3, v4  }
0x1a4: {  	[tilespmem:s20+$0xFFFFFFE0] =	vst v3  }
0x1a5: {  	v3 =	vld [tilespmem:s28+$0xFFFFFFF0]  }
0x1a6: {  	v4 =	vld [tilespmem:s17+$0x1800];
	_ =	sdelay $0x4  }
0x1a7: {  	v3 =	vadd.s32 v3, v4  }
.Ltmp8:
0x1a8: {  	[tilespmem:s20+$0xFFFFFFF0] =	vst v3;
	(pc) =	sbr.rel @p0 .LBB2_17-.Ltmp8, $3  }
0x1a9: {  	v3 =	vld [tilespmem:s28+$0x0]  }
0x1aa: {  	v4 =	vld [tilespmem:s28+$0xFFFFFFE0];
	_ =	sdelay $0x1  }
0x1ab: {  	s30 =	simm.s32 $0x1830;
	s20 =	sadd.s32 $0x40, s20  }
0x1ac: {  	_ =	sdelay $0x1  }
0x1ad: {  	v3 =	vadd.s32 v3, v4  }
0x1ae: {  	[tilespmem:s21+$0x0] =	vst v3  }
0x1af: {  	v3 =	vld [tilespmem:s26+$0xFFFFFF90]  }
0x1b0: {  	v4 =	vld [tilespmem:s0+$0xC00];
	_ =	sdelay $0x4  }
0x1b1: {  	v3 =	vadd.s32 v4, v3  }
0x1b2: {  	[tilespmem:s0+$0x1800] =	vst v3  }
0x1b3: {  	v3 =	vld [tilespmem:s26+$0xFFFFFFE0]  }
0x1b4: {  	v4 =	vld [tilespmem:s26+$0xFFFFFFA0];
	_ =	sdelay $0x4  }
0x1b5: {  	v3 =	vadd.s32 v3, v4  }
0x1b6: {  	[tilespmem:s30+$0xFFFFFFE0] =	vst v3  }
0x1b7: {  	v3 =	vld [tilespmem:s26+$0xFFFFFFF0]  }
0x1b8: {  	v4 =	vld [tilespmem:s26+$0xFFFFFFB0];
	_ =	sdelay $0x4  }
0x1b9: {  	v3 =	vadd.s32 v3, v4  }
0x1ba: {  	[tilespmem:s30+$0xFFFFFFF0] =	vst v3  }
0x1bb: {  	v3 =	vld [tilespmem:s26+$0x0]  }
0x1bc: {  	v4 =	vld [tilespmem:s26+$0xFFFFFFC0];
	_ =	sdelay $0x1  }
0x1bd: {  	s20 =	simm.s32 $0x1830;
	s21 =	simm.s32 $0x1870;
	s0 =	simm.s32 $0x0  }
.LBB2_19:
0x1be: {  	s0 =	sadd.s32 $0x4, s0;
	s29 =	sadd.s32 $0x40, s29;
	s26 =	sadd.s32 $0x40, s26  }
0x1bf: {  	p0 =	slt.u32 s0, $0x7C  }
0x1c0: {  	v3 =	vadd.s32 v3, v4  }
0x1c1: {  	[tilespmem:s20+$0x0] =	vst v3;
	s20 =	smov.u32 s21  }
0x1c2: {  	s16 =	sand.u32 $0x7C0, s29;
	v3 =	vld [tilespmem:s26+$0xFFFFFF90]  }
0x1c3: {  	v4 =	vld [tilespmem:s16+$0xC00];
	_ =	sdelay $0x4  }
0x1c4: {  	v3 =	vadd.s32 v4, v3  }
0x1c5: {  	[tilespmem:s16+$0x1800] =	vst v3  }
0x1c6: {  	v3 =	vld [tilespmem:s26+$0xFFFFFFE0]  }
0x1c7: {  	v4 =	vld [tilespmem:s26+$0xFFFFFFA0];
	_ =	sdelay $0x4  }
0x1c8: {  	v3 =	vadd.s32 v3, v4  }
0x1c9: {  	[tilespmem:s21+$0xFFFFFFE0] =	vst v3  }
0x1ca: {  	v3 =	vld [tilespmem:s26+$0xFFFFFFF0]  }
0x1cb: {  	v4 =	vld [tilespmem:s26+$0xFFFFFFB0];
	_ =	sdelay $0x4  }
0x1cc: {  	v3 =	vadd.s32 v3, v4  }
.Ltmp9:
0x1cd: {  	[tilespmem:s21+$0xFFFFFFF0] =	vst v3;
	(pc) =	sbr.rel @p0 .LBB2_19-.Ltmp9, $4  }
0x1ce: {  	v3 =	vld [tilespmem:s26+$0x0]  }
0x1cf: {  	v4 =	vld [tilespmem:s26+$0xFFFFFFC0]  }
0x1d0: {  	s28 =	simm.s32 $0xC30  }
0x1d1: {  	s31 =	simm.s32 $0x0;
	s21 =	sadd.s32 $0x40, s21  }
0x1d2: {  	_ =	sdelay $0x1  }
0x1d3: {  	v3 =	vadd.s32 v3, v4  }
0x1d4: {  	s0 =	sand.u32 $0x7C0, s31;
	[tilespmem:s20+$0x0] =	vst v3  }
0x1d5: {  	v3 =	vld [tilespmem:s0+$0x1800]  }
0x1d6: {  	v4 =	vld [tilespmem:s0+$0x1780];
	_ =	sdelay $0x4  }
0x1d7: {  	v3 =	vadd.s32 v3, v4  }
0x1d8: {  	[tilespmem:s0+$0xC00] =	vst v3  }
0x1d9: {  	v3 =	vld [tilespmem:s30+$0xFFFFFFE0]  }
0x1da: {  	v4 =	vld [tilespmem:s30+$0xFFFFFF60];
	_ =	sdelay $0x4  }
0x1db: {  	v3 =	vadd.s32 v3, v4  }
0x1dc: {  	[tilespmem:s28+$0xFFFFFFE0] =	vst v3  }
0x1dd: {  	v3 =	vld [tilespmem:s30+$0xFFFFFFF0]  }
0x1de: {  	v4 =	vld [tilespmem:s30+$0xFFFFFF70];
	_ =	sdelay $0x4  }
0x1df: {  	v3 =	vadd.s32 v3, v4  }
0x1e0: {  	[tilespmem:s28+$0xFFFFFFF0] =	vst v3  }
0x1e1: {  	v3 =	vld [tilespmem:s30+$0x0]  }
0x1e2: {  	s29 =	simm.s32 $0x0;
	v4 =	vld [tilespmem:s30+$0xFFFFFF80]  }
0x1e3: {  	s16 =	simm.s32 $0x0;
	s21 =	simm.s32 $0xC30;
	s20 =	simm.s32 $0xC70  }
.LBB2_21:
0x1e4: {  	s29 =	sadd.s32 $0x4, s29;
	s16 =	sadd.s32 $0x40, s16;
	s30 =	sadd.s32 $0x40, s30  }
0x1e5: {  	p0 =	slt.u32 s29, $0x7C;
	_ =	sdelay $0x1  }
0x1e6: {  	v3 =	vadd.s32 v3, v4  }
0x1e7: {  	s17 =	sand.u32 $0x7C0, s16;
	[tilespmem:s21+$0x0] =	vst v3;
	s21 =	smov.u32 s20  }
0x1e8: {  	v3 =	vld [tilespmem:s17+$0x1800]  }
0x1e9: {  	v4 =	vld [tilespmem:s17+$0x1780];
	_ =	sdelay $0x4  }
0x1ea: {  	v3 =	vadd.s32 v3, v4  }
0x1eb: {  	[tilespmem:s17+$0xC00] =	vst v3  }
0x1ec: {  	v3 =	vld [tilespmem:s30+$0xFFFFFFE0]  }
0x1ed: {  	v4 =	vld [tilespmem:s30+$0xFFFFFF60];
	_ =	sdelay $0x4  }
0x1ee: {  	v3 =	vadd.s32 v3, v4  }
0x1ef: {  	[tilespmem:s20+$0xFFFFFFE0] =	vst v3  }
0x1f0: {  	v3 =	vld [tilespmem:s30+$0xFFFFFFF0]  }
0x1f1: {  	v4 =	vld [tilespmem:s30+$0xFFFFFF70];
	_ =	sdelay $0x4  }
.Ltmp10:
0x1f2: {  	v3 =	vadd.s32 v3, v4;
	(pc) =	sbr.rel @p0 .LBB2_21-.Ltmp10, $4  }
0x1f3: {  	[tilespmem:s20+$0xFFFFFFF0] =	vst v3  }
0x1f4: {  	v3 =	vld [tilespmem:s30+$0x0]  }
0x1f5: {  	v4 =	vld [tilespmem:s30+$0xFFFFFF80]  }
0x1f6: {  	s26 =	simm.s32 $0x1830;
	s20 =	sadd.s32 $0x40, s20  }
0x1f7: {  	_ =	sdelay $0x2  }
0x1f8: {  	v3 =	vadd.s32 v3, v4  }
0x1f9: {  	[tilespmem:s21+$0x0] =	vst v3  }
0x1fa: {  	v3 =	vld [tilespmem:s0+$0xC00]  }
0x1fb: {  	v4 =	vld [tilespmem:s0+$0xB00];
	_ =	sdelay $0x4  }
0x1fc: {  	v3 =	vadd.s32 v3, v4  }
0x1fd: {  	[tilespmem:s0+$0x1800] =	vst v3  }
0x1fe: {  	v3 =	vld [tilespmem:s28+$0xFFFFFFE0]  }
0x1ff: {  	v4 =	vld [tilespmem:s28+$0xFFFFFEE0];
	_ =	sdelay $0x4  }
0x200: {  	v3 =	vadd.s32 v3, v4  }
0x201: {  	[tilespmem:s26+$0xFFFFFFE0] =	vst v3  }
0x202: {  	v3 =	vld [tilespmem:s28+$0xFFFFFFF0]  }
0x203: {  	v4 =	vld [tilespmem:s28+$0xFFFFFEF0];
	_ =	sdelay $0x4  }
0x204: {  	v3 =	vadd.s32 v3, v4  }
0x205: {  	[tilespmem:s26+$0xFFFFFFF0] =	vst v3  }
0x206: {  	v3 =	vld [tilespmem:s28+$0x0]  }
0x207: {  	v4 =	vld [tilespmem:s28+$0xFFFFFF00]  }
0x208: {  	s20 =	simm.s32 $0x0;
	s16 =	simm.s32 $0x1870;
	s0 =	simm.s32 $0x1620  }
.LBB2_23:
0x209: {  	s20 =	sadd.s32 $0x4, s20;
	s31 =	sadd.s32 $0x40, s31;
	s28 =	sadd.s32 $0x40, s28  }
0x20a: {  	p0 =	slt.u32 s20, $0x7C;
	_ =	sdelay $0x1  }
0x20b: {  	v3 =	vadd.s32 v3, v4  }
0x20c: {  	s17 =	sand.u32 $0x7C0, s31;
	[tilespmem:s26+$0x0] =	vst v3;
	s26 =	smov.u32 s16  }
0x20d: {  	v3 =	vld [tilespmem:s17+$0xC00]  }
0x20e: {  	v4 =	vld [tilespmem:s17+$0xB00];
	_ =	sdelay $0x4  }
0x20f: {  	v3 =	vadd.s32 v3, v4  }
0x210: {  	[tilespmem:s17+$0x1800] =	vst v3  }
0x211: {  	v3 =	vld [tilespmem:s28+$0xFFFFFFE0]  }
0x212: {  	v4 =	vld [tilespmem:s28+$0xFFFFFEE0];
	_ =	sdelay $0x4  }
0x213: {  	v3 =	vadd.s32 v3, v4  }
0x214: {  	[tilespmem:s16+$0xFFFFFFE0] =	vst v3  }
0x215: {  	v3 =	vld [tilespmem:s28+$0xFFFFFFF0]  }
0x216: {  	v4 =	vld [tilespmem:s28+$0xFFFFFEF0];
	_ =	sdelay $0x4  }
.Ltmp11:
0x217: {  	v3 =	vadd.s32 v3, v4;
	(pc) =	sbr.rel @p0 .LBB2_23-.Ltmp11, $4  }
0x218: {  	[tilespmem:s16+$0xFFFFFFF0] =	vst v3  }
0x219: {  	v3 =	vld [tilespmem:s28+$0x0]  }
0x21a: {  	s30 =	simm.s32 $0xC30;
	v4 =	vld [tilespmem:s28+$0xFFFFFF00]  }
0x21b: {  	s29 =	simm.s32 $0x0;
	s16 =	sadd.s32 $0x40, s16  }
0x21c: {  	_ =	sdelay $0x2  }
0x21d: {  	v3 =	vadd.s32 v3, v4  }
0x21e: {  	s28 =	sand.u32 $0x7C0, s29;
	[tilespmem:s26+$0x0] =	vst v3  }
0x21f: {  	v3 =	vld [tilespmem:s28+$0x1800]  }
0x220: {  	v4 =	vld [tilespmem:s28+$0x1600];
	_ =	sdelay $0x4  }
0x221: {  	v3 =	vadd.s32 v3, v4  }
0x222: {  	[tilespmem:s28+$0xC00] =	vst v3  }
0x223: {  	v3 =	vld [tilespmem:s0+$0x1F0]  }
0x224: {  	v4 =	vld [tilespmem:s0+$0xFFFFFFF0];
	_ =	sdelay $0x4  }
0x225: {  	v3 =	vadd.s32 v3, v4  }
0x226: {  	[tilespmem:s30+$0xFFFFFFE0] =	vst v3  }
0x227: {  	v3 =	vld [tilespmem:s0+$0x200]  }
0x228: {  	v4 =	vld [tilespmem:s0+$0x0];
	_ =	sdelay $0x4  }
0x229: {  	v3 =	vadd.s32 v3, v4  }
0x22a: {  	[tilespmem:s30+$0xFFFFFFF0] =	vst v3  }
0x22b: {  	v3 =	vld [tilespmem:s0+$0x210]  }
0x22c: {  	s20 =	simm.s32 $0x0;
	v4 =	vld [tilespmem:s0+$0x10]  }
0x22d: {  	s21 =	simm.s32 $0xC70;
	s31 =	simm.s32 $0x800;
	s16 =	simm.s32 $0x0  }
.LBB2_25:
0x22e: {  	s20 =	sadd.s32 $0x4, s20;
	s16 =	sadd.s32 $0x40, s16;
	s0 =	sadd.s32 $0x40, s0  }
0x22f: {  	p0 =	slt.u32 s20, $0x7C;
	_ =	sdelay $0x1  }
0x230: {  	v3 =	vadd.s32 v3, v4  }
0x231: {  	s17 =	sand.u32 $0x7C0, s16;
	[tilespmem:s30+$0x0] =	vst v3;
	s30 =	smov.u32 s21  }
0x232: {  	v3 =	vld [tilespmem:s17+$0x1800]  }
0x233: {  	v4 =	vld [tilespmem:s17+$0x1600];
	_ =	sdelay $0x4  }
0x234: {  	v3 =	vadd.s32 v3, v4  }
0x235: {  	[tilespmem:s17+$0xC00] =	vst v3  }
0x236: {  	v3 =	vld [tilespmem:s0+$0x1F0]  }
0x237: {  	v4 =	vld [tilespmem:s0+$0xFFFFFFF0];
	_ =	sdelay $0x4  }
0x238: {  	v3 =	vadd.s32 v3, v4  }
0x239: {  	[tilespmem:s21+$0xFFFFFFE0] =	vst v3  }
0x23a: {  	v3 =	vld [tilespmem:s0+$0x200]  }
0x23b: {  	v4 =	vld [tilespmem:s0+$0x0];
	_ =	sdelay $0x4  }
.Ltmp12:
0x23c: {  	v3 =	vadd.s32 v3, v4;
	(pc) =	sbr.rel @p0 .LBB2_25-.Ltmp12, $4  }
0x23d: {  	[tilespmem:s21+$0xFFFFFFF0] =	vst v3  }
0x23e: {  	v3 =	vld [tilespmem:s0+$0x210]  }
0x23f: {  	v4 =	vld [tilespmem:s0+$0x10]  }
0x240: {  	s26 =	simm.s32 $0x1830;
	s21 =	sadd.s32 $0x40, s21  }
0x241: {  	_ =	sdelay $0x2  }
0x242: {  	v3 =	vadd.s32 v3, v4  }
0x243: {  	[tilespmem:s30+$0x0] =	vst v3  }
0x244: {  	v3 =	vld [tilespmem:s31+$0x0]  }
0x245: {  	v4 =	vld [tilespmem:s28+$0xC00];
	_ =	sdelay $0x4  }
0x246: {  	v3 =	vadd.s32 v4, v3  }
0x247: {  	[tilespmem:s28+$0x1800] =	vst v3  }
0x248: {  	v3 =	vld [tilespmem:s31+$0x410]  }
0x249: {  	v4 =	vld [tilespmem:s31+$0x10];
	_ =	sdelay $0x4  }
0x24a: {  	v3 =	vadd.s32 v3, v4  }
0x24b: {  	[tilespmem:s26+$0xFFFFFFE0] =	vst v3  }
0x24c: {  	v3 =	vld [tilespmem:s31+$0x420]  }
0x24d: {  	v4 =	vld [tilespmem:s31+$0x20];
	_ =	sdelay $0x4  }
0x24e: {  	v3 =	vadd.s32 v3, v4  }
0x24f: {  	[tilespmem:s26+$0xFFFFFFF0] =	vst v3  }
0x250: {  	v3 =	vld [tilespmem:s31+$0x430]  }
0x251: {  	v4 =	vld [tilespmem:s31+$0x30]  }
0x252: {  	s20 =	simm.s32 $0x840  }
0x253: {  	s30 =	simm.s32 $0x1830;
	s28 =	simm.s32 $0x0;
	s31 =	simm.s32 $0x1830  }
.LBB2_27:
0x254: {  	s28 =	sadd.s32 $0x4, s28;
	s29 =	sadd.s32 $0x40, s29;
	s31 =	sadd.s32 $0x40, s31  }
0x255: {  	p0 =	slt.u32 s28, $0x7C  }
0x256: {  	v3 =	vadd.s32 v3, v4  }
0x257: {  	[tilespmem:s30+$0x0] =	vst v3;
	s30 =	smov.u32 s31  }
0x258: {  	s0 =	sand.u32 $0x7C0, s29;
	v3 =	vld [tilespmem:s20+$0x0]  }
0x259: {  	v4 =	vld [tilespmem:s0+$0xC00];
	_ =	sdelay $0x4  }
0x25a: {  	v3 =	vadd.s32 v4, v3  }
0x25b: {  	[tilespmem:s0+$0x1800] =	vst v3  }
0x25c: {  	v3 =	vld [tilespmem:s20+$0x410]  }
0x25d: {  	v4 =	vld [tilespmem:s20+$0x10];
	_ =	sdelay $0x4  }
0x25e: {  	v3 =	vadd.s32 v3, v4  }
0x25f: {  	[tilespmem:s31+$0xFFFFFFE0] =	vst v3  }
0x260: {  	v3 =	vld [tilespmem:s20+$0x420]  }
0x261: {  	v4 =	vld [tilespmem:s20+$0x20];
	_ =	sdelay $0x4  }
0x262: {  	v3 =	vadd.s32 v3, v4  }
.Ltmp13:
0x263: {  	[tilespmem:s31+$0xFFFFFFF0] =	vst v3;
	(pc) =	sbr.rel @p0 .LBB2_27-.Ltmp13, $4  }
0x264: {  	v3 =	vld [tilespmem:s20+$0x430]  }
0x265: {  	v4 =	vld [tilespmem:s20+$0x30]  }
0x266: {  	s21 =	simm.s32 $0x0;
	s0 =	simm.s32 $0xC30  }
0x267: {  	s16 =	simm.s32 $0x20;
	s20 =	sadd.s32 $0x40, s20  }
0x268: {  	_ =	sdelay $0x1  }
0x269: {  	v3 =	vadd.s32 v3, v4  }
0x26a: {  	[tilespmem:s30+$0x0] =	vst v3  }
0x26b: {  	s17 =	sand.u32 $0x7C0, s21;
	v3 =	vld [tilespmem:s16+$0xFFFFFFE0]  }
0x26c: {  	v60 =	vld [tilespmem:s17+$0x1800];
	_ =	sdelay $0x3  }
0x26d: {  	v3 =	vadd.s32 $0xFFFFFFFF, v3  }
0x26e: {  	vm0 =	vlt.u32 v3, $0x2;
	v3 =	vadd.s32 $0xFFFFFFFF, v60  }
0x26f: {  	v3 =	vnsel vm0, $0x800, v3  }
0x270: {  	[tilespmem:s17+$0xC00] =	vst v3  }
0x271: {  	v3 =	vld [tilespmem:s16+$0xFFFFFFF0]  }
0x272: {  	v61 =	vld [tilespmem:s26+$0xFFFFFFE0];
	_ =	sdelay $0x3  }
0x273: {  	v3 =	vadd.s32 $0xFFFFFFFF, v3  }
0x274: {  	vm13 =	vlt.u32 v3, $0x2;
	v3 =	vadd.s32 $0xFFFFFFFF, v61  }
0x275: {  	v3 =	vnsel vm13, $0x800, v3  }
0x276: {  	[tilespmem:s0+$0xFFFFFFE0] =	vst v3  }
0x277: {  	v3 =	vld [tilespmem:s16+$0x0]  }
0x278: {  	v62 =	vld [tilespmem:s26+$0xFFFFFFF0];
	_ =	sdelay $0x3  }
0x279: {  	v3 =	vadd.s32 $0xFFFFFFFF, v3  }
0x27a: {  	vm14 =	vlt.u32 v3, $0x2;
	v3 =	vadd.s32 $0xFFFFFFFF, v62  }
0x27b: {  	v3 =	vnsel vm14, $0x800, v3  }
0x27c: {  	[tilespmem:s0+$0xFFFFFFF0] =	vst v3  }
0x27d: {  	v3 =	vld [tilespmem:s16+$0x10]  }
0x27e: {  	v63 =	vld [tilespmem:s26+$0x0];
	_ =	sdelay $0x3  }
0x27f: {  	v3 =	vadd.s32 $0xFFFFFFFF, v3  }
0x280: {  	vm15 =	vlt.u32 v3, $0x2;
	v3 =	vadd.s32 $0xFFFFFFFF, v63  }
0x281: {  	v3 =	vnsel vm15, $0x800, v3  }
0x282: {  	s28 =	simm.s32 $0x0;
	s29 =	simm.s32 $0x60;
	s30 =	simm.s32 $0x40;
	[tilespmem:s0+$0x0] =	vst v3  }
.LBB2_29:
0x283: {  	v3 =	vld [tilespmem:s29+$0xFFFFFFE0];
	s16 =	sand.u32 $0x7C0, s30;
	s28 =	sadd.s32 $0x4, s28  }
0x284: {  	v4 =	vld [tilespmem:s16+$0x1800];
	p0 =	slt.u32 s28, $0x7C;
	_ =	sdelay $0x3  }
0x285: {  	v3 =	vadd.s32 $0xFFFFFFFF, v3  }
0x286: {  	vm0 =	vlt.u32 v3, $0x2;
	v3 =	vadd.s32 $0xFFFFFFFF, v4  }
0x287: {  	v3 =	vnsel vm0, $0x800, v3  }
0x288: {  	[tilespmem:s16+$0xC00] =	vst v3  }
0x289: {  	s26 =	sadd.s32 $0x40, s26;
	v3 =	vld [tilespmem:s29+$0xFFFFFFF0]  }
0x28a: {  	v4 =	vld [tilespmem:s26+$0xFFFFFFE0];
	_ =	sdelay $0x3  }
0x28b: {  	v3 =	vadd.s32 $0xFFFFFFFF, v3  }
0x28c: {  	vm0 =	vlt.u32 v3, $0x2;
	v3 =	vadd.s32 $0xFFFFFFFF, v4  }
0x28d: {  	s0 =	sadd.s32 $0x40, s0;
	v3 =	vnsel vm0, $0x800, v3  }
0x28e: {  	[tilespmem:s0+$0xFFFFFFE0] =	vst v3  }
0x28f: {  	v3 =	vld [tilespmem:s29+$0x0]  }
0x290: {  	v4 =	vld [tilespmem:s26+$0xFFFFFFF0];
	_ =	sdelay $0x3  }
0x291: {  	v3 =	vadd.s32 $0xFFFFFFFF, v3  }
0x292: {  	vm0 =	vlt.u32 v3, $0x2;
	v3 =	vadd.s32 $0xFFFFFFFF, v4  }
0x293: {  	v3 =	vnsel vm0, $0x800, v3  }
0x294: {  	[tilespmem:s0+$0xFFFFFFF0] =	vst v3  }
0x295: {  	v3 =	vld [tilespmem:s29+$0x10]  }
0x296: {  	v4 =	vld [tilespmem:s26+$0x0];
	_ =	sdelay $0x2  }
.Ltmp14:
0x297: {  	(pc) =	sbr.rel @p0 .LBB2_29-.Ltmp14, $4  }
0x298: {  	v3 =	vadd.s32 $0xFFFFFFFF, v3  }
0x299: {  	vm0 =	vlt.u32 v3, $0x2;
	v3 =	vadd.s32 $0xFFFFFFFF, v4  }
0x29a: {  	v3 =	vnsel vm0, $0x800, v3  }
0x29b: {  	s30 =	sadd.s32 $0x40, s30;
	s29 =	sadd.s32 $0x40, s29;
	[tilespmem:s0+$0x0] =	vst v3  }
0x29c: {  	[spmem:s4] =	stream.linear.scatter [tilespmem:s23], [sflag:$0x2], $0x8000, $0x38;
	[tilespmem:$0xC808] =	vst v63  }
0x29d: {  	_ =	swait.ge [sflag:s24], $0x8000  }
0x29e: {  	[sflag:s24] =	ssyncset.done $0x0  }
0x29f: {  	[sflag:s24] =	ssyncadd.s32 $0xFFFF8000  }
0x2a0: {  	[spmem:s5] =	stream.linear.scatter [tilespmem:s23], [sflag:$0x2], $0x8000, $0x38;
	[tilespmem:$0xC808] =	vst v63  }
0x2a1: {  	_ =	swait.ge [sflag:s24], $0x8000  }
0x2a2: {  	[sflag:s24] =	ssyncset.done $0x0  }
0x2a3: {  	[sflag:s24] =	ssyncadd.s32 $0xFFFF8000  }
0x2a4: {  	[spmem:s6] =	stream.linear.scatter [tilespmem:s23], [sflag:$0x2], $0x8000, $0x38;
	[tilespmem:$0xC808] =	vst v63  }
0x2a5: {  	_ =	swait.ge [sflag:s24], $0x8000  }
0x2a6: {  	[sflag:s24] =	ssyncset.done $0x0  }
0x2a7: {  	[sflag:s24] =	ssyncadd.s32 $0xFFFF8000  }
0x2a8: {  	[spmem:s7] =	stream.linear.scatter [tilespmem:s23], [sflag:$0x2], $0x8000, $0x38;
	[tilespmem:$0xC808] =	vst v63  }
0x2a9: {  	_ =	swait.ge [sflag:s24], $0x8000  }
0x2aa: {  	[sflag:s24] =	ssyncset.done $0x0  }
0x2ab: {  	[sflag:s24] =	ssyncadd.s32 $0xFFFF8000  }
0x2ac: {  	v3 =	vld [tilespmem:$0xC00]  }
0x2ad: {  	v4 =	vld [tilespmem:$0xC10]  }
0x2ae: {  	v5 =	vld [tilespmem:$0xC20]  }
0x2af: {  	v6 =	vld [tilespmem:$0xC30]  }
0x2b0: {  	v7 =	vld [tilespmem:$0xC40]  }
0x2b1: {  	v8 =	vld [tilespmem:$0xC50];
	v3 =	vmin.u32 v3, $0x400  }
0x2b2: {  	v9 =	vld [tilespmem:$0xC60];
	v4 =	vmin.u32 v4, $0x400;
	v3 =	vadd.s32 v0, v3  }
0x2b3: {  	v27 =	vld [tilespmem:$0xC70];
	v26 =	vmin.u32 v5, $0x400;
	[tilespmem:$0x2000] =	vst v3;
	v3 =	vadd.s32 v0, v4  }
0x2b4: {  	v29 =	vld [tilespmem:$0xC80];
	v28 =	vmin.u32 v6, $0x400;
	[tilespmem:$0x2010] =	vst v3;
	v3 =	vadd.s32 v0, v26  }
0x2b5: {  	v31 =	vld [tilespmem:$0xC90];
	v30 =	vmin.u32 v7, $0x400;
	[tilespmem:$0x2020] =	vst v3;
	v3 =	vadd.s32 v0, v28  }
0x2b6: {  	v33 =	vld [tilespmem:$0xCA0];
	v32 =	vmin.u32 v8, $0x400;
	[tilespmem:$0x2030] =	vst v3;
	v3 =	vadd.s32 v0, v30  }
0x2b7: {  	v35 =	vld [tilespmem:$0xCB0];
	v34 =	vmin.u32 v9, $0x400;
	[tilespmem:$0x2040] =	vst v3;
	v3 =	vadd.s32 v0, v32  }
0x2b8: {  	v37 =	vld [tilespmem:$0xCC0];
	v36 =	vmin.u32 v27, $0x400;
	[tilespmem:$0x2050] =	vst v3;
	v3 =	vadd.s32 v0, v34  }
0x2b9: {  	v39 =	vld [tilespmem:$0xCD0];
	v38 =	vmin.u32 v29, $0x400;
	[tilespmem:$0x2060] =	vst v3;
	v3 =	vadd.s32 v0, v36  }
0x2ba: {  	v41 =	vld [tilespmem:$0xCE0];
	v40 =	vmin.u32 v31, $0x400;
	[tilespmem:$0x2070] =	vst v3;
	v3 =	vadd.s32 v0, v38  }
0x2bb: {  	v43 =	vld [tilespmem:$0xCF0];
	v42 =	vmin.u32 v33, $0x400;
	[tilespmem:$0x2080] =	vst v3;
	v3 =	vadd.s32 v0, v40  }
0x2bc: {  	v45 =	vld [tilespmem:$0xD00];
	v44 =	vmin.u32 v35, $0x400;
	[tilespmem:$0x2090] =	vst v3;
	v3 =	vadd.s32 v0, v42  }
0x2bd: {  	v47 =	vld [tilespmem:$0xD10];
	v46 =	vmin.u32 v37, $0x400;
	[tilespmem:$0x20A0] =	vst v3;
	v3 =	vadd.s32 v0, v44  }
0x2be: {  	v49 =	vld [tilespmem:$0xD20];
	v48 =	vmin.u32 v39, $0x400;
	[tilespmem:$0x20B0] =	vst v3;
	v3 =	vadd.s32 v0, v46  }
0x2bf: {  	v51 =	vld [tilespmem:$0xD30];
	v50 =	vmin.u32 v41, $0x400;
	[tilespmem:$0x20C0] =	vst v3;
	v3 =	vadd.s32 v0, v48  }
0x2c0: {  	v53 =	vld [tilespmem:$0xD40];
	v52 =	vmin.u32 v43, $0x400;
	[tilespmem:$0x20D0] =	vst v3;
	v3 =	vadd.s32 v0, v50  }
0x2c1: {  	v55 =	vld [tilespmem:$0xD50];
	v54 =	vmin.u32 v45, $0x400;
	[tilespmem:$0x20E0] =	vst v3;
	v3 =	vadd.s32 v0, v52  }
0x2c2: {  	v57 =	vld [tilespmem:$0xD60];
	v56 =	vmin.u32 v47, $0x400;
	[tilespmem:$0x20F0] =	vst v3;
	v3 =	vadd.s32 v0, v54  }
0x2c3: {  	v59 =	vld [tilespmem:$0xD70];
	v58 =	vmin.u32 v49, $0x400;
	[tilespmem:$0x2100] =	vst v3;
	v3 =	vadd.s32 v0, v56  }
0x2c4: {  	v61 =	vld [tilespmem:$0xD80];
	v60 =	vmin.u32 v51, $0x400;
	[tilespmem:$0x2110] =	vst v3;
	v3 =	vadd.s32 v0, v58  }
0x2c5: {  	v63 =	vld [tilespmem:$0xD90];
	v62 =	vmin.u32 v53, $0x400;
	[tilespmem:$0x2120] =	vst v3;
	v3 =	vadd.s32 v0, v60  }
0x2c6: {  	v13 =	vld [tilespmem:$0xDA0];
	v12 =	vmin.u32 v55, $0x400;
	[tilespmem:$0x2130] =	vst v3;
	v3 =	vadd.s32 v0, v62  }
0x2c7: {  	v15 =	vld [tilespmem:$0xDB0];
	v14 =	vmin.u32 v57, $0x400;
	[tilespmem:$0x2140] =	vst v3;
	v3 =	vadd.s32 v0, v12  }
0x2c8: {  	v17 =	vld [tilespmem:$0xDC0];
	v16 =	vmin.u32 v59, $0x400;
	[tilespmem:$0x2150] =	vst v3;
	v3 =	vadd.s32 v0, v14  }
0x2c9: {  	v19 =	vld [tilespmem:$0xDD0];
	v18 =	vmin.u32 v61, $0x400;
	[tilespmem:$0x2160] =	vst v3;
	v3 =	vadd.s32 v0, v16  }
0x2ca: {  	v21 =	vld [tilespmem:$0xDE0];
	v20 =	vmin.u32 v63, $0x400;
	[tilespmem:$0x2170] =	vst v3;
	v3 =	vadd.s32 v0, v18  }
0x2cb: {  	v23 =	vld [tilespmem:$0xDF0];
	v22 =	vmin.u32 v13, $0x400;
	[tilespmem:$0x2180] =	vst v3;
	v3 =	vadd.s32 v0, v20  }
0x2cc: {  	v25 =	vld [tilespmem:$0xE00];
	v24 =	vmin.u32 v15, $0x400;
	[tilespmem:$0x2190] =	vst v3;
	v3 =	vadd.s32 v0, v22  }
0x2cd: {  	v27 =	vld [tilespmem:$0xE10];
	v26 =	vmin.u32 v17, $0x400;
	[tilespmem:$0x21A0] =	vst v3;
	v3 =	vadd.s32 v0, v24  }
0x2ce: {  	v29 =	vld [tilespmem:$0xE20];
	v28 =	vmin.u32 v19, $0x400;
	[tilespmem:$0x21B0] =	vst v3;
	v3 =	vadd.s32 v0, v26  }
0x2cf: {  	v31 =	vld [tilespmem:$0xE30];
	v30 =	vmin.u32 v21, $0x400;
	[tilespmem:$0x21C0] =	vst v3;
	v3 =	vadd.s32 v0, v28  }
0x2d0: {  	v33 =	vld [tilespmem:$0xE40];
	v32 =	vmin.u32 v23, $0x400;
	[tilespmem:$0x21D0] =	vst v3;
	v3 =	vadd.s32 v0, v30  }
0x2d1: {  	v35 =	vld [tilespmem:$0xE50];
	v34 =	vmin.u32 v25, $0x400;
	[tilespmem:$0x21E0] =	vst v3;
	v3 =	vadd.s32 v0, v32  }
0x2d2: {  	v37 =	vld [tilespmem:$0xE60];
	v36 =	vmin.u32 v27, $0x400;
	[tilespmem:$0x21F0] =	vst v3;
	v3 =	vadd.s32 v0, v34  }
0x2d3: {  	v39 =	vld [tilespmem:$0xE70];
	v38 =	vmin.u32 v29, $0x400;
	[tilespmem:$0x2200] =	vst v3;
	v3 =	vadd.s32 v0, v36  }
0x2d4: {  	v41 =	vld [tilespmem:$0xE80];
	v40 =	vmin.u32 v31, $0x400;
	[tilespmem:$0x2210] =	vst v3;
	v3 =	vadd.s32 v0, v38  }
0x2d5: {  	v43 =	vld [tilespmem:$0xE90];
	v42 =	vmin.u32 v33, $0x400;
	[tilespmem:$0x2220] =	vst v3;
	v3 =	vadd.s32 v0, v40  }
0x2d6: {  	v45 =	vld [tilespmem:$0xEA0];
	v44 =	vmin.u32 v35, $0x400;
	[tilespmem:$0x2230] =	vst v3;
	v3 =	vadd.s32 v0, v42  }
0x2d7: {  	v47 =	vld [tilespmem:$0xEB0];
	v46 =	vmin.u32 v37, $0x400;
	[tilespmem:$0x2240] =	vst v3;
	v3 =	vadd.s32 v0, v44  }
0x2d8: {  	v49 =	vld [tilespmem:$0xEC0];
	v48 =	vmin.u32 v39, $0x400;
	[tilespmem:$0x2250] =	vst v3;
	v3 =	vadd.s32 v0, v46  }
0x2d9: {  	v51 =	vld [tilespmem:$0xED0];
	v50 =	vmin.u32 v41, $0x400;
	[tilespmem:$0x2260] =	vst v3;
	v3 =	vadd.s32 v0, v48  }
0x2da: {  	v53 =	vld [tilespmem:$0xEE0];
	v52 =	vmin.u32 v43, $0x400;
	[tilespmem:$0x2270] =	vst v3;
	v3 =	vadd.s32 v0, v50  }
0x2db: {  	v55 =	vld [tilespmem:$0xEF0];
	v54 =	vmin.u32 v45, $0x400;
	[tilespmem:$0x2280] =	vst v3;
	v3 =	vadd.s32 v0, v52  }
0x2dc: {  	v57 =	vld [tilespmem:$0xF00];
	v56 =	vmin.u32 v47, $0x400;
	[tilespmem:$0x2290] =	vst v3;
	v3 =	vadd.s32 v0, v54  }
0x2dd: {  	v59 =	vld [tilespmem:$0xF10];
	v58 =	vmin.u32 v49, $0x400;
	[tilespmem:$0x22A0] =	vst v3;
	v3 =	vadd.s32 v0, v56  }
0x2de: {  	v61 =	vld [tilespmem:$0xF20];
	v60 =	vmin.u32 v51, $0x400;
	[tilespmem:$0x22B0] =	vst v3;
	v3 =	vadd.s32 v0, v58  }
0x2df: {  	v63 =	vld [tilespmem:$0xF30];
	v62 =	vmin.u32 v53, $0x400;
	[tilespmem:$0x22C0] =	vst v3;
	v3 =	vadd.s32 v0, v60  }
0x2e0: {  	v13 =	vld [tilespmem:$0xF40];
	v12 =	vmin.u32 v55, $0x400;
	[tilespmem:$0x22D0] =	vst v3;
	v3 =	vadd.s32 v0, v62  }
0x2e1: {  	v15 =	vld [tilespmem:$0xF50];
	v14 =	vmin.u32 v57, $0x400;
	[tilespmem:$0x22E0] =	vst v3;
	v3 =	vadd.s32 v0, v12  }
0x2e2: {  	v17 =	vld [tilespmem:$0xF60];
	v16 =	vmin.u32 v59, $0x400;
	[tilespmem:$0x22F0] =	vst v3;
	v3 =	vadd.s32 v0, v14  }
0x2e3: {  	v19 =	vld [tilespmem:$0xF70];
	v18 =	vmin.u32 v61, $0x400;
	[tilespmem:$0x2300] =	vst v3;
	v3 =	vadd.s32 v0, v16  }
0x2e4: {  	v21 =	vld [tilespmem:$0xF80];
	v20 =	vmin.u32 v63, $0x400;
	[tilespmem:$0x2310] =	vst v3;
	v3 =	vadd.s32 v0, v18  }
0x2e5: {  	v23 =	vld [tilespmem:$0xF90];
	v22 =	vmin.u32 v13, $0x400;
	[tilespmem:$0x2320] =	vst v3;
	v3 =	vadd.s32 v0, v20  }
0x2e6: {  	v25 =	vld [tilespmem:$0xFA0];
	v24 =	vmin.u32 v15, $0x400;
	[tilespmem:$0x2330] =	vst v3;
	v3 =	vadd.s32 v0, v22  }
0x2e7: {  	v27 =	vld [tilespmem:$0xFB0];
	v26 =	vmin.u32 v17, $0x400;
	[tilespmem:$0x2340] =	vst v3;
	v3 =	vadd.s32 v0, v24  }
0x2e8: {  	v29 =	vld [tilespmem:$0xFC0];
	v28 =	vmin.u32 v19, $0x400;
	[tilespmem:$0x2350] =	vst v3;
	v3 =	vadd.s32 v0, v26  }
0x2e9: {  	v31 =	vld [tilespmem:$0xFD0];
	v30 =	vmin.u32 v21, $0x400;
	[tilespmem:$0x2360] =	vst v3;
	v3 =	vadd.s32 v0, v28  }
0x2ea: {  	v33 =	vld [tilespmem:$0xFE0];
	v32 =	vmin.u32 v23, $0x400;
	[tilespmem:$0x2370] =	vst v3;
	v3 =	vadd.s32 v0, v30  }
0x2eb: {  	v35 =	vld [tilespmem:$0xFF0];
	v34 =	vmin.u32 v25, $0x400;
	[tilespmem:$0x2380] =	vst v3;
	v3 =	vadd.s32 v0, v32  }
0x2ec: {  	v37 =	vld [tilespmem:$0x1000];
	v36 =	vmin.u32 v27, $0x400;
	[tilespmem:$0x2390] =	vst v3;
	v3 =	vadd.s32 v0, v34  }
0x2ed: {  	v39 =	vld [tilespmem:$0x1010];
	v38 =	vmin.u32 v29, $0x400;
	[tilespmem:$0x23A0] =	vst v3;
	v3 =	vadd.s32 v0, v36  }
0x2ee: {  	v41 =	vld [tilespmem:$0x1020];
	v40 =	vmin.u32 v31, $0x400;
	[tilespmem:$0x23B0] =	vst v3;
	v3 =	vadd.s32 v0, v38  }
0x2ef: {  	v43 =	vld [tilespmem:$0x1030];
	v42 =	vmin.u32 v33, $0x400;
	[tilespmem:$0x23C0] =	vst v3;
	v3 =	vadd.s32 v0, v40  }
0x2f0: {  	v45 =	vld [tilespmem:$0x1040];
	v44 =	vmin.u32 v35, $0x400;
	[tilespmem:$0x23D0] =	vst v3;
	v3 =	vadd.s32 v0, v42  }
0x2f1: {  	v47 =	vld [tilespmem:$0x1050];
	v46 =	vmin.u32 v37, $0x400;
	[tilespmem:$0x23E0] =	vst v3;
	v3 =	vadd.s32 v0, v44  }
0x2f2: {  	v49 =	vld [tilespmem:$0x1060];
	v48 =	vmin.u32 v39, $0x400;
	[tilespmem:$0x23F0] =	vst v3;
	v3 =	vadd.s32 v0, v46  }
0x2f3: {  	v51 =	vld [tilespmem:$0x1070];
	v50 =	vmin.u32 v41, $0x400;
	[tilespmem:$0x2400] =	vst v3;
	v3 =	vadd.s32 v0, v48  }
0x2f4: {  	v53 =	vld [tilespmem:$0x1080];
	v52 =	vmin.u32 v43, $0x400;
	[tilespmem:$0x2410] =	vst v3;
	v3 =	vadd.s32 v0, v50  }
0x2f5: {  	v55 =	vld [tilespmem:$0x1090];
	v54 =	vmin.u32 v45, $0x400;
	[tilespmem:$0x2420] =	vst v3;
	v3 =	vadd.s32 v0, v52  }
0x2f6: {  	v57 =	vld [tilespmem:$0x10A0];
	v56 =	vmin.u32 v47, $0x400;
	[tilespmem:$0x2430] =	vst v3;
	v3 =	vadd.s32 v0, v54  }
0x2f7: {  	v59 =	vld [tilespmem:$0x10B0];
	v58 =	vmin.u32 v49, $0x400;
	[tilespmem:$0x2440] =	vst v3;
	v3 =	vadd.s32 v0, v56  }
0x2f8: {  	v61 =	vld [tilespmem:$0x10C0];
	v60 =	vmin.u32 v51, $0x400;
	[tilespmem:$0x2450] =	vst v3;
	v3 =	vadd.s32 v0, v58  }
0x2f9: {  	v63 =	vld [tilespmem:$0x10D0];
	v62 =	vmin.u32 v53, $0x400;
	[tilespmem:$0x2460] =	vst v3;
	v3 =	vadd.s32 v0, v60  }
0x2fa: {  	v13 =	vld [tilespmem:$0x10E0];
	v12 =	vmin.u32 v55, $0x400;
	[tilespmem:$0x2470] =	vst v3;
	v3 =	vadd.s32 v0, v62  }
0x2fb: {  	v15 =	vld [tilespmem:$0x10F0];
	v14 =	vmin.u32 v57, $0x400;
	[tilespmem:$0x2480] =	vst v3;
	v3 =	vadd.s32 v0, v12  }
0x2fc: {  	v17 =	vld [tilespmem:$0x1100];
	v16 =	vmin.u32 v59, $0x400;
	[tilespmem:$0x2490] =	vst v3;
	v3 =	vadd.s32 v0, v14  }
0x2fd: {  	v19 =	vld [tilespmem:$0x1110];
	v18 =	vmin.u32 v61, $0x400;
	[tilespmem:$0x24A0] =	vst v3;
	v3 =	vadd.s32 v0, v16  }
0x2fe: {  	v21 =	vld [tilespmem:$0x1120];
	v20 =	vmin.u32 v63, $0x400;
	[tilespmem:$0x24B0] =	vst v3;
	v3 =	vadd.s32 v0, v18  }
0x2ff: {  	v23 =	vld [tilespmem:$0x1130];
	v22 =	vmin.u32 v13, $0x400;
	[tilespmem:$0x24C0] =	vst v3;
	v3 =	vadd.s32 v0, v20  }
0x300: {  	v25 =	vld [tilespmem:$0x1140];
	v24 =	vmin.u32 v15, $0x400;
	[tilespmem:$0x24D0] =	vst v3;
	v3 =	vadd.s32 v0, v22  }
0x301: {  	v27 =	vld [tilespmem:$0x1150];
	v26 =	vmin.u32 v17, $0x400;
	[tilespmem:$0x24E0] =	vst v3;
	v3 =	vadd.s32 v0, v24  }
0x302: {  	v29 =	vld [tilespmem:$0x1160];
	v28 =	vmin.u32 v19, $0x400;
	[tilespmem:$0x24F0] =	vst v3;
	v3 =	vadd.s32 v0, v26  }
0x303: {  	v31 =	vld [tilespmem:$0x1170];
	v30 =	vmin.u32 v21, $0x400;
	[tilespmem:$0x2500] =	vst v3;
	v3 =	vadd.s32 v0, v28  }
0x304: {  	v33 =	vld [tilespmem:$0x1180];
	v32 =	vmin.u32 v23, $0x400;
	[tilespmem:$0x2510] =	vst v3;
	v3 =	vadd.s32 v0, v30  }
0x305: {  	v35 =	vld [tilespmem:$0x1190];
	v34 =	vmin.u32 v25, $0x400;
	[tilespmem:$0x2520] =	vst v3;
	v3 =	vadd.s32 v0, v32  }
0x306: {  	v37 =	vld [tilespmem:$0x11A0];
	v36 =	vmin.u32 v27, $0x400;
	[tilespmem:$0x2530] =	vst v3;
	v3 =	vadd.s32 v0, v34  }
0x307: {  	v39 =	vld [tilespmem:$0x11B0];
	v38 =	vmin.u32 v29, $0x400;
	[tilespmem:$0x2540] =	vst v3;
	v3 =	vadd.s32 v0, v36  }
0x308: {  	v41 =	vld [tilespmem:$0x11C0];
	v40 =	vmin.u32 v31, $0x400;
	[tilespmem:$0x2550] =	vst v3;
	v3 =	vadd.s32 v0, v38  }
0x309: {  	v43 =	vld [tilespmem:$0x11D0];
	v42 =	vmin.u32 v33, $0x400;
	[tilespmem:$0x2560] =	vst v3;
	v3 =	vadd.s32 v0, v40  }
0x30a: {  	v45 =	vld [tilespmem:$0x11E0];
	v44 =	vmin.u32 v35, $0x400;
	[tilespmem:$0x2570] =	vst v3;
	v3 =	vadd.s32 v0, v42  }
0x30b: {  	v47 =	vld [tilespmem:$0x11F0];
	v46 =	vmin.u32 v37, $0x400;
	[tilespmem:$0x2580] =	vst v3;
	v3 =	vadd.s32 v0, v44  }
0x30c: {  	v49 =	vld [tilespmem:$0x1200];
	v48 =	vmin.u32 v39, $0x400;
	[tilespmem:$0x2590] =	vst v3;
	v3 =	vadd.s32 v0, v46  }
0x30d: {  	v51 =	vld [tilespmem:$0x1210];
	v50 =	vmin.u32 v41, $0x400;
	[tilespmem:$0x25A0] =	vst v3;
	v3 =	vadd.s32 v0, v48  }
0x30e: {  	v53 =	vld [tilespmem:$0x1220];
	v52 =	vmin.u32 v43, $0x400;
	[tilespmem:$0x25B0] =	vst v3;
	v3 =	vadd.s32 v0, v50  }
0x30f: {  	v55 =	vld [tilespmem:$0x1230];
	v54 =	vmin.u32 v45, $0x400;
	[tilespmem:$0x25C0] =	vst v3;
	v3 =	vadd.s32 v0, v52  }
0x310: {  	v57 =	vld [tilespmem:$0x1240];
	v56 =	vmin.u32 v47, $0x400;
	[tilespmem:$0x25D0] =	vst v3;
	v3 =	vadd.s32 v0, v54  }
0x311: {  	v59 =	vld [tilespmem:$0x1250];
	v58 =	vmin.u32 v49, $0x400;
	[tilespmem:$0x25E0] =	vst v3;
	v3 =	vadd.s32 v0, v56  }
0x312: {  	v61 =	vld [tilespmem:$0x1260];
	v60 =	vmin.u32 v51, $0x400;
	[tilespmem:$0x25F0] =	vst v3;
	v3 =	vadd.s32 v0, v58  }
0x313: {  	v63 =	vld [tilespmem:$0x1270];
	v62 =	vmin.u32 v53, $0x400;
	[tilespmem:$0x2600] =	vst v3;
	v3 =	vadd.s32 v0, v60  }
0x314: {  	v11 =	vmin.u32 v55, $0x400;
	v12 =	vld [tilespmem:$0x1280];
	[tilespmem:$0x2610] =	vst v3;
	v3 =	vadd.s32 v0, v62  }
0x315: {  	v13 =	vmin.u32 v57, $0x400;
	v14 =	vld [tilespmem:$0x1290];
	[tilespmem:$0x2620] =	vst v3;
	v3 =	vadd.s32 v0, v11  }
0x316: {  	v15 =	vmin.u32 v59, $0x400;
	v16 =	vld [tilespmem:$0x12A0];
	[tilespmem:$0x2630] =	vst v3;
	v3 =	vadd.s32 v0, v13  }
0x317: {  	v17 =	vmin.u32 v61, $0x400;
	v18 =	vld [tilespmem:$0x12B0];
	[tilespmem:$0x2640] =	vst v3;
	v3 =	vadd.s32 v0, v15  }
0x318: {  	v19 =	vmin.u32 v63, $0x400;
	v20 =	vld [tilespmem:$0x12C0];
	[tilespmem:$0x2650] =	vst v3;
	v3 =	vadd.s32 v0, v17  }
0x319: {  	v21 =	vmin.u32 v12, $0x400;
	v22 =	vld [tilespmem:$0x12D0];
	[tilespmem:$0x2660] =	vst v3;
	v3 =	vadd.s32 v0, v19  }
0x31a: {  	v23 =	vmin.u32 v14, $0x400;
	v24 =	vld [tilespmem:$0x12E0];
	[tilespmem:$0x2670] =	vst v3;
	v3 =	vadd.s32 v0, v21  }
0x31b: {  	v25 =	vmin.u32 v16, $0x400;
	v26 =	vld [tilespmem:$0x12F0];
	[tilespmem:$0x2680] =	vst v3;
	v3 =	vadd.s32 v0, v23  }
0x31c: {  	v27 =	vmin.u32 v18, $0x400;
	v28 =	vld [tilespmem:$0x1300];
	[tilespmem:$0x2690] =	vst v3;
	v3 =	vadd.s32 v0, v25  }
0x31d: {  	v29 =	vmin.u32 v20, $0x400;
	v30 =	vld [tilespmem:$0x1310];
	[tilespmem:$0x26A0] =	vst v3;
	v3 =	vadd.s32 v0, v27  }
0x31e: {  	v31 =	vmin.u32 v22, $0x400;
	v32 =	vld [tilespmem:$0x1320];
	[tilespmem:$0x26B0] =	vst v3;
	v3 =	vadd.s32 v0, v29  }
0x31f: {  	v33 =	vmin.u32 v24, $0x400;
	v34 =	vld [tilespmem:$0x1330];
	[tilespmem:$0x26C0] =	vst v3;
	v3 =	vadd.s32 v0, v31  }
0x320: {  	v35 =	vmin.u32 v26, $0x400;
	v36 =	vld [tilespmem:$0x1340];
	[tilespmem:$0x26D0] =	vst v3;
	v3 =	vadd.s32 v0, v33  }
0x321: {  	v37 =	vmin.u32 v28, $0x400;
	v38 =	vld [tilespmem:$0x1350];
	[tilespmem:$0x26E0] =	vst v3;
	v3 =	vadd.s32 v0, v35  }
0x322: {  	v39 =	vmin.u32 v30, $0x400;
	v40 =	vld [tilespmem:$0x1360];
	[tilespmem:$0x26F0] =	vst v3;
	v3 =	vadd.s32 v0, v37  }
0x323: {  	v41 =	vmin.u32 v32, $0x400;
	v42 =	vld [tilespmem:$0x1370];
	[tilespmem:$0x2700] =	vst v3;
	v3 =	vadd.s32 v0, v39  }
0x324: {  	v43 =	vmin.u32 v34, $0x400;
	v44 =	vld [tilespmem:$0x1380];
	[tilespmem:$0x2710] =	vst v3;
	v3 =	vadd.s32 v0, v41  }
0x325: {  	v45 =	vmin.u32 v36, $0x400;
	v46 =	vld [tilespmem:$0x1390];
	[tilespmem:$0x2720] =	vst v3;
	v3 =	vadd.s32 v0, v43  }
0x326: {  	v47 =	vmin.u32 v38, $0x400;
	v48 =	vld [tilespmem:$0x13A0];
	[tilespmem:$0x2730] =	vst v3;
	v3 =	vadd.s32 v0, v45  }
0x327: {  	v49 =	vmin.u32 v40, $0x400;
	v50 =	vld [tilespmem:$0x13B0];
	[tilespmem:$0x2740] =	vst v3;
	v3 =	vadd.s32 v0, v47  }
0x328: {  	v51 =	vmin.u32 v42, $0x400;
	v52 =	vld [tilespmem:$0x13C0];
	[tilespmem:$0x2750] =	vst v3;
	v3 =	vadd.s32 v0, v49  }
0x329: {  	v53 =	vmin.u32 v44, $0x400;
	v54 =	vld [tilespmem:$0x13D0];
	[tilespmem:$0x2760] =	vst v3;
	v3 =	vadd.s32 v0, v51  }
0x32a: {  	v55 =	vmin.u32 v46, $0x400;
	v56 =	vld [tilespmem:$0x13E0];
	[tilespmem:$0x2770] =	vst v3;
	v3 =	vadd.s32 v0, v53  }
0x32b: {  	v57 =	vmin.u32 v48, $0x400;
	v58 =	vld [tilespmem:$0x13F0];
	[tilespmem:$0x2780] =	vst v3;
	v3 =	vadd.s32 v0, v55  }
0x32c: {  	v59 =	vmin.u32 v50, $0x400;
	[tilespmem:$0x2790] =	vst v3;
	v3 =	vadd.s32 v0, v57  }
0x32d: {  	v60 =	vmin.u32 v52, $0x400;
	[tilespmem:$0x27A0] =	vst v3;
	v3 =	vadd.s32 v0, v59  }
0x32e: {  	v61 =	vmin.u32 v54, $0x400;
	[tilespmem:$0x27B0] =	vst v3;
	v3 =	vadd.s32 v0, v60  }
0x32f: {  	v62 =	vmin.u32 v56, $0x400;
	[tilespmem:$0x27C0] =	vst v3;
	v3 =	vadd.s32 v0, v61  }
0x330: {  	v63 =	vmin.u32 v58, $0x400;
	[tilespmem:$0x27D0] =	vst v3;
	v3 =	vadd.s32 v0, v62  }
0x331: {  	[tilespmem:$0x27E0] =	vst v3;
	v3 =	vadd.s32 v0, v63  }
0x332: {  	[tilespmem:$0x27F0] =	vst v3  }
0x333: {  	[tilespmem:s23], [sflag:$0x2] =	stream.linear.gather [hbm4b:s8+s3], $0x8000, $0x38;
	[tilespmem:$0xC808] =	vst v63  }
0x334: {  	_ =	swait.ge [sflag:s24], $0x8000  }
0x335: {  	[sflag:s24] =	ssyncset.done $0x0  }
0x336: {  	s17 =	simm.s32 $0x2000;
	[sflag:s24] =	ssyncadd.s32 $0xFFFF8000  }
0x337: {  	[spmem:s2] =	stream.indirect.scatter.add.f32 [tilespmem:s23], [sflag:$0x2], $0x10, s17, s25, $0xb8;
	[tilespmem:$0xC808] =	vst v63  }
0x338: {  	_ =	swait.ge [sflag:s24], $0x1000  }
0x339: {  	[sflag:s24] =	ssyncset.done $0x0  }
0x33a: {  	[sflag:s24] =	ssyncadd.s32 $0xFFFFF000  }
0x33b: {  	[tilespmem:s23], [sflag:$0x2] =	stream.linear.gather [hbm4b:s9+s3], $0x8000, $0x38;
	[tilespmem:$0xC808] =	vst v63  }
0x33c: {  	_ =	swait.ge [sflag:s24], $0x8000  }
0x33d: {  	[sflag:s24] =	ssyncset.done $0x0  }
0x33e: {  	s20 =	simm.s32 $0x2100;
	[sflag:s24] =	ssyncadd.s32 $0xFFFF8000  }
0x33f: {  	[spmem:s2] =	stream.indirect.scatter.add.f32 [tilespmem:s23], [sflag:$0x2], $0x10, s20, s25, $0xb8;
	[tilespmem:$0xC808] =	vst v63  }
0x340: {  	_ =	swait.ge [sflag:s24], $0x1000  }
0x341: {  	[sflag:s24] =	ssyncset.done $0x0  }
0x342: {  	[sflag:s24] =	ssyncadd.s32 $0xFFFFF000  }
0x343: {  	[tilespmem:s23], [sflag:$0x2] =	stream.linear.gather [hbm4b:s10+s3], $0x8000, $0x38;
	[tilespmem:$0xC808] =	vst v63  }
0x344: {  	_ =	swait.ge [sflag:s24], $0x8000  }
0x345: {  	[sflag:s24] =	ssyncset.done $0x0  }
0x346: {  	s21 =	simm.s32 $0x2200;
	[sflag:s24] =	ssyncadd.s32 $0xFFFF8000  }
0x347: {  	[spmem:s2] =	stream.indirect.scatter.add.f32 [tilespmem:s23], [sflag:$0x2], $0x10, s21, s25, $0xb8;
	[tilespmem:$0xC808] =	vst v63  }
0x348: {  	_ =	swait.ge [sflag:s24], $0x1000  }
0x349: {  	[sflag:s24] =	ssyncset.done $0x0  }
0x34a: {  	[sflag:s24] =	ssyncadd.s32 $0xFFFFF000  }
0x34b: {  	[tilespmem:s23], [sflag:$0x2] =	stream.linear.gather [hbm4b:s11+s3], $0x8000, $0x38;
	[tilespmem:$0xC808] =	vst v63  }
0x34c: {  	_ =	swait.ge [sflag:s24], $0x8000  }
0x34d: {  	[sflag:s24] =	ssyncset.done $0x0  }
0x34e: {  	s29 =	simm.s32 $0x2300;
	[sflag:s24] =	ssyncadd.s32 $0xFFFF8000  }
0x34f: {  	[spmem:s2] =	stream.indirect.scatter.add.f32 [tilespmem:s23], [sflag:$0x2], $0x10, s29, s25, $0xb8;
	[tilespmem:$0xC808] =	vst v63  }
0x350: {  	_ =	swait.ge [sflag:s24], $0x1000  }
0x351: {  	[sflag:s24] =	ssyncset.done $0x0  }
0x352: {  	[sflag:s24] =	ssyncadd.s32 $0xFFFFF000  }
0x353: {  	[tilespmem:s23], [sflag:$0x2] =	stream.linear.gather [hbm4b:s12+s3], $0x8000, $0x38;
	[tilespmem:$0xC808] =	vst v63  }
0x354: {  	_ =	swait.ge [sflag:s24], $0x8000  }
0x355: {  	[sflag:s24] =	ssyncset.done $0x0  }
0x356: {  	s30 =	simm.s32 $0x2400;
	[sflag:s24] =	ssyncadd.s32 $0xFFFF8000  }
0x357: {  	[spmem:s2] =	stream.indirect.scatter.add.f32 [tilespmem:s23], [sflag:$0x2], $0x10, s30, s25, $0xb8;
	[tilespmem:$0xC808] =	vst v63  }
0x358: {  	_ =	swait.ge [sflag:s24], $0x1000  }
0x359: {  	[sflag:s24] =	ssyncset.done $0x0  }
0x35a: {  	[sflag:s24] =	ssyncadd.s32 $0xFFFFF000  }
0x35b: {  	[tilespmem:s23], [sflag:$0x2] =	stream.linear.gather [hbm4b:s13+s3], $0x8000, $0x38;
	[tilespmem:$0xC808] =	vst v63  }
0x35c: {  	_ =	swait.ge [sflag:s24], $0x8000  }
0x35d: {  	[sflag:s24] =	ssyncset.done $0x0  }
0x35e: {  	s31 =	simm.s32 $0x2500;
	[sflag:s24] =	ssyncadd.s32 $0xFFFF8000  }
0x35f: {  	[spmem:s2] =	stream.indirect.scatter.add.f32 [tilespmem:s23], [sflag:$0x2], $0x10, s31, s25, $0xb8;
	[tilespmem:$0xC808] =	vst v63  }
0x360: {  	_ =	swait.ge [sflag:s24], $0x1000  }
0x361: {  	[sflag:s24] =	ssyncset.done $0x0  }
0x362: {  	[sflag:s24] =	ssyncadd.s32 $0xFFFFF000  }
0x363: {  	[tilespmem:s23], [sflag:$0x2] =	stream.linear.gather [hbm4b:s14+s3], $0x8000, $0x38;
	[tilespmem:$0xC808] =	vst v63  }
0x364: {  	_ =	swait.ge [sflag:s24], $0x8000  }
0x365: {  	[sflag:s24] =	ssyncset.done $0x0  }
0x366: {  	s0 =	simm.s32 $0x2600;
	[sflag:s24] =	ssyncadd.s32 $0xFFFF8000  }
0x367: {  	[spmem:s2] =	stream.indirect.scatter.add.f32 [tilespmem:s23], [sflag:$0x2], $0x10, s0, s25, $0xb8;
	[tilespmem:$0xC808] =	vst v63  }
0x368: {  	_ =	swait.ge [sflag:s24], $0x1000  }
0x369: {  	[sflag:s24] =	ssyncset.done $0x0  }
0x36a: {  	[sflag:s24] =	ssyncadd.s32 $0xFFFFF000  }
0x36b: {  	[tilespmem:s23], [sflag:$0x2] =	stream.linear.gather [hbm4b:s15+s3], $0x8000, $0x38;
	[tilespmem:$0xC808] =	vst v63  }
0x36c: {  	_ =	swait.ge [sflag:s24], $0x8000  }
0x36d: {  	[sflag:s24] =	ssyncset.done $0x0  }
0x36e: {  	s16 =	simm.s32 $0x2700;
	[sflag:s24] =	ssyncadd.s32 $0xFFFF8000  }
0x36f: {  	[spmem:s2] =	stream.indirect.scatter.add.f32 [tilespmem:s23], [sflag:$0x2], $0x10, s16, s25, $0xb8;
	[tilespmem:$0xC808] =	vst v63  }
0x370: {  	s26 =	stileid.u32;
	_ =	swait.ge [sflag:s24], $0x1000  }
0x371: {  	s28 =	sshrl.u32 s4, $0x3;
	s0 =	sshll.u32 s26, $0x6;
	[sflag:s24] =	ssyncset.done $0x0  }
0x372: {  	s26 =	sor.u32 $0x1C02, s0;
	s16 =	rddreg [dreg:$0x4];
	[sflag:s24] =	ssyncadd.s32 $0xFFFFF000  }
0x373: {  	[hbm:s16], [sflag:s26] =	dma.local [spmem:s28], $0x4000  }
0x374: {  	_ =	swait.ge [sflag:s24], $0x4000  }
0x375: {  	[sflag:s24] =	ssyncset.done $0x0  }
0x376: {  	s0 =	simm.s32 $0x2A00;
	[sflag:s24] =	ssyncadd.s32 $0xFFFFC000  }
0x377: {  	[tilespmem:s0+$0xFFFFFE00] =	vst v1  }
0x378: {  	[tilespmem:s0+$0x180] =	vst v1  }
0x379: {  	[tilespmem:s0+$0x100] =	vst v1  }
0x37a: {  	[tilespmem:s0+$0x80] =	vst v1  }
0x37b: {  	[tilespmem:s0+$0x0] =	vst v1  }
0x37c: {  	[tilespmem:s0+$0xFFFFFF80] =	vst v1  }
0x37d: {  	s16 =	simm.s32 $0x0;
	[tilespmem:s0+$0xFFFFFF00] =	vst v1  }
.LBB2_31:
0x37e: {  	s16 =	sadd.s32 $0x8, s16;
	[tilespmem:s0+$0xFFFFFE80] =	vst v1;
	s0 =	sadd.s32 $0x400, s0  }
0x37f: {  	[tilespmem:s0+$0xFFFFFE00] =	vst v1;
	p0 =	slt.u32 s16, $0xF8  }
0x380: {  	[tilespmem:s0+$0x180] =	vst v1  }
.Ltmp15:
0x381: {  	[tilespmem:s0+$0x100] =	vst v1;
	(pc) =	sbr.rel @p0 .LBB2_31-.Ltmp15, $4  }
0x382: {  	[tilespmem:s0+$0x80] =	vst v1  }
0x383: {  	[tilespmem:s0+$0x0] =	vst v1  }
0x384: {  	[tilespmem:s0+$0xFFFFFF80] =	vst v1  }
0x385: {  	[tilespmem:s0+$0xFFFFFF00] =	vst v1  }
0x386: {  	[tilespmem:s0+$0xFFFFFE80] =	vst v1  }
0x387: {  	[spmem:s4] =	stream.linear.scatter [tilespmem:s23], [sflag:$0x2], $0x8000, $0x38;
	[tilespmem:$0xC808] =	vst v63  }
0x388: {  	_ =	swait.ge [sflag:s24], $0x8000  }
0x389: {  	[sflag:s24] =	ssyncset.done $0x0  }
0x38a: {  	[sflag:s24] =	ssyncadd.s32 $0xFFFF8000  }
0x38b: {  	[spmem:s5] =	stream.linear.scatter [tilespmem:s23], [sflag:$0x2], $0x8000, $0x38;
	[tilespmem:$0xC808] =	vst v63  }
0x38c: {  	_ =	swait.ge [sflag:s24], $0x8000  }
0x38d: {  	[sflag:s24] =	ssyncset.done $0x0  }
0x38e: {  	[sflag:s24] =	ssyncadd.s32 $0xFFFF8000  }
0x38f: {  	[spmem:s6] =	stream.linear.scatter [tilespmem:s23], [sflag:$0x2], $0x8000, $0x38;
	[tilespmem:$0xC808] =	vst v63  }
0x390: {  	_ =	swait.ge [sflag:s24], $0x8000  }
0x391: {  	[sflag:s24] =	ssyncset.done $0x0  }
0x392: {  	[sflag:s24] =	ssyncadd.s32 $0xFFFF8000  }
0x393: {  	[spmem:s7] =	stream.linear.scatter [tilespmem:s23], [sflag:$0x2], $0x8000, $0x38;
	[tilespmem:$0xC808] =	vst v63  }
0x394: {  	_ =	swait.ge [sflag:s24], $0x8000  }
0x395: {  	[sflag:s24] =	ssyncset.done $0x0  }
0x396: {  	[sflag:s24] =	ssyncadd.s32 $0xFFFF8000  }
0x397: {  	v3 =	vld [tilespmem:$0xC00]  }
0x398: {  	v4 =	vld [tilespmem:$0xC10]  }
0x399: {  	v5 =	vld [tilespmem:$0xC20]  }
0x39a: {  	v39 =	vld [tilespmem:$0xC30]  }
0x39b: {  	v7 =	vld [tilespmem:$0xC40]  }
0x39c: {  	v41 =	vld [tilespmem:$0xC50]  }
0x39d: {  	v10 =	vld [tilespmem:$0xC60]  }
0x39e: {  	v11 =	vld [tilespmem:$0xC70]  }
0x39f: {  	v12 =	vld [tilespmem:$0xC80]  }
0x3a0: {  	v13 =	vld [tilespmem:$0xC90]  }
0x3a1: {  	v14 =	vld [tilespmem:$0xCA0]  }
0x3a2: {  	v16 =	vld [tilespmem:$0xCB0]  }
0x3a3: {  	v50 =	vld [tilespmem:$0xCC0]  }
0x3a4: {  	v17 =	vld [tilespmem:$0xCD0];
	v6 =	vand.u32 $0xFFFFFC00, v3  }
0x3a5: {  	v18 =	vld [tilespmem:$0xCE0];
	v3 =	vadd.s32 $0xFFFFFC00, v3;
	v8 =	vadd.s32 $0xFFFFFC00, v4;
	v4 =	vand.u32 $0xFFFFFC00, v4  }
0x3a6: {  	v19 =	vld [tilespmem:$0xCF0];
	v9 =	vand.u32 $0xFFFFFC00, v5;
	v40 =	vadd.s32 $0xFFFFFC00, v5;
	v42 =	vand.u32 $0xFFFFFC00, v39  }
0x3a7: {  	v20 =	vld [tilespmem:$0xD00];
	v43 =	vand.u32 $0xFFFFFC00, v7;
	v7 =	vadd.s32 $0xFFFFFC00, v7;
	v44 =	vand.u32 $0xFFFFFC00, v41  }
0x3a8: {  	v22 =	vld [tilespmem:$0xD10];
	v45 =	vand.u32 $0xFFFFFC00, v10;
	v10 =	vadd.s32 $0xFFFFFC00, v10;
	v47 =	vand.u32 $0xFFFFFC00, v11  }
0x3a9: {  	v60 =	vld [tilespmem:$0xD20];
	v11 =	vadd.s32 $0xFFFFFC00, v11;
	v48 =	vand.u32 $0xFFFFFC00, v12;
	v15 =	vadd.s32 $0xFFFFFC00, v12  }
0x3aa: {  	v23 =	vld [tilespmem:$0xD30];
	v51 =	vand.u32 $0xFFFFFC00, v13;
	v13 =	vadd.s32 $0xFFFFFC00, v13;
	v52 =	vand.u32 $0xFFFFFC00, v14  }
0x3ab: {  	v24 =	vld [tilespmem:$0xD40];
	v14 =	vadd.s32 $0xFFFFFC00, v14;
	v54 =	vand.u32 $0xFFFFFC00, v16;
	v16 =	vadd.s32 $0xFFFFFC00, v16  }
0x3ac: {  	v25 =	vld [tilespmem:$0xD50];
	v55 =	vand.u32 $0xFFFFFC00, v50;
	v57 =	vand.u32 $0xFFFFFC00, v17;
	v17 =	vadd.s32 $0xFFFFFC00, v17  }
0x3ad: {  	v26 =	vld [tilespmem:$0xD60];
	v58 =	vand.u32 $0xFFFFFC00, v18;
	v21 =	vadd.s32 $0xFFFFFC00, v18;
	v61 =	vand.u32 $0xFFFFFC00, v19  }
0x3ae: {  	v19 =	vadd.s32 $0xFFFFFC00, v19;
	v62 =	vand.u32 $0xFFFFFC00, v20;
	v20 =	vadd.s32 $0xFFFFFC00, v20  }
0x3af: {  	v27 =	vand.u32 $0xFFFFFC00, v22;
	v22 =	vadd.s32 $0xFFFFFC00, v22;
	v28 =	vand.u32 $0xFFFFFC00, v60  }
0x3b0: {  	v29 =	vand.u32 $0xFFFFFC00, v23;
	v23 =	vadd.s32 $0xFFFFFC00, v23;
	v30 =	vand.u32 $0xFFFFFC00, v24  }
0x3b1: {  	v24 =	vadd.s32 $0xFFFFFC00, v24;
	v31 =	vand.u32 $0xFFFFFC00, v25;
	v25 =	vadd.s32 $0xFFFFFC00, v25  }
0x3b2: {  	v32 =	vand.u32 $0xFFFFFC00, v26;
	v26 =	vadd.s32 $0xFFFFFC00, v26;
	vm0 =	veq.s32 v6, $0x400  }
0x3b3: {  	vm10 =	veq.s32 v4, $0x400;
	vm1 =	veq.s32 v9, $0x400;
	v6 =	vadd.s32 $0xFFFFFC00, v39  }
0x3b4: {  	vm11 =	veq.s32 v42, $0x400;
	vm12 =	veq.s32 v43, $0x400;
	v9 =	vadd.s32 $0xFFFFFC00, v41  }
0x3b5: {  	vm13 =	veq.s32 v44, $0x400;
	vm14 =	veq.s32 v45, $0x400;
	vm15 =	veq.s32 v47, $0x400  }
0x3b6: {  	vm4 =	veq.s32 v48, $0x400;
	vm5 =	veq.s32 v51, $0x400;
	vm6 =	veq.s32 v52, $0x400  }
0x3b7: {  	vm7 =	veq.s32 v54, $0x400;
	vm8 =	veq.s32 v55, $0x400;
	vm9 =	veq.s32 v57, $0x400  }
0x3b8: {  	v3 =	vnsel vm0, $0x400, v3;
	v8 =	vnsel vm10, $0x400, v8;
	v6 =	vnsel vm11, $0x400, v6  }
0x3b9: {  	v7 =	vnsel vm12, $0x400, v7;
	v9 =	vnsel vm13, $0x400, v9;
	v46 =	vnsel vm14, $0x400, v10  }
0x3ba: {  	v11 =	vnsel vm15, $0x400, v11;
	v49 =	vnsel vm4, $0x400, v15;
	v13 =	vnsel vm5, $0x400, v13  }
0x3bb: {  	v53 =	vnsel vm6, $0x400, v14;
	v16 =	vnsel vm7, $0x400, v16;
	v15 =	vadd.s32 $0xFFFFFC00, v50  }
0x3bc: {  	v17 =	vnsel vm9, $0x400, v17;
	vm10 =	veq.s32 v58, $0x400;
	vm11 =	veq.s32 v61, $0x400  }
0x3bd: {  	vm12 =	veq.s32 v62, $0x400;
	vm13 =	veq.s32 v27, $0x400;
	vm14 =	veq.s32 v28, $0x400  }
0x3be: {  	vm15 =	veq.s32 v29, $0x400;
	vm4 =	veq.s32 v30, $0x400;
	vm5 =	veq.s32 v31, $0x400  }
0x3bf: {  	vm6 =	veq.s32 v32, $0x400;
	v5 =	vadd.s32 v0, v3;
	v3 =	vnsel vm1, $0x400, v40  }
0x3c0: {  	v4 =	vadd.s32 v0, v8;
	v6 =	vadd.s32 v0, v6;
	v8 =	vadd.s32 v0, v7  }
0x3c1: {  	v12 =	vadd.s32 v0, v9;
	v10 =	vadd.s32 v0, v46;
	v9 =	vadd.s32 v0, v11  }
0x3c2: {  	v7 =	vadd.s32 v0, v49;
	v11 =	vadd.s32 v0, v13;
	v14 =	vadd.s32 v0, v53  }
0x3c3: {  	v56 =	vnsel vm8, $0x400, v15;
	v18 =	vadd.s32 v0, v16;
	v59 =	vnsel vm10, $0x400, v21  }
0x3c4: {  	v27 =	vld [tilespmem:$0xD70];
	v15 =	vadd.s32 v0, v17;
	v19 =	vnsel vm11, $0x400, v19;
	v63 =	vnsel vm12, $0x400, v20  }
0x3c5: {  	v28 =	vld [tilespmem:$0xD80];
	v22 =	vnsel vm13, $0x400, v22;
	v21 =	vadd.s32 $0xFFFFFC00, v60;
	v23 =	vnsel vm15, $0x400, v23  }
0x3c6: {  	v29 =	vld [tilespmem:$0xD90];
	v24 =	vnsel vm4, $0x400, v24;
	v25 =	vnsel vm5, $0x400, v25;
	v26 =	vnsel vm6, $0x400, v26  }
0x3c7: {  	v30 =	vld [tilespmem:$0xDA0];
	v3 =	vadd.s32 v0, v3;
	v16 =	vadd.s32 v0, v56;
	v13 =	vadd.s32 v0, v59  }
0x3c8: {  	v31 =	vld [tilespmem:$0xDB0];
	v17 =	vadd.s32 v0, v19;
	v19 =	vadd.s32 v0, v63;
	v21 =	vnsel vm14, $0x400, v21  }
0x3c9: {  	v32 =	vld [tilespmem:$0xDC0];
	v20 =	vadd.s32 v0, v22;
	v22 =	vadd.s32 v0, v23;
	v23 =	vadd.s32 v0, v24  }
0x3ca: {  	v24 =	vadd.s32 v0, v25;
	v25 =	vadd.s32 v0, v26;
	v21 =	vadd.s32 v0, v21  }
0x3cb: {  	v33 =	vand.u32 $0xFFFFFC00, v27;
	v27 =	vadd.s32 $0xFFFFFC00, v27;
	v34 =	vand.u32 $0xFFFFFC00, v28  }
0x3cc: {  	v28 =	vadd.s32 $0xFFFFFC00, v28;
	v35 =	vand.u32 $0xFFFFFC00, v29;
	v29 =	vadd.s32 $0xFFFFFC00, v29  }
0x3cd: {  	v36 =	vand.u32 $0xFFFFFC00, v30;
	v30 =	vadd.s32 $0xFFFFFC00, v30;
	v37 =	vand.u32 $0xFFFFFC00, v31  }
0x3ce: {  	v31 =	vadd.s32 $0xFFFFFC00, v31;
	v38 =	vand.u32 $0xFFFFFC00, v32;
	vm7 =	veq.s32 v33, $0x400;
	v33 =	vld [tilespmem:$0xDD0]  }
0x3cf: {  	v32 =	vadd.s32 $0xFFFFFC00, v32;
	vm8 =	veq.s32 v34, $0x400;
	vm9 =	veq.s32 v35, $0x400;
	v34 =	vld [tilespmem:$0xDE0]  }
0x3d0: {  	vm10 =	veq.s32 v36, $0x400;
	vm11 =	veq.s32 v37, $0x400;
	v35 =	vld [tilespmem:$0xDF0];
	vm12 =	veq.s32 v38, $0x400  }
0x3d1: {  	v36 =	vld [tilespmem:$0xE00];
	v27 =	vnsel vm7, $0x400, v27;
	v28 =	vnsel vm8, $0x400, v28;
	v29 =	vnsel vm9, $0x400, v29  }
0x3d2: {  	v37 =	vld [tilespmem:$0xE10];
	v30 =	vnsel vm10, $0x400, v30;
	v31 =	vnsel vm11, $0x400, v31;
	v32 =	vnsel vm12, $0x400, v32  }
0x3d3: {  	v38 =	vld [tilespmem:$0xE20];
	v26 =	vadd.s32 v0, v27;
	v27 =	vadd.s32 v0, v28;
	v28 =	vadd.s32 v0, v29  }
0x3d4: {  	v29 =	vadd.s32 v0, v30;
	v30 =	vadd.s32 v0, v31;
	v31 =	vadd.s32 v0, v32  }
0x3d5: {  	v39 =	vand.u32 $0xFFFFFC00, v33;
	v33 =	vadd.s32 $0xFFFFFC00, v33;
	v40 =	vand.u32 $0xFFFFFC00, v34  }
0x3d6: {  	v34 =	vadd.s32 $0xFFFFFC00, v34;
	v41 =	vand.u32 $0xFFFFFC00, v35;
	v35 =	vadd.s32 $0xFFFFFC00, v35  }
0x3d7: {  	v42 =	vand.u32 $0xFFFFFC00, v36;
	v36 =	vadd.s32 $0xFFFFFC00, v36;
	v43 =	vand.u32 $0xFFFFFC00, v37  }
0x3d8: {  	v37 =	vadd.s32 $0xFFFFFC00, v37;
	v44 =	vand.u32 $0xFFFFFC00, v38;
	vm13 =	veq.s32 v39, $0x400;
	v39 =	vld [tilespmem:$0xE30]  }
0x3d9: {  	v38 =	vadd.s32 $0xFFFFFC00, v38;
	vm14 =	veq.s32 v40, $0x400;
	vm15 =	veq.s32 v41, $0x400;
	v40 =	vld [tilespmem:$0xE40]  }
0x3da: {  	vm4 =	veq.s32 v42, $0x400;
	vm5 =	veq.s32 v43, $0x400;
	v41 =	vld [tilespmem:$0xE50];
	vm6 =	veq.s32 v44, $0x400  }
0x3db: {  	v42 =	vld [tilespmem:$0xE60];
	v33 =	vnsel vm13, $0x400, v33;
	v34 =	vnsel vm14, $0x400, v34;
	v35 =	vnsel vm15, $0x400, v35  }
0x3dc: {  	v43 =	vld [tilespmem:$0xE70];
	v36 =	vnsel vm4, $0x400, v36;
	v37 =	vnsel vm5, $0x400, v37;
	v38 =	vnsel vm6, $0x400, v38  }
0x3dd: {  	v44 =	vld [tilespmem:$0xE80];
	v32 =	vadd.s32 v0, v33;
	v33 =	vadd.s32 v0, v34;
	v34 =	vadd.s32 v0, v35  }
0x3de: {  	v35 =	vadd.s32 v0, v36;
	v36 =	vadd.s32 v0, v37;
	v45 =	vand.u32 $0xFFFFFC00, v39  }
0x3df: {  	v39 =	vadd.s32 $0xFFFFFC00, v39;
	v46 =	vand.u32 $0xFFFFFC00, v40;
	v40 =	vadd.s32 $0xFFFFFC00, v40  }
0x3e0: {  	v47 =	vand.u32 $0xFFFFFC00, v41;
	v41 =	vadd.s32 $0xFFFFFC00, v41;
	v48 =	vand.u32 $0xFFFFFC00, v42  }
0x3e1: {  	v42 =	vadd.s32 $0xFFFFFC00, v42;
	v49 =	vand.u32 $0xFFFFFC00, v43;
	v43 =	vadd.s32 $0xFFFFFC00, v43  }
0x3e2: {  	v50 =	vand.u32 $0xFFFFFC00, v44;
	v44 =	vadd.s32 $0xFFFFFC00, v44;
	vm7 =	veq.s32 v45, $0x400;
	v45 =	vld [tilespmem:$0xE90]  }
0x3e3: {  	[tilespmem:$0x2000] =	vst v5;
	vm8 =	veq.s32 v46, $0x400;
	vm9 =	veq.s32 v47, $0x400;
	vm10 =	veq.s32 v48, $0x400;
	v46 =	vld [tilespmem:$0xEA0]  }
0x3e4: {  	[tilespmem:$0x2010] =	vst v4;
	vm11 =	veq.s32 v49, $0x400;
	v47 =	vld [tilespmem:$0xEB0];
	vm12 =	veq.s32 v50, $0x400;
	v39 =	vnsel vm7, $0x400, v39  }
0x3e5: {  	[tilespmem:$0x2030] =	vst v6;
	v48 =	vld [tilespmem:$0xEC0];
	v40 =	vnsel vm8, $0x400, v40;
	v41 =	vnsel vm9, $0x400, v41;
	v42 =	vnsel vm10, $0x400, v42  }
0x3e6: {  	[tilespmem:$0x2040] =	vst v8;
	v49 =	vld [tilespmem:$0xED0];
	v43 =	vnsel vm11, $0x400, v43;
	v44 =	vnsel vm12, $0x400, v44;
	v5 =	vadd.s32 v0, v39  }
0x3e7: {  	[tilespmem:$0x2020] =	vst v3;
	v50 =	vld [tilespmem:$0xEE0];
	v4 =	vadd.s32 v0, v40;
	v3 =	vadd.s32 v0, v41;
	v6 =	vadd.s32 v0, v42  }
0x3e8: {  	[tilespmem:$0x2070] =	vst v9;
	v8 =	vadd.s32 v0, v43;
	v9 =	vadd.s32 v0, v44;
	v51 =	vand.u32 $0xFFFFFC00, v45  }
0x3e9: {  	v45 =	vadd.s32 $0xFFFFFC00, v45;
	v52 =	vand.u32 $0xFFFFFC00, v46;
	v46 =	vadd.s32 $0xFFFFFC00, v46  }
0x3ea: {  	v53 =	vand.u32 $0xFFFFFC00, v47;
	v47 =	vadd.s32 $0xFFFFFC00, v47;
	v54 =	vand.u32 $0xFFFFFC00, v48  }
0x3eb: {  	v48 =	vadd.s32 $0xFFFFFC00, v48;
	v55 =	vand.u32 $0xFFFFFC00, v49;
	vm13 =	veq.s32 v51, $0x400;
	v51 =	vld [tilespmem:$0xEF0]  }
0x3ec: {  	v49 =	vadd.s32 $0xFFFFFC00, v49;
	v56 =	vand.u32 $0xFFFFFC00, v50;
	vm14 =	veq.s32 v52, $0x400;
	v52 =	vld [tilespmem:$0xF00]  }
0x3ed: {  	v50 =	vadd.s32 $0xFFFFFC00, v50;
	vm15 =	veq.s32 v53, $0x400;
	vm4 =	veq.s32 v54, $0x400;
	v53 =	vld [tilespmem:$0xF10]  }
0x3ee: {  	[tilespmem:$0x2050] =	vst v12;
	vm5 =	veq.s32 v55, $0x400;
	vm6 =	veq.s32 v56, $0x400;
	v54 =	vld [tilespmem:$0xF20];
	v45 =	vnsel vm13, $0x400, v45  }
0x3ef: {  	[tilespmem:$0x2080] =	vst v7;
	v55 =	vld [tilespmem:$0xF30];
	v46 =	vnsel vm14, $0x400, v46;
	v47 =	vnsel vm15, $0x400, v47;
	v48 =	vnsel vm4, $0x400, v48  }
0x3f0: {  	[tilespmem:$0x2090] =	vst v11;
	v56 =	vld [tilespmem:$0xF40];
	v49 =	vnsel vm5, $0x400, v49;
	v50 =	vnsel vm6, $0x400, v50;
	v12 =	vadd.s32 v0, v45  }
0x3f1: {  	[tilespmem:$0x20E0] =	vst v13;
	v7 =	vadd.s32 v0, v46;
	v11 =	vadd.s32 v0, v48;
	v13 =	vadd.s32 v0, v49  }
0x3f2: {  	[tilespmem:$0x20C0] =	vst v16;
	v16 =	vadd.s32 v0, v50;
	v57 =	vand.u32 $0xFFFFFC00, v51;
	v51 =	vadd.s32 $0xFFFFFC00, v51  }
0x3f3: {  	v58 =	vand.u32 $0xFFFFFC00, v52;
	v52 =	vadd.s32 $0xFFFFFC00, v52;
	v59 =	vand.u32 $0xFFFFFC00, v53  }
0x3f4: {  	[tilespmem:$0x20B0] =	vst v18;
	v18 =	vld [tilespmem:$0x1020];
	v53 =	vadd.s32 $0xFFFFFC00, v53;
	v60 =	vand.u32 $0xFFFFFC00, v54;
	v54 =	vadd.s32 $0xFFFFFC00, v54  }
0x3f5: {  	v46 =	vld [tilespmem:$0x1010];
	v61 =	vand.u32 $0xFFFFFC00, v55;
	v55 =	vadd.s32 $0xFFFFFC00, v55;
	v62 =	vand.u32 $0xFFFFFC00, v56  }
0x3f6: {  	[tilespmem:$0x2110] =	vst v20;
	v20 =	vld [tilespmem:$0x1060];
	v56 =	vadd.s32 $0xFFFFFC00, v56;
	vm7 =	veq.s32 v57, $0x400;
	vm8 =	veq.s32 v58, $0x400  }
0x3f7: {  	vm9 =	veq.s32 v59, $0x400;
	v57 =	vld [tilespmem:$0xF50];
	vm10 =	veq.s32 v60, $0x400;
	vm11 =	veq.s32 v61, $0x400  }
0x3f8: {  	v58 =	vld [tilespmem:$0xF60];
	vm12 =	veq.s32 v62, $0x400;
	v51 =	vnsel vm7, $0x400, v51;
	v52 =	vnsel vm8, $0x400, v52  }
0x3f9: {  	[tilespmem:$0x20A0] =	vst v14;
	v62 =	vld [tilespmem:$0xFA0];
	v53 =	vnsel vm9, $0x400, v53;
	v54 =	vnsel vm10, $0x400, v54;
	v55 =	vnsel vm11, $0x400, v55  }
0x3fa: {  	[tilespmem:$0x20D0] =	vst v15;
	v59 =	vld [tilespmem:$0xF70];
	v56 =	vnsel vm12, $0x400, v56;
	v50 =	vadd.s32 $0xFFFFFC00, v46;
	v14 =	vadd.s32 v0, v51  }
0x3fb: {  	[tilespmem:$0x20F0] =	vst v17;
	v60 =	vld [tilespmem:$0xF80];
	v51 =	vand.u32 $0xFFFFFC00, v18;
	v17 =	vadd.s32 v0, v52;
	v18 =	vadd.s32 $0xFFFFFC00, v18  }
0x3fc: {  	[tilespmem:$0x2120] =	vst v21;
	v15 =	vadd.s32 v0, v53;
	v21 =	vadd.s32 v0, v55;
	v55 =	vand.u32 $0xFFFFFC00, v20  }
0x3fd: {  	v63 =	vand.u32 $0xFFFFFC00, v57;
	v57 =	vadd.s32 $0xFFFFFC00, v57;
	v37 =	vand.u32 $0xFFFFFC00, v58  }
0x3fe: {  	v58 =	vadd.s32 $0xFFFFFC00, v58;
	v41 =	vand.u32 $0xFFFFFC00, v62;
	vm13 =	veq.s32 v63, $0x400  }
0x3ff: {  	v61 =	vld [tilespmem:$0xF90];
	vm14 =	veq.s32 v37, $0x400;
	v37 =	vadd.s32 v0, v38;
	v38 =	vand.u32 $0xFFFFFC00, v59  }
0x400: {  	v59 =	vadd.s32 $0xFFFFFC00, v59;
	v63 =	vand.u32 $0xFFFFFC00, v60;
	vm6 =	veq.s32 v41, $0x400  }
0x401: {  	v57 =	vnsel vm13, $0x400, v57;
	v58 =	vnsel vm14, $0x400, v58;
	vm15 =	veq.s32 v38, $0x400  }
0x402: {  	vm4 =	veq.s32 v63, $0x400;
	v63 =	vld [tilespmem:$0xFC0];
	vm14 =	veq.s32 v51, $0x400;
	v38 =	vnsel vm15, $0x400, v59  }
0x403: {  	[tilespmem:$0x2130] =	vst v22;
	v59 =	vadd.s32 $0xFFFFFC00, v60;
	v60 =	vld [tilespmem:$0xFB0];
	v22 =	vadd.s32 v0, v57;
	v57 =	vadd.s32 $0xFFFFFC00, v20  }
0x404: {  	v20 =	vadd.s32 v0, v58;
	v39 =	vnsel vm4, $0x400, v59;
	v59 =	vand.u32 $0xFFFFFC00, v61  }
0x405: {  	[tilespmem:$0x21C0] =	vst v31;
	v58 =	vld [tilespmem:$0x10E0];
	v61 =	vadd.s32 $0xFFFFFC00, v61;
	v31 =	vadd.s32 v0, v38;
	vm5 =	veq.s32 v59, $0x400  }
0x406: {  	[tilespmem:$0x21D0] =	vst v32;
	v43 =	vld [tilespmem:$0xFE0];
	v32 =	vadd.s32 v0, v39;
	v40 =	vnsel vm5, $0x400, v61;
	v61 =	vadd.s32 $0xFFFFFC00, v62  }
0x407: {  	[tilespmem:$0x2170] =	vst v26;
	v59 =	vld [tilespmem:$0xFD0];
	v41 =	vnsel vm6, $0x400, v61;
	v42 =	vand.u32 $0xFFFFFC00, v63;
	vm6 =	veq.s32 v55, $0x400  }
0x408: {  	[tilespmem:$0x21E0] =	vst v33;
	v33 =	vadd.s32 v0, v40;
	v62 =	vand.u32 $0xFFFFFC00, v60;
	v61 =	vadd.s32 $0xFFFFFC00, v60  }
0x409: {  	[tilespmem:$0x21F0] =	vst v34;
	vm8 =	veq.s32 v42, $0x400;
	v26 =	vnsel vm6, $0x400, v57;
	v34 =	vadd.s32 v0, v41  }
0x40a: {  	[tilespmem:$0x2060] =	vst v10;
	v42 =	vld [tilespmem:$0xFF0];
	v41 =	vadd.s32 $0xFFFFFC00, v58;
	vm7 =	veq.s32 v62, $0x400;
	v62 =	vadd.s32 $0xFFFFFC00, v63  }
0x40b: {  	[tilespmem:$0x2310] =	vst v15;
	v15 =	vadd.s32 v0, v26;
	v60 =	vnsel vm7, $0x400, v61;
	v44 =	vnsel vm8, $0x400, v62  }
0x40c: {  	[tilespmem:$0x2100] =	vst v19;
	v10 =	vand.u32 $0xFFFFFC00, v59;
	v61 =	vld [tilespmem:$0x1000];
	v63 =	vadd.s32 $0xFFFFFC00, v59;
	v59 =	vand.u32 $0xFFFFFC00, v43  }
0x40d: {  	[tilespmem:$0x2200] =	vst v35;
	v62 =	vadd.s32 $0xFFFFFC00, v43;
	vm9 =	veq.s32 v10, $0x400;
	v10 =	vadd.s32 v0, v47  }
0x40e: {  	v19 =	vld [tilespmem:$0x1050];
	[tilespmem:$0x2230] =	vst v5;
	vm10 =	veq.s32 v59, $0x400;
	v35 =	vadd.s32 v0, v60;
	v5 =	vadd.s32 v0, v44  }
0x40f: {  	[tilespmem:$0x2140] =	vst v23;
	v49 =	vld [tilespmem:$0x1080];
	v45 =	vnsel vm9, $0x400, v63;
	v43 =	vnsel vm10, $0x400, v62;
	v63 =	vand.u32 $0xFFFFFC00, v42  }
0x410: {  	[tilespmem:$0x2150] =	vst v24;
	v62 =	vand.u32 $0xFFFFFC00, v46;
	v47 =	vadd.s32 $0xFFFFFC00, v42;
	vm11 =	veq.s32 v63, $0x400;
	v63 =	vld [tilespmem:$0x1040]  }
0x411: {  	[tilespmem:$0x2240] =	vst v4;
	vm13 =	veq.s32 v62, $0x400;
	v48 =	vand.u32 $0xFFFFFC00, v61;
	v59 =	vadd.s32 $0xFFFFFC00, v61;
	v61 =	vld [tilespmem:$0x1030]  }
0x412: {  	[tilespmem:$0x2250] =	vst v3;
	v4 =	vadd.s32 v0, v45;
	v3 =	vadd.s32 v0, v43;
	v46 =	vnsel vm13, $0x400, v50  }
0x413: {  	[tilespmem:$0x2160] =	vst v25;
	v50 =	vnsel vm14, $0x400, v18;
	v18 =	vadd.s32 v0, v54;
	v54 =	vadd.s32 $0xFFFFFC00, v19  }
0x414: {  	[tilespmem:$0x2260] =	vst v6;
	v42 =	vnsel vm11, $0x400, v47;
	v47 =	vadd.s32 $0xFFFFFC00, v49;
	vm12 =	veq.s32 v48, $0x400  }
0x415: {  	[tilespmem:$0x22A0] =	vst v7;
	v7 =	vadd.s32 v0, v46;
	v48 =	vnsel vm12, $0x400, v59;
	v62 =	vadd.s32 $0xFFFFFC00, v63  }
0x416: {  	[tilespmem:$0x2270] =	vst v8;
	v53 =	vand.u32 $0xFFFFFC00, v61;
	v59 =	vadd.s32 $0xFFFFFC00, v61;
	v61 =	vand.u32 $0xFFFFFC00, v63;
	v63 =	vld [tilespmem:$0x1070]  }
0x417: {  	[tilespmem:$0x22B0] =	vst v10;
	v10 =	vadd.s32 v0, v50;
	v6 =	vadd.s32 v0, v42;
	v8 =	vadd.s32 v0, v48  }
0x418: {  	[tilespmem:$0x2180] =	vst v27;
	vm15 =	veq.s32 v53, $0x400;
	v53 =	vand.u32 $0xFFFFFC00, v19;
	v19 =	vadd.s32 v0, v56;
	v56 =	vld [tilespmem:$0x1090]  }
0x419: {  	[tilespmem:$0x22C0] =	vst v11;
	vm4 =	veq.s32 v61, $0x400;
	v61 =	vld [tilespmem:$0x10A0];
	v23 =	vnsel vm15, $0x400, v59;
	vm5 =	veq.s32 v53, $0x400  }
0x41a: {  	[tilespmem:$0x22D0] =	vst v13;
	v24 =	vnsel vm4, $0x400, v62;
	v25 =	vnsel vm5, $0x400, v54;
	v11 =	vadd.s32 v0, v23  }
0x41b: {  	[tilespmem:$0x22E0] =	vst v16;
	v53 =	vld [tilespmem:$0x10C0];
	v13 =	vadd.s32 v0, v24;
	v16 =	vadd.s32 v0, v25;
	v59 =	vand.u32 $0xFFFFFC00, v63  }
0x41c: {  	[tilespmem:$0x2190] =	vst v28;
	v62 =	vadd.s32 $0xFFFFFC00, v63;
	v63 =	vand.u32 $0xFFFFFC00, v49;
	vm7 =	veq.s32 v59, $0x400  }
0x41d: {  	[tilespmem:$0x21A0] =	vst v29;
	vm8 =	veq.s32 v63, $0x400;
	v52 =	vand.u32 $0xFFFFFC00, v56;
	v54 =	vadd.s32 $0xFFFFFC00, v56  }
0x41e: {  	[tilespmem:$0x21B0] =	vst v30;
	v49 =	vld [tilespmem:$0x10B0];
	v55 =	vand.u32 $0xFFFFFC00, v61;
	v28 =	vadd.s32 $0xFFFFFC00, v61;
	v29 =	vnsel vm7, $0x400, v62  }
0x41f: {  	[tilespmem:$0x2330] =	vst v21;
	v56 =	vld [tilespmem:$0x10D0];
	v30 =	vnsel vm8, $0x400, v47;
	vm9 =	veq.s32 v52, $0x400;
	vm10 =	veq.s32 v55, $0x400  }
0x420: {  	[tilespmem:$0x2220] =	vst v37;
	v61 =	vld [tilespmem:$0x10F0];
	v59 =	vand.u32 $0xFFFFFC00, v53;
	v60 =	vadd.s32 $0xFFFFFC00, v53;
	v47 =	vand.u32 $0xFFFFFC00, v58  }
0x421: {  	[tilespmem:$0x2350] =	vst v22;
	v63 =	vld [tilespmem:$0x1100];
	v38 =	vnsel vm9, $0x400, v54;
	v28 =	vnsel vm10, $0x400, v28;
	vm12 =	veq.s32 v59, $0x400  }
0x422: {  	[tilespmem:$0x2320] =	vst v18;
	vm14 =	veq.s32 v47, $0x400;
	v18 =	vadd.s32 v0, v29;
	v21 =	vadd.s32 v0, v30  }
0x423: {  	[tilespmem:$0x2340] =	vst v19;
	v52 =	vld [tilespmem:$0x1120];
	v37 =	vnsel vm12, $0x400, v60;
	v19 =	vadd.s32 v0, v38;
	v22 =	vadd.s32 v0, v28  }
0x424: {  	[tilespmem:$0x2390] =	vst v33;
	v58 =	vld [tilespmem:$0x1140];
	v57 =	vand.u32 $0xFFFFFC00, v49;
	v27 =	vadd.s32 $0xFFFFFC00, v49;
	v33 =	vadd.s32 v0, v37  }
0x425: {  	v50 =	vld [tilespmem:$0x1180];
	vm11 =	veq.s32 v57, $0x400;
	v62 =	vand.u32 $0xFFFFFC00, v56;
	v40 =	vadd.s32 $0xFFFFFC00, v56  }
0x426: {  	v51 =	vand.u32 $0xFFFFFC00, v61;
	v53 =	vadd.s32 $0xFFFFFC00, v61;
	v54 =	vand.u32 $0xFFFFFC00, v63  }
0x427: {  	v48 =	vld [tilespmem:$0x1170];
	v55 =	vadd.s32 $0xFFFFFC00, v63;
	v27 =	vnsel vm11, $0x400, v27;
	vm13 =	veq.s32 v62, $0x400  }
0x428: {  	vm15 =	veq.s32 v51, $0x400;
	vm4 =	veq.s32 v54, $0x400;
	v59 =	vand.u32 $0xFFFFFC00, v52  }
0x429: {  	v60 =	vld [tilespmem:$0x1150];
	v61 =	vadd.s32 $0xFFFFFC00, v52;
	v46 =	vand.u32 $0xFFFFFC00, v58;
	v47 =	vadd.s32 $0xFFFFFC00, v58  }
0x42a: {  	[tilespmem:$0x2280] =	vst v9;
	v58 =	vand.u32 $0xFFFFFC00, v50;
	v39 =	vnsel vm13, $0x400, v40;
	v40 =	vnsel vm14, $0x400, v41  }
0x42b: {  	[tilespmem:$0x2290] =	vst v12;
	v49 =	vld [tilespmem:$0x1110];
	v9 =	vnsel vm15, $0x400, v53;
	v12 =	vnsel vm4, $0x400, v55;
	vm6 =	veq.s32 v59, $0x400  }
0x42c: {  	[tilespmem:$0x2300] =	vst v17;
	vm8 =	veq.s32 v46, $0x400;
	v55 =	vand.u32 $0xFFFFFC00, v48;
	v59 =	vadd.s32 $0xFFFFFC00, v50  }
0x42d: {  	[tilespmem:$0x2370] =	vst v31;
	v37 =	vld [tilespmem:$0x1250];
	vm12 =	veq.s32 v58, $0x400;
	v27 =	vadd.s32 v0, v27;
	v24 =	vnsel vm6, $0x400, v61  }
0x42e: {  	[tilespmem:$0x23B0] =	vst v35;
	v56 =	vld [tilespmem:$0x1130];
	v17 =	vnsel vm8, $0x400, v47;
	v51 =	vadd.s32 $0xFFFFFC00, v60;
	vm11 =	veq.s32 v55, $0x400  }
0x42f: {  	[tilespmem:$0x23C0] =	vst v5;
	v63 =	vld [tilespmem:$0x1160];
	v29 =	vnsel vm12, $0x400, v59;
	v31 =	vadd.s32 v0, v39;
	v35 =	vadd.s32 v0, v40  }
0x430: {  	[tilespmem:$0x23F0] =	vst v6;
	v5 =	vadd.s32 v0, v9;
	v6 =	vadd.s32 v0, v12;
	v57 =	vand.u32 $0xFFFFFC00, v49  }
0x431: {  	v44 =	vld [tilespmem:$0x11E0];
	[tilespmem:$0x2410] =	vst v7;
	v43 =	vadd.s32 $0xFFFFFC00, v49;
	v49 =	vand.u32 $0xFFFFFC00, v60;
	v7 =	vadd.s32 v0, v24  }
0x432: {  	[tilespmem:$0x2430] =	vst v11;
	v53 =	vld [tilespmem:$0x1190];
	v11 =	vadd.s32 v0, v17;
	v38 =	vadd.s32 v0, v29;
	v25 =	vadd.s32 $0xFFFFFC00, v37  }
0x433: {  	v41 =	vld [tilespmem:$0x11D0];
	vm5 =	veq.s32 v57, $0x400;
	v62 =	vand.u32 $0xFFFFFC00, v56;
	v45 =	vadd.s32 $0xFFFFFC00, v56  }
0x434: {  	vm9 =	veq.s32 v49, $0x400;
	v52 =	vand.u32 $0xFFFFFC00, v63;
	v54 =	vadd.s32 $0xFFFFFC00, v63  }
0x435: {  	v50 =	vld [tilespmem:$0x1200];
	v57 =	vadd.s32 $0xFFFFFC00, v48;
	v23 =	vnsel vm5, $0x400, v43;
	vm7 =	veq.s32 v62, $0x400  }
0x436: {  	[tilespmem:$0x2360] =	vst v20;
	v26 =	vnsel vm9, $0x400, v51;
	vm10 =	veq.s32 v52, $0x400;
	v20 =	vnsel vm11, $0x400, v57  }
0x437: {  	[tilespmem:$0x22F0] =	vst v14;
	v52 =	vand.u32 $0xFFFFFC00, v44;
	v14 =	vnsel vm7, $0x400, v45;
	v28 =	vnsel vm10, $0x400, v54  }
0x438: {  	v61 =	vand.u32 $0xFFFFFC00, v53;
	v30 =	vadd.s32 $0xFFFFFC00, v53;
	v49 =	vand.u32 $0xFFFFFC00, v41  }
0x439: {  	[tilespmem:$0x2400] =	vst v8;
	v60 =	vld [tilespmem:$0x11B0];
	v8 =	vadd.s32 v0, v23;
	v51 =	vadd.s32 $0xFFFFFC00, v41;
	v54 =	vadd.s32 $0xFFFFFC00, v44  }
0x43a: {  	[tilespmem:$0x2210] =	vst v36;
	vm6 =	veq.s32 v52, $0x400;
	v58 =	vand.u32 $0xFFFFFC00, v50;
	v59 =	vadd.s32 $0xFFFFFC00, v50  }
0x43b: {  	[tilespmem:$0x2380] =	vst v32;
	v56 =	vld [tilespmem:$0x11A0];
	v20 =	vadd.s32 v0, v20;
	v44 =	vand.u32 $0xFFFFFC00, v37;
	vm13 =	veq.s32 v61, $0x400  }
0x43c: {  	[tilespmem:$0x2420] =	vst v10;
	v48 =	vld [tilespmem:$0x11F0];
	vm5 =	veq.s32 v49, $0x400;
	v10 =	vadd.s32 v0, v14;
	v14 =	vnsel vm6, $0x400, v54  }
0x43d: {  	[tilespmem:$0x23A0] =	vst v34;
	vm8 =	veq.s32 v58, $0x400;
	v61 =	vadd.s32 v0, v26;
	v32 =	vadd.s32 v0, v28  }
0x43e: {  	[tilespmem:$0x2460] =	vst v15;
	v62 =	vld [tilespmem:$0x11C0];
	v30 =	vnsel vm13, $0x400, v30;
	v43 =	vand.u32 $0xFFFFFC00, v60;
	v45 =	vadd.s32 $0xFFFFFC00, v60  }
0x43f: {  	[tilespmem:$0x2450] =	vst v16;
	v12 =	vnsel vm5, $0x400, v51;
	v16 =	vnsel vm8, $0x400, v59;
	vm13 =	veq.s32 v44, $0x400  }
0x440: {  	[tilespmem:$0x23D0] =	vst v4;
	v53 =	vld [tilespmem:$0x1210];
	v51 =	vadd.s32 v0, v14;
	v63 =	vand.u32 $0xFFFFFC00, v56;
	v42 =	vadd.s32 $0xFFFFFC00, v56  }
0x441: {  	[tilespmem:$0x23E0] =	vst v3;
	vm15 =	veq.s32 v43, $0x400;
	v55 =	vand.u32 $0xFFFFFC00, v48;
	v57 =	vadd.s32 $0xFFFFFC00, v48  }
0x442: {  	v41 =	vld [tilespmem:$0x1260];
	[tilespmem:$0x2550] =	vst v61;
	v39 =	vadd.s32 v0, v30;
	v49 =	vadd.s32 v0, v12;
	v61 =	vadd.s32 v0, v16  }
0x443: {  	[tilespmem:$0x2580] =	vst v38;
	v38 =	vld [tilespmem:$0x1300];
	vm14 =	veq.s32 v63, $0x400;
	v46 =	vand.u32 $0xFFFFFC00, v62;
	v3 =	vnsel vm15, $0x400, v45  }
0x444: {  	[tilespmem:$0x2440] =	vst v13;
	v28 =	vld [tilespmem:$0x12D0];
	v47 =	vadd.s32 $0xFFFFFC00, v62;
	vm7 =	veq.s32 v55, $0x400;
	v9 =	vnsel vm14, $0x400, v42  }
0x445: {  	[tilespmem:$0x2470] =	vst v18;
	v60 =	vld [tilespmem:$0x1230];
	vm4 =	veq.s32 v46, $0x400;
	v13 =	vnsel vm7, $0x400, v57;
	v62 =	vand.u32 $0xFFFFFC00, v53  }
0x446: {  	[tilespmem:$0x2560] =	vst v32;
	v32 =	vld [tilespmem:$0x12E0];
	v24 =	vadd.s32 $0xFFFFFC00, v53;
	v3 =	vadd.s32 v0, v3;
	v46 =	vnsel vm13, $0x400, v25  }
0x447: {  	[tilespmem:$0x2480] =	vst v21;
	v56 =	vld [tilespmem:$0x1220];
	v50 =	vadd.s32 $0xFFFFFC00, v41;
	v4 =	vnsel vm4, $0x400, v47;
	vm9 =	veq.s32 v62, $0x400  }
0x448: {  	[tilespmem:$0x2490] =	vst v19;
	v43 =	vld [tilespmem:$0x1270];
	v9 =	vadd.s32 v0, v9;
	v47 =	vand.u32 $0xFFFFFC00, v41;
	v58 =	vadd.s32 v0, v13  }
0x449: {  	v48 =	vld [tilespmem:$0x1290];
	[tilespmem:$0x2590] =	vst v39;
	v37 =	vand.u32 $0xFFFFFC00, v28;
	v39 =	vadd.s32 v0, v46;
	v34 =	vnsel vm9, $0x400, v24  }
0x44a: {  	[tilespmem:$0x25E0] =	vst v51;
	v51 =	vld [tilespmem:$0x1330];
	v40 =	vand.u32 $0xFFFFFC00, v60;
	v17 =	vadd.s32 $0xFFFFFC00, v60;
	v4 =	vadd.s32 v0, v4  }
0x44b: {  	[tilespmem:$0x24A0] =	vst v22;
	v63 =	vld [tilespmem:$0x1240];
	vm14 =	veq.s32 v47, $0x400;
	vm9 =	veq.s32 v37, $0x400;
	v44 =	vadd.s32 $0xFFFFFC00, v32  }
0x44c: {  	[tilespmem:$0x24C0] =	vst v33;
	v45 =	vld [tilespmem:$0x1280];
	v36 =	vand.u32 $0xFFFFFC00, v56;
	v23 =	vadd.s32 $0xFFFFFC00, v56;
	vm11 =	veq.s32 v40, $0x400  }
0x44d: {  	[tilespmem:$0x24B0] =	vst v27;
	v12 =	vnsel vm14, $0x400, v50;
	v52 =	vand.u32 $0xFFFFFC00, v43;
	v54 =	vadd.s32 $0xFFFFFC00, v43  }
0x44e: {  	[tilespmem:$0x24D0] =	vst v31;
	v59 =	vand.u32 $0xFFFFFC00, v48;
	v62 =	vadd.s32 $0xFFFFFC00, v48;
	v40 =	vadd.s32 $0xFFFFFC00, v28  }
0x44f: {  	[tilespmem:$0x2600] =	vst v61;
	v48 =	vand.u32 $0xFFFFFC00, v38;
	v50 =	vadd.s32 $0xFFFFFC00, v38;
	v61 =	vand.u32 $0xFFFFFC00, v51  }
0x450: {  	[tilespmem:$0x24E0] =	vst v35;
	v53 =	vld [tilespmem:$0x12A0];
	vm10 =	veq.s32 v36, $0x400;
	v42 =	vand.u32 $0xFFFFFC00, v63;
	v17 =	vnsel vm11, $0x400, v17  }
0x451: {  	[tilespmem:$0x24F0] =	vst v5;
	v57 =	vld [tilespmem:$0x12B0];
	v26 =	vadd.s32 $0xFFFFFC00, v63;
	vm15 =	veq.s32 v52, $0x400;
	v55 =	vand.u32 $0xFFFFFC00, v45  }
0x452: {  	[tilespmem:$0x2500] =	vst v6;
	v56 =	vadd.s32 $0xFFFFFC00, v45;
	vm5 =	veq.s32 v59, $0x400;
	v63 =	vadd.s32 v0, v34  }
0x453: {  	v22 =	vld [tilespmem:$0x1370];
	[tilespmem:$0x2520] =	vst v7;
	v41 =	vadd.s32 v0, v12;
	v5 =	vnsel vm9, $0x400, v40;
	v23 =	vnsel vm10, $0x400, v23  }
0x454: {  	[tilespmem:$0x2540] =	vst v11;
	vm12 =	veq.s32 v42, $0x400;
	v7 =	vnsel vm15, $0x400, v54;
	vm4 =	veq.s32 v55, $0x400  }
0x455: {  	[tilespmem:$0x2510] =	vst v8;
	v16 =	vnsel vm5, $0x400, v62;
	v27 =	vand.u32 $0xFFFFFC00, v53;
	v30 =	vadd.s32 $0xFFFFFC00, v53  }
0x456: {  	[tilespmem:$0x2570] =	vst v20;
	v46 =	vld [tilespmem:$0x1320];
	v17 =	vadd.s32 v0, v17;
	v31 =	vand.u32 $0xFFFFFC00, v57;
	v14 =	vadd.s32 $0xFFFFFC00, v57  }
0x457: {  	v60 =	vld [tilespmem:$0x12C0];
	v42 =	vand.u32 $0xFFFFFC00, v32;
	[tilespmem:$0x2610] =	vst v63;
	v5 =	vadd.s32 v0, v5;
	v63 =	vadd.s32 $0xFFFFFC00, v51  }
0x458: {  	[tilespmem:$0x2530] =	vst v10;
	vm15 =	veq.s32 v61, $0x400;
	v32 =	vand.u32 $0xFFFFFC00, v22;
	v26 =	vnsel vm12, $0x400, v26  }
0x459: {  	[tilespmem:$0x25D0] =	vst v49;
	v10 =	vnsel vm4, $0x400, v56;
	v29 =	vadd.s32 v0, v23;
	vm6 =	veq.s32 v27, $0x400  }
0x45a: {  	[tilespmem:$0x25F0] =	vst v58;
	v58 =	vld [tilespmem:$0x1350];
	vm7 =	veq.s32 v31, $0x400;
	v7 =	vadd.s32 v0, v7;
	vm10 =	veq.s32 v42, $0x400  }
0x45b: {  	[tilespmem:$0x25B0] =	vst v3;
	v37 =	vld [tilespmem:$0x13B0];
	vm12 =	veq.s32 v48, $0x400;
	v16 =	vadd.s32 v0, v16;
	v57 =	vand.u32 $0xFFFFFC00, v46  }
0x45c: {  	[tilespmem:$0x25A0] =	vst v9;
	v43 =	vld [tilespmem:$0x1310];
	v12 =	vadd.s32 $0xFFFFFC00, v46;
	v18 =	vnsel vm6, $0x400, v30;
	v33 =	vand.u32 $0xFFFFFC00, v60  }
0x45d: {  	[tilespmem:$0x2650] =	vst v39;
	v34 =	vnsel vm7, $0x400, v14;
	v35 =	vadd.s32 $0xFFFFFC00, v60;
	v3 =	vadd.s32 v0, v26  }
0x45e: {  	[tilespmem:$0x25C0] =	vst v4;
	v10 =	vadd.s32 v0, v10;
	v8 =	vnsel vm10, $0x400, v44;
	v15 =	vnsel vm12, $0x400, v50  }
0x45f: {  	v36 =	vld [tilespmem:$0x12F0];
	vm14 =	veq.s32 v57, $0x400;
	[tilespmem:$0x2670] =	vst v7;
	v7 =	vnsel vm15, $0x400, v63;
	v23 =	vand.u32 $0xFFFFFC00, v58  }
0x460: {  	[tilespmem:$0x2660] =	vst v41;
	v25 =	vadd.s32 $0xFFFFFC00, v58;
	vm7 =	veq.s32 v32, $0x400;
	v48 =	vand.u32 $0xFFFFFC00, v37  }
0x461: {  	v24 =	vld [tilespmem:$0x1380];
	[tilespmem:$0x2630] =	vst v17;
	v50 =	vadd.s32 $0xFFFFFC00, v37;
	vm8 =	veq.s32 v33, $0x400;
	v52 =	vand.u32 $0xFFFFFC00, v43  }
0x462: {  	v40 =	vld [tilespmem:$0x13C0];
	v54 =	vadd.s32 v0, v18;
	v55 =	vadd.s32 $0xFFFFFC00, v43;
	[tilespmem:$0x2640] =	vst v3;
	v3 =	vadd.s32 v0, v34  }
0x463: {  	[tilespmem:$0x26D0] =	vst v5;
	v60 =	vnsel vm14, $0x400, v12;
	v8 =	vadd.s32 v0, v8;
	vm5 =	veq.s32 v23, $0x400  }
0x464: {  	v53 =	vld [tilespmem:$0x1340];
	[tilespmem:$0x2620] =	vst v29;
	v34 =	vadd.s32 $0xFFFFFC00, v22;
	v14 =	vnsel vm8, $0x400, v35;
	v45 =	vand.u32 $0xFFFFFC00, v36  }
0x465: {  	v62 =	vld [tilespmem:$0x1360];
	v47 =	vadd.s32 $0xFFFFFC00, v36;
	vm13 =	veq.s32 v52, $0x400;
	[tilespmem:$0x26B0] =	vst v3;
	v3 =	vadd.s32 v0, v15  }
0x466: {  	[tilespmem:$0x2690] =	vst v16;
	v12 =	vnsel vm5, $0x400, v25;
	v30 =	vadd.s32 v0, v60;
	v35 =	vand.u32 $0xFFFFFC00, v24  }
0x467: {  	[tilespmem:$0x26E0] =	vst v8;
	v8 =	vnsel vm7, $0x400, v34;
	v36 =	vadd.s32 $0xFFFFFC00, v24;
	v51 =	vand.u32 $0xFFFFFC00, v40  }
0x468: {  	v27 =	vld [tilespmem:$0x1390];
	[tilespmem:$0x2680] =	vst v10;
	v52 =	vadd.s32 $0xFFFFFC00, v40;
	vm11 =	veq.s32 v45, $0x400;
	v56 =	vnsel vm13, $0x400, v55  }
0x469: {  	[tilespmem:$0x26A0] =	vst v54;
	v59 =	vadd.s32 v0, v14;
	v18 =	vand.u32 $0xFFFFFC00, v53;
	v21 =	vadd.s32 $0xFFFFFC00, v53  }
0x46a: {  	v26 =	vand.u32 $0xFFFFFC00, v62;
	v29 =	vadd.s32 $0xFFFFFC00, v62;
	vm8 =	veq.s32 v35, $0x400;
	[tilespmem:$0x2700] =	vst v3  }
0x46b: {  	v3 =	vadd.s32 v0, v7;
	[tilespmem:$0x2720] =	vst v30;
	v43 =	vadd.s32 v0, v12;
	vm12 =	veq.s32 v51, $0x400  }
0x46c: {  	v33 =	vld [tilespmem:$0x13A0];
	v49 =	vnsel vm11, $0x400, v47;
	vm4 =	veq.s32 v18, $0x400;
	[tilespmem:$0x26C0] =	vst v59;
	v28 =	vadd.s32 v0, v56  }
0x46d: {  	vm6 =	veq.s32 v26, $0x400;
	v38 =	vnsel vm8, $0x400, v36;
	v39 =	vand.u32 $0xFFFFFC00, v27;
	[tilespmem:$0x2730] =	vst v3  }
0x46e: {  	v42 =	vadd.s32 $0xFFFFFC00, v27;
	v47 =	vadd.s32 v0, v8;
	[tilespmem:$0x2750] =	vst v43;
	vm11 =	veq.s32 v48, $0x400  }
0x46f: {  	v45 =	vld [tilespmem:$0x13D0];
	v5 =	vnsel vm12, $0x400, v52;
	v10 =	vnsel vm4, $0x400, v21;
	v13 =	vadd.s32 v0, v49;
	[tilespmem:$0x2710] =	vst v28  }
0x470: {  	v53 =	vld [tilespmem:$0x13F0];
	v31 =	vnsel vm6, $0x400, v29;
	vm9 =	veq.s32 v39, $0x400;
	[tilespmem:$0x2770] =	vst v47;
	v54 =	vadd.s32 v0, v38  }
0x471: {  	v49 =	vld [tilespmem:$0x13E0];
	[tilespmem:$0x26F0] =	vst v13;
	v41 =	vadd.s32 v0, v10;
	v10 =	vnsel vm9, $0x400, v42;
	v44 =	vand.u32 $0xFFFFFC00, v33  }
0x472: {  	v3 =	vadd.s32 v0, v31;
	v46 =	vadd.s32 $0xFFFFFC00, v33;
	[tilespmem:$0x2780] =	vst v54;
	vm10 =	veq.s32 v44, $0x400  }
0x473: {  	[tilespmem:$0x2760] =	vst v3;
	v3 =	vnsel vm11, $0x400, v50;
	v56 =	vadd.s32 v0, v10;
	v6 =	vnsel vm10, $0x400, v46  }
0x474: {  	[tilespmem:$0x2740] =	vst v41;
	v55 =	vand.u32 $0xFFFFFC00, v45;
	v57 =	vadd.s32 $0xFFFFFC00, v45;
	v3 =	vadd.s32 v0, v3  }
0x475: {  	[tilespmem:$0x2790] =	vst v56;
	v62 =	vand.u32 $0xFFFFFC00, v53;
	v63 =	vadd.s32 $0xFFFFFC00, v53;
	vm13 =	veq.s32 v55, $0x400  }
0x476: {  	v58 =	vadd.s32 v0, v6;
	[tilespmem:$0x27B0] =	vst v3;
	v3 =	vadd.s32 v0, v5;
	v60 =	vand.u32 $0xFFFFFC00, v49  }
0x477: {  	v59 =	vnsel vm13, $0x400, v57;
	[tilespmem:$0x27A0] =	vst v58;
	v61 =	vadd.s32 $0xFFFFFC00, v49;
	vm14 =	veq.s32 v60, $0x400  }
0x478: {  	vm15 =	veq.s32 v62, $0x400;
	[tilespmem:$0x27C0] =	vst v3;
	v3 =	vadd.s32 v0, v59;
	v4 =	vnsel vm14, $0x400, v61  }
0x479: {  	[tilespmem:$0x27D0] =	vst v3;
	v3 =	vnsel vm15, $0x400, v63;
	v4 =	vadd.s32 v0, v4  }
0x47a: {  	v3 =	vadd.s32 v0, v3;
	[tilespmem:$0x27E0] =	vst v4  }
0x47b: {  	[tilespmem:$0x27F0] =	vst v3  }
0x47c: {  	[tilespmem:s23], [sflag:$0x2] =	stream.linear.gather [hbm4b:s8+s3], $0x8000, $0x38;
	[tilespmem:$0xC808] =	vst v63  }
0x47d: {  	_ =	swait.ge [sflag:s24], $0x8000  }
0x47e: {  	[sflag:s24] =	ssyncset.done $0x0  }
0x47f: {  	[sflag:s24] =	ssyncadd.s32 $0xFFFF8000  }
0x480: {  	[spmem:s2] =	stream.indirect.scatter.add.f32 [tilespmem:s23], [sflag:$0x2], $0x10, s17, s25, $0xb8;
	[tilespmem:$0xC808] =	vst v63  }
0x481: {  	_ =	swait.ge [sflag:s24], $0x1000  }
0x482: {  	[sflag:s24] =	ssyncset.done $0x0  }
0x483: {  	[sflag:s24] =	ssyncadd.s32 $0xFFFFF000  }
0x484: {  	[tilespmem:s23], [sflag:$0x2] =	stream.linear.gather [hbm4b:s9+s3], $0x8000, $0x38;
	[tilespmem:$0xC808] =	vst v63  }
0x485: {  	_ =	swait.ge [sflag:s24], $0x8000  }
0x486: {  	[sflag:s24] =	ssyncset.done $0x0  }
0x487: {  	[sflag:s24] =	ssyncadd.s32 $0xFFFF8000  }
0x488: {  	[spmem:s2] =	stream.indirect.scatter.add.f32 [tilespmem:s23], [sflag:$0x2], $0x10, s20, s25, $0xb8;
	[tilespmem:$0xC808] =	vst v63  }
0x489: {  	_ =	swait.ge [sflag:s24], $0x1000  }
0x48a: {  	[sflag:s24] =	ssyncset.done $0x0  }
0x48b: {  	[sflag:s24] =	ssyncadd.s32 $0xFFFFF000  }
0x48c: {  	[tilespmem:s23], [sflag:$0x2] =	stream.linear.gather [hbm4b:s10+s3], $0x8000, $0x38;
	[tilespmem:$0xC808] =	vst v63  }
0x48d: {  	_ =	swait.ge [sflag:s24], $0x8000  }
0x48e: {  	[sflag:s24] =	ssyncset.done $0x0  }
0x48f: {  	[sflag:s24] =	ssyncadd.s32 $0xFFFF8000  }
0x490: {  	[spmem:s2] =	stream.indirect.scatter.add.f32 [tilespmem:s23], [sflag:$0x2], $0x10, s21, s25, $0xb8;
	[tilespmem:$0xC808] =	vst v63  }
0x491: {  	_ =	swait.ge [sflag:s24], $0x1000  }
0x492: {  	[sflag:s24] =	ssyncset.done $0x0  }
0x493: {  	[sflag:s24] =	ssyncadd.s32 $0xFFFFF000  }
0x494: {  	[tilespmem:s23], [sflag:$0x2] =	stream.linear.gather [hbm4b:s11+s3], $0x8000, $0x38;
	[tilespmem:$0xC808] =	vst v63  }
0x495: {  	_ =	swait.ge [sflag:s24], $0x8000  }
0x496: {  	[sflag:s24] =	ssyncset.done $0x0  }
0x497: {  	[sflag:s24] =	ssyncadd.s32 $0xFFFF8000  }
0x498: {  	[spmem:s2] =	stream.indirect.scatter.add.f32 [tilespmem:s23], [sflag:$0x2], $0x10, s29, s25, $0xb8;
	[tilespmem:$0xC808] =	vst v63  }
0x499: {  	_ =	swait.ge [sflag:s24], $0x1000  }
0x49a: {  	[sflag:s24] =	ssyncset.done $0x0  }
0x49b: {  	[sflag:s24] =	ssyncadd.s32 $0xFFFFF000  }
0x49c: {  	[tilespmem:s23], [sflag:$0x2] =	stream.linear.gather [hbm4b:s12+s3], $0x8000, $0x38;
	[tilespmem:$0xC808] =	vst v63  }
0x49d: {  	_ =	swait.ge [sflag:s24], $0x8000  }
0x49e: {  	[sflag:s24] =	ssyncset.done $0x0  }
0x49f: {  	[sflag:s24] =	ssyncadd.s32 $0xFFFF8000  }
0x4a0: {  	[spmem:s2] =	stream.indirect.scatter.add.f32 [tilespmem:s23], [sflag:$0x2], $0x10, s30, s25, $0xb8;
	[tilespmem:$0xC808] =	vst v63  }
0x4a1: {  	_ =	swait.ge [sflag:s24], $0x1000  }
0x4a2: {  	[sflag:s24] =	ssyncset.done $0x0  }
0x4a3: {  	[sflag:s24] =	ssyncadd.s32 $0xFFFFF000  }
0x4a4: {  	[tilespmem:s23], [sflag:$0x2] =	stream.linear.gather [hbm4b:s13+s3], $0x8000, $0x38;
	[tilespmem:$0xC808] =	vst v63  }
0x4a5: {  	_ =	swait.ge [sflag:s24], $0x8000  }
0x4a6: {  	[sflag:s24] =	ssyncset.done $0x0  }
0x4a7: {  	[sflag:s24] =	ssyncadd.s32 $0xFFFF8000  }
0x4a8: {  	[spmem:s2] =	stream.indirect.scatter.add.f32 [tilespmem:s23], [sflag:$0x2], $0x10, s31, s25, $0xb8;
	[tilespmem:$0xC808] =	vst v63  }
0x4a9: {  	_ =	swait.ge [sflag:s24], $0x1000  }
0x4aa: {  	[sflag:s24] =	ssyncset.done $0x0  }
0x4ab: {  	[sflag:s24] =	ssyncadd.s32 $0xFFFFF000  }
0x4ac: {  	[tilespmem:s23], [sflag:$0x2] =	stream.linear.gather [hbm4b:s14+s3], $0x8000, $0x38;
	[tilespmem:$0xC808] =	vst v63  }
0x4ad: {  	_ =	swait.ge [sflag:s24], $0x8000  }
0x4ae: {  	[sflag:s24] =	ssyncset.done $0x0  }
0x4af: {  	s29 =	simm.s32 $0x2600;
	[sflag:s24] =	ssyncadd.s32 $0xFFFF8000  }
0x4b0: {  	[spmem:s2] =	stream.indirect.scatter.add.f32 [tilespmem:s23], [sflag:$0x2], $0x10, s29, s25, $0xb8;
	[tilespmem:$0xC808] =	vst v63  }
0x4b1: {  	_ =	swait.ge [sflag:s24], $0x1000  }
0x4b2: {  	[sflag:s24] =	ssyncset.done $0x0  }
0x4b3: {  	[sflag:s24] =	ssyncadd.s32 $0xFFFFF000  }
0x4b4: {  	[tilespmem:s23], [sflag:$0x2] =	stream.linear.gather [hbm4b:s15+s3], $0x8000, $0x38;
	[tilespmem:$0xC808] =	vst v63  }
0x4b5: {  	_ =	swait.ge [sflag:s24], $0x8000  }
0x4b6: {  	[sflag:s24] =	ssyncset.done $0x0  }
0x4b7: {  	s30 =	simm.s32 $0x2700;
	[sflag:s24] =	ssyncadd.s32 $0xFFFF8000  }
0x4b8: {  	[spmem:s2] =	stream.indirect.scatter.add.f32 [tilespmem:s23], [sflag:$0x2], $0x10, s30, s25, $0xb8;
	[tilespmem:$0xC808] =	vst v63  }
0x4b9: {  	s1 =	sadd.s32 $0x1, s1;
	_ =	swait.ge [sflag:s24], $0x1000  }
0x4ba: {  	p0 =	sne.s32 s1, s19;
	[sflag:s24] =	ssyncset.done $0x0  }
.Ltmp16:
0x4bb: {  	s31 =	rddreg [dreg:$0x5];
	[sflag:s24] =	ssyncadd.s32 $0xFFFFF000;
	(pc) =	sbr.rel @p0 .LBB2_2-.Ltmp16, $4  }
0x4bc: {  	[hbm:s31], [sflag:s26] =	dma.local [spmem:s28], $0x4000  }
0x4bd: {  	_ =	swait.ge [sflag:s24], $0x4000  }
0x4be: {  	[sflag:s24] =	ssyncset.done $0x0  }
0x4bf: {  	[sflag:s24] =	ssyncadd.s32 $0xFFFFC000  }
.LBB2_33:
0x4c0: {  	_ =	sfence.sel $0x180000  }
0x4c1: {  	[bflag:$0x0] =	sbarrier.arrive $0xFFFF  }
0x4c2: {  	_ =	strace $0x90000047  }
0x4c3: {  	s0 =	stileid.u32;
	[bflag:$0x2] =	sbarrier.arrive $0xFFFF  }
0x4c4: {  	p0 =	sne.s32 s0, $0x0;
	s0 =	rddreg [dreg:$0x3]  }
0x4c5: {  	s0 =	sadd.s32 @!p0 $0x100000, s0  }
0x4c6: {  	[sflag:s0] =	ssyncadd.tile.s32 @!p0 $0x1;
	_ =	shalt  }
.Lfunc_end2:
_tile_overlayer_lowered:
.L_overlay_start_2:
0x4c7: {  	(tag) =	ssettag $0x2  }
0x4c8: {  	s0 =	rddreg [dreg:$0x0];
	s2 =	stileid.u32  }
0x4c9: {  	s1 =	rddreg [dreg:$0x1];
	p0 =	sne.s32 s2, $0x0  }
0x4ca: {  	s3 =	rddreg [dreg:$0x2];
	[bflag:$0x3] =	sbarrier.arrive $0xFFFF;
	s2 =	simm.s32 @!p0 $0x1C02  }
0x4cb: {  	[timem:s3], [sflag:s2] =	dma.local @!p0 [hbm:s0], s1  }
0x4cc: {  	s0 =	simm.s32 @!p0 $0x2  }
0x4cd: {  	_ =	swait.ge @!p0 [sflag:s0], s1  }
0x4ce: {  	s1 =	ssub.s32 @!p0 $0x0, s1;
	[sflag:s0] =	ssyncset.done @!p0 $0x0  }
0x4cf: {  	[sflag:s0] =	ssyncadd.s32 @!p0 s1  }
0x4d0: {  	[bflag:$0x3] =	sbarrier.arrive $0xFFFF  }
0x4d1: {  	_ =	shalt  }

</sc_bundles>
